<compile_context>
chip_gen: v7x
topology: tpu7x:2x2x1
jax: 0.10.2.dev20260603
libtpu: 0.0.44.dev20260713+nightly
codegen_flags: <defaults>
</compile_context>

<pallas_src>
import jax
import jax.numpy as jnp
from jax import lax
from jax.experimental import pallas as pl
from jax.experimental.pallas import tpu as pltpu
from jax.experimental.pallas import tpu_sc as plsc

_NC = 2
_NS = 16
_B = 128
_RB = 1024


def _mesh():
    return plsc.VectorSubcoreMesh(
        core_axis_name="c", subcore_axis_name="s",
        num_cores=_NC, num_subcores=_NS)


def _sc_degree(n_p, nb):
    rpt = n_p // _NS
    ncp = rpt // _B

    def body(dst_f, ones_hbm, out, dacc, idst, ones_v, stage, sem):
        cid = lax.axis_index("c")
        sid = lax.axis_index("s")
        w = cid * _NS + sid
        r0 = pl.multiple_of(sid * rpt, 8)
        pltpu.sync_copy(ones_hbm.at[pl.ds(0, _B)], ones_v)
        for t in range(ncp):
            pltpu.sync_copy(ones_v,
                            dacc.at[pl.ds(r0 + t * _B, _B)])
        plsc.subcore_barrier()

        def batch(b, carry):
            off = pl.multiple_of((w * nb + b) * _B, 8)
            pltpu.sync_copy(dst_f.at[pl.ds(off, _B)], idst)
            pltpu.sync_copy(ones_v, dacc.at[idst], add=True)
            return carry
        lax.fori_loop(0, nb, batch, 0)
        plsc.subcore_barrier()
        for t in range(ncp):
            pltpu.sync_copy(dacc.at[pl.ds(r0 + t * _B, _B)], stage)
            pltpu.sync_copy(stage,
                            out.at[cid, pl.ds(r0 + t * _B, _B)])

    return pl.kernel(
        body,
        out_type=jax.ShapeDtypeStruct((_NC, n_p, 16), jnp.float32),
        mesh=_mesh(),
        scratch_types=[
            pltpu.VMEM_SHARED((n_p, 16), jnp.float32),
            pltpu.VMEM((_B,), jnp.int32),
            pltpu.VMEM((_B, 16), jnp.float32),
            pltpu.VMEM((_B, 16), jnp.float32),
            pltpu.SemaphoreType.DMA,
        ],
    )


def _sc_agg(n_p, nb, nchunks):
    rpt = n_p // _NS
    ncp = rpt // _B

    def body(*refs):
        zs = refs[:nchunks]
        src_f = refs[nchunks]
        dst_f = refs[nchunks + 1]
        out = refs[nchunks + 2]
        acc, isrc, idst, rows, sem = refs[nchunks + 3:]
        cid = lax.axis_index("c")
        sid = lax.axis_index("s")
        w = cid * _NS + sid
        r0 = pl.multiple_of(sid * rpt, 8)
        for k in range(nchunks):
            zk = zs[k]
            for t in range(ncp):
                pltpu.sync_copy(zk.at[pl.ds(r0 + t * _B, _B)], rows)
                pltpu.sync_copy(rows, acc.at[pl.ds(r0 + t * _B, _B)])
            plsc.subcore_barrier()

            def batch(b, carry):
                off = pl.multiple_of((w * nb + b) * _B, 8)
                pltpu.sync_copy(src_f.at[pl.ds(off, _B)], isrc)
                pltpu.sync_copy(dst_f.at[pl.ds(off, _B)], idst)
                pltpu.async_copy(zk.at[isrc], rows, sem).wait()
                pltpu.sync_copy(rows, acc.at[idst], add=True)
                return carry
            lax.fori_loop(0, nb, batch, 0)
            plsc.subcore_barrier()
            for t in range(ncp):
                pltpu.sync_copy(acc.at[pl.ds(r0 + t * _B, _B)], rows)
                pltpu.sync_copy(rows,
                                out.at[cid, k, pl.ds(r0 + t * _B, _B)])
            if k + 1 < nchunks:
                plsc.subcore_barrier()

    return pl.kernel(
        body,
        out_type=jax.ShapeDtypeStruct((_NC, nchunks, n_p, 128), jnp.float32),
        mesh=_mesh(),
        scratch_types=[
            pltpu.VMEM_SHARED((n_p, 128), jnp.float32),
            pltpu.VMEM((_B,), jnp.int32),
            pltpu.VMEM((_B,), jnp.int32),
            pltpu.VMEM((_B, 128), jnp.float32),
            pltpu.SemaphoreType.DMA,
        ],
    )


def _tc_prep(x, xs, degp, W1):
    n_p = x.shape[0]
    grid = (n_p // _RB,)

    def body(x_ref, xs_ref, dp_ref, W1_ref, z_ref, dis_ref):
        deg = dp_ref[0] + dp_ref[1] - 1.0
        dis = lax.rsqrt(deg)
        dis_ref[...] = dis
        d1 = dis[:, 0:1]
        zx = jnp.dot(x_ref[...] * d1, W1_ref[...],
                     preferred_element_type=jnp.float32)
        zs = jnp.dot(xs_ref[...] * d1, W1_ref[...],
                     preferred_element_type=jnp.float32)
        z_ref[0] = zx[:, :128]
        z_ref[1] = zx[:, 128:]
        z_ref[2] = zs[:, :128]
        z_ref[3] = zs[:, 128:]

    return pl.pallas_call(
        body,
        grid=grid,
        in_specs=[
            pl.BlockSpec((_RB, 128), lambda i: (i, 0)),
            pl.BlockSpec((_RB, 128), lambda i: (i, 0)),
            pl.BlockSpec((2, _RB, 16), lambda i: (0, i, 0)),
            pl.BlockSpec((128, 256), lambda i: (0, 0)),
        ],
        out_specs=[
            pl.BlockSpec((4, _RB, 128), lambda i: (0, i, 0)),
            pl.BlockSpec((_RB, 16), lambda i: (i, 0)),
        ],
        out_shape=[
            jax.ShapeDtypeStruct((4, n_p, 128), jnp.float32),
            jax.ShapeDtypeStruct((n_p, 16), jnp.float32),
        ],
    )(x, xs, degp, W1)


def _tc_mid(p1, z1, dis16, b1_2d, W2):
    n_p = z1.shape[1]
    grid = (n_p // _RB,)

    def body(p_ref, z_ref, dis_ref, b1_ref, W2_ref, z2_ref):
        dis = dis_ref[...][:, 0:1]
        b1r = b1_ref[0:1, :]
        accx = jnp.concatenate(
            [p_ref[0, 0] + p_ref[1, 0] - z_ref[0],
             p_ref[0, 1] + p_ref[1, 1] - z_ref[1]], axis=1)
        accs = jnp.concatenate(
            [p_ref[0, 2] + p_ref[1, 2] - z_ref[2],
             p_ref[0, 3] + p_ref[1, 3] - z_ref[3]], axis=1)
        hx = dis * jnp.maximum(dis * accx + b1r, 0.0)
        hs = dis * jnp.maximum(dis * accs + b1r, 0.0)
        z2_ref[0] = jnp.dot(hx, W2_ref[...],
                            preferred_element_type=jnp.float32)
        z2_ref[1] = jnp.dot(hs, W2_ref[...],
                            preferred_element_type=jnp.float32)

    return pl.pallas_call(
        body,
        grid=grid,
        in_specs=[
            pl.BlockSpec((2, 4, _RB, 128), lambda i: (0, 0, i, 0)),
            pl.BlockSpec((4, _RB, 128), lambda i: (0, i, 0)),
            pl.BlockSpec((_RB, 16), lambda i: (i, 0)),
            pl.BlockSpec((1, 256), lambda i: (0, 0)),
            pl.BlockSpec((256, 128), lambda i: (0, 0)),
        ],
        out_specs=pl.BlockSpec((2, _RB, 128), lambda i: (0, i, 0)),
        out_shape=jax.ShapeDtypeStruct((2, n_p, 128), jnp.float32),
    )(p1, z1, dis16, b1_2d, W2)


def _tc_final(p2, z2, dis16, b2_2d, Wb, bb_2d):
    n_p = z2.shape[1]
    grid = (n_p // _RB,)

    def body(p_ref, z_ref, dis_ref, b2_ref, Wb_ref, bb_ref, out_ref):
        dis = dis_ref[...][:, 0:1]
        b2r = b2_ref[0:1, :]
        h1 = jnp.maximum(
            dis * (p_ref[0, 0] + p_ref[1, 0] - z_ref[0]) + b2r, 0.0)
        h2 = jnp.maximum(
            dis * (p_ref[0, 1] + p_ref[1, 1] - z_ref[1]) + b2r, 0.0)
        c = jax.nn.sigmoid(jnp.mean(h1, axis=1, keepdims=True))
        wcol = jnp.sum(Wb_ref[0], axis=1, keepdims=True)
        bb0 = bb_ref[0, 0]
        s1 = c * jnp.dot(h1, wcol, preferred_element_type=jnp.float32) + bb0
        s2 = c * jnp.dot(h2, wcol, preferred_element_type=jnp.float32) + bb0
        out_ref[...] = jnp.concatenate([s1, s2], axis=1)

    return pl.pallas_call(
        body,
        grid=grid,
        in_specs=[
            pl.BlockSpec((2, 2, _RB, 128), lambda i: (0, 0, i, 0)),
            pl.BlockSpec((2, _RB, 128), lambda i: (0, i, 0)),
            pl.BlockSpec((_RB, 16), lambda i: (i, 0)),
            pl.BlockSpec((1, 128), lambda i: (0, 0)),
            pl.BlockSpec((1, 128, 128), lambda i: (0, 0, 0)),
            pl.BlockSpec((1, 128), lambda i: (0, 0)),
        ],
        out_specs=pl.BlockSpec((_RB, 2), lambda i: (i, 0)),
        out_shape=jax.ShapeDtypeStruct((n_p, 2), jnp.float32),
    )(p2, z2, dis16, b2_2d, Wb, bb_2d)


def kernel(x, x_shuffle, edge_index, W1, b1, W2, b2, Wb, bb):
    n = x.shape[0]
    e = edge_index.shape[1]
    n_p = -(-n // (_NS * _B)) * (_NS * _B)
    per_tile = -(-e // (_NC * _NS * _B)) * _B
    nb = per_tile // _B
    e_pad = _NC * _NS * per_tile
    src = edge_index[0].astype(jnp.int32)
    dst = edge_index[1].astype(jnp.int32)
    src_f = jnp.concatenate([src, jnp.zeros((e_pad - e,), jnp.int32)])
    dst_f = jnp.concatenate([dst, jnp.full((e_pad - e,), n, jnp.int32)])
    xp = jnp.pad(x, ((0, n_p - n), (0, 0)))
    xsp = jnp.pad(x_shuffle, ((0, n_p - n), (0, 0)))
    ones16 = jnp.ones((n_p, 16), jnp.float32)

    degp = _sc_degree(n_p, nb)(dst_f, ones16)
    z1, dis16 = _tc_prep(xp, xsp, degp, W1)
    z1c = [z1[k] for k in range(4)]
    p1 = _sc_agg(n_p, nb, 4)(*z1c, src_f, dst_f)
    z2 = _tc_mid(p1, z1, dis16, b1.reshape(1, 256), W2)
    z2c = [z2[k] for k in range(2)]
    p2 = _sc_agg(n_p, nb, 2)(*z2c, src_f, dst_f)
    bb_2d = jnp.broadcast_to(bb.reshape(1, 1), (1, 128))
    out2 = _tc_final(p2, z2, dis16, b2.reshape(1, 128), Wb, bb_2d)
    return jnp.concatenate([out2[:n, 0], out2[:n, 1]])

# --- scband reference (transcript-rebuilt; emitter-appended) ---
"""Pipeline reference for scband-dgi-3934190043976 (READ-ONLY COPY).

The authoritative reference and input builder live on the scoring server;
editing this copy changes nothing except your own understanding.
"""

import jax, jax.numpy as jnp
import numpy as np

N = 10000
E = 320000
D_IN = 128
D_HID = 256
D_OUT = 128


def setup_inputs(seed: int = 0):
    key = jax.random.key(seed)
    ks = jax.random.split(key, 10)
    x = jax.random.normal(ks[0], (N, D_IN), dtype=jnp.float32)
    x_shuffle = jax.random.normal(ks[1], (N, D_IN), dtype=jnp.float32)
    edge_index = jax.random.randint(ks[2], (2, E), 0, N)
    W1 = jax.random.normal(ks[3], (D_IN, D_HID), dtype=jnp.float32) * (1.0 / np.sqrt(D_IN))
    b1 = jnp.zeros((D_HID,), dtype=jnp.float32)
    W2 = jax.random.normal(ks[4], (D_HID, D_OUT), dtype=jnp.float32) * (1.0 / np.sqrt(D_HID))
    b2 = jnp.zeros((D_OUT,), dtype=jnp.float32)
    Wb = jax.random.normal(ks[5], (1, D_OUT, D_OUT), dtype=jnp.float32) * (1.0 / np.sqrt(D_OUT))
    bb = jnp.zeros((1,), dtype=jnp.float32)
    return {"x": x, "x_shuffle": x_shuffle, "edge_index": edge_index,
            "W1": W1, "b1": b1, "W2": W2, "b2": b2, "Wb": Wb, "bb": bb}


def gcn_conv(x, W, b, src, dst):
    # PyG GCNConv: linear transform, then sym-normalized aggregation with self-loops
    x = x @ W
    loop = jnp.arange(N, dtype=src.dtype)
    src2 = jnp.concatenate([src, loop])
    dst2 = jnp.concatenate([dst, loop])
    deg = jax.ops.segment_sum(jnp.ones_like(src2, dtype=x.dtype), dst2, num_segments=N)
    dis = jnp.where(deg > 0, 1.0 / jnp.sqrt(jnp.where(deg > 0, deg, 1.0)), 0.0)
    norm = dis[src2] * dis[dst2]
    msg = x[src2] * norm[:, None]
    out = jax.ops.segment_sum(msg, dst2, num_segments=N)
    return out + b


def encoder(x, src, dst, W1, b1, W2, b2):
    h = jax.nn.relu(gcn_conv(x, W1, b1, src, dst))
    h = jax.nn.relu(gcn_conv(h, W2, b2, src, dst))
    return h


def reference(x, x_shuffle, edge_index, W1, b1, W2, b2, Wb, bb):
    src, dst = edge_index[0], edge_index[1]
    h1 = encoder(x, src, dst, W1, b1, W2, b2)
    # AvgReadout over dim 1 (feature dim for 2D input, faithful to the torch code)
    c = jax.nn.sigmoid(jnp.mean(h1, axis=1))  # [N]
    h2 = encoder(x_shuffle, src, dst, W1, b1, W2, b2)
    c_x = jnp.broadcast_to(c[:, None], h1.shape)  # [N, D_OUT]
    # nn.Bilinear(n_h, n_h, 1): out[n,k] = sum_de h[n,d] * Wb[k,d,e] * c_x[n,e] + bb[k]
    sc1 = jnp.einsum('nd,kde,ne->nk', h1, Wb, c_x)[:, 0] + bb[0]
    sc2 = jnp.einsum('nd,kde,ne->nk', h2, Wb, c_x)[:, 0] + bb[0]
    logits = jnp.concatenate([sc1, sc2])
    return logits

if __name__ == "__main__":
    import jax
    _d = setup_inputs()
    print(jax.jit(kernel)(*tuple(_d.values())))

</pallas_src>

<mosaic_0001>
#map = affine_map<(d0, d1) -> (0)>
#map1 = affine_map<(d0, d1) -> (0, 0)>
#map2 = affine_map<(d0, d1) -> (0, 0, 0)>
module attributes {stable_mosaic.version = 14 : i64} {
  func.func @body(%arg0: i32, %arg1: i32, %arg2: memref<323584xi32, #tpu.memory_space<hbm>>, %arg3: memref<10240x16xf32, #tpu.memory_space<hbm>>, %arg4: memref<2x10240x16xf32, #tpu.memory_space<hbm>>, %arg5: memref<10240x16xf32, #tpu.memory_space<vmem_shared>>, %arg6: memref<128xi32, #tpu.memory_space<vmem>>, %arg7: memref<128x16xf32, #tpu.memory_space<vmem>>, %arg8: memref<128x16xf32, #tpu.memory_space<vmem>>, %arg9: memref<!tpu.dma_semaphore, #tpu.memory_space<semaphore_mem>>) attributes {dimension_semantics = [#tpu.dimension_semantics<core_parallel>, #tpu.dimension_semantics<subcore_parallel>], iteration_bounds = array<i64: 2, 16>, scalar_prefetch = 0 : i64, scratch_operands = 5 : i64, tpu.core_type = #tpu.core_type<sc_vector_subcore>, window_params = [{transform_indices = #map}, {transform_indices = #map1}, {transform_indices = #map2}]} {
    %mul3A = arith.constant 16 : i32
    %mul3A_0 = arith.muli %arg0, %mul3A : i32
    %add3A = arith.addi %mul3A_0, %arg1 : i32
    %mul3A_1 = arith.constant 640 : i32
    %mul3A_2 = arith.muli %arg1, %mul3A_1 : i32
    %multiple_of3A = tpu.assume_multiple %mul3A_2, 8 : i32
    "tpu.region"() ({
      %run_scoped3A = tpu.sem_alloc : memref<!tpu.dma_semaphore, #tpu.memory_space<semaphore_mem>>
      %dma_start3A = arith.constant 0 : i32
      %dma_start3A_39 = arith.constant 0 : i32
      %dma_start3A_40 = tpu.memref_slice %arg3[%dma_start3A, %dma_start3A_39] : memref<10240x16xf32, #tpu.memory_space<hbm>> -> memref<128x16xf32, #tpu.memory_space<hbm>>
      %dma_start3A_41 = arith.constant 0 : i32
      %dma_start3A_42 = arith.constant 0 : i32
      %dma_start3A_43 = tpu.memref_slice %arg3[%dma_start3A_41, %dma_start3A_42] : memref<10240x16xf32, #tpu.memory_space<hbm>> -> memref<128x16xf32, #tpu.memory_space<hbm>>
      tpu.enqueue_dma source(%dma_start3A_43 : memref<128x16xf32, #tpu.memory_space<hbm>>) target(%arg7 : memref<128x16xf32, #tpu.memory_space<vmem>>) target_semaphore(%run_scoped3A : memref<!tpu.dma_semaphore, #tpu.memory_space<semaphore_mem>>)
      %dma_wait3A = arith.constant 0 : i32
      %dma_wait3A_44 = arith.constant 0 : i32
      %dma_wait3A_45 = tpu.memref_slice %arg3[%dma_wait3A, %dma_wait3A_44] : memref<10240x16xf32, #tpu.memory_space<hbm>> -> memref<128x16xf32, #tpu.memory_space<hbm>>
      %dma_wait3A_46 = arith.constant 0 : i32
      %dma_wait3A_47 = arith.constant 0 : i32
      %dma_wait3A_48 = tpu.memref_slice %arg3[%dma_wait3A_46, %dma_wait3A_47] : memref<10240x16xf32, #tpu.memory_space<hbm>> -> memref<128x16xf32, #tpu.memory_space<hbm>>
      tpu.wait_dma2 semaphore(%run_scoped3A : memref<!tpu.dma_semaphore, #tpu.memory_space<semaphore_mem>>) src(%dma_wait3A_48 : memref<128x16xf32, #tpu.memory_space<hbm>>) dst(%arg7 : memref<128x16xf32, #tpu.memory_space<vmem>>)
      tpu.yield
    }) : () -> ()
    %add3A_3 = arith.constant 0 : i32
    %add3A_4 = arith.addi %multiple_of3A, %add3A_3 : i32
    "tpu.region"() ({
      %run_scoped3A = tpu.sem_alloc : memref<!tpu.dma_semaphore, #tpu.memory_space<semaphore_mem>>
      %dma_start3A = arith.constant 0 : i32
      %dma_start3A_39 = tpu.memref_slice %arg5[%add3A_4, %dma_start3A] : memref<10240x16xf32, #tpu.memory_space<vmem_shared>> -> memref<128x16xf32, #tpu.memory_space<vmem_shared>>
      %dma_start3A_40 = arith.constant 0 : i32
      %dma_start3A_41 = tpu.memref_slice %arg5[%add3A_4, %dma_start3A_40] : memref<10240x16xf32, #tpu.memory_space<vmem_shared>> -> memref<128x16xf32, #tpu.memory_space<vmem_shared>>
      tpu.enqueue_dma source(%arg7 : memref<128x16xf32, #tpu.memory_space<vmem>>) target(%dma_start3A_41 : memref<128x16xf32, #tpu.memory_space<vmem_shared>>) target_semaphore(%run_scoped3A : memref<!tpu.dma_semaphore, #tpu.memory_space<semaphore_mem>>)
      %dma_wait3A = arith.constant 0 : i32
      %dma_wait3A_42 = tpu.memref_slice %arg5[%add3A_4, %dma_wait3A] : memref<10240x16xf32, #tpu.memory_space<vmem_shared>> -> memref<128x16xf32, #tpu.memory_space<vmem_shared>>
      %dma_wait3A_43 = arith.constant 0 : i32
      %dma_wait3A_44 = tpu.memref_slice %arg5[%add3A_4, %dma_wait3A_43] : memref<10240x16xf32, #tpu.memory_space<vmem_shared>> -> memref<128x16xf32, #tpu.memory_space<vmem_shared>>
      tpu.wait_dma2 semaphore(%run_scoped3A : memref<!tpu.dma_semaphore, #tpu.memory_space<semaphore_mem>>) src(%arg7 : memref<128x16xf32, #tpu.memory_space<vmem>>) dst(%dma_wait3A_44 : memref<128x16xf32, #tpu.memory_space<vmem_shared>>)
      tpu.yield
    }) : () -> ()
    %add3A_5 = arith.constant 128 : i32
    %add3A_6 = arith.addi %multiple_of3A, %add3A_5 : i32
    "tpu.region"() ({
      %run_scoped3A = tpu.sem_alloc : memref<!tpu.dma_semaphore, #tpu.memory_space<semaphore_mem>>
      %dma_start3A = arith.constant 0 : i32
      %dma_start3A_39 = tpu.memref_slice %arg5[%add3A_6, %dma_start3A] : memref<10240x16xf32, #tpu.memory_space<vmem_shared>> -> memref<128x16xf32, #tpu.memory_space<vmem_shared>>
      %dma_start3A_40 = arith.constant 0 : i32
      %dma_start3A_41 = tpu.memref_slice %arg5[%add3A_6, %dma_start3A_40] : memref<10240x16xf32, #tpu.memory_space<vmem_shared>> -> memref<128x16xf32, #tpu.memory_space<vmem_shared>>
      tpu.enqueue_dma source(%arg7 : memref<128x16xf32, #tpu.memory_space<vmem>>) target(%dma_start3A_41 : memref<128x16xf32, #tpu.memory_space<vmem_shared>>) target_semaphore(%run_scoped3A : memref<!tpu.dma_semaphore, #tpu.memory_space<semaphore_mem>>)
      %dma_wait3A = arith.constant 0 : i32
      %dma_wait3A_42 = tpu.memref_slice %arg5[%add3A_6, %dma_wait3A] : memref<10240x16xf32, #tpu.memory_space<vmem_shared>> -> memref<128x16xf32, #tpu.memory_space<vmem_shared>>
      %dma_wait3A_43 = arith.constant 0 : i32
      %dma_wait3A_44 = tpu.memref_slice %arg5[%add3A_6, %dma_wait3A_43] : memref<10240x16xf32, #tpu.memory_space<vmem_shared>> -> memref<128x16xf32, #tpu.memory_space<vmem_shared>>
      tpu.wait_dma2 semaphore(%run_scoped3A : memref<!tpu.dma_semaphore, #tpu.memory_space<semaphore_mem>>) src(%arg7 : memref<128x16xf32, #tpu.memory_space<vmem>>) dst(%dma_wait3A_44 : memref<128x16xf32, #tpu.memory_space<vmem_shared>>)
      tpu.yield
    }) : () -> ()
    %add3A_7 = arith.constant 256 : i32
    %add3A_8 = arith.addi %multiple_of3A, %add3A_7 : i32
    "tpu.region"() ({
      %run_scoped3A = tpu.sem_alloc : memref<!tpu.dma_semaphore, #tpu.memory_space<semaphore_mem>>
      %dma_start3A = arith.constant 0 : i32
      %dma_start3A_39 = tpu.memref_slice %arg5[%add3A_8, %dma_start3A] : memref<10240x16xf32, #tpu.memory_space<vmem_shared>> -> memref<128x16xf32, #tpu.memory_space<vmem_shared>>
      %dma_start3A_40 = arith.constant 0 : i32
      %dma_start3A_41 = tpu.memref_slice %arg5[%add3A_8, %dma_start3A_40] : memref<10240x16xf32, #tpu.memory_space<vmem_shared>> -> memref<128x16xf32, #tpu.memory_space<vmem_shared>>
      tpu.enqueue_dma source(%arg7 : memref<128x16xf32, #tpu.memory_space<vmem>>) target(%dma_start3A_41 : memref<128x16xf32, #tpu.memory_space<vmem_shared>>) target_semaphore(%run_scoped3A : memref<!tpu.dma_semaphore, #tpu.memory_space<semaphore_mem>>)
      %dma_wait3A = arith.constant 0 : i32
      %dma_wait3A_42 = tpu.memref_slice %arg5[%add3A_8, %dma_wait3A] : memref<10240x16xf32, #tpu.memory_space<vmem_shared>> -> memref<128x16xf32, #tpu.memory_space<vmem_shared>>
      %dma_wait3A_43 = arith.constant 0 : i32
      %dma_wait3A_44 = tpu.memref_slice %arg5[%add3A_8, %dma_wait3A_43] : memref<10240x16xf32, #tpu.memory_space<vmem_shared>> -> memref<128x16xf32, #tpu.memory_space<vmem_shared>>
      tpu.wait_dma2 semaphore(%run_scoped3A : memref<!tpu.dma_semaphore, #tpu.memory_space<semaphore_mem>>) src(%arg7 : memref<128x16xf32, #tpu.memory_space<vmem>>) dst(%dma_wait3A_44 : memref<128x16xf32, #tpu.memory_space<vmem_shared>>)
      tpu.yield
    }) : () -> ()
    %add3A_9 = arith.constant 384 : i32
    %add3A_10 = arith.addi %multiple_of3A, %add3A_9 : i32
    "tpu.region"() ({
      %run_scoped3A = tpu.sem_alloc : memref<!tpu.dma_semaphore, #tpu.memory_space<semaphore_mem>>
      %dma_start3A = arith.constant 0 : i32
      %dma_start3A_39 = tpu.memref_slice %arg5[%add3A_10, %dma_start3A] : memref<10240x16xf32, #tpu.memory_space<vmem_shared>> -> memref<128x16xf32, #tpu.memory_space<vmem_shared>>
      %dma_start3A_40 = arith.constant 0 : i32
      %dma_start3A_41 = tpu.memref_slice %arg5[%add3A_10, %dma_start3A_40] : memref<10240x16xf32, #tpu.memory_space<vmem_shared>> -> memref<128x16xf32, #tpu.memory_space<vmem_shared>>
      tpu.enqueue_dma source(%arg7 : memref<128x16xf32, #tpu.memory_space<vmem>>) target(%dma_start3A_41 : memref<128x16xf32, #tpu.memory_space<vmem_shared>>) target_semaphore(%run_scoped3A : memref<!tpu.dma_semaphore, #tpu.memory_space<semaphore_mem>>)
      %dma_wait3A = arith.constant 0 : i32
      %dma_wait3A_42 = tpu.memref_slice %arg5[%add3A_10, %dma_wait3A] : memref<10240x16xf32, #tpu.memory_space<vmem_shared>> -> memref<128x16xf32, #tpu.memory_space<vmem_shared>>
      %dma_wait3A_43 = arith.constant 0 : i32
      %dma_wait3A_44 = tpu.memref_slice %arg5[%add3A_10, %dma_wait3A_43] : memref<10240x16xf32, #tpu.memory_space<vmem_shared>> -> memref<128x16xf32, #tpu.memory_space<vmem_shared>>
      tpu.wait_dma2 semaphore(%run_scoped3A : memref<!tpu.dma_semaphore, #tpu.memory_space<semaphore_mem>>) src(%arg7 : memref<128x16xf32, #tpu.memory_space<vmem>>) dst(%dma_wait3A_44 : memref<128x16xf32, #tpu.memory_space<vmem_shared>>)
      tpu.yield
    }) : () -> ()
    %add3A_11 = arith.constant 512 : i32
    %add3A_12 = arith.addi %multiple_of3A, %add3A_11 : i32
    "tpu.region"() ({
      %run_scoped3A = tpu.sem_alloc : memref<!tpu.dma_semaphore, #tpu.memory_space<semaphore_mem>>
      %dma_start3A = arith.constant 0 : i32
      %dma_start3A_39 = tpu.memref_slice %arg5[%add3A_12, %dma_start3A] : memref<10240x16xf32, #tpu.memory_space<vmem_shared>> -> memref<128x16xf32, #tpu.memory_space<vmem_shared>>
      %dma_start3A_40 = arith.constant 0 : i32
      %dma_start3A_41 = tpu.memref_slice %arg5[%add3A_12, %dma_start3A_40] : memref<10240x16xf32, #tpu.memory_space<vmem_shared>> -> memref<128x16xf32, #tpu.memory_space<vmem_shared>>
      tpu.enqueue_dma source(%arg7 : memref<128x16xf32, #tpu.memory_space<vmem>>) target(%dma_start3A_41 : memref<128x16xf32, #tpu.memory_space<vmem_shared>>) target_semaphore(%run_scoped3A : memref<!tpu.dma_semaphore, #tpu.memory_space<semaphore_mem>>)
      %dma_wait3A = arith.constant 0 : i32
      %dma_wait3A_42 = tpu.memref_slice %arg5[%add3A_12, %dma_wait3A] : memref<10240x16xf32, #tpu.memory_space<vmem_shared>> -> memref<128x16xf32, #tpu.memory_space<vmem_shared>>
      %dma_wait3A_43 = arith.constant 0 : i32
      %dma_wait3A_44 = tpu.memref_slice %arg5[%add3A_12, %dma_wait3A_43] : memref<10240x16xf32, #tpu.memory_space<vmem_shared>> -> memref<128x16xf32, #tpu.memory_space<vmem_shared>>
      tpu.wait_dma2 semaphore(%run_scoped3A : memref<!tpu.dma_semaphore, #tpu.memory_space<semaphore_mem>>) src(%arg7 : memref<128x16xf32, #tpu.memory_space<vmem>>) dst(%dma_wait3A_44 : memref<128x16xf32, #tpu.memory_space<vmem_shared>>)
      tpu.yield
    }) : () -> ()
    %barrier3A = arith.constant 0 : index
    tpu.barrier barrier_id(%barrier3A)
    %scan3A = arith.constant 0 : i32
    %scan3A_13 = arith.constant 0 : i32
    %scan3A_14 = arith.constant 79 : i32
    %scan3A_15 = arith.addi %scan3A_13, %scan3A_14 : i32
    %scan3A_16 = arith.constant 1 : i32
    scf.for %scan3A_39 = %scan3A_13 to %scan3A_15 step %scan3A_16  : i32 {
      %mul3A_40 = arith.constant 79 : i32
      %mul3A_41 = arith.muli %add3A, %mul3A_40 : i32
      %add3A_42 = arith.addi %mul3A_41, %scan3A_39 : i32
      %mul3A_43 = arith.constant 128 : i32
      %mul3A_44 = arith.muli %add3A_42, %mul3A_43 : i32
      %multiple_of3A_45 = tpu.assume_multiple %mul3A_44, 8 : i32
      "tpu.region"() ({
        %run_scoped3A = tpu.sem_alloc : memref<!tpu.dma_semaphore, #tpu.memory_space<semaphore_mem>>
        %dma_start3A = tpu.memref_slice %arg2[%multiple_of3A_45] : memref<323584xi32, #tpu.memory_space<hbm>> -> memref<128xi32, #tpu.memory_space<hbm>>
        %dma_start3A_46 = tpu.memref_slice %arg2[%multiple_of3A_45] : memref<323584xi32, #tpu.memory_space<hbm>> -> memref<128xi32, #tpu.memory_space<hbm>>
        tpu.enqueue_dma source(%dma_start3A_46 : memref<128xi32, #tpu.memory_space<hbm>>) target(%arg6 : memref<128xi32, #tpu.memory_space<vmem>>) target_semaphore(%run_scoped3A : memref<!tpu.dma_semaphore, #tpu.memory_space<semaphore_mem>>)
        %dma_wait3A = tpu.memref_slice %arg2[%multiple_of3A_45] : memref<323584xi32, #tpu.memory_space<hbm>> -> memref<128xi32, #tpu.memory_space<hbm>>
        %dma_wait3A_47 = tpu.memref_slice %arg2[%multiple_of3A_45] : memref<323584xi32, #tpu.memory_space<hbm>> -> memref<128xi32, #tpu.memory_space<hbm>>
        tpu.wait_dma2 semaphore(%run_scoped3A : memref<!tpu.dma_semaphore, #tpu.memory_space<semaphore_mem>>) src(%dma_wait3A_47 : memref<128xi32, #tpu.memory_space<hbm>>) dst(%arg6 : memref<128xi32, #tpu.memory_space<vmem>>)
        tpu.yield
      }) : () -> ()
      "tpu.region"() ({
        %run_scoped3A = tpu.sem_alloc : memref<!tpu.dma_semaphore, #tpu.memory_space<semaphore_mem>>
        %dma_start3A = arith.constant 0 : i32
        %dma_start3A_46 = arith.constant 0 : i32
        %dma_start3A_47 = tpu.memref_slice %arg5[%dma_start3A, %dma_start3A_46] : memref<10240x16xf32, #tpu.memory_space<vmem_shared>> -> memref<10240x16xf32, #tpu.memory_space<vmem_shared>>
        tpu.enqueue_indirect_dma source(%arg7 : memref<128x16xf32, #tpu.memory_space<vmem>>) target(%dma_start3A_47 : memref<10240x16xf32, #tpu.memory_space<vmem_shared>>) offsets(%arg6 : memref<128xi32, #tpu.memory_space<vmem>>) semaphore(%run_scoped3A : memref<!tpu.dma_semaphore, #tpu.memory_space<semaphore_mem>>) {add = true}
        %dma_wait3A = arith.constant 0 : i32
        %dma_wait3A_48 = arith.constant 0 : i32
        %dma_wait3A_49 = tpu.memref_slice %arg5[%dma_wait3A, %dma_wait3A_48] : memref<10240x16xf32, #tpu.memory_space<vmem_shared>> -> memref<10240x16xf32, #tpu.memory_space<vmem_shared>>
        tpu.wait_indirect_dma semaphore(%run_scoped3A : memref<!tpu.dma_semaphore, #tpu.memory_space<semaphore_mem>>) src(%arg7 : memref<128x16xf32, #tpu.memory_space<vmem>>) dst(%dma_wait3A_49 : memref<10240x16xf32, #tpu.memory_space<vmem_shared>>)
        tpu.yield
      }) : () -> ()
    }
    %scan3A_17 = arith.constant 79 : i32
    %barrier3A_18 = arith.constant 0 : index
    tpu.barrier barrier_id(%barrier3A_18)
    %add3A_19 = arith.constant 0 : i32
    %add3A_20 = arith.addi %multiple_of3A, %add3A_19 : i32
    "tpu.region"() ({
      %run_scoped3A = tpu.sem_alloc : memref<!tpu.dma_semaphore, #tpu.memory_space<semaphore_mem>>
      %dma_start3A = arith.constant 0 : i32
      %dma_start3A_39 = tpu.memref_slice %arg5[%add3A_20, %dma_start3A] : memref<10240x16xf32, #tpu.memory_space<vmem_shared>> -> memref<128x16xf32, #tpu.memory_space<vmem_shared>>
      %dma_start3A_40 = arith.constant 0 : i32
      %dma_start3A_41 = tpu.memref_slice %arg5[%add3A_20, %dma_start3A_40] : memref<10240x16xf32, #tpu.memory_space<vmem_shared>> -> memref<128x16xf32, #tpu.memory_space<vmem_shared>>
      tpu.enqueue_dma source(%dma_start3A_41 : memref<128x16xf32, #tpu.memory_space<vmem_shared>>) target(%arg8 : memref<128x16xf32, #tpu.memory_space<vmem>>) target_semaphore(%run_scoped3A : memref<!tpu.dma_semaphore, #tpu.memory_space<semaphore_mem>>)
      %dma_wait3A = arith.constant 0 : i32
      %dma_wait3A_42 = tpu.memref_slice %arg5[%add3A_20, %dma_wait3A] : memref<10240x16xf32, #tpu.memory_space<vmem_shared>> -> memref<128x16xf32, #tpu.memory_space<vmem_shared>>
      %dma_wait3A_43 = arith.constant 0 : i32
      %dma_wait3A_44 = tpu.memref_slice %arg5[%add3A_20, %dma_wait3A_43] : memref<10240x16xf32, #tpu.memory_space<vmem_shared>> -> memref<128x16xf32, #tpu.memory_space<vmem_shared>>
      tpu.wait_dma2 semaphore(%run_scoped3A : memref<!tpu.dma_semaphore, #tpu.memory_space<semaphore_mem>>) src(%dma_wait3A_44 : memref<128x16xf32, #tpu.memory_space<vmem_shared>>) dst(%arg8 : memref<128x16xf32, #tpu.memory_space<vmem>>)
      tpu.yield
    }) : () -> ()
    %add3A_21 = arith.constant 0 : i32
    %add3A_22 = arith.addi %multiple_of3A, %add3A_21 : i32
    "tpu.region"() ({
      %run_scoped3A = tpu.sem_alloc : memref<!tpu.dma_semaphore, #tpu.memory_space<semaphore_mem>>
      %dma_start3A = arith.constant 0 : i32
      %dma_start3A_39 = tpu.memref_slice %arg4[%arg0, %add3A_22, %dma_start3A] : memref<2x10240x16xf32, #tpu.memory_space<hbm>> -> memref<1x128x16xf32, #tpu.memory_space<hbm>>
      %dma_start3A_40 = tpu.memref_squeeze %dma_start3A_39 : memref<1x128x16xf32, #tpu.memory_space<hbm>> -> memref<128x16xf32, #tpu.memory_space<hbm>>
      %dma_start3A_41 = arith.constant 0 : i32
      %dma_start3A_42 = tpu.memref_slice %arg4[%arg0, %add3A_22, %dma_start3A_41] : memref<2x10240x16xf32, #tpu.memory_space<hbm>> -> memref<1x128x16xf32, #tpu.memory_space<hbm>>
      %dma_start3A_43 = tpu.memref_squeeze %dma_start3A_42 : memref<1x128x16xf32, #tpu.memory_space<hbm>> -> memref<128x16xf32, #tpu.memory_space<hbm>>
      tpu.enqueue_dma source(%arg8 : memref<128x16xf32, #tpu.memory_space<vmem>>) target(%dma_start3A_43 : memref<128x16xf32, #tpu.memory_space<hbm>>) target_semaphore(%run_scoped3A : memref<!tpu.dma_semaphore, #tpu.memory_space<semaphore_mem>>)
      %dma_wait3A = arith.constant 0 : i32
      %dma_wait3A_44 = tpu.memref_slice %arg4[%arg0, %add3A_22, %dma_wait3A] : memref<2x10240x16xf32, #tpu.memory_space<hbm>> -> memref<1x128x16xf32, #tpu.memory_space<hbm>>
      %dma_wait3A_45 = tpu.memref_squeeze %dma_wait3A_44 : memref<1x128x16xf32, #tpu.memory_space<hbm>> -> memref<128x16xf32, #tpu.memory_space<hbm>>
      %dma_wait3A_46 = arith.constant 0 : i32
      %dma_wait3A_47 = tpu.memref_slice %arg4[%arg0, %add3A_22, %dma_wait3A_46] : memref<2x10240x16xf32, #tpu.memory_space<hbm>> -> memref<1x128x16xf32, #tpu.memory_space<hbm>>
      %dma_wait3A_48 = tpu.memref_squeeze %dma_wait3A_47 : memref<1x128x16xf32, #tpu.memory_space<hbm>> -> memref<128x16xf32, #tpu.memory_space<hbm>>
      tpu.wait_dma2 semaphore(%run_scoped3A : memref<!tpu.dma_semaphore, #tpu.memory_space<semaphore_mem>>) src(%arg8 : memref<128x16xf32, #tpu.memory_space<vmem>>) dst(%dma_wait3A_48 : memref<128x16xf32, #tpu.memory_space<hbm>>)
      tpu.yield
    }) : () -> ()
    %add3A_23 = arith.constant 128 : i32
    %add3A_24 = arith.addi %multiple_of3A, %add3A_23 : i32
    "tpu.region"() ({
      %run_scoped3A = tpu.sem_alloc : memref<!tpu.dma_semaphore, #tpu.memory_space<semaphore_mem>>
      %dma_start3A = arith.constant 0 : i32
      %dma_start3A_39 = tpu.memref_slice %arg5[%add3A_24, %dma_start3A] : memref<10240x16xf32, #tpu.memory_space<vmem_shared>> -> memref<128x16xf32, #tpu.memory_space<vmem_shared>>
      %dma_start3A_40 = arith.constant 0 : i32
      %dma_start3A_41 = tpu.memref_slice %arg5[%add3A_24, %dma_start3A_40] : memref<10240x16xf32, #tpu.memory_space<vmem_shared>> -> memref<128x16xf32, #tpu.memory_space<vmem_shared>>
      tpu.enqueue_dma source(%dma_start3A_41 : memref<128x16xf32, #tpu.memory_space<vmem_shared>>) target(%arg8 : memref<128x16xf32, #tpu.memory_space<vmem>>) target_semaphore(%run_scoped3A : memref<!tpu.dma_semaphore, #tpu.memory_space<semaphore_mem>>)
      %dma_wait3A = arith.constant 0 : i32
      %dma_wait3A_42 = tpu.memref_slice %arg5[%add3A_24, %dma_wait3A] : memref<10240x16xf32, #tpu.memory_space<vmem_shared>> -> memref<128x16xf32, #tpu.memory_space<vmem_shared>>
      %dma_wait3A_43 = arith.constant 0 : i32
      %dma_wait3A_44 = tpu.memref_slice %arg5[%add3A_24, %dma_wait3A_43] : memref<10240x16xf32, #tpu.memory_space<vmem_shared>> -> memref<128x16xf32, #tpu.memory_space<vmem_shared>>
      tpu.wait_dma2 semaphore(%run_scoped3A : memref<!tpu.dma_semaphore, #tpu.memory_space<semaphore_mem>>) src(%dma_wait3A_44 : memref<128x16xf32, #tpu.memory_space<vmem_shared>>) dst(%arg8 : memref<128x16xf32, #tpu.memory_space<vmem>>)
      tpu.yield
    }) : () -> ()
    %add3A_25 = arith.constant 128 : i32
    %add3A_26 = arith.addi %multiple_of3A, %add3A_25 : i32
    "tpu.region"() ({
      %run_scoped3A = tpu.sem_alloc : memref<!tpu.dma_semaphore, #tpu.memory_space<semaphore_mem>>
      %dma_start3A = arith.constant 0 : i32
      %dma_start3A_39 = tpu.memref_slice %arg4[%arg0, %add3A_26, %dma_start3A] : memref<2x10240x16xf32, #tpu.memory_space<hbm>> -> memref<1x128x16xf32, #tpu.memory_space<hbm>>
      %dma_start3A_40 = tpu.memref_squeeze %dma_start3A_39 : memref<1x128x16xf32, #tpu.memory_space<hbm>> -> memref<128x16xf32, #tpu.memory_space<hbm>>
      %dma_start3A_41 = arith.constant 0 : i32
      %dma_start3A_42 = tpu.memref_slice %arg4[%arg0, %add3A_26, %dma_start3A_41] : memref<2x10240x16xf32, #tpu.memory_space<hbm>> -> memref<1x128x16xf32, #tpu.memory_space<hbm>>
      %dma_start3A_43 = tpu.memref_squeeze %dma_start3A_42 : memref<1x128x16xf32, #tpu.memory_space<hbm>> -> memref<128x16xf32, #tpu.memory_space<hbm>>
      tpu.enqueue_dma source(%arg8 : memref<128x16xf32, #tpu.memory_space<vmem>>) target(%dma_start3A_43 : memref<128x16xf32, #tpu.memory_space<hbm>>) target_semaphore(%run_scoped3A : memref<!tpu.dma_semaphore, #tpu.memory_space<semaphore_mem>>)
      %dma_wait3A = arith.constant 0 : i32
      %dma_wait3A_44 = tpu.memref_slice %arg4[%arg0, %add3A_26, %dma_wait3A] : memref<2x10240x16xf32, #tpu.memory_space<hbm>> -> memref<1x128x16xf32, #tpu.memory_space<hbm>>
      %dma_wait3A_45 = tpu.memref_squeeze %dma_wait3A_44 : memref<1x128x16xf32, #tpu.memory_space<hbm>> -> memref<128x16xf32, #tpu.memory_space<hbm>>
      %dma_wait3A_46 = arith.constant 0 : i32
      %dma_wait3A_47 = tpu.memref_slice %arg4[%arg0, %add3A_26, %dma_wait3A_46] : memref<2x10240x16xf32, #tpu.memory_space<hbm>> -> memref<1x128x16xf32, #tpu.memory_space<hbm>>
      %dma_wait3A_48 = tpu.memref_squeeze %dma_wait3A_47 : memref<1x128x16xf32, #tpu.memory_space<hbm>> -> memref<128x16xf32, #tpu.memory_space<hbm>>
      tpu.wait_dma2 semaphore(%run_scoped3A : memref<!tpu.dma_semaphore, #tpu.memory_space<semaphore_mem>>) src(%arg8 : memref<128x16xf32, #tpu.memory_space<vmem>>) dst(%dma_wait3A_48 : memref<128x16xf32, #tpu.memory_space<hbm>>)
      tpu.yield
    }) : () -> ()
    %add3A_27 = arith.constant 256 : i32
    %add3A_28 = arith.addi %multiple_of3A, %add3A_27 : i32
    "tpu.region"() ({
      %run_scoped3A = tpu.sem_alloc : memref<!tpu.dma_semaphore, #tpu.memory_space<semaphore_mem>>
      %dma_start3A = arith.constant 0 : i32
      %dma_start3A_39 = tpu.memref_slice %arg5[%add3A_28, %dma_start3A] : memref<10240x16xf32, #tpu.memory_space<vmem_shared>> -> memref<128x16xf32, #tpu.memory_space<vmem_shared>>
      %dma_start3A_40 = arith.constant 0 : i32
      %dma_start3A_41 = tpu.memref_slice %arg5[%add3A_28, %dma_start3A_40] : memref<10240x16xf32, #tpu.memory_space<vmem_shared>> -> memref<128x16xf32, #tpu.memory_space<vmem_shared>>
      tpu.enqueue_dma source(%dma_start3A_41 : memref<128x16xf32, #tpu.memory_space<vmem_shared>>) target(%arg8 : memref<128x16xf32, #tpu.memory_space<vmem>>) target_semaphore(%run_scoped3A : memref<!tpu.dma_semaphore, #tpu.memory_space<semaphore_mem>>)
      %dma_wait3A = arith.constant 0 : i32
      %dma_wait3A_42 = tpu.memref_slice %arg5[%add3A_28, %dma_wait3A] : memref<10240x16xf32, #tpu.memory_space<vmem_shared>> -> memref<128x16xf32, #tpu.memory_space<vmem_shared>>
      %dma_wait3A_43 = arith.constant 0 : i32
      %dma_wait3A_44 = tpu.memref_slice %arg5[%add3A_28, %dma_wait3A_43] : memref<10240x16xf32, #tpu.memory_space<vmem_shared>> -> memref<128x16xf32, #tpu.memory_space<vmem_shared>>
      tpu.wait_dma2 semaphore(%run_scoped3A : memref<!tpu.dma_semaphore, #tpu.memory_space<semaphore_mem>>) src(%dma_wait3A_44 : memref<128x16xf32, #tpu.memory_space<vmem_shared>>) dst(%arg8 : memref<128x16xf32, #tpu.memory_space<vmem>>)
      tpu.yield
    }) : () -> ()
    %add3A_29 = arith.constant 256 : i32
    %add3A_30 = arith.addi %multiple_of3A, %add3A_29 : i32
    "tpu.region"() ({
      %run_scoped3A = tpu.sem_alloc : memref<!tpu.dma_semaphore, #tpu.memory_space<semaphore_mem>>
      %dma_start3A = arith.constant 0 : i32
      %dma_start3A_39 = tpu.memref_slice %arg4[%arg0, %add3A_30, %dma_start3A] : memref<2x10240x16xf32, #tpu.memory_space<hbm>> -> memref<1x128x16xf32, #tpu.memory_space<hbm>>
      %dma_start3A_40 = tpu.memref_squeeze %dma_start3A_39 : memref<1x128x16xf32, #tpu.memory_space<hbm>> -> memref<128x16xf32, #tpu.memory_space<hbm>>
      %dma_start3A_41 = arith.constant 0 : i32
      %dma_start3A_42 = tpu.memref_slice %arg4[%arg0, %add3A_30, %dma_start3A_41] : memref<2x10240x16xf32, #tpu.memory_space<hbm>> -> memref<1x128x16xf32, #tpu.memory_space<hbm>>
      %dma_start3A_43 = tpu.memref_squeeze %dma_start3A_42 : memref<1x128x16xf32, #tpu.memory_space<hbm>> -> memref<128x16xf32, #tpu.memory_space<hbm>>
      tpu.enqueue_dma source(%arg8 : memref<128x16xf32, #tpu.memory_space<vmem>>) target(%dma_start3A_43 : memref<128x16xf32, #tpu.memory_space<hbm>>) target_semaphore(%run_scoped3A : memref<!tpu.dma_semaphore, #tpu.memory_space<semaphore_mem>>)
      %dma_wait3A = arith.constant 0 : i32
      %dma_wait3A_44 = tpu.memref_slice %arg4[%arg0, %add3A_30, %dma_wait3A] : memref<2x10240x16xf32, #tpu.memory_space<hbm>> -> memref<1x128x16xf32, #tpu.memory_space<hbm>>
      %dma_wait3A_45 = tpu.memref_squeeze %dma_wait3A_44 : memref<1x128x16xf32, #tpu.memory_space<hbm>> -> memref<128x16xf32, #tpu.memory_space<hbm>>
      %dma_wait3A_46 = arith.constant 0 : i32
      %dma_wait3A_47 = tpu.memref_slice %arg4[%arg0, %add3A_30, %dma_wait3A_46] : memref<2x10240x16xf32, #tpu.memory_space<hbm>> -> memref<1x128x16xf32, #tpu.memory_space<hbm>>
      %dma_wait3A_48 = tpu.memref_squeeze %dma_wait3A_47 : memref<1x128x16xf32, #tpu.memory_space<hbm>> -> memref<128x16xf32, #tpu.memory_space<hbm>>
      tpu.wait_dma2 semaphore(%run_scoped3A : memref<!tpu.dma_semaphore, #tpu.memory_space<semaphore_mem>>) src(%arg8 : memref<128x16xf32, #tpu.memory_space<vmem>>) dst(%dma_wait3A_48 : memref<128x16xf32, #tpu.memory_space<hbm>>)
      tpu.yield
    }) : () -> ()
    %add3A_31 = arith.constant 384 : i32
    %add3A_32 = arith.addi %multiple_of3A, %add3A_31 : i32
    "tpu.region"() ({
      %run_scoped3A = tpu.sem_alloc : memref<!tpu.dma_semaphore, #tpu.memory_space<semaphore_mem>>
      %dma_start3A = arith.constant 0 : i32
      %dma_start3A_39 = tpu.memref_slice %arg5[%add3A_32, %dma_start3A] : memref<10240x16xf32, #tpu.memory_space<vmem_shared>> -> memref<128x16xf32, #tpu.memory_space<vmem_shared>>
      %dma_start3A_40 = arith.constant 0 : i32
      %dma_start3A_41 = tpu.memref_slice %arg5[%add3A_32, %dma_start3A_40] : memref<10240x16xf32, #tpu.memory_space<vmem_shared>> -> memref<128x16xf32, #tpu.memory_space<vmem_shared>>
      tpu.enqueue_dma source(%dma_start3A_41 : memref<128x16xf32, #tpu.memory_space<vmem_shared>>) target(%arg8 : memref<128x16xf32, #tpu.memory_space<vmem>>) target_semaphore(%run_scoped3A : memref<!tpu.dma_semaphore, #tpu.memory_space<semaphore_mem>>)
      %dma_wait3A = arith.constant 0 : i32
      %dma_wait3A_42 = tpu.memref_slice %arg5[%add3A_32, %dma_wait3A] : memref<10240x16xf32, #tpu.memory_space<vmem_shared>> -> memref<128x16xf32, #tpu.memory_space<vmem_shared>>
      %dma_wait3A_43 = arith.constant 0 : i32
      %dma_wait3A_44 = tpu.memref_slice %arg5[%add3A_32, %dma_wait3A_43] : memref<10240x16xf32, #tpu.memory_space<vmem_shared>> -> memref<128x16xf32, #tpu.memory_space<vmem_shared>>
      tpu.wait_dma2 semaphore(%run_scoped3A : memref<!tpu.dma_semaphore, #tpu.memory_space<semaphore_mem>>) src(%dma_wait3A_44 : memref<128x16xf32, #tpu.memory_space<vmem_shared>>) dst(%arg8 : memref<128x16xf32, #tpu.memory_space<vmem>>)
      tpu.yield
    }) : () -> ()
    %add3A_33 = arith.constant 384 : i32
    %add3A_34 = arith.addi %multiple_of3A, %add3A_33 : i32
    "tpu.region"() ({
      %run_scoped3A = tpu.sem_alloc : memref<!tpu.dma_semaphore, #tpu.memory_space<semaphore_mem>>
      %dma_start3A = arith.constant 0 : i32
      %dma_start3A_39 = tpu.memref_slice %arg4[%arg0, %add3A_34, %dma_start3A] : memref<2x10240x16xf32, #tpu.memory_space<hbm>> -> memref<1x128x16xf32, #tpu.memory_space<hbm>>
      %dma_start3A_40 = tpu.memref_squeeze %dma_start3A_39 : memref<1x128x16xf32, #tpu.memory_space<hbm>> -> memref<128x16xf32, #tpu.memory_space<hbm>>
      %dma_start3A_41 = arith.constant 0 : i32
      %dma_start3A_42 = tpu.memref_slice %arg4[%arg0, %add3A_34, %dma_start3A_41] : memref<2x10240x16xf32, #tpu.memory_space<hbm>> -> memref<1x128x16xf32, #tpu.memory_space<hbm>>
      %dma_start3A_43 = tpu.memref_squeeze %dma_start3A_42 : memref<1x128x16xf32, #tpu.memory_space<hbm>> -> memref<128x16xf32, #tpu.memory_space<hbm>>
      tpu.enqueue_dma source(%arg8 : memref<128x16xf32, #tpu.memory_space<vmem>>) target(%dma_start3A_43 : memref<128x16xf32, #tpu.memory_space<hbm>>) target_semaphore(%run_scoped3A : memref<!tpu.dma_semaphore, #tpu.memory_space<semaphore_mem>>)
      %dma_wait3A = arith.constant 0 : i32
      %dma_wait3A_44 = tpu.memref_slice %arg4[%arg0, %add3A_34, %dma_wait3A] : memref<2x10240x16xf32, #tpu.memory_space<hbm>> -> memref<1x128x16xf32, #tpu.memory_space<hbm>>
      %dma_wait3A_45 = tpu.memref_squeeze %dma_wait3A_44 : memref<1x128x16xf32, #tpu.memory_space<hbm>> -> memref<128x16xf32, #tpu.memory_space<hbm>>
      %dma_wait3A_46 = arith.constant 0 : i32
      %dma_wait3A_47 = tpu.memref_slice %arg4[%arg0, %add3A_34, %dma_wait3A_46] : memref<2x10240x16xf32, #tpu.memory_space<hbm>> -> memref<1x128x16xf32, #tpu.memory_space<hbm>>
      %dma_wait3A_48 = tpu.memref_squeeze %dma_wait3A_47 : memref<1x128x16xf32, #tpu.memory_space<hbm>> -> memref<128x16xf32, #tpu.memory_space<hbm>>
      tpu.wait_dma2 semaphore(%run_scoped3A : memref<!tpu.dma_semaphore, #tpu.memory_space<semaphore_mem>>) src(%arg8 : memref<128x16xf32, #tpu.memory_space<vmem>>) dst(%dma_wait3A_48 : memref<128x16xf32, #tpu.memory_space<hbm>>)
      tpu.yield
    }) : () -> ()
    %add3A_35 = arith.constant 512 : i32
    %add3A_36 = arith.addi %multiple_of3A, %add3A_35 : i32
    "tpu.region"() ({
      %run_scoped3A = tpu.sem_alloc : memref<!tpu.dma_semaphore, #tpu.memory_space<semaphore_mem>>
      %dma_start3A = arith.constant 0 : i32
      %dma_start3A_39 = tpu.memref_slice %arg5[%add3A_36, %dma_start3A] : memref<10240x16xf32, #tpu.memory_space<vmem_shared>> -> memref<128x16xf32, #tpu.memory_space<vmem_shared>>
      %dma_start3A_40 = arith.constant 0 : i32
      %dma_start3A_41 = tpu.memref_slice %arg5[%add3A_36, %dma_start3A_40] : memref<10240x16xf32, #tpu.memory_space<vmem_shared>> -> memref<128x16xf32, #tpu.memory_space<vmem_shared>>
      tpu.enqueue_dma source(%dma_start3A_41 : memref<128x16xf32, #tpu.memory_space<vmem_shared>>) target(%arg8 : memref<128x16xf32, #tpu.memory_space<vmem>>) target_semaphore(%run_scoped3A : memref<!tpu.dma_semaphore, #tpu.memory_space<semaphore_mem>>)
      %dma_wait3A = arith.constant 0 : i32
      %dma_wait3A_42 = tpu.memref_slice %arg5[%add3A_36, %dma_wait3A] : memref<10240x16xf32, #tpu.memory_space<vmem_shared>> -> memref<128x16xf32, #tpu.memory_space<vmem_shared>>
      %dma_wait3A_43 = arith.constant 0 : i32
      %dma_wait3A_44 = tpu.memref_slice %arg5[%add3A_36, %dma_wait3A_43] : memref<10240x16xf32, #tpu.memory_space<vmem_shared>> -> memref<128x16xf32, #tpu.memory_space<vmem_shared>>
      tpu.wait_dma2 semaphore(%run_scoped3A : memref<!tpu.dma_semaphore, #tpu.memory_space<semaphore_mem>>) src(%dma_wait3A_44 : memref<128x16xf32, #tpu.memory_space<vmem_shared>>) dst(%arg8 : memref<128x16xf32, #tpu.memory_space<vmem>>)
      tpu.yield
    }) : () -> ()
    %add3A_37 = arith.constant 512 : i32
    %add3A_38 = arith.addi %multiple_of3A, %add3A_37 : i32
    "tpu.region"() ({
      %run_scoped3A = tpu.sem_alloc : memref<!tpu.dma_semaphore, #tpu.memory_space<semaphore_mem>>
      %dma_start3A = arith.constant 0 : i32
      %dma_start3A_39 = tpu.memref_slice %arg4[%arg0, %add3A_38, %dma_start3A] : memref<2x10240x16xf32, #tpu.memory_space<hbm>> -> memref<1x128x16xf32, #tpu.memory_space<hbm>>
      %dma_start3A_40 = tpu.memref_squeeze %dma_start3A_39 : memref<1x128x16xf32, #tpu.memory_space<hbm>> -> memref<128x16xf32, #tpu.memory_space<hbm>>
      %dma_start3A_41 = arith.constant 0 : i32
      %dma_start3A_42 = tpu.memref_slice %arg4[%arg0, %add3A_38, %dma_start3A_41] : memref<2x10240x16xf32, #tpu.memory_space<hbm>> -> memref<1x128x16xf32, #tpu.memory_space<hbm>>
      %dma_start3A_43 = tpu.memref_squeeze %dma_start3A_42 : memref<1x128x16xf32, #tpu.memory_space<hbm>> -> memref<128x16xf32, #tpu.memory_space<hbm>>
      tpu.enqueue_dma source(%arg8 : memref<128x16xf32, #tpu.memory_space<vmem>>) target(%dma_start3A_43 : memref<128x16xf32, #tpu.memory_space<hbm>>) target_semaphore(%run_scoped3A : memref<!tpu.dma_semaphore, #tpu.memory_space<semaphore_mem>>)
      %dma_wait3A = arith.constant 0 : i32
      %dma_wait3A_44 = tpu.memref_slice %arg4[%arg0, %add3A_38, %dma_wait3A] : memref<2x10240x16xf32, #tpu.memory_space<hbm>> -> memref<1x128x16xf32, #tpu.memory_space<hbm>>
      %dma_wait3A_45 = tpu.memref_squeeze %dma_wait3A_44 : memref<1x128x16xf32, #tpu.memory_space<hbm>> -> memref<128x16xf32, #tpu.memory_space<hbm>>
      %dma_wait3A_46 = arith.constant 0 : i32
      %dma_wait3A_47 = tpu.memref_slice %arg4[%arg0, %add3A_38, %dma_wait3A_46] : memref<2x10240x16xf32, #tpu.memory_space<hbm>> -> memref<1x128x16xf32, #tpu.memory_space<hbm>>
      %dma_wait3A_48 = tpu.memref_squeeze %dma_wait3A_47 : memref<1x128x16xf32, #tpu.memory_space<hbm>> -> memref<128x16xf32, #tpu.memory_space<hbm>>
      tpu.wait_dma2 semaphore(%run_scoped3A : memref<!tpu.dma_semaphore, #tpu.memory_space<semaphore_mem>>) src(%arg8 : memref<128x16xf32, #tpu.memory_space<vmem>>) dst(%dma_wait3A_48 : memref<128x16xf32, #tpu.memory_space<hbm>>)
      tpu.yield
    }) : () -> ()
    return
  }
}

#map = affine_map<(d0, d1) -> (0, 0)>
#map1 = affine_map<(d0, d1) -> (0)>
#map2 = affine_map<(d0, d1) -> (0, 0, 0, 0)>
module attributes {stable_mosaic.version = 14 : i64} {
  func.func @body(%arg0: i32, %arg1: i32, %arg2: memref<10240x128xf32, #tpu.memory_space<hbm>>, %arg3: memref<10240x128xf32, #tpu.memory_space<hbm>>, %arg4: memref<323584xi32, #tpu.memory_space<hbm>>, %arg5: memref<323584xi32, #tpu.memory_space<hbm>>, %arg6: memref<2x2x10240x128xf32, #tpu.memory_space<hbm>>, %arg7: memref<10240x128xf32, #tpu.memory_space<vmem_shared>>, %arg8: memref<128xi32, #tpu.memory_space<vmem>>, %arg9: memref<128xi32, #tpu.memory_space<vmem>>, %arg10: memref<128x128xf32, #tpu.memory_space<vmem>>, %arg11: memref<!tpu.dma_semaphore, #tpu.memory_space<semaphore_mem>>) attributes {dimension_semantics = [#tpu.dimension_semantics<core_parallel>, #tpu.dimension_semantics<subcore_parallel>], iteration_bounds = array<i64: 2, 16>, scalar_prefetch = 0 : i64, scratch_operands = 5 : i64, tpu.core_type = #tpu.core_type<sc_vector_subcore>, window_params = [{transform_indices = #map}, {transform_indices = #map}, {transform_indices = #map1}, {transform_indices = #map1}, {transform_indices = #map2}]} {
    %mul3A = arith.constant 16 : i32
    %mul3A_0 = arith.muli %arg0, %mul3A : i32
    %add3A = arith.addi %mul3A_0, %arg1 : i32
    %mul3A_1 = arith.constant 640 : i32
    %mul3A_2 = arith.muli %arg1, %mul3A_1 : i32
    %multiple_of3A = tpu.assume_multiple %mul3A_2, 8 : i32
    %add3A_3 = arith.constant 0 : i32
    %add3A_4 = arith.addi %multiple_of3A, %add3A_3 : i32
    "tpu.region"() ({
      %run_scoped3A_107 = tpu.sem_alloc : memref<!tpu.dma_semaphore, #tpu.memory_space<semaphore_mem>>
      %dma_start3A = arith.constant 0 : i32
      %dma_start3A_108 = tpu.memref_slice %arg2[%add3A_4, %dma_start3A] : memref<10240x128xf32, #tpu.memory_space<hbm>> -> memref<128x128xf32, #tpu.memory_space<hbm>>
      %dma_start3A_109 = arith.constant 0 : i32
      %dma_start3A_110 = tpu.memref_slice %arg2[%add3A_4, %dma_start3A_109] : memref<10240x128xf32, #tpu.memory_space<hbm>> -> memref<128x128xf32, #tpu.memory_space<hbm>>
      tpu.enqueue_dma source(%dma_start3A_110 : memref<128x128xf32, #tpu.memory_space<hbm>>) target(%arg10 : memref<128x128xf32, #tpu.memory_space<vmem>>) target_semaphore(%run_scoped3A_107 : memref<!tpu.dma_semaphore, #tpu.memory_space<semaphore_mem>>)
      %dma_wait3A = arith.constant 0 : i32
      %dma_wait3A_111 = tpu.memref_slice %arg2[%add3A_4, %dma_wait3A] : memref<10240x128xf32, #tpu.memory_space<hbm>> -> memref<128x128xf32, #tpu.memory_space<hbm>>
      %dma_wait3A_112 = arith.constant 0 : i32
      %dma_wait3A_113 = tpu.memref_slice %arg2[%add3A_4, %dma_wait3A_112] : memref<10240x128xf32, #tpu.memory_space<hbm>> -> memref<128x128xf32, #tpu.memory_space<hbm>>
      tpu.wait_dma2 semaphore(%run_scoped3A_107 : memref<!tpu.dma_semaphore, #tpu.memory_space<semaphore_mem>>) src(%dma_wait3A_113 : memref<128x128xf32, #tpu.memory_space<hbm>>) dst(%arg10 : memref<128x128xf32, #tpu.memory_space<vmem>>)
      tpu.yield
    }) : () -> ()
    %add3A_5 = arith.constant 0 : i32
    %add3A_6 = arith.addi %multiple_of3A, %add3A_5 : i32
    "tpu.region"() ({
      %run_scoped3A_107 = tpu.sem_alloc : memref<!tpu.dma_semaphore, #tpu.memory_space<semaphore_mem>>
      %dma_start3A = arith.constant 0 : i32
      %dma_start3A_108 = tpu.memref_slice %arg7[%add3A_6, %dma_start3A] : memref<10240x128xf32, #tpu.memory_space<vmem_shared>> -> memref<128x128xf32, #tpu.memory_space<vmem_shared>>
      %dma_start3A_109 = arith.constant 0 : i32
      %dma_start3A_110 = tpu.memref_slice %arg7[%add3A_6, %dma_start3A_109] : memref<10240x128xf32, #tpu.memory_space<vmem_shared>> -> memref<128x128xf32, #tpu.memory_space<vmem_shared>>
      tpu.enqueue_dma source(%arg10 : memref<128x128xf32, #tpu.memory_space<vmem>>) target(%dma_start3A_110 : memref<128x128xf32, #tpu.memory_space<vmem_shared>>) target_semaphore(%run_scoped3A_107 : memref<!tpu.dma_semaphore, #tpu.memory_space<semaphore_mem>>)
      %dma_wait3A = arith.constant 0 : i32
      %dma_wait3A_111 = tpu.memref_slice %arg7[%add3A_6, %dma_wait3A] : memref<10240x128xf32, #tpu.memory_space<vmem_shared>> -> memref<128x128xf32, #tpu.memory_space<vmem_shared>>
      %dma_wait3A_112 = arith.constant 0 : i32
      %dma_wait3A_113 = tpu.memref_slice %arg7[%add3A_6, %dma_wait3A_112] : memref<10240x128xf32, #tpu.memory_space<vmem_shared>> -> memref<128x128xf32, #tpu.memory_space<vmem_shared>>
      tpu.wait_dma2 semaphore(%run_scoped3A_107 : memref<!tpu.dma_semaphore, #tpu.memory_space<semaphore_mem>>) src(%arg10 : memref<128x128xf32, #tpu.memory_space<vmem>>) dst(%dma_wait3A_113 : memref<128x128xf32, #tpu.memory_space<vmem_shared>>)
      tpu.yield
    }) : () -> ()
    %add3A_7 = arith.constant 128 : i32
    %add3A_8 = arith.addi %multiple_of3A, %add3A_7 : i32
    "tpu.region"() ({
      %run_scoped3A_107 = tpu.sem_alloc : memref<!tpu.dma_semaphore, #tpu.memory_space<semaphore_mem>>
      %dma_start3A = arith.constant 0 : i32
      %dma_start3A_108 = tpu.memref_slice %arg2[%add3A_8, %dma_start3A] : memref<10240x128xf32, #tpu.memory_space<hbm>> -> memref<128x128xf32, #tpu.memory_space<hbm>>
      %dma_start3A_109 = arith.constant 0 : i32
      %dma_start3A_110 = tpu.memref_slice %arg2[%add3A_8, %dma_start3A_109] : memref<10240x128xf32, #tpu.memory_space<hbm>> -> memref<128x128xf32, #tpu.memory_space<hbm>>
      tpu.enqueue_dma source(%dma_start3A_110 : memref<128x128xf32, #tpu.memory_space<hbm>>) target(%arg10 : memref<128x128xf32, #tpu.memory_space<vmem>>) target_semaphore(%run_scoped3A_107 : memref<!tpu.dma_semaphore, #tpu.memory_space<semaphore_mem>>)
      %dma_wait3A = arith.constant 0 : i32
      %dma_wait3A_111 = tpu.memref_slice %arg2[%add3A_8, %dma_wait3A] : memref<10240x128xf32, #tpu.memory_space<hbm>> -> memref<128x128xf32, #tpu.memory_space<hbm>>
      %dma_wait3A_112 = arith.constant 0 : i32
      %dma_wait3A_113 = tpu.memref_slice %arg2[%add3A_8, %dma_wait3A_112] : memref<10240x128xf32, #tpu.memory_space<hbm>> -> memref<128x128xf32, #tpu.memory_space<hbm>>
      tpu.wait_dma2 semaphore(%run_scoped3A_107 : memref<!tpu.dma_semaphore, #tpu.memory_space<semaphore_mem>>) src(%dma_wait3A_113 : memref<128x128xf32, #tpu.memory_space<hbm>>) dst(%arg10 : memref<128x128xf32, #tpu.memory_space<vmem>>)
      tpu.yield
    }) : () -> ()
    %add3A_9 = arith.constant 128 : i32
    %add3A_10 = arith.addi %multiple_of3A, %add3A_9 : i32
    "tpu.region"() ({
      %run_scoped3A_107 = tpu.sem_alloc : memref<!tpu.dma_semaphore, #tpu.memory_space<semaphore_mem>>
      %dma_start3A = arith.constant 0 : i32
      %dma_start3A_108 = tpu.memref_slice %arg7[%add3A_10, %dma_start3A] : memref<10240x128xf32, #tpu.memory_space<vmem_shared>> -> memref<128x128xf32, #tpu.memory_space<vmem_shared>>
      %dma_start3A_109 = arith.constant 0 : i32
      %dma_start3A_110 = tpu.memref_slice %arg7[%add3A_10, %dma_start3A_109] : memref<10240x128xf32, #tpu.memory_space<vmem_shared>> -> memref<128x128xf32, #tpu.memory_space<vmem_shared>>
      tpu.enqueue_dma source(%arg10 : memref<128x128xf32, #tpu.memory_space<vmem>>) target(%dma_start3A_110 : memref<128x128xf32, #tpu.memory_space<vmem_shared>>) target_semaphore(%run_scoped3A_107 : memref<!tpu.dma_semaphore, #tpu.memory_space<semaphore_mem>>)
      %dma_wait3A = arith.constant 0 : i32
      %dma_wait3A_111 = tpu.memref_slice %arg7[%add3A_10, %dma_wait3A] : memref<10240x128xf32, #tpu.memory_space<vmem_shared>> -> memref<128x128xf32, #tpu.memory_space<vmem_shared>>
      %dma_wait3A_112 = arith.constant 0 : i32
      %dma_wait3A_113 = tpu.memref_slice %arg7[%add3A_10, %dma_wait3A_112] : memref<10240x128xf32, #tpu.memory_space<vmem_shared>> -> memref<128x128xf32, #tpu.memory_space<vmem_shared>>
      tpu.wait_dma2 semaphore(%run_scoped3A_107 : memref<!tpu.dma_semaphore, #tpu.memory_space<semaphore_mem>>) src(%arg10 : memref<128x128xf32, #tpu.memory_space<vmem>>) dst(%dma_wait3A_113 : memref<128x128xf32, #tpu.memory_space<vmem_shared>>)
      tpu.yield
    }) : () -> ()
    %add3A_11 = arith.constant 256 : i32
    %add3A_12 = arith.addi %multiple_of3A, %add3A_11 : i32
    "tpu.region"() ({
      %run_scoped3A_107 = tpu.sem_alloc : memref<!tpu.dma_semaphore, #tpu.memory_space<semaphore_mem>>
      %dma_start3A = arith.constant 0 : i32
      %dma_start3A_108 = tpu.memref_slice %arg2[%add3A_12, %dma_start3A] : memref<10240x128xf32, #tpu.memory_space<hbm>> -> memref<128x128xf32, #tpu.memory_space<hbm>>
      %dma_start3A_109 = arith.constant 0 : i32
      %dma_start3A_110 = tpu.memref_slice %arg2[%add3A_12, %dma_start3A_109] : memref<10240x128xf32, #tpu.memory_space<hbm>> -> memref<128x128xf32, #tpu.memory_space<hbm>>
      tpu.enqueue_dma source(%dma_start3A_110 : memref<128x128xf32, #tpu.memory_space<hbm>>) target(%arg10 : memref<128x128xf32, #tpu.memory_space<vmem>>) target_semaphore(%run_scoped3A_107 : memref<!tpu.dma_semaphore, #tpu.memory_space<semaphore_mem>>)
      %dma_wait3A = arith.constant 0 : i32
      %dma_wait3A_111 = tpu.memref_slice %arg2[%add3A_12, %dma_wait3A] : memref<10240x128xf32, #tpu.memory_space<hbm>> -> memref<128x128xf32, #tpu.memory_space<hbm>>
      %dma_wait3A_112 = arith.constant 0 : i32
      %dma_wait3A_113 = tpu.memref_slice %arg2[%add3A_12, %dma_wait3A_112] : memref<10240x128xf32, #tpu.memory_space<hbm>> -> memref<128x128xf32, #tpu.memory_space<hbm>>
      tpu.wait_dma2 semaphore(%run_scoped3A_107 : memref<!tpu.dma_semaphore, #tpu.memory_space<semaphore_mem>>) src(%dma_wait3A_113 : memref<128x128xf32, #tpu.memory_space<hbm>>) dst(%arg10 : memref<128x128xf32, #tpu.memory_space<vmem>>)
      tpu.yield
    }) : () -> ()
    %add3A_13 = arith.constant 256 : i32
    %add3A_14 = arith.addi %multiple_of3A, %add3A_13 : i32
    "tpu.region"() ({
      %run_scoped3A_107 = tpu.sem_alloc : memref<!tpu.dma_semaphore, #tpu.memory_space<semaphore_mem>>
      %dma_start3A = arith.constant 0 : i32
      %dma_start3A_108 = tpu.memref_slice %arg7[%add3A_14, %dma_start3A] : memref<10240x128xf32, #tpu.memory_space<vmem_shared>> -> memref<128x128xf32, #tpu.memory_space<vmem_shared>>
      %dma_start3A_109 = arith.constant 0 : i32
      %dma_start3A_110 = tpu.memref_slice %arg7[%add3A_14, %dma_start3A_109] : memref<10240x128xf32, #tpu.memory_space<vmem_shared>> -> memref<128x128xf32, #tpu.memory_space<vmem_shared>>
      tpu.enqueue_dma source(%arg10 : memref<128x128xf32, #tpu.memory_space<vmem>>) target(%dma_start3A_110 : memref<128x128xf32, #tpu.memory_space<vmem_shared>>) target_semaphore(%run_scoped3A_107 : memref<!tpu.dma_semaphore, #tpu.memory_space<semaphore_mem>>)
      %dma_wait3A = arith.constant 0 : i32
      %dma_wait3A_111 = tpu.memref_slice %arg7[%add3A_14, %dma_wait3A] : memref<10240x128xf32, #tpu.memory_space<vmem_shared>> -> memref<128x128xf32, #tpu.memory_space<vmem_shared>>
      %dma_wait3A_112 = arith.constant 0 : i32
      %dma_wait3A_113 = tpu.memref_slice %arg7[%add3A_14, %dma_wait3A_112] : memref<10240x128xf32, #tpu.memory_space<vmem_shared>> -> memref<128x128xf32, #tpu.memory_space<vmem_shared>>
      tpu.wait_dma2 semaphore(%run_scoped3A_107 : memref<!tpu.dma_semaphore, #tpu.memory_space<semaphore_mem>>) src(%arg10 : memref<128x128xf32, #tpu.memory_space<vmem>>) dst(%dma_wait3A_113 : memref<128x128xf32, #tpu.memory_space<vmem_shared>>)
      tpu.yield
    }) : () -> ()
    %add3A_15 = arith.constant 384 : i32
    %add3A_16 = arith.addi %multiple_of3A, %add3A_15 : i32
    "tpu.region"() ({
      %run_scoped3A_107 = tpu.sem_alloc : memref<!tpu.dma_semaphore, #tpu.memory_space<semaphore_mem>>
      %dma_start3A = arith.constant 0 : i32
      %dma_start3A_108 = tpu.memref_slice %arg2[%add3A_16, %dma_start3A] : memref<10240x128xf32, #tpu.memory_space<hbm>> -> memref<128x128xf32, #tpu.memory_space<hbm>>
      %dma_start3A_109 = arith.constant 0 : i32
      %dma_start3A_110 = tpu.memref_slice %arg2[%add3A_16, %dma_start3A_109] : memref<10240x128xf32, #tpu.memory_space<hbm>> -> memref<128x128xf32, #tpu.memory_space<hbm>>
      tpu.enqueue_dma source(%dma_start3A_110 : memref<128x128xf32, #tpu.memory_space<hbm>>) target(%arg10 : memref<128x128xf32, #tpu.memory_space<vmem>>) target_semaphore(%run_scoped3A_107 : memref<!tpu.dma_semaphore, #tpu.memory_space<semaphore_mem>>)
      %dma_wait3A = arith.constant 0 : i32
      %dma_wait3A_111 = tpu.memref_slice %arg2[%add3A_16, %dma_wait3A] : memref<10240x128xf32, #tpu.memory_space<hbm>> -> memref<128x128xf32, #tpu.memory_space<hbm>>
      %dma_wait3A_112 = arith.constant 0 : i32
      %dma_wait3A_113 = tpu.memref_slice %arg2[%add3A_16, %dma_wait3A_112] : memref<10240x128xf32, #tpu.memory_space<hbm>> -> memref<128x128xf32, #tpu.memory_space<hbm>>
      tpu.wait_dma2 semaphore(%run_scoped3A_107 : memref<!tpu.dma_semaphore, #tpu.memory_space<semaphore_mem>>) src(%dma_wait3A_113 : memref<128x128xf32, #tpu.memory_space<hbm>>) dst(%arg10 : memref<128x128xf32, #tpu.memory_space<vmem>>)
      tpu.yield
    }) : () -> ()
    %add3A_17 = arith.constant 384 : i32
    %add3A_18 = arith.addi %multiple_of3A, %add3A_17 : i32
    "tpu.region"() ({
      %run_scoped3A_107 = tpu.sem_alloc : memref<!tpu.dma_semaphore, #tpu.memory_space<semaphore_mem>>
      %dma_start3A = arith.constant 0 : i32
      %dma_start3A_108 = tpu.memref_slice %arg7[%add3A_18, %dma_start3A] : memref<10240x128xf32, #tpu.memory_space<vmem_shared>> -> memref<128x128xf32, #tpu.memory_space<vmem_shared>>
      %dma_start3A_109 = arith.constant 0 : i32
      %dma_start3A_110 = tpu.memref_slice %arg7[%add3A_18, %dma_start3A_109] : memref<10240x128xf32, #tpu.memory_space<vmem_shared>> -> memref<128x128xf32, #tpu.memory_space<vmem_shared>>
      tpu.enqueue_dma source(%arg10 : memref<128x128xf32, #tpu.memory_space<vmem>>) target(%dma_start3A_110 : memref<128x128xf32, #tpu.memory_space<vmem_shared>>) target_semaphore(%run_scoped3A_107 : memref<!tpu.dma_semaphore, #tpu.memory_space<semaphore_mem>>)
      %dma_wait3A = arith.constant 0 : i32
      %dma_wait3A_111 = tpu.memref_slice %arg7[%add3A_18, %dma_wait3A] : memref<10240x128xf32, #tpu.memory_space<vmem_shared>> -> memref<128x128xf32, #tpu.memory_space<vmem_shared>>
      %dma_wait3A_112 = arith.constant 0 : i32
      %dma_wait3A_113 = tpu.memref_slice %arg7[%add3A_18, %dma_wait3A_112] : memref<10240x128xf32, #tpu.memory_space<vmem_shared>> -> memref<128x128xf32, #tpu.memory_space<vmem_shared>>
      tpu.wait_dma2 semaphore(%run_scoped3A_107 : memref<!tpu.dma_semaphore, #tpu.memory_space<semaphore_mem>>) src(%arg10 : memref<128x128xf32, #tpu.memory_space<vmem>>) dst(%dma_wait3A_113 : memref<128x128xf32, #tpu.memory_space<vmem_shared>>)
      tpu.yield
    }) : () -> ()
    %add3A_19 = arith.constant 512 : i32
    %add3A_20 = arith.addi %multiple_of3A, %add3A_19 : i32
    "tpu.region"() ({
      %run_scoped3A_107 = tpu.sem_alloc : memref<!tpu.dma_semaphore, #tpu.memory_space<semaphore_mem>>
      %dma_start3A = arith.constant 0 : i32
      %dma_start3A_108 = tpu.memref_slice %arg2[%add3A_20, %dma_start3A] : memref<10240x128xf32, #tpu.memory_space<hbm>> -> memref<128x128xf32, #tpu.memory_space<hbm>>
      %dma_start3A_109 = arith.constant 0 : i32
      %dma_start3A_110 = tpu.memref_slice %arg2[%add3A_20, %dma_start3A_109] : memref<10240x128xf32, #tpu.memory_space<hbm>> -> memref<128x128xf32, #tpu.memory_space<hbm>>
      tpu.enqueue_dma source(%dma_start3A_110 : memref<128x128xf32, #tpu.memory_space<hbm>>) target(%arg10 : memref<128x128xf32, #tpu.memory_space<vmem>>) target_semaphore(%run_scoped3A_107 : memref<!tpu.dma_semaphore, #tpu.memory_space<semaphore_mem>>)
      %dma_wait3A = arith.constant 0 : i32
      %dma_wait3A_111 = tpu.memref_slice %arg2[%add3A_20, %dma_wait3A] : memref<10240x128xf32, #tpu.memory_space<hbm>> -> memref<128x128xf32, #tpu.memory_space<hbm>>
      %dma_wait3A_112 = arith.constant 0 : i32
      %dma_wait3A_113 = tpu.memref_slice %arg2[%add3A_20, %dma_wait3A_112] : memref<10240x128xf32, #tpu.memory_space<hbm>> -> memref<128x128xf32, #tpu.memory_space<hbm>>
      tpu.wait_dma2 semaphore(%run_scoped3A_107 : memref<!tpu.dma_semaphore, #tpu.memory_space<semaphore_mem>>) src(%dma_wait3A_113 : memref<128x128xf32, #tpu.memory_space<hbm>>) dst(%arg10 : memref<128x128xf32, #tpu.memory_space<vmem>>)
      tpu.yield
    }) : () -> ()
    %add3A_21 = arith.constant 512 : i32
    %add3A_22 = arith.addi %multiple_of3A, %add3A_21 : i32
    "tpu.region"() ({
      %run_scoped3A_107 = tpu.sem_alloc : memref<!tpu.dma_semaphore, #tpu.memory_space<semaphore_mem>>
      %dma_start3A = arith.constant 0 : i32
      %dma_start3A_108 = tpu.memref_slice %arg7[%add3A_22, %dma_start3A] : memref<10240x128xf32, #tpu.memory_space<vmem_shared>> -> memref<128x128xf32, #tpu.memory_space<vmem_shared>>
      %dma_start3A_109 = arith.constant 0 : i32
      %dma_start3A_110 = tpu.memref_slice %arg7[%add3A_22, %dma_start3A_109] : memref<10240x128xf32, #tpu.memory_space<vmem_shared>> -> memref<128x128xf32, #tpu.memory_space<vmem_shared>>
      tpu.enqueue_dma source(%arg10 : memref<128x128xf32, #tpu.memory_space<vmem>>) target(%dma_start3A_110 : memref<128x128xf32, #tpu.memory_space<vmem_shared>>) target_semaphore(%run_scoped3A_107 : memref<!tpu.dma_semaphore, #tpu.memory_space<semaphore_mem>>)
      %dma_wait3A = arith.constant 0 : i32
      %dma_wait3A_111 = tpu.memref_slice %arg7[%add3A_22, %dma_wait3A] : memref<10240x128xf32, #tpu.memory_space<vmem_shared>> -> memref<128x128xf32, #tpu.memory_space<vmem_shared>>
      %dma_wait3A_112 = arith.constant 0 : i32
      %dma_wait3A_113 = tpu.memref_slice %arg7[%add3A_22, %dma_wait3A_112] : memref<10240x128xf32, #tpu.memory_space<vmem_shared>> -> memref<128x128xf32, #tpu.memory_space<vmem_shared>>
      tpu.wait_dma2 semaphore(%run_scoped3A_107 : memref<!tpu.dma_semaphore, #tpu.memory_space<semaphore_mem>>) src(%arg10 : memref<128x128xf32, #tpu.memory_space<vmem>>) dst(%dma_wait3A_113 : memref<128x128xf32, #tpu.memory_space<vmem_shared>>)
      tpu.yield
    }) : () -> ()
    %barrier3A = arith.constant 0 : index
    tpu.barrier barrier_id(%barrier3A)
    %scan3A = arith.constant 0 : i32
    %scan3A_23 = arith.constant 0 : i32
    %scan3A_24 = arith.constant 79 : i32
    %scan3A_25 = arith.addi %scan3A_23, %scan3A_24 : i32
    %scan3A_26 = arith.constant 1 : i32
    scf.for %scan3A_107 = %scan3A_23 to %scan3A_25 step %scan3A_26  : i32 {
      %mul3A_108 = arith.constant 79 : i32
      %mul3A_109 = arith.muli %add3A, %mul3A_108 : i32
      %add3A_110 = arith.addi %mul3A_109, %scan3A_107 : i32
      %mul3A_111 = arith.constant 128 : i32
      %mul3A_112 = arith.muli %add3A_110, %mul3A_111 : i32
      %multiple_of3A_113 = tpu.assume_multiple %mul3A_112, 8 : i32
      "tpu.region"() ({
        %run_scoped3A_118 = tpu.sem_alloc : memref<!tpu.dma_semaphore, #tpu.memory_space<semaphore_mem>>
        %dma_start3A_119 = tpu.memref_slice %arg4[%multiple_of3A_113] : memref<323584xi32, #tpu.memory_space<hbm>> -> memref<128xi32, #tpu.memory_space<hbm>>
        %dma_start3A_120 = tpu.memref_slice %arg4[%multiple_of3A_113] : memref<323584xi32, #tpu.memory_space<hbm>> -> memref<128xi32, #tpu.memory_space<hbm>>
        tpu.enqueue_dma source(%dma_start3A_120 : memref<128xi32, #tpu.memory_space<hbm>>) target(%arg8 : memref<128xi32, #tpu.memory_space<vmem>>) target_semaphore(%run_scoped3A_118 : memref<!tpu.dma_semaphore, #tpu.memory_space<semaphore_mem>>)
        %dma_wait3A_121 = tpu.memref_slice %arg4[%multiple_of3A_113] : memref<323584xi32, #tpu.memory_space<hbm>> -> memref<128xi32, #tpu.memory_space<hbm>>
        %dma_wait3A_122 = tpu.memref_slice %arg4[%multiple_of3A_113] : memref<323584xi32, #tpu.memory_space<hbm>> -> memref<128xi32, #tpu.memory_space<hbm>>
        tpu.wait_dma2 semaphore(%run_scoped3A_118 : memref<!tpu.dma_semaphore, #tpu.memory_space<semaphore_mem>>) src(%dma_wait3A_122 : memref<128xi32, #tpu.memory_space<hbm>>) dst(%arg8 : memref<128xi32, #tpu.memory_space<vmem>>)
        tpu.yield
      }) : () -> ()
      "tpu.region"() ({
        %run_scoped3A_118 = tpu.sem_alloc : memref<!tpu.dma_semaphore, #tpu.memory_space<semaphore_mem>>
        %dma_start3A_119 = tpu.memref_slice %arg5[%multiple_of3A_113] : memref<323584xi32, #tpu.memory_space<hbm>> -> memref<128xi32, #tpu.memory_space<hbm>>
        %dma_start3A_120 = tpu.memref_slice %arg5[%multiple_of3A_113] : memref<323584xi32, #tpu.memory_space<hbm>> -> memref<128xi32, #tpu.memory_space<hbm>>
        tpu.enqueue_dma source(%dma_start3A_120 : memref<128xi32, #tpu.memory_space<hbm>>) target(%arg9 : memref<128xi32, #tpu.memory_space<vmem>>) target_semaphore(%run_scoped3A_118 : memref<!tpu.dma_semaphore, #tpu.memory_space<semaphore_mem>>)
        %dma_wait3A_121 = tpu.memref_slice %arg5[%multiple_of3A_113] : memref<323584xi32, #tpu.memory_space<hbm>> -> memref<128xi32, #tpu.memory_space<hbm>>
        %dma_wait3A_122 = tpu.memref_slice %arg5[%multiple_of3A_113] : memref<323584xi32, #tpu.memory_space<hbm>> -> memref<128xi32, #tpu.memory_space<hbm>>
        tpu.wait_dma2 semaphore(%run_scoped3A_118 : memref<!tpu.dma_semaphore, #tpu.memory_space<semaphore_mem>>) src(%dma_wait3A_122 : memref<128xi32, #tpu.memory_space<hbm>>) dst(%arg9 : memref<128xi32, #tpu.memory_space<vmem>>)
        tpu.yield
      }) : () -> ()
      %dma_start3A = arith.constant 0 : i32
      %dma_start3A_114 = arith.constant 0 : i32
      %dma_start3A_115 = tpu.memref_slice %arg2[%dma_start3A, %dma_start3A_114] : memref<10240x128xf32, #tpu.memory_space<hbm>> -> memref<10240x128xf32, #tpu.memory_space<hbm>>
      tpu.enqueue_indirect_dma source(%dma_start3A_115 : memref<10240x128xf32, #tpu.memory_space<hbm>>) target(%arg10 : memref<128x128xf32, #tpu.memory_space<vmem>>) offsets(%arg8 : memref<128xi32, #tpu.memory_space<vmem>>) semaphore(%arg11 : memref<!tpu.dma_semaphore, #tpu.memory_space<semaphore_mem>>)
      %dma_wait3A = arith.constant 0 : i32
      %dma_wait3A_116 = arith.constant 0 : i32
      %dma_wait3A_117 = tpu.memref_slice %arg2[%dma_wait3A, %dma_wait3A_116] : memref<10240x128xf32, #tpu.memory_space<hbm>> -> memref<10240x128xf32, #tpu.memory_space<hbm>>
      tpu.wait_indirect_dma semaphore(%arg11 : memref<!tpu.dma_semaphore, #tpu.memory_space<semaphore_mem>>) src(%dma_wait3A_117 : memref<10240x128xf32, #tpu.memory_space<hbm>>) dst(%arg10 : memref<128x128xf32, #tpu.memory_space<vmem>>)
      "tpu.region"() ({
        %run_scoped3A_118 = tpu.sem_alloc : memref<!tpu.dma_semaphore, #tpu.memory_space<semaphore_mem>>
        %dma_start3A_119 = arith.constant 0 : i32
        %dma_start3A_120 = arith.constant 0 : i32
        %dma_start3A_121 = tpu.memref_slice %arg7[%dma_start3A_119, %dma_start3A_120] : memref<10240x128xf32, #tpu.memory_space<vmem_shared>> -> memref<10240x128xf32, #tpu.memory_space<vmem_shared>>
        tpu.enqueue_indirect_dma source(%arg10 : memref<128x128xf32, #tpu.memory_space<vmem>>) target(%dma_start3A_121 : memref<10240x128xf32, #tpu.memory_space<vmem_shared>>) offsets(%arg9 : memref<128xi32, #tpu.memory_space<vmem>>) semaphore(%run_scoped3A_118 : memref<!tpu.dma_semaphore, #tpu.memory_space<semaphore_mem>>) {add = true}
        %dma_wait3A_122 = arith.constant 0 : i32
        %dma_wait3A_123 = arith.constant 0 : i32
        %dma_wait3A_124 = tpu.memref_slice %arg7[%dma_wait3A_122, %dma_wait3A_123] : memref<10240x128xf32, #tpu.memory_space<vmem_shared>> -> memref<10240x128xf32, #tpu.memory_space<vmem_shared>>
        tpu.wait_indirect_dma semaphore(%run_scoped3A_118 : memref<!tpu.dma_semaphore, #tpu.memory_space<semaphore_mem>>) src(%arg10 : memref<128x128xf32, #tpu.memory_space<vmem>>) dst(%dma_wait3A_124 : memref<10240x128xf32, #tpu.memory_space<vmem_shared>>)
        tpu.yield
      }) : () -> ()
    }
    %scan3A_27 = arith.constant 79 : i32
    %barrier3A_28 = arith.constant 0 : index
    tpu.barrier barrier_id(%barrier3A_28)
    %add3A_29 = arith.constant 0 : i32
    %add3A_30 = arith.addi %multiple_of3A, %add3A_29 : i32
    "tpu.region"() ({
      %run_scoped3A_107 = tpu.sem_alloc : memref<!tpu.dma_semaphore, #tpu.memory_space<semaphore_mem>>
      %dma_start3A = arith.constant 0 : i32
      %dma_start3A_108 = tpu.memref_slice %arg7[%add3A_30, %dma_start3A] : memref<10240x128xf32, #tpu.memory_space<vmem_shared>> -> memref<128x128xf32, #tpu.memory_space<vmem_shared>>
      %dma_start3A_109 = arith.constant 0 : i32
      %dma_start3A_110 = tpu.memref_slice %arg7[%add3A_30, %dma_start3A_109] : memref<10240x128xf32, #tpu.memory_space<vmem_shared>> -> memref<128x128xf32, #tpu.memory_space<vmem_shared>>
      tpu.enqueue_dma source(%dma_start3A_110 : memref<128x128xf32, #tpu.memory_space<vmem_shared>>) target(%arg10 : memref<128x128xf32, #tpu.memory_space<vmem>>) target_semaphore(%run_scoped3A_107 : memref<!tpu.dma_semaphore, #tpu.memory_space<semaphore_mem>>)
      %dma_wait3A = arith.constant 0 : i32
      %dma_wait3A_111 = tpu.memref_slice %arg7[%add3A_30, %dma_wait3A] : memref<10240x128xf32, #tpu.memory_space<vmem_shared>> -> memref<128x128xf32, #tpu.memory_space<vmem_shared>>
      %dma_wait3A_112 = arith.constant 0 : i32
      %dma_wait3A_113 = tpu.memref_slice %arg7[%add3A_30, %dma_wait3A_112] : memref<10240x128xf32, #tpu.memory_space<vmem_shared>> -> memref<128x128xf32, #tpu.memory_space<vmem_shared>>
      tpu.wait_dma2 semaphore(%run_scoped3A_107 : memref<!tpu.dma_semaphore, #tpu.memory_space<semaphore_mem>>) src(%dma_wait3A_113 : memref<128x128xf32, #tpu.memory_space<vmem_shared>>) dst(%arg10 : memref<128x128xf32, #tpu.memory_space<vmem>>)
      tpu.yield
    }) : () -> ()
    %add3A_31 = arith.constant 0 : i32
    %add3A_32 = arith.addi %multiple_of3A, %add3A_31 : i32
    %run_scoped3A = arith.constant 0 : i32
    "tpu.region"() ({
      %run_scoped3A_107 = tpu.sem_alloc : memref<!tpu.dma_semaphore, #tpu.memory_space<semaphore_mem>>
      %dma_start3A = arith.constant 0 : i32
      %dma_start3A_108 = tpu.memref_slice %arg6[%arg0, %run_scoped3A, %add3A_32, %dma_start3A] : memref<2x2x10240x128xf32, #tpu.memory_space<hbm>> -> memref<1x1x128x128xf32, #tpu.memory_space<hbm>>
      %dma_start3A_109 = tpu.memref_squeeze %dma_start3A_108 : memref<1x1x128x128xf32, #tpu.memory_space<hbm>> -> memref<128x128xf32, #tpu.memory_space<hbm>>
      %dma_start3A_110 = arith.constant 0 : i32
      %dma_start3A_111 = tpu.memref_slice %arg6[%arg0, %run_scoped3A, %add3A_32, %dma_start3A_110] : memref<2x2x10240x128xf32, #tpu.memory_space<hbm>> -> memref<1x1x128x128xf32, #tpu.memory_space<hbm>>
      %dma_start3A_112 = tpu.memref_squeeze %dma_start3A_111 : memref<1x1x128x128xf32, #tpu.memory_space<hbm>> -> memref<128x128xf32, #tpu.memory_space<hbm>>
      tpu.enqueue_dma source(%arg10 : memref<128x128xf32, #tpu.memory_space<vmem>>) target(%dma_start3A_112 : memref<128x128xf32, #tpu.memory_space<hbm>>) target_semaphore(%run_scoped3A_107 : memref<!tpu.dma_semaphore, #tpu.memory_space<semaphore_mem>>)
      %dma_wait3A = arith.constant 0 : i32
      %dma_wait3A_113 = tpu.memref_slice %arg6[%arg0, %run_scoped3A, %add3A_32, %dma_wait3A] : memref<2x2x10240x128xf32, #tpu.memory_space<hbm>> -> memref<1x1x128x128xf32, #tpu.memory_space<hbm>>
      %dma_wait3A_114 = tpu.memref_squeeze %dma_wait3A_113 : memref<1x1x128x128xf32, #tpu.memory_space<hbm>> -> memref<128x128xf32, #tpu.memory_space<hbm>>
      %dma_wait3A_115 = arith.constant 0 : i32
      %dma_wait3A_116 = tpu.memref_slice %arg6[%arg0, %run_scoped3A, %add3A_32, %dma_wait3A_115] : memref<2x2x10240x128xf32, #tpu.memory_space<hbm>> -> memref<1x1x128x128xf32, #tpu.memory_space<hbm>>
      %dma_wait3A_117 = tpu.memref_squeeze %dma_wait3A_116 : memref<1x1x128x128xf32, #tpu.memory_space<hbm>> -> memref<128x128xf32, #tpu.memory_space<hbm>>
      tpu.wait_dma2 semaphore(%run_scoped3A_107 : memref<!tpu.dma_semaphore, #tpu.memory_space<semaphore_mem>>) src(%arg10 : memref<128x128xf32, #tpu.memory_space<vmem>>) dst(%dma_wait3A_117 : memref<128x128xf32, #tpu.memory_space<hbm>>)
      tpu.yield
    }) : () -> ()
    %add3A_33 = arith.constant 128 : i32
    %add3A_34 = arith.addi %multiple_of3A, %add3A_33 : i32
    "tpu.region"() ({
      %run_scoped3A_107 = tpu.sem_alloc : memref<!tpu.dma_semaphore, #tpu.memory_space<semaphore_mem>>
      %dma_start3A = arith.constant 0 : i32
      %dma_start3A_108 = tpu.memref_slice %arg7[%add3A_34, %dma_start3A] : memref<10240x128xf32, #tpu.memory_space<vmem_shared>> -> memref<128x128xf32, #tpu.memory_space<vmem_shared>>
      %dma_start3A_109 = arith.constant 0 : i32
      %dma_start3A_110 = tpu.memref_slice %arg7[%add3A_34, %dma_start3A_109] : memref<10240x128xf32, #tpu.memory_space<vmem_shared>> -> memref<128x128xf32, #tpu.memory_space<vmem_shared>>
      tpu.enqueue_dma source(%dma_start3A_110 : memref<128x128xf32, #tpu.memory_space<vmem_shared>>) target(%arg10 : memref<128x128xf32, #tpu.memory_space<vmem>>) target_semaphore(%run_scoped3A_107 : memref<!tpu.dma_semaphore, #tpu.memory_space<semaphore_mem>>)
      %dma_wait3A = arith.constant 0 : i32
      %dma_wait3A_111 = tpu.memref_slice %arg7[%add3A_34, %dma_wait3A] : memref<10240x128xf32, #tpu.memory_space<vmem_shared>> -> memref<128x128xf32, #tpu.memory_space<vmem_shared>>
      %dma_wait3A_112 = arith.constant 0 : i32
      %dma_wait3A_113 = tpu.memref_slice %arg7[%add3A_34, %dma_wait3A_112] : memref<10240x128xf32, #tpu.memory_space<vmem_shared>> -> memref<128x128xf32, #tpu.memory_space<vmem_shared>>
      tpu.wait_dma2 semaphore(%run_scoped3A_107 : memref<!tpu.dma_semaphore, #tpu.memory_space<semaphore_mem>>) src(%dma_wait3A_113 : memref<128x128xf32, #tpu.memory_space<vmem_shared>>) dst(%arg10 : memref<128x128xf32, #tpu.memory_space<vmem>>)
      tpu.yield
    }) : () -> ()
    %add3A_35 = arith.constant 128 : i32
    %add3A_36 = arith.addi %multiple_of3A, %add3A_35 : i32
    %run_scoped3A_37 = arith.constant 0 : i32
    "tpu.region"() ({
      %run_scoped3A_107 = tpu.sem_alloc : memref<!tpu.dma_semaphore, #tpu.memory_space<semaphore_mem>>
      %dma_start3A = arith.constant 0 : i32
      %dma_start3A_108 = tpu.memref_slice %arg6[%arg0, %run_scoped3A_37, %add3A_36, %dma_start3A] : memref<2x2x10240x128xf32, #tpu.memory_space<hbm>> -> memref<1x1x128x128xf32, #tpu.memory_space<hbm>>
      %dma_start3A_109 = tpu.memref_squeeze %dma_start3A_108 : memref<1x1x128x128xf32, #tpu.memory_space<hbm>> -> memref<128x128xf32, #tpu.memory_space<hbm>>
      %dma_start3A_110 = arith.constant 0 : i32
      %dma_start3A_111 = tpu.memref_slice %arg6[%arg0, %run_scoped3A_37, %add3A_36, %dma_start3A_110] : memref<2x2x10240x128xf32, #tpu.memory_space<hbm>> -> memref<1x1x128x128xf32, #tpu.memory_space<hbm>>
      %dma_start3A_112 = tpu.memref_squeeze %dma_start3A_111 : memref<1x1x128x128xf32, #tpu.memory_space<hbm>> -> memref<128x128xf32, #tpu.memory_space<hbm>>
      tpu.enqueue_dma source(%arg10 : memref<128x128xf32, #tpu.memory_space<vmem>>) target(%dma_start3A_112 : memref<128x128xf32, #tpu.memory_space<hbm>>) target_semaphore(%run_scoped3A_107 : memref<!tpu.dma_semaphore, #tpu.memory_space<semaphore_mem>>)
      %dma_wait3A = arith.constant 0 : i32
      %dma_wait3A_113 = tpu.memref_slice %arg6[%arg0, %run_scoped3A_37, %add3A_36, %dma_wait3A] : memref<2x2x10240x128xf32, #tpu.memory_space<hbm>> -> memref<1x1x128x128xf32, #tpu.memory_space<hbm>>
      %dma_wait3A_114 = tpu.memref_squeeze %dma_wait3A_113 : memref<1x1x128x128xf32, #tpu.memory_space<hbm>> -> memref<128x128xf32, #tpu.memory_space<hbm>>
      %dma_wait3A_115 = arith.constant 0 : i32
      %dma_wait3A_116 = tpu.memref_slice %arg6[%arg0, %run_scoped3A_37, %add3A_36, %dma_wait3A_115] : memref<2x2x10240x128xf32, #tpu.memory_space<hbm>> -> memref<1x1x128x128xf32, #tpu.memory_space<hbm>>
      %dma_wait3A_117 = tpu.memref_squeeze %dma_wait3A_116 : memref<1x1x128x128xf32, #tpu.memory_space<hbm>> -> memref<128x128xf32, #tpu.memory_space<hbm>>
      tpu.wait_dma2 semaphore(%run_scoped3A_107 : memref<!tpu.dma_semaphore, #tpu.memory_space<semaphore_mem>>) src(%arg10 : memref<128x128xf32, #tpu.memory_space<vmem>>) dst(%dma_wait3A_117 : memref<128x128xf32, #tpu.memory_space<hbm>>)
      tpu.yield
    }) : () -> ()
    %add3A_38 = arith.constant 256 : i32
    %add3A_39 = arith.addi %multiple_of3A, %add3A_38 : i32
    "tpu.region"() ({
      %run_scoped3A_107 = tpu.sem_alloc : memref<!tpu.dma_semaphore, #tpu.memory_space<semaphore_mem>>
      %dma_start3A = arith.constant 0 : i32
      %dma_start3A_108 = tpu.memref_slice %arg7[%add3A_39, %dma_start3A] : memref<10240x128xf32, #tpu.memory_space<vmem_shared>> -> memref<128x128xf32, #tpu.memory_space<vmem_shared>>
      %dma_start3A_109 = arith.constant 0 : i32
      %dma_start3A_110 = tpu.memref_slice %arg7[%add3A_39, %dma_start3A_109] : memref<10240x128xf32, #tpu.memory_space<vmem_shared>> -> memref<128x128xf32, #tpu.memory_space<vmem_shared>>
      tpu.enqueue_dma source(%dma_start3A_110 : memref<128x128xf32, #tpu.memory_space<vmem_shared>>) target(%arg10 : memref<128x128xf32, #tpu.memory_space<vmem>>) target_semaphore(%run_scoped3A_107 : memref<!tpu.dma_semaphore, #tpu.memory_space<semaphore_mem>>)
      %dma_wait3A = arith.constant 0 : i32
      %dma_wait3A_111 = tpu.memref_slice %arg7[%add3A_39, %dma_wait3A] : memref<10240x128xf32, #tpu.memory_space<vmem_shared>> -> memref<128x128xf32, #tpu.memory_space<vmem_shared>>
      %dma_wait3A_112 = arith.constant 0 : i32
      %dma_wait3A_113 = tpu.memref_slice %arg7[%add3A_39, %dma_wait3A_112] : memref<10240x128xf32, #tpu.memory_space<vmem_shared>> -> memref<128x128xf32, #tpu.memory_space<vmem_shared>>
      tpu.wait_dma2 semaphore(%run_scoped3A_107 : memref<!tpu.dma_semaphore, #tpu.memory_space<semaphore_mem>>) src(%dma_wait3A_113 : memref<128x128xf32, #tpu.memory_space<vmem_shared>>) dst(%arg10 : memref<128x128xf32, #tpu.memory_space<vmem>>)
      tpu.yield
    }) : () -> ()
    %add3A_40 = arith.constant 256 : i32
    %add3A_41 = arith.addi %multiple_of3A, %add3A_40 : i32
    %run_scoped3A_42 = arith.constant 0 : i32
    "tpu.region"() ({
      %run_scoped3A_107 = tpu.sem_alloc : memref<!tpu.dma_semaphore, #tpu.memory_space<semaphore_mem>>
      %dma_start3A = arith.constant 0 : i32
      %dma_start3A_108 = tpu.memref_slice %arg6[%arg0, %run_scoped3A_42, %add3A_41, %dma_start3A] : memref<2x2x10240x128xf32, #tpu.memory_space<hbm>> -> memref<1x1x128x128xf32, #tpu.memory_space<hbm>>
      %dma_start3A_109 = tpu.memref_squeeze %dma_start3A_108 : memref<1x1x128x128xf32, #tpu.memory_space<hbm>> -> memref<128x128xf32, #tpu.memory_space<hbm>>
      %dma_start3A_110 = arith.constant 0 : i32
      %dma_start3A_111 = tpu.memref_slice %arg6[%arg0, %run_scoped3A_42, %add3A_41, %dma_start3A_110] : memref<2x2x10240x128xf32, #tpu.memory_space<hbm>> -> memref<1x1x128x128xf32, #tpu.memory_space<hbm>>
      %dma_start3A_112 = tpu.memref_squeeze %dma_start3A_111 : memref<1x1x128x128xf32, #tpu.memory_space<hbm>> -> memref<128x128xf32, #tpu.memory_space<hbm>>
      tpu.enqueue_dma source(%arg10 : memref<128x128xf32, #tpu.memory_space<vmem>>) target(%dma_start3A_112 : memref<128x128xf32, #tpu.memory_space<hbm>>) target_semaphore(%run_scoped3A_107 : memref<!tpu.dma_semaphore, #tpu.memory_space<semaphore_mem>>)
      %dma_wait3A = arith.constant 0 : i32
      %dma_wait3A_113 = tpu.memref_slice %arg6[%arg0, %run_scoped3A_42, %add3A_41, %dma_wait3A] : memref<2x2x10240x128xf32, #tpu.memory_space<hbm>> -> memref<1x1x128x128xf32, #tpu.memory_space<hbm>>
      %dma_wait3A_114 = tpu.memref_squeeze %dma_wait3A_113 : memref<1x1x128x128xf32, #tpu.memory_space<hbm>> -> memref<128x128xf32, #tpu.memory_space<hbm>>
      %dma_wait3A_115 = arith.constant 0 : i32
      %dma_wait3A_116 = tpu.memref_slice %arg6[%arg0, %run_scoped3A_42, %add3A_41, %dma_wait3A_115] : memref<2x2x10240x128xf32, #tpu.memory_space<hbm>> -> memref<1x1x128x128xf32, #tpu.memory_space<hbm>>
      %dma_wait3A_117 = tpu.memref_squeeze %dma_wait3A_116 : memref<1x1x128x128xf32, #tpu.memory_space<hbm>> -> memref<128x128xf32, #tpu.memory_space<hbm>>
      tpu.wait_dma2 semaphore(%run_scoped3A_107 : memref<!tpu.dma_semaphore, #tpu.memory_space<semaphore_mem>>) src(%arg10 : memref<128x128xf32, #tpu.memory_space<vmem>>) dst(%dma_wait3A_117 : memref<128x128xf32, #tpu.memory_space<hbm>>)
      tpu.yield
    }) : () -> ()
    %add3A_43 = arith.constant 384 : i32
    %add3A_44 = arith.addi %multiple_of3A, %add3A_43 : i32
    "tpu.region"() ({
      %run_scoped3A_107 = tpu.sem_alloc : memref<!tpu.dma_semaphore, #tpu.memory_space<semaphore_mem>>
      %dma_start3A = arith.constant 0 : i32
      %dma_start3A_108 = tpu.memref_slice %arg7[%add3A_44, %dma_start3A] : memref<10240x128xf32, #tpu.memory_space<vmem_shared>> -> memref<128x128xf32, #tpu.memory_space<vmem_shared>>
      %dma_start3A_109 = arith.constant 0 : i32
      %dma_start3A_110 = tpu.memref_slice %arg7[%add3A_44, %dma_start3A_109] : memref<10240x128xf32, #tpu.memory_space<vmem_shared>> -> memref<128x128xf32, #tpu.memory_space<vmem_shared>>
      tpu.enqueue_dma source(%dma_start3A_110 : memref<128x128xf32, #tpu.memory_space<vmem_shared>>) target(%arg10 : memref<128x128xf32, #tpu.memory_space<vmem>>) target_semaphore(%run_scoped3A_107 : memref<!tpu.dma_semaphore, #tpu.memory_space<semaphore_mem>>)
      %dma_wait3A = arith.constant 0 : i32
      %dma_wait3A_111 = tpu.memref_slice %arg7[%add3A_44, %dma_wait3A] : memref<10240x128xf32, #tpu.memory_space<vmem_shared>> -> memref<128x128xf32, #tpu.memory_space<vmem_shared>>
      %dma_wait3A_112 = arith.constant 0 : i32
      %dma_wait3A_113 = tpu.memref_slice %arg7[%add3A_44, %dma_wait3A_112] : memref<10240x128xf32, #tpu.memory_space<vmem_shared>> -> memref<128x128xf32, #tpu.memory_space<vmem_shared>>
      tpu.wait_dma2 semaphore(%run_scoped3A_107 : memref<!tpu.dma_semaphore, #tpu.memory_space<semaphore_mem>>) src(%dma_wait3A_113 : memref<128x128xf32, #tpu.memory_space<vmem_shared>>) dst(%arg10 : memref<128x128xf32, #tpu.memory_space<vmem>>)
      tpu.yield
    }) : () -> ()
    %add3A_45 = arith.constant 384 : i32
    %add3A_46 = arith.addi %multiple_of3A, %add3A_45 : i32
    %run_scoped3A_47 = arith.constant 0 : i32
    "tpu.region"() ({
      %run_scoped3A_107 = tpu.sem_alloc : memref<!tpu.dma_semaphore, #tpu.memory_space<semaphore_mem>>
      %dma_start3A = arith.constant 0 : i32
      %dma_start3A_108 = tpu.memref_slice %arg6[%arg0, %run_scoped3A_47, %add3A_46, %dma_start3A] : memref<2x2x10240x128xf32, #tpu.memory_space<hbm>> -> memref<1x1x128x128xf32, #tpu.memory_space<hbm>>
      %dma_start3A_109 = tpu.memref_squeeze %dma_start3A_108 : memref<1x1x128x128xf32, #tpu.memory_space<hbm>> -> memref<128x128xf32, #tpu.memory_space<hbm>>
      %dma_start3A_110 = arith.constant 0 : i32
      %dma_start3A_111 = tpu.memref_slice %arg6[%arg0, %run_scoped3A_47, %add3A_46, %dma_start3A_110] : memref<2x2x10240x128xf32, #tpu.memory_space<hbm>> -> memref<1x1x128x128xf32, #tpu.memory_space<hbm>>
      %dma_start3A_112 = tpu.memref_squeeze %dma_start3A_111 : memref<1x1x128x128xf32, #tpu.memory_space<hbm>> -> memref<128x128xf32, #tpu.memory_space<hbm>>
      tpu.enqueue_dma source(%arg10 : memref<128x128xf32, #tpu.memory_space<vmem>>) target(%dma_start3A_112 : memref<128x128xf32, #tpu.memory_space<hbm>>) target_semaphore(%run_scoped3A_107 : memref<!tpu.dma_semaphore, #tpu.memory_space<semaphore_mem>>)
      %dma_wait3A = arith.constant 0 : i32
      %dma_wait3A_113 = tpu.memref_slice %arg6[%arg0, %run_scoped3A_47, %add3A_46, %dma_wait3A] : memref<2x2x10240x128xf32, #tpu.memory_space<hbm>> -> memref<1x1x128x128xf32, #tpu.memory_space<hbm>>
      %dma_wait3A_114 = tpu.memref_squeeze %dma_wait3A_113 : memref<1x1x128x128xf32, #tpu.memory_space<hbm>> -> memref<128x128xf32, #tpu.memory_space<hbm>>
      %dma_wait3A_115 = arith.constant 0 : i32
      %dma_wait3A_116 = tpu.memref_slice %arg6[%arg0, %run_scoped3A_47, %add3A_46, %dma_wait3A_115] : memref<2x2x10240x128xf32, #tpu.memory_space<hbm>> -> memref<1x1x128x128xf32, #tpu.memory_space<hbm>>
      %dma_wait3A_117 = tpu.memref_squeeze %dma_wait3A_116 : memref<1x1x128x128xf32, #tpu.memory_space<hbm>> -> memref<128x128xf32, #tpu.memory_space<hbm>>
      tpu.wait_dma2 semaphore(%run_scoped3A_107 : memref<!tpu.dma_semaphore, #tpu.memory_space<semaphore_mem>>) src(%arg10 : memref<128x128xf32, #tpu.memory_space<vmem>>) dst(%dma_wait3A_117 : memref<128x128xf32, #tpu.memory_space<hbm>>)
      tpu.yield
    }) : () -> ()
    %add3A_48 = arith.constant 512 : i32
    %add3A_49 = arith.addi %multiple_of3A, %add3A_48 : i32
    "tpu.region"() ({
      %run_scoped3A_107 = tpu.sem_alloc : memref<!tpu.dma_semaphore, #tpu.memory_space<semaphore_mem>>
      %dma_start3A = arith.constant 0 : i32
      %dma_start3A_108 = tpu.memref_slice %arg7[%add3A_49, %dma_start3A] : memref<10240x128xf32, #tpu.memory_space<vmem_shared>> -> memref<128x128xf32, #tpu.memory_space<vmem_shared>>
      %dma_start3A_109 = arith.constant 0 : i32
      %dma_start3A_110 = tpu.memref_slice %arg7[%add3A_49, %dma_start3A_109] : memref<10240x128xf32, #tpu.memory_space<vmem_shared>> -> memref<128x128xf32, #tpu.memory_space<vmem_shared>>
      tpu.enqueue_dma source(%dma_start3A_110 : memref<128x128xf32, #tpu.memory_space<vmem_shared>>) target(%arg10 : memref<128x128xf32, #tpu.memory_space<vmem>>) target_semaphore(%run_scoped3A_107 : memref<!tpu.dma_semaphore, #tpu.memory_space<semaphore_mem>>)
      %dma_wait3A = arith.constant 0 : i32
      %dma_wait3A_111 = tpu.memref_slice %arg7[%add3A_49, %dma_wait3A] : memref<10240x128xf32, #tpu.memory_space<vmem_shared>> -> memref<128x128xf32, #tpu.memory_space<vmem_shared>>
      %dma_wait3A_112 = arith.constant 0 : i32
      %dma_wait3A_113 = tpu.memref_slice %arg7[%add3A_49, %dma_wait3A_112] : memref<10240x128xf32, #tpu.memory_space<vmem_shared>> -> memref<128x128xf32, #tpu.memory_space<vmem_shared>>
      tpu.wait_dma2 semaphore(%run_scoped3A_107 : memref<!tpu.dma_semaphore, #tpu.memory_space<semaphore_mem>>) src(%dma_wait3A_113 : memref<128x128xf32, #tpu.memory_space<vmem_shared>>) dst(%arg10 : memref<128x128xf32, #tpu.memory_space<vmem>>)
      tpu.yield
    }) : () -> ()
    %add3A_50 = arith.constant 512 : i32
    %add3A_51 = arith.addi %multiple_of3A, %add3A_50 : i32
    %run_scoped3A_52 = arith.constant 0 : i32
    "tpu.region"() ({
      %run_scoped3A_107 = tpu.sem_alloc : memref<!tpu.dma_semaphore, #tpu.memory_space<semaphore_mem>>
      %dma_start3A = arith.constant 0 : i32
      %dma_start3A_108 = tpu.memref_slice %arg6[%arg0, %run_scoped3A_52, %add3A_51, %dma_start3A] : memref<2x2x10240x128xf32, #tpu.memory_space<hbm>> -> memref<1x1x128x128xf32, #tpu.memory_space<hbm>>
      %dma_start3A_109 = tpu.memref_squeeze %dma_start3A_108 : memref<1x1x128x128xf32, #tpu.memory_space<hbm>> -> memref<128x128xf32, #tpu.memory_space<hbm>>
      %dma_start3A_110 = arith.constant 0 : i32
      %dma_start3A_111 = tpu.memref_slice %arg6[%arg0, %run_scoped3A_52, %add3A_51, %dma_start3A_110] : memref<2x2x10240x128xf32, #tpu.memory_space<hbm>> -> memref<1x1x128x128xf32, #tpu.memory_space<hbm>>
      %dma_start3A_112 = tpu.memref_squeeze %dma_start3A_111 : memref<1x1x128x128xf32, #tpu.memory_space<hbm>> -> memref<128x128xf32, #tpu.memory_space<hbm>>
      tpu.enqueue_dma source(%arg10 : memref<128x128xf32, #tpu.memory_space<vmem>>) target(%dma_start3A_112 : memref<128x128xf32, #tpu.memory_space<hbm>>) target_semaphore(%run_scoped3A_107 : memref<!tpu.dma_semaphore, #tpu.memory_space<semaphore_mem>>)
      %dma_wait3A = arith.constant 0 : i32
      %dma_wait3A_113 = tpu.memref_slice %arg6[%arg0, %run_scoped3A_52, %add3A_51, %dma_wait3A] : memref<2x2x10240x128xf32, #tpu.memory_space<hbm>> -> memref<1x1x128x128xf32, #tpu.memory_space<hbm>>
      %dma_wait3A_114 = tpu.memref_squeeze %dma_wait3A_113 : memref<1x1x128x128xf32, #tpu.memory_space<hbm>> -> memref<128x128xf32, #tpu.memory_space<hbm>>
      %dma_wait3A_115 = arith.constant 0 : i32
      %dma_wait3A_116 = tpu.memref_slice %arg6[%arg0, %run_scoped3A_52, %add3A_51, %dma_wait3A_115] : memref<2x2x10240x128xf32, #tpu.memory_space<hbm>> -> memref<1x1x128x128xf32, #tpu.memory_space<hbm>>
      %dma_wait3A_117 = tpu.memref_squeeze %dma_wait3A_116 : memref<1x1x128x128xf32, #tpu.memory_space<hbm>> -> memref<128x128xf32, #tpu.memory_space<hbm>>
      tpu.wait_dma2 semaphore(%run_scoped3A_107 : memref<!tpu.dma_semaphore, #tpu.memory_space<semaphore_mem>>) src(%arg10 : memref<128x128xf32, #tpu.memory_space<vmem>>) dst(%dma_wait3A_117 : memref<128x128xf32, #tpu.memory_space<hbm>>)
      tpu.yield
    }) : () -> ()
    %barrier3A_53 = arith.constant 0 : index
    tpu.barrier barrier_id(%barrier3A_53)
    %add3A_54 = arith.constant 0 : i32
    %add3A_55 = arith.addi %multiple_of3A, %add3A_54 : i32
    "tpu.region"() ({
      %run_scoped3A_107 = tpu.sem_alloc : memref<!tpu.dma_semaphore, #tpu.memory_space<semaphore_mem>>
      %dma_start3A = arith.constant 0 : i32
      %dma_start3A_108 = tpu.memref_slice %arg3[%add3A_55, %dma_start3A] : memref<10240x128xf32, #tpu.memory_space<hbm>> -> memref<128x128xf32, #tpu.memory_space<hbm>>
      %dma_start3A_109 = arith.constant 0 : i32
      %dma_start3A_110 = tpu.memref_slice %arg3[%add3A_55, %dma_start3A_109] : memref<10240x128xf32, #tpu.memory_space<hbm>> -> memref<128x128xf32, #tpu.memory_space<hbm>>
      tpu.enqueue_dma source(%dma_start3A_110 : memref<128x128xf32, #tpu.memory_space<hbm>>) target(%arg10 : memref<128x128xf32, #tpu.memory_space<vmem>>) target_semaphore(%run_scoped3A_107 : memref<!tpu.dma_semaphore, #tpu.memory_space<semaphore_mem>>)
      %dma_wait3A = arith.constant 0 : i32
      %dma_wait3A_111 = tpu.memref_slice %arg3[%add3A_55, %dma_wait3A] : memref<10240x128xf32, #tpu.memory_space<hbm>> -> memref<128x128xf32, #tpu.memory_space<hbm>>
      %dma_wait3A_112 = arith.constant 0 : i32
      %dma_wait3A_113 = tpu.memref_slice %arg3[%add3A_55, %dma_wait3A_112] : memref<10240x128xf32, #tpu.memory_space<hbm>> -> memref<128x128xf32, #tpu.memory_space<hbm>>
      tpu.wait_dma2 semaphore(%run_scoped3A_107 : memref<!tpu.dma_semaphore, #tpu.memory_space<semaphore_mem>>) src(%dma_wait3A_113 : memref<128x128xf32, #tpu.memory_space<hbm>>) dst(%arg10 : memref<128x128xf32, #tpu.memory_space<vmem>>)
      tpu.yield
    }) : () -> ()
    %add3A_56 = arith.constant 0 : i32
    %add3A_57 = arith.addi %multiple_of3A, %add3A_56 : i32
    "tpu.region"() ({
      %run_scoped3A_107 = tpu.sem_alloc : memref<!tpu.dma_semaphore, #tpu.memory_space<semaphore_mem>>
      %dma_start3A = arith.constant 0 : i32
      %dma_start3A_108 = tpu.memref_slice %arg7[%add3A_57, %dma_start3A] : memref<10240x128xf32, #tpu.memory_space<vmem_shared>> -> memref<128x128xf32, #tpu.memory_space<vmem_shared>>
      %dma_start3A_109 = arith.constant 0 : i32
      %dma_start3A_110 = tpu.memref_slice %arg7[%add3A_57, %dma_start3A_109] : memref<10240x128xf32, #tpu.memory_space<vmem_shared>> -> memref<128x128xf32, #tpu.memory_space<vmem_shared>>
      tpu.enqueue_dma source(%arg10 : memref<128x128xf32, #tpu.memory_space<vmem>>) target(%dma_start3A_110 : memref<128x128xf32, #tpu.memory_space<vmem_shared>>) target_semaphore(%run_scoped3A_107 : memref<!tpu.dma_semaphore, #tpu.memory_space<semaphore_mem>>)
      %dma_wait3A = arith.constant 0 : i32
      %dma_wait3A_111 = tpu.memref_slice %arg7[%add3A_57, %dma_wait3A] : memref<10240x128xf32, #tpu.memory_space<vmem_shared>> -> memref<128x128xf32, #tpu.memory_space<vmem_shared>>
      %dma_wait3A_112 = arith.constant 0 : i32
      %dma_wait3A_113 = tpu.memref_slice %arg7[%add3A_57, %dma_wait3A_112] : memref<10240x128xf32, #tpu.memory_space<vmem_shared>> -> memref<128x128xf32, #tpu.memory_space<vmem_shared>>
      tpu.wait_dma2 semaphore(%run_scoped3A_107 : memref<!tpu.dma_semaphore, #tpu.memory_space<semaphore_mem>>) src(%arg10 : memref<128x128xf32, #tpu.memory_space<vmem>>) dst(%dma_wait3A_113 : memref<128x128xf32, #tpu.memory_space<vmem_shared>>)
      tpu.yield
    }) : () -> ()
    %add3A_58 = arith.constant 128 : i32
    %add3A_59 = arith.addi %multiple_of3A, %add3A_58 : i32
    "tpu.region"() ({
      %run_scoped3A_107 = tpu.sem_alloc : memref<!tpu.dma_semaphore, #tpu.memory_space<semaphore_mem>>
      %dma_start3A = arith.constant 0 : i32
      %dma_start3A_108 = tpu.memref_slice %arg3[%add3A_59, %dma_start3A] : memref<10240x128xf32, #tpu.memory_space<hbm>> -> memref<128x128xf32, #tpu.memory_space<hbm>>
      %dma_start3A_109 = arith.constant 0 : i32
      %dma_start3A_110 = tpu.memref_slice %arg3[%add3A_59, %dma_start3A_109] : memref<10240x128xf32, #tpu.memory_space<hbm>> -> memref<128x128xf32, #tpu.memory_space<hbm>>
      tpu.enqueue_dma source(%dma_start3A_110 : memref<128x128xf32, #tpu.memory_space<hbm>>) target(%arg10 : memref<128x128xf32, #tpu.memory_space<vmem>>) target_semaphore(%run_scoped3A_107 : memref<!tpu.dma_semaphore, #tpu.memory_space<semaphore_mem>>)
      %dma_wait3A = arith.constant 0 : i32
      %dma_wait3A_111 = tpu.memref_slice %arg3[%add3A_59, %dma_wait3A] : memref<10240x128xf32, #tpu.memory_space<hbm>> -> memref<128x128xf32, #tpu.memory_space<hbm>>
      %dma_wait3A_112 = arith.constant 0 : i32
      %dma_wait3A_113 = tpu.memref_slice %arg3[%add3A_59, %dma_wait3A_112] : memref<10240x128xf32, #tpu.memory_space<hbm>> -> memref<128x128xf32, #tpu.memory_space<hbm>>
      tpu.wait_dma2 semaphore(%run_scoped3A_107 : memref<!tpu.dma_semaphore, #tpu.memory_space<semaphore_mem>>) src(%dma_wait3A_113 : memref<128x128xf32, #tpu.memory_space<hbm>>) dst(%arg10 : memref<128x128xf32, #tpu.memory_space<vmem>>)
      tpu.yield
    }) : () -> ()
    %add3A_60 = arith.constant 128 : i32
    %add3A_61 = arith.addi %multiple_of3A, %add3A_60 : i32
    "tpu.region"() ({
      %run_scoped3A_107 = tpu.sem_alloc : memref<!tpu.dma_semaphore, #tpu.memory_space<semaphore_mem>>
      %dma_start3A = arith.constant 0 : i32
      %dma_start3A_108 = tpu.memref_slice %arg7[%add3A_61, %dma_start3A] : memref<10240x128xf32, #tpu.memory_space<vmem_shared>> -> memref<128x128xf32, #tpu.memory_space<vmem_shared>>
      %dma_start3A_109 = arith.constant 0 : i32
      %dma_start3A_110 = tpu.memref_slice %arg7[%add3A_61, %dma_start3A_109] : memref<10240x128xf32, #tpu.memory_space<vmem_shared>> -> memref<128x128xf32, #tpu.memory_space<vmem_shared>>
      tpu.enqueue_dma source(%arg10 : memref<128x128xf32, #tpu.memory_space<vmem>>) target(%dma_start3A_110 : memref<128x128xf32, #tpu.memory_space<vmem_shared>>) target_semaphore(%run_scoped3A_107 : memref<!tpu.dma_semaphore, #tpu.memory_space<semaphore_mem>>)
      %dma_wait3A = arith.constant 0 : i32
      %dma_wait3A_111 = tpu.memref_slice %arg7[%add3A_61, %dma_wait3A] : memref<10240x128xf32, #tpu.memory_space<vmem_shared>> -> memref<128x128xf32, #tpu.memory_space<vmem_shared>>
      %dma_wait3A_112 = arith.constant 0 : i32
      %dma_wait3A_113 = tpu.memref_slice %arg7[%add3A_61, %dma_wait3A_112] : memref<10240x128xf32, #tpu.memory_space<vmem_shared>> -> memref<128x128xf32, #tpu.memory_space<vmem_shared>>
      tpu.wait_dma2 semaphore(%run_scoped3A_107 : memref<!tpu.dma_semaphore, #tpu.memory_space<semaphore_mem>>) src(%arg10 : memref<128x128xf32, #tpu.memory_space<vmem>>) dst(%dma_wait3A_113 : memref<128x128xf32, #tpu.memory_space<vmem_shared>>)
      tpu.yield
    }) : () -> ()
    %add3A_62 = arith.constant 256 : i32
    %add3A_63 = arith.addi %multiple_of3A, %add3A_62 : i32
    "tpu.region"() ({
      %run_scoped3A_107 = tpu.sem_alloc : memref<!tpu.dma_semaphore, #tpu.memory_space<semaphore_mem>>
      %dma_start3A = arith.constant 0 : i32
      %dma_start3A_108 = tpu.memref_slice %arg3[%add3A_63, %dma_start3A] : memref<10240x128xf32, #tpu.memory_space<hbm>> -> memref<128x128xf32, #tpu.memory_space<hbm>>
      %dma_start3A_109 = arith.constant 0 : i32
      %dma_start3A_110 = tpu.memref_slice %arg3[%add3A_63, %dma_start3A_109] : memref<10240x128xf32, #tpu.memory_space<hbm>> -> memref<128x128xf32, #tpu.memory_space<hbm>>
      tpu.enqueue_dma source(%dma_start3A_110 : memref<128x128xf32, #tpu.memory_space<hbm>>) target(%arg10 : memref<128x128xf32, #tpu.memory_space<vmem>>) target_semaphore(%run_scoped3A_107 : memref<!tpu.dma_semaphore, #tpu.memory_space<semaphore_mem>>)
      %dma_wait3A = arith.constant 0 : i32
      %dma_wait3A_111 = tpu.memref_slice %arg3[%add3A_63, %dma_wait3A] : memref<10240x128xf32, #tpu.memory_space<hbm>> -> memref<128x128xf32, #tpu.memory_space<hbm>>
      %dma_wait3A_112 = arith.constant 0 : i32
      %dma_wait3A_113 = tpu.memref_slice %arg3[%add3A_63, %dma_wait3A_112] : memref<10240x128xf32, #tpu.memory_space<hbm>> -> memref<128x128xf32, #tpu.memory_space<hbm>>
      tpu.wait_dma2 semaphore(%run_scoped3A_107 : memref<!tpu.dma_semaphore, #tpu.memory_space<semaphore_mem>>) src(%dma_wait3A_113 : memref<128x128xf32, #tpu.memory_space<hbm>>) dst(%arg10 : memref<128x128xf32, #tpu.memory_space<vmem>>)
      tpu.yield
    }) : () -> ()
    %add3A_64 = arith.constant 256 : i32
    %add3A_65 = arith.addi %multiple_of3A, %add3A_64 : i32
    "tpu.region"() ({
      %run_scoped3A_107 = tpu.sem_alloc : memref<!tpu.dma_semaphore, #tpu.memory_space<semaphore_mem>>
      %dma_start3A = arith.constant 0 : i32
      %dma_start3A_108 = tpu.memref_slice %arg7[%add3A_65, %dma_start3A] : memref<10240x128xf32, #tpu.memory_space<vmem_shared>> -> memref<128x128xf32, #tpu.memory_space<vmem_shared>>
      %dma_start3A_109 = arith.constant 0 : i32
      %dma_start3A_110 = tpu.memref_slice %arg7[%add3A_65, %dma_start3A_109] : memref<10240x128xf32, #tpu.memory_space<vmem_shared>> -> memref<128x128xf32, #tpu.memory_space<vmem_shared>>
      tpu.enqueue_dma source(%arg10 : memref<128x128xf32, #tpu.memory_space<vmem>>) target(%dma_start3A_110 : memref<128x128xf32, #tpu.memory_space<vmem_shared>>) target_semaphore(%run_scoped3A_107 : memref<!tpu.dma_semaphore, #tpu.memory_space<semaphore_mem>>)
      %dma_wait3A = arith.constant 0 : i32
      %dma_wait3A_111 = tpu.memref_slice %arg7[%add3A_65, %dma_wait3A] : memref<10240x128xf32, #tpu.memory_space<vmem_shared>> -> memref<128x128xf32, #tpu.memory_space<vmem_shared>>
      %dma_wait3A_112 = arith.constant 0 : i32
      %dma_wait3A_113 = tpu.memref_slice %arg7[%add3A_65, %dma_wait3A_112] : memref<10240x128xf32, #tpu.memory_space<vmem_shared>> -> memref<128x128xf32, #tpu.memory_space<vmem_shared>>
      tpu.wait_dma2 semaphore(%run_scoped3A_107 : memref<!tpu.dma_semaphore, #tpu.memory_space<semaphore_mem>>) src(%arg10 : memref<128x128xf32, #tpu.memory_space<vmem>>) dst(%dma_wait3A_113 : memref<128x128xf32, #tpu.memory_space<vmem_shared>>)
      tpu.yield
    }) : () -> ()
    %add3A_66 = arith.constant 384 : i32
    %add3A_67 = arith.addi %multiple_of3A, %add3A_66 : i32
    "tpu.region"() ({
      %run_scoped3A_107 = tpu.sem_alloc : memref<!tpu.dma_semaphore, #tpu.memory_space<semaphore_mem>>
      %dma_start3A = arith.constant 0 : i32
      %dma_start3A_108 = tpu.memref_slice %arg3[%add3A_67, %dma_start3A] : memref<10240x128xf32, #tpu.memory_space<hbm>> -> memref<128x128xf32, #tpu.memory_space<hbm>>
      %dma_start3A_109 = arith.constant 0 : i32
      %dma_start3A_110 = tpu.memref_slice %arg3[%add3A_67, %dma_start3A_109] : memref<10240x128xf32, #tpu.memory_space<hbm>> -> memref<128x128xf32, #tpu.memory_space<hbm>>
      tpu.enqueue_dma source(%dma_start3A_110 : memref<128x128xf32, #tpu.memory_space<hbm>>) target(%arg10 : memref<128x128xf32, #tpu.memory_space<vmem>>) target_semaphore(%run_scoped3A_107 : memref<!tpu.dma_semaphore, #tpu.memory_space<semaphore_mem>>)
      %dma_wait3A = arith.constant 0 : i32
      %dma_wait3A_111 = tpu.memref_slice %arg3[%add3A_67, %dma_wait3A] : memref<10240x128xf32, #tpu.memory_space<hbm>> -> memref<128x128xf32, #tpu.memory_space<hbm>>
      %dma_wait3A_112 = arith.constant 0 : i32
      %dma_wait3A_113 = tpu.memref_slice %arg3[%add3A_67, %dma_wait3A_112] : memref<10240x128xf32, #tpu.memory_space<hbm>> -> memref<128x128xf32, #tpu.memory_space<hbm>>
      tpu.wait_dma2 semaphore(%run_scoped3A_107 : memref<!tpu.dma_semaphore, #tpu.memory_space<semaphore_mem>>) src(%dma_wait3A_113 : memref<128x128xf32, #tpu.memory_space<hbm>>) dst(%arg10 : memref<128x128xf32, #tpu.memory_space<vmem>>)
      tpu.yield
    }) : () -> ()
    %add3A_68 = arith.constant 384 : i32
    %add3A_69 = arith.addi %multiple_of3A, %add3A_68 : i32
    "tpu.region"() ({
      %run_scoped3A_107 = tpu.sem_alloc : memref<!tpu.dma_semaphore, #tpu.memory_space<semaphore_mem>>
      %dma_start3A = arith.constant 0 : i32
      %dma_start3A_108 = tpu.memref_slice %arg7[%add3A_69, %dma_start3A] : memref<10240x128xf32, #tpu.memory_space<vmem_shared>> -> memref<128x128xf32, #tpu.memory_space<vmem_shared>>
      %dma_start3A_109 = arith.constant 0 : i32
      %dma_start3A_110 = tpu.memref_slice %arg7[%add3A_69, %dma_start3A_109] : memref<10240x128xf32, #tpu.memory_space<vmem_shared>> -> memref<128x128xf32, #tpu.memory_space<vmem_shared>>
      tpu.enqueue_dma source(%arg10 : memref<128x128xf32, #tpu.memory_space<vmem>>) target(%dma_start3A_110 : memref<128x128xf32, #tpu.memory_space<vmem_shared>>) target_semaphore(%run_scoped3A_107 : memref<!tpu.dma_semaphore, #tpu.memory_space<semaphore_mem>>)
      %dma_wait3A = arith.constant 0 : i32
      %dma_wait3A_111 = tpu.memref_slice %arg7[%add3A_69, %dma_wait3A] : memref<10240x128xf32, #tpu.memory_space<vmem_shared>> -> memref<128x128xf32, #tpu.memory_space<vmem_shared>>
      %dma_wait3A_112 = arith.constant 0 : i32
      %dma_wait3A_113 = tpu.memref_slice %arg7[%add3A_69, %dma_wait3A_112] : memref<10240x128xf32, #tpu.memory_space<vmem_shared>> -> memref<128x128xf32, #tpu.memory_space<vmem_shared>>
      tpu.wait_dma2 semaphore(%run_scoped3A_107 : memref<!tpu.dma_semaphore, #tpu.memory_space<semaphore_mem>>) src(%arg10 : memref<128x128xf32, #tpu.memory_space<vmem>>) dst(%dma_wait3A_113 : memref<128x128xf32, #tpu.memory_space<vmem_shared>>)
      tpu.yield
    }) : () -> ()
    %add3A_70 = arith.constant 512 : i32
    %add3A_71 = arith.addi %multiple_of3A, %add3A_70 : i32
    "tpu.region"() ({
      %run_scoped3A_107 = tpu.sem_alloc : memref<!tpu.dma_semaphore, #tpu.memory_space<semaphore_mem>>
      %dma_start3A = arith.constant 0 : i32
      %dma_start3A_108 = tpu.memref_slice %arg3[%add3A_71, %dma_start3A] : memref<10240x128xf32, #tpu.memory_space<hbm>> -> memref<128x128xf32, #tpu.memory_space<hbm>>
      %dma_start3A_109 = arith.constant 0 : i32
      %dma_start3A_110 = tpu.memref_slice %arg3[%add3A_71, %dma_start3A_109] : memref<10240x128xf32, #tpu.memory_space<hbm>> -> memref<128x128xf32, #tpu.memory_space<hbm>>
      tpu.enqueue_dma source(%dma_start3A_110 : memref<128x128xf32, #tpu.memory_space<hbm>>) target(%arg10 : memref<128x128xf32, #tpu.memory_space<vmem>>) target_semaphore(%run_scoped3A_107 : memref<!tpu.dma_semaphore, #tpu.memory_space<semaphore_mem>>)
      %dma_wait3A = arith.constant 0 : i32
      %dma_wait3A_111 = tpu.memref_slice %arg3[%add3A_71, %dma_wait3A] : memref<10240x128xf32, #tpu.memory_space<hbm>> -> memref<128x128xf32, #tpu.memory_space<hbm>>
      %dma_wait3A_112 = arith.constant 0 : i32
      %dma_wait3A_113 = tpu.memref_slice %arg3[%add3A_71, %dma_wait3A_112] : memref<10240x128xf32, #tpu.memory_space<hbm>> -> memref<128x128xf32, #tpu.memory_space<hbm>>
      tpu.wait_dma2 semaphore(%run_scoped3A_107 : memref<!tpu.dma_semaphore, #tpu.memory_space<semaphore_mem>>) src(%dma_wait3A_113 : memref<128x128xf32, #tpu.memory_space<hbm>>) dst(%arg10 : memref<128x128xf32, #tpu.memory_space<vmem>>)
      tpu.yield
    }) : () -> ()
    %add3A_72 = arith.constant 512 : i32
    %add3A_73 = arith.addi %multiple_of3A, %add3A_72 : i32
    "tpu.region"() ({
      %run_scoped3A_107 = tpu.sem_alloc : memref<!tpu.dma_semaphore, #tpu.memory_space<semaphore_mem>>
      %dma_start3A = arith.constant 0 : i32
      %dma_start3A_108 = tpu.memref_slice %arg7[%add3A_73, %dma_start3A] : memref<10240x128xf32, #tpu.memory_space<vmem_shared>> -> memref<128x128xf32, #tpu.memory_space<vmem_shared>>
      %dma_start3A_109 = arith.constant 0 : i32
      %dma_start3A_110 = tpu.memref_slice %arg7[%add3A_73, %dma_start3A_109] : memref<10240x128xf32, #tpu.memory_space<vmem_shared>> -> memref<128x128xf32, #tpu.memory_space<vmem_shared>>
      tpu.enqueue_dma source(%arg10 : memref<128x128xf32, #tpu.memory_space<vmem>>) target(%dma_start3A_110 : memref<128x128xf32, #tpu.memory_space<vmem_shared>>) target_semaphore(%run_scoped3A_107 : memref<!tpu.dma_semaphore, #tpu.memory_space<semaphore_mem>>)
      %dma_wait3A = arith.constant 0 : i32
      %dma_wait3A_111 = tpu.memref_slice %arg7[%add3A_73, %dma_wait3A] : memref<10240x128xf32, #tpu.memory_space<vmem_shared>> -> memref<128x128xf32, #tpu.memory_space<vmem_shared>>
      %dma_wait3A_112 = arith.constant 0 : i32
      %dma_wait3A_113 = tpu.memref_slice %arg7[%add3A_73, %dma_wait3A_112] : memref<10240x128xf32, #tpu.memory_space<vmem_shared>> -> memref<128x128xf32, #tpu.memory_space<vmem_shared>>
      tpu.wait_dma2 semaphore(%run_scoped3A_107 : memref<!tpu.dma_semaphore, #tpu.memory_space<semaphore_mem>>) src(%arg10 : memref<128x128xf32, #tpu.memory_space<vmem>>) dst(%dma_wait3A_113 : memref<128x128xf32, #tpu.memory_space<vmem_shared>>)
      tpu.yield
    }) : () -> ()
    %barrier3A_74 = arith.constant 0 : index
    tpu.barrier barrier_id(%barrier3A_74)
    %scan3A_75 = arith.constant 0 : i32
    %scan3A_76 = arith.constant 0 : i32
    %scan3A_77 = arith.constant 79 : i32
    %scan3A_78 = arith.addi %scan3A_76, %scan3A_77 : i32
    %scan3A_79 = arith.constant 1 : i32
    scf.for %scan3A_107 = %scan3A_76 to %scan3A_78 step %scan3A_79  : i32 {
      %mul3A_108 = arith.constant 79 : i32
      %mul3A_109 = arith.muli %add3A, %mul3A_108 : i32
      %add3A_110 = arith.addi %mul3A_109, %scan3A_107 : i32
      %mul3A_111 = arith.constant 128 : i32
      %mul3A_112 = arith.muli %add3A_110, %mul3A_111 : i32
      %multiple_of3A_113 = tpu.assume_multiple %mul3A_112, 8 : i32
      "tpu.region"() ({
        %run_scoped3A_118 = tpu.sem_alloc : memref<!tpu.dma_semaphore, #tpu.memory_space<semaphore_mem>>
        %dma_start3A_119 = tpu.memref_slice %arg4[%multiple_of3A_113] : memref<323584xi32, #tpu.memory_space<hbm>> -> memref<128xi32, #tpu.memory_space<hbm>>
        %dma_start3A_120 = tpu.memref_slice %arg4[%multiple_of3A_113] : memref<323584xi32, #tpu.memory_space<hbm>> -> memref<128xi32, #tpu.memory_space<hbm>>
        tpu.enqueue_dma source(%dma_start3A_120 : memref<128xi32, #tpu.memory_space<hbm>>) target(%arg8 : memref<128xi32, #tpu.memory_space<vmem>>) target_semaphore(%run_scoped3A_118 : memref<!tpu.dma_semaphore, #tpu.memory_space<semaphore_mem>>)
        %dma_wait3A_121 = tpu.memref_slice %arg4[%multiple_of3A_113] : memref<323584xi32, #tpu.memory_space<hbm>> -> memref<128xi32, #tpu.memory_space<hbm>>
        %dma_wait3A_122 = tpu.memref_slice %arg4[%multiple_of3A_113] : memref<323584xi32, #tpu.memory_space<hbm>> -> memref<128xi32, #tpu.memory_space<hbm>>
        tpu.wait_dma2 semaphore(%run_scoped3A_118 : memref<!tpu.dma_semaphore, #tpu.memory_space<semaphore_mem>>) src(%dma_wait3A_122 : memref<128xi32, #tpu.memory_space<hbm>>) dst(%arg8 : memref<128xi32, #tpu.memory_space<vmem>>)
        tpu.yield
      }) : () -> ()
      "tpu.region"() ({
        %run_scoped3A_118 = tpu.sem_alloc : memref<!tpu.dma_semaphore, #tpu.memory_space<semaphore_mem>>
        %dma_start3A_119 = tpu.memref_slice %arg5[%multiple_of3A_113] : memref<323584xi32, #tpu.memory_space<hbm>> -> memref<128xi32, #tpu.memory_space<hbm>>
        %dma_start3A_120 = tpu.memref_slice %arg5[%multiple_of3A_113] : memref<323584xi32, #tpu.memory_space<hbm>> -> memref<128xi32, #tpu.memory_space<hbm>>
        tpu.enqueue_dma source(%dma_start3A_120 : memref<128xi32, #tpu.memory_space<hbm>>) target(%arg9 : memref<128xi32, #tpu.memory_space<vmem>>) target_semaphore(%run_scoped3A_118 : memref<!tpu.dma_semaphore, #tpu.memory_space<semaphore_mem>>)
        %dma_wait3A_121 = tpu.memref_slice %arg5[%multiple_of3A_113] : memref<323584xi32, #tpu.memory_space<hbm>> -> memref<128xi32, #tpu.memory_space<hbm>>
        %dma_wait3A_122 = tpu.memref_slice %arg5[%multiple_of3A_113] : memref<323584xi32, #tpu.memory_space<hbm>> -> memref<128xi32, #tpu.memory_space<hbm>>
        tpu.wait_dma2 semaphore(%run_scoped3A_118 : memref<!tpu.dma_semaphore, #tpu.memory_space<semaphore_mem>>) src(%dma_wait3A_122 : memref<128xi32, #tpu.memory_space<hbm>>) dst(%arg9 : memref<128xi32, #tpu.memory_space<vmem>>)
        tpu.yield
      }) : () -> ()
      %dma_start3A = arith.constant 0 : i32
      %dma_start3A_114 = arith.constant 0 : i32
      %dma_start3A_115 = tpu.memref_slice %arg3[%dma_start3A, %dma_start3A_114] : memref<10240x128xf32, #tpu.memory_space<hbm>> -> memref<10240x128xf32, #tpu.memory_space<hbm>>
      tpu.enqueue_indirect_dma source(%dma_start3A_115 : memref<10240x128xf32, #tpu.memory_space<hbm>>) target(%arg10 : memref<128x128xf32, #tpu.memory_space<vmem>>) offsets(%arg8 : memref<128xi32, #tpu.memory_space<vmem>>) semaphore(%arg11 : memref<!tpu.dma_semaphore, #tpu.memory_space<semaphore_mem>>)
      %dma_wait3A = arith.constant 0 : i32
      %dma_wait3A_116 = arith.constant 0 : i32
      %dma_wait3A_117 = tpu.memref_slice %arg3[%dma_wait3A, %dma_wait3A_116] : memref<10240x128xf32, #tpu.memory_space<hbm>> -> memref<10240x128xf32, #tpu.memory_space<hbm>>
      tpu.wait_indirect_dma semaphore(%arg11 : memref<!tpu.dma_semaphore, #tpu.memory_space<semaphore_mem>>) src(%dma_wait3A_117 : memref<10240x128xf32, #tpu.memory_space<hbm>>) dst(%arg10 : memref<128x128xf32, #tpu.memory_space<vmem>>)
      "tpu.region"() ({
        %run_scoped3A_118 = tpu.sem_alloc : memref<!tpu.dma_semaphore, #tpu.memory_space<semaphore_mem>>
        %dma_start3A_119 = arith.constant 0 : i32
        %dma_start3A_120 = arith.constant 0 : i32
        %dma_start3A_121 = tpu.memref_slice %arg7[%dma_start3A_119, %dma_start3A_120] : memref<10240x128xf32, #tpu.memory_space<vmem_shared>> -> memref<10240x128xf32, #tpu.memory_space<vmem_shared>>
        tpu.enqueue_indirect_dma source(%arg10 : memref<128x128xf32, #tpu.memory_space<vmem>>) target(%dma_start3A_121 : memref<10240x128xf32, #tpu.memory_space<vmem_shared>>) offsets(%arg9 : memref<128xi32, #tpu.memory_space<vmem>>) semaphore(%run_scoped3A_118 : memref<!tpu.dma_semaphore, #tpu.memory_space<semaphore_mem>>) {add = true}
        %dma_wait3A_122 = arith.constant 0 : i32
        %dma_wait3A_123 = arith.constant 0 : i32
        %dma_wait3A_124 = tpu.memref_slice %arg7[%dma_wait3A_122, %dma_wait3A_123] : memref<10240x128xf32, #tpu.memory_space<vmem_shared>> -> memref<10240x128xf32, #tpu.memory_space<vmem_shared>>
        tpu.wait_indirect_dma semaphore(%run_scoped3A_118 : memref<!tpu.dma_semaphore, #tpu.memory_space<semaphore_mem>>) src(%arg10 : memref<128x128xf32, #tpu.memory_space<vmem>>) dst(%dma_wait3A_124 : memref<10240x128xf32, #tpu.memory_space<vmem_shared>>)
        tpu.yield
      }) : () -> ()
    }
    %scan3A_80 = arith.constant 79 : i32
    %barrier3A_81 = arith.constant 0 : index
    tpu.barrier barrier_id(%barrier3A_81)
    %add3A_82 = arith.constant 0 : i32
    %add3A_83 = arith.addi %multiple_of3A, %add3A_82 : i32
    "tpu.region"() ({
      %run_scoped3A_107 = tpu.sem_alloc : memref<!tpu.dma_semaphore, #tpu.memory_space<semaphore_mem>>
      %dma_start3A = arith.constant 0 : i32
      %dma_start3A_108 = tpu.memref_slice %arg7[%add3A_83, %dma_start3A] : memref<10240x128xf32, #tpu.memory_space<vmem_shared>> -> memref<128x128xf32, #tpu.memory_space<vmem_shared>>
      %dma_start3A_109 = arith.constant 0 : i32
      %dma_start3A_110 = tpu.memref_slice %arg7[%add3A_83, %dma_start3A_109] : memref<10240x128xf32, #tpu.memory_space<vmem_shared>> -> memref<128x128xf32, #tpu.memory_space<vmem_shared>>
      tpu.enqueue_dma source(%dma_start3A_110 : memref<128x128xf32, #tpu.memory_space<vmem_shared>>) target(%arg10 : memref<128x128xf32, #tpu.memory_space<vmem>>) target_semaphore(%run_scoped3A_107 : memref<!tpu.dma_semaphore, #tpu.memory_space<semaphore_mem>>)
      %dma_wait3A = arith.constant 0 : i32
      %dma_wait3A_111 = tpu.memref_slice %arg7[%add3A_83, %dma_wait3A] : memref<10240x128xf32, #tpu.memory_space<vmem_shared>> -> memref<128x128xf32, #tpu.memory_space<vmem_shared>>
      %dma_wait3A_112 = arith.constant 0 : i32
      %dma_wait3A_113 = tpu.memref_slice %arg7[%add3A_83, %dma_wait3A_112] : memref<10240x128xf32, #tpu.memory_space<vmem_shared>> -> memref<128x128xf32, #tpu.memory_space<vmem_shared>>
      tpu.wait_dma2 semaphore(%run_scoped3A_107 : memref<!tpu.dma_semaphore, #tpu.memory_space<semaphore_mem>>) src(%dma_wait3A_113 : memref<128x128xf32, #tpu.memory_space<vmem_shared>>) dst(%arg10 : memref<128x128xf32, #tpu.memory_space<vmem>>)
      tpu.yield
    }) : () -> ()
    %add3A_84 = arith.constant 0 : i32
    %add3A_85 = arith.addi %multiple_of3A, %add3A_84 : i32
    %run_scoped3A_86 = arith.constant 1 : i32
    "tpu.region"() ({
      %run_scoped3A_107 = tpu.sem_alloc : memref<!tpu.dma_semaphore, #tpu.memory_space<semaphore_mem>>
      %dma_start3A = arith.constant 0 : i32
      %dma_start3A_108 = tpu.memref_slice %arg6[%arg0, %run_scoped3A_86, %add3A_85, %dma_start3A] : memref<2x2x10240x128xf32, #tpu.memory_space<hbm>> -> memref<1x1x128x128xf32, #tpu.memory_space<hbm>>
      %dma_start3A_109 = tpu.memref_squeeze %dma_start3A_108 : memref<1x1x128x128xf32, #tpu.memory_space<hbm>> -> memref<128x128xf32, #tpu.memory_space<hbm>>
      %dma_start3A_110 = arith.constant 0 : i32
      %dma_start3A_111 = tpu.memref_slice %arg6[%arg0, %run_scoped3A_86, %add3A_85, %dma_start3A_110] : memref<2x2x10240x128xf32, #tpu.memory_space<hbm>> -> memref<1x1x128x128xf32, #tpu.memory_space<hbm>>
      %dma_start3A_112 = tpu.memref_squeeze %dma_start3A_111 : memref<1x1x128x128xf32, #tpu.memory_space<hbm>> -> memref<128x128xf32, #tpu.memory_space<hbm>>
      tpu.enqueue_dma source(%arg10 : memref<128x128xf32, #tpu.memory_space<vmem>>) target(%dma_start3A_112 : memref<128x128xf32, #tpu.memory_space<hbm>>) target_semaphore(%run_scoped3A_107 : memref<!tpu.dma_semaphore, #tpu.memory_space<semaphore_mem>>)
      %dma_wait3A = arith.constant 0 : i32
      %dma_wait3A_113 = tpu.memref_slice %arg6[%arg0, %run_scoped3A_86, %add3A_85, %dma_wait3A] : memref<2x2x10240x128xf32, #tpu.memory_space<hbm>> -> memref<1x1x128x128xf32, #tpu.memory_space<hbm>>
      %dma_wait3A_114 = tpu.memref_squeeze %dma_wait3A_113 : memref<1x1x128x128xf32, #tpu.memory_space<hbm>> -> memref<128x128xf32, #tpu.memory_space<hbm>>
      %dma_wait3A_115 = arith.constant 0 : i32
      %dma_wait3A_116 = tpu.memref_slice %arg6[%arg0, %run_scoped3A_86, %add3A_85, %dma_wait3A_115] : memref<2x2x10240x128xf32, #tpu.memory_space<hbm>> -> memref<1x1x128x128xf32, #tpu.memory_space<hbm>>
      %dma_wait3A_117 = tpu.memref_squeeze %dma_wait3A_116 : memref<1x1x128x128xf32, #tpu.memory_space<hbm>> -> memref<128x128xf32, #tpu.memory_space<hbm>>
      tpu.wait_dma2 semaphore(%run_scoped3A_107 : memref<!tpu.dma_semaphore, #tpu.memory_space<semaphore_mem>>) src(%arg10 : memref<128x128xf32, #tpu.memory_space<vmem>>) dst(%dma_wait3A_117 : memref<128x128xf32, #tpu.memory_space<hbm>>)
      tpu.yield
    }) : () -> ()
    %add3A_87 = arith.constant 128 : i32
    %add3A_88 = arith.addi %multiple_of3A, %add3A_87 : i32
    "tpu.region"() ({
      %run_scoped3A_107 = tpu.sem_alloc : memref<!tpu.dma_semaphore, #tpu.memory_space<semaphore_mem>>
      %dma_start3A = arith.constant 0 : i32
      %dma_start3A_108 = tpu.memref_slice %arg7[%add3A_88, %dma_start3A] : memref<10240x128xf32, #tpu.memory_space<vmem_shared>> -> memref<128x128xf32, #tpu.memory_space<vmem_shared>>
      %dma_start3A_109 = arith.constant 0 : i32
      %dma_start3A_110 = tpu.memref_slice %arg7[%add3A_88, %dma_start3A_109] : memref<10240x128xf32, #tpu.memory_space<vmem_shared>> -> memref<128x128xf32, #tpu.memory_space<vmem_shared>>
      tpu.enqueue_dma source(%dma_start3A_110 : memref<128x128xf32, #tpu.memory_space<vmem_shared>>) target(%arg10 : memref<128x128xf32, #tpu.memory_space<vmem>>) target_semaphore(%run_scoped3A_107 : memref<!tpu.dma_semaphore, #tpu.memory_space<semaphore_mem>>)
      %dma_wait3A = arith.constant 0 : i32
      %dma_wait3A_111 = tpu.memref_slice %arg7[%add3A_88, %dma_wait3A] : memref<10240x128xf32, #tpu.memory_space<vmem_shared>> -> memref<128x128xf32, #tpu.memory_space<vmem_shared>>
      %dma_wait3A_112 = arith.constant 0 : i32
      %dma_wait3A_113 = tpu.memref_slice %arg7[%add3A_88, %dma_wait3A_112] : memref<10240x128xf32, #tpu.memory_space<vmem_shared>> -> memref<128x128xf32, #tpu.memory_space<vmem_shared>>
      tpu.wait_dma2 semaphore(%run_scoped3A_107 : memref<!tpu.dma_semaphore, #tpu.memory_space<semaphore_mem>>) src(%dma_wait3A_113 : memref<128x128xf32, #tpu.memory_space<vmem_shared>>) dst(%arg10 : memref<128x128xf32, #tpu.memory_space<vmem>>)
      tpu.yield
    }) : () -> ()
    %add3A_89 = arith.constant 128 : i32
    %add3A_90 = arith.addi %multiple_of3A, %add3A_89 : i32
    %run_scoped3A_91 = arith.constant 1 : i32
    "tpu.region"() ({
      %run_scoped3A_107 = tpu.sem_alloc : memref<!tpu.dma_semaphore, #tpu.memory_space<semaphore_mem>>
      %dma_start3A = arith.constant 0 : i32
      %dma_start3A_108 = tpu.memref_slice %arg6[%arg0, %run_scoped3A_91, %add3A_90, %dma_start3A] : memref<2x2x10240x128xf32, #tpu.memory_space<hbm>> -> memref<1x1x128x128xf32, #tpu.memory_space<hbm>>
      %dma_start3A_109 = tpu.memref_squeeze %dma_start3A_108 : memref<1x1x128x128xf32, #tpu.memory_space<hbm>> -> memref<128x128xf32, #tpu.memory_space<hbm>>
      %dma_start3A_110 = arith.constant 0 : i32
      %dma_start3A_111 = tpu.memref_slice %arg6[%arg0, %run_scoped3A_91, %add3A_90, %dma_start3A_110] : memref<2x2x10240x128xf32, #tpu.memory_space<hbm>> -> memref<1x1x128x128xf32, #tpu.memory_space<hbm>>
      %dma_start3A_112 = tpu.memref_squeeze %dma_start3A_111 : memref<1x1x128x128xf32, #tpu.memory_space<hbm>> -> memref<128x128xf32, #tpu.memory_space<hbm>>
      tpu.enqueue_dma source(%arg10 : memref<128x128xf32, #tpu.memory_space<vmem>>) target(%dma_start3A_112 : memref<128x128xf32, #tpu.memory_space<hbm>>) target_semaphore(%run_scoped3A_107 : memref<!tpu.dma_semaphore, #tpu.memory_space<semaphore_mem>>)
      %dma_wait3A = arith.constant 0 : i32
      %dma_wait3A_113 = tpu.memref_slice %arg6[%arg0, %run_scoped3A_91, %add3A_90, %dma_wait3A] : memref<2x2x10240x128xf32, #tpu.memory_space<hbm>> -> memref<1x1x128x128xf32, #tpu.memory_space<hbm>>
      %dma_wait3A_114 = tpu.memref_squeeze %dma_wait3A_113 : memref<1x1x128x128xf32, #tpu.memory_space<hbm>> -> memref<128x128xf32, #tpu.memory_space<hbm>>
      %dma_wait3A_115 = arith.constant 0 : i32
      %dma_wait3A_116 = tpu.memref_slice %arg6[%arg0, %run_scoped3A_91, %add3A_90, %dma_wait3A_115] : memref<2x2x10240x128xf32, #tpu.memory_space<hbm>> -> memref<1x1x128x128xf32, #tpu.memory_space<hbm>>
      %dma_wait3A_117 = tpu.memref_squeeze %dma_wait3A_116 : memref<1x1x128x128xf32, #tpu.memory_space<hbm>> -> memref<128x128xf32, #tpu.memory_space<hbm>>
      tpu.wait_dma2 semaphore(%run_scoped3A_107 : memref<!tpu.dma_semaphore, #tpu.memory_space<semaphore_mem>>) src(%arg10 : memref<128x128xf32, #tpu.memory_space<vmem>>) dst(%dma_wait3A_117 : memref<128x128xf32, #tpu.memory_space<hbm>>)
      tpu.yield
    }) : () -> ()
    %add3A_92 = arith.constant 256 : i32
    %add3A_93 = arith.addi %multiple_of3A, %add3A_92 : i32
    "tpu.region"() ({
      %run_scoped3A_107 = tpu.sem_alloc : memref<!tpu.dma_semaphore, #tpu.memory_space<semaphore_mem>>
      %dma_start3A = arith.constant 0 : i32
      %dma_start3A_108 = tpu.memref_slice %arg7[%add3A_93, %dma_start3A] : memref<10240x128xf32, #tpu.memory_space<vmem_shared>> -> memref<128x128xf32, #tpu.memory_space<vmem_shared>>
      %dma_start3A_109 = arith.constant 0 : i32
      %dma_start3A_110 = tpu.memref_slice %arg7[%add3A_93, %dma_start3A_109] : memref<10240x128xf32, #tpu.memory_space<vmem_shared>> -> memref<128x128xf32, #tpu.memory_space<vmem_shared>>
      tpu.enqueue_dma source(%dma_start3A_110 : memref<128x128xf32, #tpu.memory_space<vmem_shared>>) target(%arg10 : memref<128x128xf32, #tpu.memory_space<vmem>>) target_semaphore(%run_scoped3A_107 : memref<!tpu.dma_semaphore, #tpu.memory_space<semaphore_mem>>)
      %dma_wait3A = arith.constant 0 : i32
      %dma_wait3A_111 = tpu.memref_slice %arg7[%add3A_93, %dma_wait3A] : memref<10240x128xf32, #tpu.memory_space<vmem_shared>> -> memref<128x128xf32, #tpu.memory_space<vmem_shared>>
      %dma_wait3A_112 = arith.constant 0 : i32
      %dma_wait3A_113 = tpu.memref_slice %arg7[%add3A_93, %dma_wait3A_112] : memref<10240x128xf32, #tpu.memory_space<vmem_shared>> -> memref<128x128xf32, #tpu.memory_space<vmem_shared>>
      tpu.wait_dma2 semaphore(%run_scoped3A_107 : memref<!tpu.dma_semaphore, #tpu.memory_space<semaphore_mem>>) src(%dma_wait3A_113 : memref<128x128xf32, #tpu.memory_space<vmem_shared>>) dst(%arg10 : memref<128x128xf32, #tpu.memory_space<vmem>>)
      tpu.yield
    }) : () -> ()
    %add3A_94 = arith.constant 256 : i32
    %add3A_95 = arith.addi %multiple_of3A, %add3A_94 : i32
    %run_scoped3A_96 = arith.constant 1 : i32
    "tpu.region"() ({
      %run_scoped3A_107 = tpu.sem_alloc : memref<!tpu.dma_semaphore, #tpu.memory_space<semaphore_mem>>
      %dma_start3A = arith.constant 0 : i32
      %dma_start3A_108 = tpu.memref_slice %arg6[%arg0, %run_scoped3A_96, %add3A_95, %dma_start3A] : memref<2x2x10240x128xf32, #tpu.memory_space<hbm>> -> memref<1x1x128x128xf32, #tpu.memory_space<hbm>>
      %dma_start3A_109 = tpu.memref_squeeze %dma_start3A_108 : memref<1x1x128x128xf32, #tpu.memory_space<hbm>> -> memref<128x128xf32, #tpu.memory_space<hbm>>
      %dma_start3A_110 = arith.constant 0 : i32
      %dma_start3A_111 = tpu.memref_slice %arg6[%arg0, %run_scoped3A_96, %add3A_95, %dma_start3A_110] : memref<2x2x10240x128xf32, #tpu.memory_space<hbm>> -> memref<1x1x128x128xf32, #tpu.memory_space<hbm>>
      %dma_start3A_112 = tpu.memref_squeeze %dma_start3A_111 : memref<1x1x128x128xf32, #tpu.memory_space<hbm>> -> memref<128x128xf32, #tpu.memory_space<hbm>>
      tpu.enqueue_dma source(%arg10 : memref<128x128xf32, #tpu.memory_space<vmem>>) target(%dma_start3A_112 : memref<128x128xf32, #tpu.memory_space<hbm>>) target_semaphore(%run_scoped3A_107 : memref<!tpu.dma_semaphore, #tpu.memory_space<semaphore_mem>>)
      %dma_wait3A = arith.constant 0 : i32
      %dma_wait3A_113 = tpu.memref_slice %arg6[%arg0, %run_scoped3A_96, %add3A_95, %dma_wait3A] : memref<2x2x10240x128xf32, #tpu.memory_space<hbm>> -> memref<1x1x128x128xf32, #tpu.memory_space<hbm>>
      %dma_wait3A_114 = tpu.memref_squeeze %dma_wait3A_113 : memref<1x1x128x128xf32, #tpu.memory_space<hbm>> -> memref<128x128xf32, #tpu.memory_space<hbm>>
      %dma_wait3A_115 = arith.constant 0 : i32
      %dma_wait3A_116 = tpu.memref_slice %arg6[%arg0, %run_scoped3A_96, %add3A_95, %dma_wait3A_115] : memref<2x2x10240x128xf32, #tpu.memory_space<hbm>> -> memref<1x1x128x128xf32, #tpu.memory_space<hbm>>
      %dma_wait3A_117 = tpu.memref_squeeze %dma_wait3A_116 : memref<1x1x128x128xf32, #tpu.memory_space<hbm>> -> memref<128x128xf32, #tpu.memory_space<hbm>>
      tpu.wait_dma2 semaphore(%run_scoped3A_107 : memref<!tpu.dma_semaphore, #tpu.memory_space<semaphore_mem>>) src(%arg10 : memref<128x128xf32, #tpu.memory_space<vmem>>) dst(%dma_wait3A_117 : memref<128x128xf32, #tpu.memory_space<hbm>>)
      tpu.yield
    }) : () -> ()
    %add3A_97 = arith.constant 384 : i32
    %add3A_98 = arith.addi %multiple_of3A, %add3A_97 : i32
    "tpu.region"() ({
      %run_scoped3A_107 = tpu.sem_alloc : memref<!tpu.dma_semaphore, #tpu.memory_space<semaphore_mem>>
      %dma_start3A = arith.constant 0 : i32
      %dma_start3A_108 = tpu.memref_slice %arg7[%add3A_98, %dma_start3A] : memref<10240x128xf32, #tpu.memory_space<vmem_shared>> -> memref<128x128xf32, #tpu.memory_space<vmem_shared>>
      %dma_start3A_109 = arith.constant 0 : i32
      %dma_start3A_110 = tpu.memref_slice %arg7[%add3A_98, %dma_start3A_109] : memref<10240x128xf32, #tpu.memory_space<vmem_shared>> -> memref<128x128xf32, #tpu.memory_space<vmem_shared>>
      tpu.enqueue_dma source(%dma_start3A_110 : memref<128x128xf32, #tpu.memory_space<vmem_shared>>) target(%arg10 : memref<128x128xf32, #tpu.memory_space<vmem>>) target_semaphore(%run_scoped3A_107 : memref<!tpu.dma_semaphore, #tpu.memory_space<semaphore_mem>>)
      %dma_wait3A = arith.constant 0 : i32
      %dma_wait3A_111 = tpu.memref_slice %arg7[%add3A_98, %dma_wait3A] : memref<10240x128xf32, #tpu.memory_space<vmem_shared>> -> memref<128x128xf32, #tpu.memory_space<vmem_shared>>
      %dma_wait3A_112 = arith.constant 0 : i32
      %dma_wait3A_113 = tpu.memref_slice %arg7[%add3A_98, %dma_wait3A_112] : memref<10240x128xf32, #tpu.memory_space<vmem_shared>> -> memref<128x128xf32, #tpu.memory_space<vmem_shared>>
      tpu.wait_dma2 semaphore(%run_scoped3A_107 : memref<!tpu.dma_semaphore, #tpu.memory_space<semaphore_mem>>) src(%dma_wait3A_113 : memref<128x128xf32, #tpu.memory_space<vmem_shared>>) dst(%arg10 : memref<128x128xf32, #tpu.memory_space<vmem>>)
      tpu.yield
    }) : () -> ()
    %add3A_99 = arith.constant 384 : i32
    %add3A_100 = arith.addi %multiple_of3A, %add3A_99 : i32
    %run_scoped3A_101 = arith.constant 1 : i32
    "tpu.region"() ({
      %run_scoped3A_107 = tpu.sem_alloc : memref<!tpu.dma_semaphore, #tpu.memory_space<semaphore_mem>>
      %dma_start3A = arith.constant 0 : i32
      %dma_start3A_108 = tpu.memref_slice %arg6[%arg0, %run_scoped3A_101, %add3A_100, %dma_start3A] : memref<2x2x10240x128xf32, #tpu.memory_space<hbm>> -> memref<1x1x128x128xf32, #tpu.memory_space<hbm>>
      %dma_start3A_109 = tpu.memref_squeeze %dma_start3A_108 : memref<1x1x128x128xf32, #tpu.memory_space<hbm>> -> memref<128x128xf32, #tpu.memory_space<hbm>>
      %dma_start3A_110 = arith.constant 0 : i32
      %dma_start3A_111 = tpu.memref_slice %arg6[%arg0, %run_scoped3A_101, %add3A_100, %dma_start3A_110] : memref<2x2x10240x128xf32, #tpu.memory_space<hbm>> -> memref<1x1x128x128xf32, #tpu.memory_space<hbm>>
      %dma_start3A_112 = tpu.memref_squeeze %dma_start3A_111 : memref<1x1x128x128xf32, #tpu.memory_space<hbm>> -> memref<128x128xf32, #tpu.memory_space<hbm>>
      tpu.enqueue_dma source(%arg10 : memref<128x128xf32, #tpu.memory_space<vmem>>) target(%dma_start3A_112 : memref<128x128xf32, #tpu.memory_space<hbm>>) target_semaphore(%run_scoped3A_107 : memref<!tpu.dma_semaphore, #tpu.memory_space<semaphore_mem>>)
      %dma_wait3A = arith.constant 0 : i32
      %dma_wait3A_113 = tpu.memref_slice %arg6[%arg0, %run_scoped3A_101, %add3A_100, %dma_wait3A] : memref<2x2x10240x128xf32, #tpu.memory_space<hbm>> -> memref<1x1x128x128xf32, #tpu.memory_space<hbm>>
      %dma_wait3A_114 = tpu.memref_squeeze %dma_wait3A_113 : memref<1x1x128x128xf32, #tpu.memory_space<hbm>> -> memref<128x128xf32, #tpu.memory_space<hbm>>
      %dma_wait3A_115 = arith.constant 0 : i32
      %dma_wait3A_116 = tpu.memref_slice %arg6[%arg0, %run_scoped3A_101, %add3A_100, %dma_wait3A_115] : memref<2x2x10240x128xf32, #tpu.memory_space<hbm>> -> memref<1x1x128x128xf32, #tpu.memory_space<hbm>>
      %dma_wait3A_117 = tpu.memref_squeeze %dma_wait3A_116 : memref<1x1x128x128xf32, #tpu.memory_space<hbm>> -> memref<128x128xf32, #tpu.memory_space<hbm>>
      tpu.wait_dma2 semaphore(%run_scoped3A_107 : memref<!tpu.dma_semaphore, #tpu.memory_space<semaphore_mem>>) src(%arg10 : memref<128x128xf32, #tpu.memory_space<vmem>>) dst(%dma_wait3A_117 : memref<128x128xf32, #tpu.memory_space<hbm>>)
      tpu.yield
    }) : () -> ()
    %add3A_102 = arith.constant 512 : i32
    %add3A_103 = arith.addi %multiple_of3A, %add3A_102 : i32
    "tpu.region"() ({
      %run_scoped3A_107 = tpu.sem_alloc : memref<!tpu.dma_semaphore, #tpu.memory_space<semaphore_mem>>
      %dma_start3A = arith.constant 0 : i32
      %dma_start3A_108 = tpu.memref_slice %arg7[%add3A_103, %dma_start3A] : memref<10240x128xf32, #tpu.memory_space<vmem_shared>> -> memref<128x128xf32, #tpu.memory_space<vmem_shared>>
      %dma_start3A_109 = arith.constant 0 : i32
      %dma_start3A_110 = tpu.memref_slice %arg7[%add3A_103, %dma_start3A_109] : memref<10240x128xf32, #tpu.memory_space<vmem_shared>> -> memref<128x128xf32, #tpu.memory_space<vmem_shared>>
      tpu.enqueue_dma source(%dma_start3A_110 : memref<128x128xf32, #tpu.memory_space<vmem_shared>>) target(%arg10 : memref<128x128xf32, #tpu.memory_space<vmem>>) target_semaphore(%run_scoped3A_107 : memref<!tpu.dma_semaphore, #tpu.memory_space<semaphore_mem>>)
      %dma_wait3A = arith.constant 0 : i32
      %dma_wait3A_111 = tpu.memref_slice %arg7[%add3A_103, %dma_wait3A] : memref<10240x128xf32, #tpu.memory_space<vmem_shared>> -> memref<128x128xf32, #tpu.memory_space<vmem_shared>>
      %dma_wait3A_112 = arith.constant 0 : i32
      %dma_wait3A_113 = tpu.memref_slice %arg7[%add3A_103, %dma_wait3A_112] : memref<10240x128xf32, #tpu.memory_space<vmem_shared>> -> memref<128x128xf32, #tpu.memory_space<vmem_shared>>
      tpu.wait_dma2 semaphore(%run_scoped3A_107 : memref<!tpu.dma_semaphore, #tpu.memory_space<semaphore_mem>>) src(%dma_wait3A_113 : memref<128x128xf32, #tpu.memory_space<vmem_shared>>) dst(%arg10 : memref<128x128xf32, #tpu.memory_space<vmem>>)
      tpu.yield
    }) : () -> ()
    %add3A_104 = arith.constant 512 : i32
    %add3A_105 = arith.addi %multiple_of3A, %add3A_104 : i32
    %run_scoped3A_106 = arith.constant 1 : i32
    "tpu.region"() ({
      %run_scoped3A_107 = tpu.sem_alloc : memref<!tpu.dma_semaphore, #tpu.memory_space<semaphore_mem>>
      %dma_start3A = arith.constant 0 : i32
      %dma_start3A_108 = tpu.memref_slice %arg6[%arg0, %run_scoped3A_106, %add3A_105, %dma_start3A] : memref<2x2x10240x128xf32, #tpu.memory_space<hbm>> -> memref<1x1x128x128xf32, #tpu.memory_space<hbm>>
      %dma_start3A_109 = tpu.memref_squeeze %dma_start3A_108 : memref<1x1x128x128xf32, #tpu.memory_space<hbm>> -> memref<128x128xf32, #tpu.memory_space<hbm>>
      %dma_start3A_110 = arith.constant 0 : i32
      %dma_start3A_111 = tpu.memref_slice %arg6[%arg0, %run_scoped3A_106, %add3A_105, %dma_start3A_110] : memref<2x2x10240x128xf32, #tpu.memory_space<hbm>> -> memref<1x1x128x128xf32, #tpu.memory_space<hbm>>
      %dma_start3A_112 = tpu.memref_squeeze %dma_start3A_111 : memref<1x1x128x128xf32, #tpu.memory_space<hbm>> -> memref<128x128xf32, #tpu.memory_space<hbm>>
      tpu.enqueue_dma source(%arg10 : memref<128x128xf32, #tpu.memory_space<vmem>>) target(%dma_start3A_112 : memref<128x128xf32, #tpu.memory_space<hbm>>) target_semaphore(%run_scoped3A_107 : memref<!tpu.dma_semaphore, #tpu.memory_space<semaphore_mem>>)
      %dma_wait3A = arith.constant 0 : i32
      %dma_wait3A_113 = tpu.memref_slice %arg6[%arg0, %run_scoped3A_106, %add3A_105, %dma_wait3A] : memref<2x2x10240x128xf32, #tpu.memory_space<hbm>> -> memref<1x1x128x128xf32, #tpu.memory_space<hbm>>
      %dma_wait3A_114 = tpu.memref_squeeze %dma_wait3A_113 : memref<1x1x128x128xf32, #tpu.memory_space<hbm>> -> memref<128x128xf32, #tpu.memory_space<hbm>>
      %dma_wait3A_115 = arith.constant 0 : i32
      %dma_wait3A_116 = tpu.memref_slice %arg6[%arg0, %run_scoped3A_106, %add3A_105, %dma_wait3A_115] : memref<2x2x10240x128xf32, #tpu.memory_space<hbm>> -> memref<1x1x128x128xf32, #tpu.memory_space<hbm>>
      %dma_wait3A_117 = tpu.memref_squeeze %dma_wait3A_116 : memref<1x1x128x128xf32, #tpu.memory_space<hbm>> -> memref<128x128xf32, #tpu.memory_space<hbm>>
      tpu.wait_dma2 semaphore(%run_scoped3A_107 : memref<!tpu.dma_semaphore, #tpu.memory_space<semaphore_mem>>) src(%arg10 : memref<128x128xf32, #tpu.memory_space<vmem>>) dst(%dma_wait3A_117 : memref<128x128xf32, #tpu.memory_space<hbm>>)
      tpu.yield
    }) : () -> ()
    return
  }
}

#map = affine_map<(d0, d1) -> (0, 0)>
#map1 = affine_map<(d0, d1) -> (0)>
#map2 = affine_map<(d0, d1) -> (0, 0, 0, 0)>
module attributes {stable_mosaic.version = 14 : i64} {
  func.func @body(%arg0: i32, %arg1: i32, %arg2: memref<10240x128xf32, #tpu.memory_space<hbm>>, %arg3: memref<10240x128xf32, #tpu.memory_space<hbm>>, %arg4: memref<10240x128xf32, #tpu.memory_space<hbm>>, %arg5: memref<10240x128xf32, #tpu.memory_space<hbm>>, %arg6: memref<323584xi32, #tpu.memory_space<hbm>>, %arg7: memref<323584xi32, #tpu.memory_space<hbm>>, %arg8: memref<2x4x10240x128xf32, #tpu.memory_space<hbm>>, %arg9: memref<10240x128xf32, #tpu.memory_space<vmem_shared>>, %arg10: memref<128xi32, #tpu.memory_space<vmem>>, %arg11: memref<128xi32, #tpu.memory_space<vmem>>, %arg12: memref<128x128xf32, #tpu.memory_space<vmem>>, %arg13: memref<!tpu.dma_semaphore, #tpu.memory_space<semaphore_mem>>) attributes {dimension_semantics = [#tpu.dimension_semantics<core_parallel>, #tpu.dimension_semantics<subcore_parallel>], iteration_bounds = array<i64: 2, 16>, scalar_prefetch = 0 : i64, scratch_operands = 5 : i64, tpu.core_type = #tpu.core_type<sc_vector_subcore>, window_params = [{transform_indices = #map}, {transform_indices = #map}, {transform_indices = #map}, {transform_indices = #map}, {transform_indices = #map1}, {transform_indices = #map1}, {transform_indices = #map2}]} {
    %mul3A = arith.constant 16 : i32
    %mul3A_0 = arith.muli %arg0, %mul3A : i32
    %add3A = arith.addi %mul3A_0, %arg1 : i32
    %mul3A_1 = arith.constant 640 : i32
    %mul3A_2 = arith.muli %arg1, %mul3A_1 : i32
    %multiple_of3A = tpu.assume_multiple %mul3A_2, 8 : i32
    %add3A_3 = arith.constant 0 : i32
    %add3A_4 = arith.addi %multiple_of3A, %add3A_3 : i32
    "tpu.region"() ({
      %run_scoped3A_215 = tpu.sem_alloc : memref<!tpu.dma_semaphore, #tpu.memory_space<semaphore_mem>>
      %dma_start3A = arith.constant 0 : i32
      %dma_start3A_216 = tpu.memref_slice %arg2[%add3A_4, %dma_start3A] : memref<10240x128xf32, #tpu.memory_space<hbm>> -> memref<128x128xf32, #tpu.memory_space<hbm>>
      %dma_start3A_217 = arith.constant 0 : i32
      %dma_start3A_218 = tpu.memref_slice %arg2[%add3A_4, %dma_start3A_217] : memref<10240x128xf32, #tpu.memory_space<hbm>> -> memref<128x128xf32, #tpu.memory_space<hbm>>
      tpu.enqueue_dma source(%dma_start3A_218 : memref<128x128xf32, #tpu.memory_space<hbm>>) target(%arg12 : memref<128x128xf32, #tpu.memory_space<vmem>>) target_semaphore(%run_scoped3A_215 : memref<!tpu.dma_semaphore, #tpu.memory_space<semaphore_mem>>)
      %dma_wait3A = arith.constant 0 : i32
      %dma_wait3A_219 = tpu.memref_slice %arg2[%add3A_4, %dma_wait3A] : memref<10240x128xf32, #tpu.memory_space<hbm>> -> memref<128x128xf32, #tpu.memory_space<hbm>>
      %dma_wait3A_220 = arith.constant 0 : i32
      %dma_wait3A_221 = tpu.memref_slice %arg2[%add3A_4, %dma_wait3A_220] : memref<10240x128xf32, #tpu.memory_space<hbm>> -> memref<128x128xf32, #tpu.memory_space<hbm>>
      tpu.wait_dma2 semaphore(%run_scoped3A_215 : memref<!tpu.dma_semaphore, #tpu.memory_space<semaphore_mem>>) src(%dma_wait3A_221 : memref<128x128xf32, #tpu.memory_space<hbm>>) dst(%arg12 : memref<128x128xf32, #tpu.memory_space<vmem>>)
      tpu.yield
    }) : () -> ()
    %add3A_5 = arith.constant 0 : i32
    %add3A_6 = arith.addi %multiple_of3A, %add3A_5 : i32
    "tpu.region"() ({
      %run_scoped3A_215 = tpu.sem_alloc : memref<!tpu.dma_semaphore, #tpu.memory_space<semaphore_mem>>
      %dma_start3A = arith.constant 0 : i32
      %dma_start3A_216 = tpu.memref_slice %arg9[%add3A_6, %dma_start3A] : memref<10240x128xf32, #tpu.memory_space<vmem_shared>> -> memref<128x128xf32, #tpu.memory_space<vmem_shared>>
      %dma_start3A_217 = arith.constant 0 : i32
      %dma_start3A_218 = tpu.memref_slice %arg9[%add3A_6, %dma_start3A_217] : memref<10240x128xf32, #tpu.memory_space<vmem_shared>> -> memref<128x128xf32, #tpu.memory_space<vmem_shared>>
      tpu.enqueue_dma source(%arg12 : memref<128x128xf32, #tpu.memory_space<vmem>>) target(%dma_start3A_218 : memref<128x128xf32, #tpu.memory_space<vmem_shared>>) target_semaphore(%run_scoped3A_215 : memref<!tpu.dma_semaphore, #tpu.memory_space<semaphore_mem>>)
      %dma_wait3A = arith.constant 0 : i32
      %dma_wait3A_219 = tpu.memref_slice %arg9[%add3A_6, %dma_wait3A] : memref<10240x128xf32, #tpu.memory_space<vmem_shared>> -> memref<128x128xf32, #tpu.memory_space<vmem_shared>>
      %dma_wait3A_220 = arith.constant 0 : i32
      %dma_wait3A_221 = tpu.memref_slice %arg9[%add3A_6, %dma_wait3A_220] : memref<10240x128xf32, #tpu.memory_space<vmem_shared>> -> memref<128x128xf32, #tpu.memory_space<vmem_shared>>
      tpu.wait_dma2 semaphore(%run_scoped3A_215 : memref<!tpu.dma_semaphore, #tpu.memory_space<semaphore_mem>>) src(%arg12 : memref<128x128xf32, #tpu.memory_space<vmem>>) dst(%dma_wait3A_221 : memref<128x128xf32, #tpu.memory_space<vmem_shared>>)
      tpu.yield
    }) : () -> ()
    %add3A_7 = arith.constant 128 : i32
    %add3A_8 = arith.addi %multiple_of3A, %add3A_7 : i32
    "tpu.region"() ({
      %run_scoped3A_215 = tpu.sem_alloc : memref<!tpu.dma_semaphore, #tpu.memory_space<semaphore_mem>>
      %dma_start3A = arith.constant 0 : i32
      %dma_start3A_216 = tpu.memref_slice %arg2[%add3A_8, %dma_start3A] : memref<10240x128xf32, #tpu.memory_space<hbm>> -> memref<128x128xf32, #tpu.memory_space<hbm>>
      %dma_start3A_217 = arith.constant 0 : i32
      %dma_start3A_218 = tpu.memref_slice %arg2[%add3A_8, %dma_start3A_217] : memref<10240x128xf32, #tpu.memory_space<hbm>> -> memref<128x128xf32, #tpu.memory_space<hbm>>
      tpu.enqueue_dma source(%dma_start3A_218 : memref<128x128xf32, #tpu.memory_space<hbm>>) target(%arg12 : memref<128x128xf32, #tpu.memory_space<vmem>>) target_semaphore(%run_scoped3A_215 : memref<!tpu.dma_semaphore, #tpu.memory_space<semaphore_mem>>)
      %dma_wait3A = arith.constant 0 : i32
      %dma_wait3A_219 = tpu.memref_slice %arg2[%add3A_8, %dma_wait3A] : memref<10240x128xf32, #tpu.memory_space<hbm>> -> memref<128x128xf32, #tpu.memory_space<hbm>>
      %dma_wait3A_220 = arith.constant 0 : i32
      %dma_wait3A_221 = tpu.memref_slice %arg2[%add3A_8, %dma_wait3A_220] : memref<10240x128xf32, #tpu.memory_space<hbm>> -> memref<128x128xf32, #tpu.memory_space<hbm>>
      tpu.wait_dma2 semaphore(%run_scoped3A_215 : memref<!tpu.dma_semaphore, #tpu.memory_space<semaphore_mem>>) src(%dma_wait3A_221 : memref<128x128xf32, #tpu.memory_space<hbm>>) dst(%arg12 : memref<128x128xf32, #tpu.memory_space<vmem>>)
      tpu.yield
    }) : () -> ()
    %add3A_9 = arith.constant 128 : i32
    %add3A_10 = arith.addi %multiple_of3A, %add3A_9 : i32
    "tpu.region"() ({
      %run_scoped3A_215 = tpu.sem_alloc : memref<!tpu.dma_semaphore, #tpu.memory_space<semaphore_mem>>
      %dma_start3A = arith.constant 0 : i32
      %dma_start3A_216 = tpu.memref_slice %arg9[%add3A_10, %dma_start3A] : memref<10240x128xf32, #tpu.memory_space<vmem_shared>> -> memref<128x128xf32, #tpu.memory_space<vmem_shared>>
      %dma_start3A_217 = arith.constant 0 : i32
      %dma_start3A_218 = tpu.memref_slice %arg9[%add3A_10, %dma_start3A_217] : memref<10240x128xf32, #tpu.memory_space<vmem_shared>> -> memref<128x128xf32, #tpu.memory_space<vmem_shared>>
      tpu.enqueue_dma source(%arg12 : memref<128x128xf32, #tpu.memory_space<vmem>>) target(%dma_start3A_218 : memref<128x128xf32, #tpu.memory_space<vmem_shared>>) target_semaphore(%run_scoped3A_215 : memref<!tpu.dma_semaphore, #tpu.memory_space<semaphore_mem>>)
      %dma_wait3A = arith.constant 0 : i32
      %dma_wait3A_219 = tpu.memref_slice %arg9[%add3A_10, %dma_wait3A] : memref<10240x128xf32, #tpu.memory_space<vmem_shared>> -> memref<128x128xf32, #tpu.memory_space<vmem_shared>>
      %dma_wait3A_220 = arith.constant 0 : i32
      %dma_wait3A_221 = tpu.memref_slice %arg9[%add3A_10, %dma_wait3A_220] : memref<10240x128xf32, #tpu.memory_space<vmem_shared>> -> memref<128x128xf32, #tpu.memory_space<vmem_shared>>
      tpu.wait_dma2 semaphore(%run_scoped3A_215 : memref<!tpu.dma_semaphore, #tpu.memory_space<semaphore_mem>>) src(%arg12 : memref<128x128xf32, #tpu.memory_space<vmem>>) dst(%dma_wait3A_221 : memref<128x128xf32, #tpu.memory_space<vmem_shared>>)
      tpu.yield
    }) : () -> ()
    %add3A_11 = arith.constant 256 : i32
    %add3A_12 = arith.addi %multiple_of3A, %add3A_11 : i32
    "tpu.region"() ({
      %run_scoped3A_215 = tpu.sem_alloc : memref<!tpu.dma_semaphore, #tpu.memory_space<semaphore_mem>>
      %dma_start3A = arith.constant 0 : i32
      %dma_start3A_216 = tpu.memref_slice %arg2[%add3A_12, %dma_start3A] : memref<10240x128xf32, #tpu.memory_space<hbm>> -> memref<128x128xf32, #tpu.memory_space<hbm>>
      %dma_start3A_217 = arith.constant 0 : i32
      %dma_start3A_218 = tpu.memref_slice %arg2[%add3A_12, %dma_start3A_217] : memref<10240x128xf32, #tpu.memory_space<hbm>> -> memref<128x128xf32, #tpu.memory_space<hbm>>
      tpu.enqueue_dma source(%dma_start3A_218 : memref<128x128xf32, #tpu.memory_space<hbm>>) target(%arg12 : memref<128x128xf32, #tpu.memory_space<vmem>>) target_semaphore(%run_scoped3A_215 : memref<!tpu.dma_semaphore, #tpu.memory_space<semaphore_mem>>)
      %dma_wait3A = arith.constant 0 : i32
      %dma_wait3A_219 = tpu.memref_slice %arg2[%add3A_12, %dma_wait3A] : memref<10240x128xf32, #tpu.memory_space<hbm>> -> memref<128x128xf32, #tpu.memory_space<hbm>>
      %dma_wait3A_220 = arith.constant 0 : i32
      %dma_wait3A_221 = tpu.memref_slice %arg2[%add3A_12, %dma_wait3A_220] : memref<10240x128xf32, #tpu.memory_space<hbm>> -> memref<128x128xf32, #tpu.memory_space<hbm>>
      tpu.wait_dma2 semaphore(%run_scoped3A_215 : memref<!tpu.dma_semaphore, #tpu.memory_space<semaphore_mem>>) src(%dma_wait3A_221 : memref<128x128xf32, #tpu.memory_space<hbm>>) dst(%arg12 : memref<128x128xf32, #tpu.memory_space<vmem>>)
      tpu.yield
    }) : () -> ()
    %add3A_13 = arith.constant 256 : i32
    %add3A_14 = arith.addi %multiple_of3A, %add3A_13 : i32
    "tpu.region"() ({
      %run_scoped3A_215 = tpu.sem_alloc : memref<!tpu.dma_semaphore, #tpu.memory_space<semaphore_mem>>
      %dma_start3A = arith.constant 0 : i32
      %dma_start3A_216 = tpu.memref_slice %arg9[%add3A_14, %dma_start3A] : memref<10240x128xf32, #tpu.memory_space<vmem_shared>> -> memref<128x128xf32, #tpu.memory_space<vmem_shared>>
      %dma_start3A_217 = arith.constant 0 : i32
      %dma_start3A_218 = tpu.memref_slice %arg9[%add3A_14, %dma_start3A_217] : memref<10240x128xf32, #tpu.memory_space<vmem_shared>> -> memref<128x128xf32, #tpu.memory_space<vmem_shared>>
      tpu.enqueue_dma source(%arg12 : memref<128x128xf32, #tpu.memory_space<vmem>>) target(%dma_start3A_218 : memref<128x128xf32, #tpu.memory_space<vmem_shared>>) target_semaphore(%run_scoped3A_215 : memref<!tpu.dma_semaphore, #tpu.memory_space<semaphore_mem>>)
      %dma_wait3A = arith.constant 0 : i32
      %dma_wait3A_219 = tpu.memref_slice %arg9[%add3A_14, %dma_wait3A] : memref<10240x128xf32, #tpu.memory_space<vmem_shared>> -> memref<128x128xf32, #tpu.memory_space<vmem_shared>>
      %dma_wait3A_220 = arith.constant 0 : i32
      %dma_wait3A_221 = tpu.memref_slice %arg9[%add3A_14, %dma_wait3A_220] : memref<10240x128xf32, #tpu.memory_space<vmem_shared>> -> memref<128x128xf32, #tpu.memory_space<vmem_shared>>
      tpu.wait_dma2 semaphore(%run_scoped3A_215 : memref<!tpu.dma_semaphore, #tpu.memory_space<semaphore_mem>>) src(%arg12 : memref<128x128xf32, #tpu.memory_space<vmem>>) dst(%dma_wait3A_221 : memref<128x128xf32, #tpu.memory_space<vmem_shared>>)
      tpu.yield
    }) : () -> ()
    %add3A_15 = arith.constant 384 : i32
    %add3A_16 = arith.addi %multiple_of3A, %add3A_15 : i32
    "tpu.region"() ({
      %run_scoped3A_215 = tpu.sem_alloc : memref<!tpu.dma_semaphore, #tpu.memory_space<semaphore_mem>>
      %dma_start3A = arith.constant 0 : i32
      %dma_start3A_216 = tpu.memref_slice %arg2[%add3A_16, %dma_start3A] : memref<10240x128xf32, #tpu.memory_space<hbm>> -> memref<128x128xf32, #tpu.memory_space<hbm>>
      %dma_start3A_217 = arith.constant 0 : i32
      %dma_start3A_218 = tpu.memref_slice %arg2[%add3A_16, %dma_start3A_217] : memref<10240x128xf32, #tpu.memory_space<hbm>> -> memref<128x128xf32, #tpu.memory_space<hbm>>
      tpu.enqueue_dma source(%dma_start3A_218 : memref<128x128xf32, #tpu.memory_space<hbm>>) target(%arg12 : memref<128x128xf32, #tpu.memory_space<vmem>>) target_semaphore(%run_scoped3A_215 : memref<!tpu.dma_semaphore, #tpu.memory_space<semaphore_mem>>)
      %dma_wait3A = arith.constant 0 : i32
      %dma_wait3A_219 = tpu.memref_slice %arg2[%add3A_16, %dma_wait3A] : memref<10240x128xf32, #tpu.memory_space<hbm>> -> memref<128x128xf32, #tpu.memory_space<hbm>>
      %dma_wait3A_220 = arith.constant 0 : i32
      %dma_wait3A_221 = tpu.memref_slice %arg2[%add3A_16, %dma_wait3A_220] : memref<10240x128xf32, #tpu.memory_space<hbm>> -> memref<128x128xf32, #tpu.memory_space<hbm>>
      tpu.wait_dma2 semaphore(%run_scoped3A_215 : memref<!tpu.dma_semaphore, #tpu.memory_space<semaphore_mem>>) src(%dma_wait3A_221 : memref<128x128xf32, #tpu.memory_space<hbm>>) dst(%arg12 : memref<128x128xf32, #tpu.memory_space<vmem>>)
      tpu.yield
    }) : () -> ()
    %add3A_17 = arith.constant 384 : i32
    %add3A_18 = arith.addi %multiple_of3A, %add3A_17 : i32
    "tpu.region"() ({
      %run_scoped3A_215 = tpu.sem_alloc : memref<!tpu.dma_semaphore, #tpu.memory_space<semaphore_mem>>
      %dma_start3A = arith.constant 0 : i32
      %dma_start3A_216 = tpu.memref_slice %arg9[%add3A_18, %dma_start3A] : memref<10240x128xf32, #tpu.memory_space<vmem_shared>> -> memref<128x128xf32, #tpu.memory_space<vmem_shared>>
      %dma_start3A_217 = arith.constant 0 : i32
      %dma_start3A_218 = tpu.memref_slice %arg9[%add3A_18, %dma_start3A_217] : memref<10240x128xf32, #tpu.memory_space<vmem_shared>> -> memref<128x128xf32, #tpu.memory_space<vmem_shared>>
      tpu.enqueue_dma source(%arg12 : memref<128x128xf32, #tpu.memory_space<vmem>>) target(%dma_start3A_218 : memref<128x128xf32, #tpu.memory_space<vmem_shared>>) target_semaphore(%run_scoped3A_215 : memref<!tpu.dma_semaphore, #tpu.memory_space<semaphore_mem>>)
      %dma_wait3A = arith.constant 0 : i32
      %dma_wait3A_219 = tpu.memref_slice %arg9[%add3A_18, %dma_wait3A] : memref<10240x128xf32, #tpu.memory_space<vmem_shared>> -> memref<128x128xf32, #tpu.memory_space<vmem_shared>>
      %dma_wait3A_220 = arith.constant 0 : i32
      %dma_wait3A_221 = tpu.memref_slice %arg9[%add3A_18, %dma_wait3A_220] : memref<10240x128xf32, #tpu.memory_space<vmem_shared>> -> memref<128x128xf32, #tpu.memory_space<vmem_shared>>
      tpu.wait_dma2 semaphore(%run_scoped3A_215 : memref<!tpu.dma_semaphore, #tpu.memory_space<semaphore_mem>>) src(%arg12 : memref<128x128xf32, #tpu.memory_space<vmem>>) dst(%dma_wait3A_221 : memref<128x128xf32, #tpu.memory_space<vmem_shared>>)
      tpu.yield
    }) : () -> ()
    %add3A_19 = arith.constant 512 : i32
    %add3A_20 = arith.addi %multiple_of3A, %add3A_19 : i32
    "tpu.region"() ({
      %run_scoped3A_215 = tpu.sem_alloc : memref<!tpu.dma_semaphore, #tpu.memory_space<semaphore_mem>>
      %dma_start3A = arith.constant 0 : i32
      %dma_start3A_216 = tpu.memref_slice %arg2[%add3A_20, %dma_start3A] : memref<10240x128xf32, #tpu.memory_space<hbm>> -> memref<128x128xf32, #tpu.memory_space<hbm>>
      %dma_start3A_217 = arith.constant 0 : i32
      %dma_start3A_218 = tpu.memref_slice %arg2[%add3A_20, %dma_start3A_217] : memref<10240x128xf32, #tpu.memory_space<hbm>> -> memref<128x128xf32, #tpu.memory_space<hbm>>
      tpu.enqueue_dma source(%dma_start3A_218 : memref<128x128xf32, #tpu.memory_space<hbm>>) target(%arg12 : memref<128x128xf32, #tpu.memory_space<vmem>>) target_semaphore(%run_scoped3A_215 : memref<!tpu.dma_semaphore, #tpu.memory_space<semaphore_mem>>)
      %dma_wait3A = arith.constant 0 : i32
      %dma_wait3A_219 = tpu.memref_slice %arg2[%add3A_20, %dma_wait3A] : memref<10240x128xf32, #tpu.memory_space<hbm>> -> memref<128x128xf32, #tpu.memory_space<hbm>>
      %dma_wait3A_220 = arith.constant 0 : i32
      %dma_wait3A_221 = tpu.memref_slice %arg2[%add3A_20, %dma_wait3A_220] : memref<10240x128xf32, #tpu.memory_space<hbm>> -> memref<128x128xf32, #tpu.memory_space<hbm>>
      tpu.wait_dma2 semaphore(%run_scoped3A_215 : memref<!tpu.dma_semaphore, #tpu.memory_space<semaphore_mem>>) src(%dma_wait3A_221 : memref<128x128xf32, #tpu.memory_space<hbm>>) dst(%arg12 : memref<128x128xf32, #tpu.memory_space<vmem>>)
      tpu.yield
    }) : () -> ()
    %add3A_21 = arith.constant 512 : i32
    %add3A_22 = arith.addi %multiple_of3A, %add3A_21 : i32
    "tpu.region"() ({
      %run_scoped3A_215 = tpu.sem_alloc : memref<!tpu.dma_semaphore, #tpu.memory_space<semaphore_mem>>
      %dma_start3A = arith.constant 0 : i32
      %dma_start3A_216 = tpu.memref_slice %arg9[%add3A_22, %dma_start3A] : memref<10240x128xf32, #tpu.memory_space<vmem_shared>> -> memref<128x128xf32, #tpu.memory_space<vmem_shared>>
      %dma_start3A_217 = arith.constant 0 : i32
      %dma_start3A_218 = tpu.memref_slice %arg9[%add3A_22, %dma_start3A_217] : memref<10240x128xf32, #tpu.memory_space<vmem_shared>> -> memref<128x128xf32, #tpu.memory_space<vmem_shared>>
      tpu.enqueue_dma source(%arg12 : memref<128x128xf32, #tpu.memory_space<vmem>>) target(%dma_start3A_218 : memref<128x128xf32, #tpu.memory_space<vmem_shared>>) target_semaphore(%run_scoped3A_215 : memref<!tpu.dma_semaphore, #tpu.memory_space<semaphore_mem>>)
      %dma_wait3A = arith.constant 0 : i32
      %dma_wait3A_219 = tpu.memref_slice %arg9[%add3A_22, %dma_wait3A] : memref<10240x128xf32, #tpu.memory_space<vmem_shared>> -> memref<128x128xf32, #tpu.memory_space<vmem_shared>>
      %dma_wait3A_220 = arith.constant 0 : i32
      %dma_wait3A_221 = tpu.memref_slice %arg9[%add3A_22, %dma_wait3A_220] : memref<10240x128xf32, #tpu.memory_space<vmem_shared>> -> memref<128x128xf32, #tpu.memory_space<vmem_shared>>
      tpu.wait_dma2 semaphore(%run_scoped3A_215 : memref<!tpu.dma_semaphore, #tpu.memory_space<semaphore_mem>>) src(%arg12 : memref<128x128xf32, #tpu.memory_space<vmem>>) dst(%dma_wait3A_221 : memref<128x128xf32, #tpu.memory_space<vmem_shared>>)
      tpu.yield
    }) : () -> ()
    %barrier3A = arith.constant 0 : index
    tpu.barrier barrier_id(%barrier3A)
    %scan3A = arith.constant 0 : i32
    %scan3A_23 = arith.constant 0 : i32
    %scan3A_24 = arith.constant 79 : i32
    %scan3A_25 = arith.addi %scan3A_23, %scan3A_24 : i32
    %scan3A_26 = arith.constant 1 : i32
    scf.for %scan3A_215 = %scan3A_23 to %scan3A_25 step %scan3A_26  : i32 {
      %mul3A_216 = arith.constant 79 : i32
      %mul3A_217 = arith.muli %add3A, %mul3A_216 : i32
      %add3A_218 = arith.addi %mul3A_217, %scan3A_215 : i32
      %mul3A_219 = arith.constant 128 : i32
      %mul3A_220 = arith.muli %add3A_218, %mul3A_219 : i32
      %multiple_of3A_221 = tpu.assume_multiple %mul3A_220, 8 : i32
      "tpu.region"() ({
        %run_scoped3A_226 = tpu.sem_alloc : memref<!tpu.dma_semaphore, #tpu.memory_space<semaphore_mem>>
        %dma_start3A_227 = tpu.memref_slice %arg6[%multiple_of3A_221] : memref<323584xi32, #tpu.memory_space<hbm>> -> memref<128xi32, #tpu.memory_space<hbm>>
        %dma_start3A_228 = tpu.memref_slice %arg6[%multiple_of3A_221] : memref<323584xi32, #tpu.memory_space<hbm>> -> memref<128xi32, #tpu.memory_space<hbm>>
        tpu.enqueue_dma source(%dma_start3A_228 : memref<128xi32, #tpu.memory_space<hbm>>) target(%arg10 : memref<128xi32, #tpu.memory_space<vmem>>) target_semaphore(%run_scoped3A_226 : memref<!tpu.dma_semaphore, #tpu.memory_space<semaphore_mem>>)
        %dma_wait3A_229 = tpu.memref_slice %arg6[%multiple_of3A_221] : memref<323584xi32, #tpu.memory_space<hbm>> -> memref<128xi32, #tpu.memory_space<hbm>>
        %dma_wait3A_230 = tpu.memref_slice %arg6[%multiple_of3A_221] : memref<323584xi32, #tpu.memory_space<hbm>> -> memref<128xi32, #tpu.memory_space<hbm>>
        tpu.wait_dma2 semaphore(%run_scoped3A_226 : memref<!tpu.dma_semaphore, #tpu.memory_space<semaphore_mem>>) src(%dma_wait3A_230 : memref<128xi32, #tpu.memory_space<hbm>>) dst(%arg10 : memref<128xi32, #tpu.memory_space<vmem>>)
        tpu.yield
      }) : () -> ()
      "tpu.region"() ({
        %run_scoped3A_226 = tpu.sem_alloc : memref<!tpu.dma_semaphore, #tpu.memory_space<semaphore_mem>>
        %dma_start3A_227 = tpu.memref_slice %arg7[%multiple_of3A_221] : memref<323584xi32, #tpu.memory_space<hbm>> -> memref<128xi32, #tpu.memory_space<hbm>>
        %dma_start3A_228 = tpu.memref_slice %arg7[%multiple_of3A_221] : memref<323584xi32, #tpu.memory_space<hbm>> -> memref<128xi32, #tpu.memory_space<hbm>>
        tpu.enqueue_dma source(%dma_start3A_228 : memref<128xi32, #tpu.memory_space<hbm>>) target(%arg11 : memref<128xi32, #tpu.memory_space<vmem>>) target_semaphore(%run_scoped3A_226 : memref<!tpu.dma_semaphore, #tpu.memory_space<semaphore_mem>>)
        %dma_wait3A_229 = tpu.memref_slice %arg7[%multiple_of3A_221] : memref<323584xi32, #tpu.memory_space<hbm>> -> memref<128xi32, #tpu.memory_space<hbm>>
        %dma_wait3A_230 = tpu.memref_slice %arg7[%multiple_of3A_221] : memref<323584xi32, #tpu.memory_space<hbm>> -> memref<128xi32, #tpu.memory_space<hbm>>
        tpu.wait_dma2 semaphore(%run_scoped3A_226 : memref<!tpu.dma_semaphore, #tpu.memory_space<semaphore_mem>>) src(%dma_wait3A_230 : memref<128xi32, #tpu.memory_space<hbm>>) dst(%arg11 : memref<128xi32, #tpu.memory_space<vmem>>)
        tpu.yield
      }) : () -> ()
      %dma_start3A = arith.constant 0 : i32
      %dma_start3A_222 = arith.constant 0 : i32
      %dma_start3A_223 = tpu.memref_slice %arg2[%dma_start3A, %dma_start3A_222] : memref<10240x128xf32, #tpu.memory_space<hbm>> -> memref<10240x128xf32, #tpu.memory_space<hbm>>
      tpu.enqueue_indirect_dma source(%dma_start3A_223 : memref<10240x128xf32, #tpu.memory_space<hbm>>) target(%arg12 : memref<128x128xf32, #tpu.memory_space<vmem>>) offsets(%arg10 : memref<128xi32, #tpu.memory_space<vmem>>) semaphore(%arg13 : memref<!tpu.dma_semaphore, #tpu.memory_space<semaphore_mem>>)
      %dma_wait3A = arith.constant 0 : i32
      %dma_wait3A_224 = arith.constant 0 : i32
      %dma_wait3A_225 = tpu.memref_slice %arg2[%dma_wait3A, %dma_wait3A_224] : memref<10240x128xf32, #tpu.memory_space<hbm>> -> memref<10240x128xf32, #tpu.memory_space<hbm>>
      tpu.wait_indirect_dma semaphore(%arg13 : memref<!tpu.dma_semaphore, #tpu.memory_space<semaphore_mem>>) src(%dma_wait3A_225 : memref<10240x128xf32, #tpu.memory_space<hbm>>) dst(%arg12 : memref<128x128xf32, #tpu.memory_space<vmem>>)
      "tpu.region"() ({
        %run_scoped3A_226 = tpu.sem_alloc : memref<!tpu.dma_semaphore, #tpu.memory_space<semaphore_mem>>
        %dma_start3A_227 = arith.constant 0 : i32
        %dma_start3A_228 = arith.constant 0 : i32
        %dma_start3A_229 = tpu.memref_slice %arg9[%dma_start3A_227, %dma_start3A_228] : memref<10240x128xf32, #tpu.memory_space<vmem_shared>> -> memref<10240x128xf32, #tpu.memory_space<vmem_shared>>
        tpu.enqueue_indirect_dma source(%arg12 : memref<128x128xf32, #tpu.memory_space<vmem>>) target(%dma_start3A_229 : memref<10240x128xf32, #tpu.memory_space<vmem_shared>>) offsets(%arg11 : memref<128xi32, #tpu.memory_space<vmem>>) semaphore(%run_scoped3A_226 : memref<!tpu.dma_semaphore, #tpu.memory_space<semaphore_mem>>) {add = true}
        %dma_wait3A_230 = arith.constant 0 : i32
        %dma_wait3A_231 = arith.constant 0 : i32
        %dma_wait3A_232 = tpu.memref_slice %arg9[%dma_wait3A_230, %dma_wait3A_231] : memref<10240x128xf32, #tpu.memory_space<vmem_shared>> -> memref<10240x128xf32, #tpu.memory_space<vmem_shared>>
        tpu.wait_indirect_dma semaphore(%run_scoped3A_226 : memref<!tpu.dma_semaphore, #tpu.memory_space<semaphore_mem>>) src(%arg12 : memref<128x128xf32, #tpu.memory_space<vmem>>) dst(%dma_wait3A_232 : memref<10240x128xf32, #tpu.memory_space<vmem_shared>>)
        tpu.yield
      }) : () -> ()
    }
    %scan3A_27 = arith.constant 79 : i32
    %barrier3A_28 = arith.constant 0 : index
    tpu.barrier barrier_id(%barrier3A_28)
    %add3A_29 = arith.constant 0 : i32
    %add3A_30 = arith.addi %multiple_of3A, %add3A_29 : i32
    "tpu.region"() ({
      %run_scoped3A_215 = tpu.sem_alloc : memref<!tpu.dma_semaphore, #tpu.memory_space<semaphore_mem>>
      %dma_start3A = arith.constant 0 : i32
      %dma_start3A_216 = tpu.memref_slice %arg9[%add3A_30, %dma_start3A] : memref<10240x128xf32, #tpu.memory_space<vmem_shared>> -> memref<128x128xf32, #tpu.memory_space<vmem_shared>>
      %dma_start3A_217 = arith.constant 0 : i32
      %dma_start3A_218 = tpu.memref_slice %arg9[%add3A_30, %dma_start3A_217] : memref<10240x128xf32, #tpu.memory_space<vmem_shared>> -> memref<128x128xf32, #tpu.memory_space<vmem_shared>>
      tpu.enqueue_dma source(%dma_start3A_218 : memref<128x128xf32, #tpu.memory_space<vmem_shared>>) target(%arg12 : memref<128x128xf32, #tpu.memory_space<vmem>>) target_semaphore(%run_scoped3A_215 : memref<!tpu.dma_semaphore, #tpu.memory_space<semaphore_mem>>)
      %dma_wait3A = arith.constant 0 : i32
      %dma_wait3A_219 = tpu.memref_slice %arg9[%add3A_30, %dma_wait3A] : memref<10240x128xf32, #tpu.memory_space<vmem_shared>> -> memref<128x128xf32, #tpu.memory_space<vmem_shared>>
      %dma_wait3A_220 = arith.constant 0 : i32
      %dma_wait3A_221 = tpu.memref_slice %arg9[%add3A_30, %dma_wait3A_220] : memref<10240x128xf32, #tpu.memory_space<vmem_shared>> -> memref<128x128xf32, #tpu.memory_space<vmem_shared>>
      tpu.wait_dma2 semaphore(%run_scoped3A_215 : memref<!tpu.dma_semaphore, #tpu.memory_space<semaphore_mem>>) src(%dma_wait3A_221 : memref<128x128xf32, #tpu.memory_space<vmem_shared>>) dst(%arg12 : memref<128x128xf32, #tpu.memory_space<vmem>>)
      tpu.yield
    }) : () -> ()
    %add3A_31 = arith.constant 0 : i32
    %add3A_32 = arith.addi %multiple_of3A, %add3A_31 : i32
    %run_scoped3A = arith.constant 0 : i32
    "tpu.region"() ({
      %run_scoped3A_215 = tpu.sem_alloc : memref<!tpu.dma_semaphore, #tpu.memory_space<semaphore_mem>>
      %dma_start3A = arith.constant 0 : i32
      %dma_start3A_216 = tpu.memref_slice %arg8[%arg0, %run_scoped3A, %add3A_32, %dma_start3A] : memref<2x4x10240x128xf32, #tpu.memory_space<hbm>> -> memref<1x1x128x128xf32, #tpu.memory_space<hbm>>
      %dma_start3A_217 = tpu.memref_squeeze %dma_start3A_216 : memref<1x1x128x128xf32, #tpu.memory_space<hbm>> -> memref<128x128xf32, #tpu.memory_space<hbm>>
      %dma_start3A_218 = arith.constant 0 : i32
      %dma_start3A_219 = tpu.memref_slice %arg8[%arg0, %run_scoped3A, %add3A_32, %dma_start3A_218] : memref<2x4x10240x128xf32, #tpu.memory_space<hbm>> -> memref<1x1x128x128xf32, #tpu.memory_space<hbm>>
      %dma_start3A_220 = tpu.memref_squeeze %dma_start3A_219 : memref<1x1x128x128xf32, #tpu.memory_space<hbm>> -> memref<128x128xf32, #tpu.memory_space<hbm>>
      tpu.enqueue_dma source(%arg12 : memref<128x128xf32, #tpu.memory_space<vmem>>) target(%dma_start3A_220 : memref<128x128xf32, #tpu.memory_space<hbm>>) target_semaphore(%run_scoped3A_215 : memref<!tpu.dma_semaphore, #tpu.memory_space<semaphore_mem>>)
      %dma_wait3A = arith.constant 0 : i32
      %dma_wait3A_221 = tpu.memref_slice %arg8[%arg0, %run_scoped3A, %add3A_32, %dma_wait3A] : memref<2x4x10240x128xf32, #tpu.memory_space<hbm>> -> memref<1x1x128x128xf32, #tpu.memory_space<hbm>>
      %dma_wait3A_222 = tpu.memref_squeeze %dma_wait3A_221 : memref<1x1x128x128xf32, #tpu.memory_space<hbm>> -> memref<128x128xf32, #tpu.memory_space<hbm>>
      %dma_wait3A_223 = arith.constant 0 : i32
      %dma_wait3A_224 = tpu.memref_slice %arg8[%arg0, %run_scoped3A, %add3A_32, %dma_wait3A_223] : memref<2x4x10240x128xf32, #tpu.memory_space<hbm>> -> memref<1x1x128x128xf32, #tpu.memory_space<hbm>>
      %dma_wait3A_225 = tpu.memref_squeeze %dma_wait3A_224 : memref<1x1x128x128xf32, #tpu.memory_space<hbm>> -> memref<128x128xf32, #tpu.memory_space<hbm>>
      tpu.wait_dma2 semaphore(%run_scoped3A_215 : memref<!tpu.dma_semaphore, #tpu.memory_space<semaphore_mem>>) src(%arg12 : memref<128x128xf32, #tpu.memory_space<vmem>>) dst(%dma_wait3A_225 : memref<128x128xf32, #tpu.memory_space<hbm>>)
      tpu.yield
    }) : () -> ()
    %add3A_33 = arith.constant 128 : i32
    %add3A_34 = arith.addi %multiple_of3A, %add3A_33 : i32
    "tpu.region"() ({
      %run_scoped3A_215 = tpu.sem_alloc : memref<!tpu.dma_semaphore, #tpu.memory_space<semaphore_mem>>
      %dma_start3A = arith.constant 0 : i32
      %dma_start3A_216 = tpu.memref_slice %arg9[%add3A_34, %dma_start3A] : memref<10240x128xf32, #tpu.memory_space<vmem_shared>> -> memref<128x128xf32, #tpu.memory_space<vmem_shared>>
      %dma_start3A_217 = arith.constant 0 : i32
      %dma_start3A_218 = tpu.memref_slice %arg9[%add3A_34, %dma_start3A_217] : memref<10240x128xf32, #tpu.memory_space<vmem_shared>> -> memref<128x128xf32, #tpu.memory_space<vmem_shared>>
      tpu.enqueue_dma source(%dma_start3A_218 : memref<128x128xf32, #tpu.memory_space<vmem_shared>>) target(%arg12 : memref<128x128xf32, #tpu.memory_space<vmem>>) target_semaphore(%run_scoped3A_215 : memref<!tpu.dma_semaphore, #tpu.memory_space<semaphore_mem>>)
      %dma_wait3A = arith.constant 0 : i32
      %dma_wait3A_219 = tpu.memref_slice %arg9[%add3A_34, %dma_wait3A] : memref<10240x128xf32, #tpu.memory_space<vmem_shared>> -> memref<128x128xf32, #tpu.memory_space<vmem_shared>>
      %dma_wait3A_220 = arith.constant 0 : i32
      %dma_wait3A_221 = tpu.memref_slice %arg9[%add3A_34, %dma_wait3A_220] : memref<10240x128xf32, #tpu.memory_space<vmem_shared>> -> memref<128x128xf32, #tpu.memory_space<vmem_shared>>
      tpu.wait_dma2 semaphore(%run_scoped3A_215 : memref<!tpu.dma_semaphore, #tpu.memory_space<semaphore_mem>>) src(%dma_wait3A_221 : memref<128x128xf32, #tpu.memory_space<vmem_shared>>) dst(%arg12 : memref<128x128xf32, #tpu.memory_space<vmem>>)
      tpu.yield
    }) : () -> ()
    %add3A_35 = arith.constant 128 : i32
    %add3A_36 = arith.addi %multiple_of3A, %add3A_35 : i32
    %run_scoped3A_37 = arith.constant 0 : i32
    "tpu.region"() ({
      %run_scoped3A_215 = tpu.sem_alloc : memref<!tpu.dma_semaphore, #tpu.memory_space<semaphore_mem>>
      %dma_start3A = arith.constant 0 : i32
      %dma_start3A_216 = tpu.memref_slice %arg8[%arg0, %run_scoped3A_37, %add3A_36, %dma_start3A] : memref<2x4x10240x128xf32, #tpu.memory_space<hbm>> -> memref<1x1x128x128xf32, #tpu.memory_space<hbm>>
      %dma_start3A_217 = tpu.memref_squeeze %dma_start3A_216 : memref<1x1x128x128xf32, #tpu.memory_space<hbm>> -> memref<128x128xf32, #tpu.memory_space<hbm>>
      %dma_start3A_218 = arith.constant 0 : i32
      %dma_start3A_219 = tpu.memref_slice %arg8[%arg0, %run_scoped3A_37, %add3A_36, %dma_start3A_218] : memref<2x4x10240x128xf32, #tpu.memory_space<hbm>> -> memref<1x1x128x128xf32, #tpu.memory_space<hbm>>
      %dma_start3A_220 = tpu.memref_squeeze %dma_start3A_219 : memref<1x1x128x128xf32, #tpu.memory_space<hbm>> -> memref<128x128xf32, #tpu.memory_space<hbm>>
      tpu.enqueue_dma source(%arg12 : memref<128x128xf32, #tpu.memory_space<vmem>>) target(%dma_start3A_220 : memref<128x128xf32, #tpu.memory_space<hbm>>) target_semaphore(%run_scoped3A_215 : memref<!tpu.dma_semaphore, #tpu.memory_space<semaphore_mem>>)
      %dma_wait3A = arith.constant 0 : i32
      %dma_wait3A_221 = tpu.memref_slice %arg8[%arg0, %run_scoped3A_37, %add3A_36, %dma_wait3A] : memref<2x4x10240x128xf32, #tpu.memory_space<hbm>> -> memref<1x1x128x128xf32, #tpu.memory_space<hbm>>
      %dma_wait3A_222 = tpu.memref_squeeze %dma_wait3A_221 : memref<1x1x128x128xf32, #tpu.memory_space<hbm>> -> memref<128x128xf32, #tpu.memory_space<hbm>>
      %dma_wait3A_223 = arith.constant 0 : i32
      %dma_wait3A_224 = tpu.memref_slice %arg8[%arg0, %run_scoped3A_37, %add3A_36, %dma_wait3A_223] : memref<2x4x10240x128xf32, #tpu.memory_space<hbm>> -> memref<1x1x128x128xf32, #tpu.memory_space<hbm>>
      %dma_wait3A_225 = tpu.memref_squeeze %dma_wait3A_224 : memref<1x1x128x128xf32, #tpu.memory_space<hbm>> -> memref<128x128xf32, #tpu.memory_space<hbm>>
      tpu.wait_dma2 semaphore(%run_scoped3A_215 : memref<!tpu.dma_semaphore, #tpu.memory_space<semaphore_mem>>) src(%arg12 : memref<128x128xf32, #tpu.memory_space<vmem>>) dst(%dma_wait3A_225 : memref<128x128xf32, #tpu.memory_space<hbm>>)
      tpu.yield
    }) : () -> ()
    %add3A_38 = arith.constant 256 : i32
    %add3A_39 = arith.addi %multiple_of3A, %add3A_38 : i32
    "tpu.region"() ({
      %run_scoped3A_215 = tpu.sem_alloc : memref<!tpu.dma_semaphore, #tpu.memory_space<semaphore_mem>>
      %dma_start3A = arith.constant 0 : i32
      %dma_start3A_216 = tpu.memref_slice %arg9[%add3A_39, %dma_start3A] : memref<10240x128xf32, #tpu.memory_space<vmem_shared>> -> memref<128x128xf32, #tpu.memory_space<vmem_shared>>
      %dma_start3A_217 = arith.constant 0 : i32
      %dma_start3A_218 = tpu.memref_slice %arg9[%add3A_39, %dma_start3A_217] : memref<10240x128xf32, #tpu.memory_space<vmem_shared>> -> memref<128x128xf32, #tpu.memory_space<vmem_shared>>
      tpu.enqueue_dma source(%dma_start3A_218 : memref<128x128xf32, #tpu.memory_space<vmem_shared>>) target(%arg12 : memref<128x128xf32, #tpu.memory_space<vmem>>) target_semaphore(%run_scoped3A_215 : memref<!tpu.dma_semaphore, #tpu.memory_space<semaphore_mem>>)
      %dma_wait3A = arith.constant 0 : i32
      %dma_wait3A_219 = tpu.memref_slice %arg9[%add3A_39, %dma_wait3A] : memref<10240x128xf32, #tpu.memory_space<vmem_shared>> -> memref<128x128xf32, #tpu.memory_space<vmem_shared>>
      %dma_wait3A_220 = arith.constant 0 : i32
      %dma_wait3A_221 = tpu.memref_slice %arg9[%add3A_39, %dma_wait3A_220] : memref<10240x128xf32, #tpu.memory_space<vmem_shared>> -> memref<128x128xf32, #tpu.memory_space<vmem_shared>>
      tpu.wait_dma2 semaphore(%run_scoped3A_215 : memref<!tpu.dma_semaphore, #tpu.memory_space<semaphore_mem>>) src(%dma_wait3A_221 : memref<128x128xf32, #tpu.memory_space<vmem_shared>>) dst(%arg12 : memref<128x128xf32, #tpu.memory_space<vmem>>)
      tpu.yield
    }) : () -> ()
    %add3A_40 = arith.constant 256 : i32
    %add3A_41 = arith.addi %multiple_of3A, %add3A_40 : i32
    %run_scoped3A_42 = arith.constant 0 : i32
    "tpu.region"() ({
      %run_scoped3A_215 = tpu.sem_alloc : memref<!tpu.dma_semaphore, #tpu.memory_space<semaphore_mem>>
      %dma_start3A = arith.constant 0 : i32
      %dma_start3A_216 = tpu.memref_slice %arg8[%arg0, %run_scoped3A_42, %add3A_41, %dma_start3A] : memref<2x4x10240x128xf32, #tpu.memory_space<hbm>> -> memref<1x1x128x128xf32, #tpu.memory_space<hbm>>
      %dma_start3A_217 = tpu.memref_squeeze %dma_start3A_216 : memref<1x1x128x128xf32, #tpu.memory_space<hbm>> -> memref<128x128xf32, #tpu.memory_space<hbm>>
      %dma_start3A_218 = arith.constant 0 : i32
      %dma_start3A_219 = tpu.memref_slice %arg8[%arg0, %run_scoped3A_42, %add3A_41, %dma_start3A_218] : memref<2x4x10240x128xf32, #tpu.memory_space<hbm>> -> memref<1x1x128x128xf32, #tpu.memory_space<hbm>>
      %dma_start3A_220 = tpu.memref_squeeze %dma_start3A_219 : memref<1x1x128x128xf32, #tpu.memory_space<hbm>> -> memref<128x128xf32, #tpu.memory_space<hbm>>
      tpu.enqueue_dma source(%arg12 : memref<128x128xf32, #tpu.memory_space<vmem>>) target(%dma_start3A_220 : memref<128x128xf32, #tpu.memory_space<hbm>>) target_semaphore(%run_scoped3A_215 : memref<!tpu.dma_semaphore, #tpu.memory_space<semaphore_mem>>)
      %dma_wait3A = arith.constant 0 : i32
      %dma_wait3A_221 = tpu.memref_slice %arg8[%arg0, %run_scoped3A_42, %add3A_41, %dma_wait3A] : memref<2x4x10240x128xf32, #tpu.memory_space<hbm>> -> memref<1x1x128x128xf32, #tpu.memory_space<hbm>>
      %dma_wait3A_222 = tpu.memref_squeeze %dma_wait3A_221 : memref<1x1x128x128xf32, #tpu.memory_space<hbm>> -> memref<128x128xf32, #tpu.memory_space<hbm>>
      %dma_wait3A_223 = arith.constant 0 : i32
      %dma_wait3A_224 = tpu.memref_slice %arg8[%arg0, %run_scoped3A_42, %add3A_41, %dma_wait3A_223] : memref<2x4x10240x128xf32, #tpu.memory_space<hbm>> -> memref<1x1x128x128xf32, #tpu.memory_space<hbm>>
      %dma_wait3A_225 = tpu.memref_squeeze %dma_wait3A_224 : memref<1x1x128x128xf32, #tpu.memory_space<hbm>> -> memref<128x128xf32, #tpu.memory_space<hbm>>
      tpu.wait_dma2 semaphore(%run_scoped3A_215 : memref<!tpu.dma_semaphore, #tpu.memory_space<semaphore_mem>>) src(%arg12 : memref<128x128xf32, #tpu.memory_space<vmem>>) dst(%dma_wait3A_225 : memref<128x128xf32, #tpu.memory_space<hbm>>)
      tpu.yield
    }) : () -> ()
    %add3A_43 = arith.constant 384 : i32
    %add3A_44 = arith.addi %multiple_of3A, %add3A_43 : i32
    "tpu.region"() ({
      %run_scoped3A_215 = tpu.sem_alloc : memref<!tpu.dma_semaphore, #tpu.memory_space<semaphore_mem>>
      %dma_start3A = arith.constant 0 : i32
      %dma_start3A_216 = tpu.memref_slice %arg9[%add3A_44, %dma_start3A] : memref<10240x128xf32, #tpu.memory_space<vmem_shared>> -> memref<128x128xf32, #tpu.memory_space<vmem_shared>>
      %dma_start3A_217 = arith.constant 0 : i32
      %dma_start3A_218 = tpu.memref_slice %arg9[%add3A_44, %dma_start3A_217] : memref<10240x128xf32, #tpu.memory_space<vmem_shared>> -> memref<128x128xf32, #tpu.memory_space<vmem_shared>>
      tpu.enqueue_dma source(%dma_start3A_218 : memref<128x128xf32, #tpu.memory_space<vmem_shared>>) target(%arg12 : memref<128x128xf32, #tpu.memory_space<vmem>>) target_semaphore(%run_scoped3A_215 : memref<!tpu.dma_semaphore, #tpu.memory_space<semaphore_mem>>)
      %dma_wait3A = arith.constant 0 : i32
      %dma_wait3A_219 = tpu.memref_slice %arg9[%add3A_44, %dma_wait3A] : memref<10240x128xf32, #tpu.memory_space<vmem_shared>> -> memref<128x128xf32, #tpu.memory_space<vmem_shared>>
      %dma_wait3A_220 = arith.constant 0 : i32
      %dma_wait3A_221 = tpu.memref_slice %arg9[%add3A_44, %dma_wait3A_220] : memref<10240x128xf32, #tpu.memory_space<vmem_shared>> -> memref<128x128xf32, #tpu.memory_space<vmem_shared>>
      tpu.wait_dma2 semaphore(%run_scoped3A_215 : memref<!tpu.dma_semaphore, #tpu.memory_space<semaphore_mem>>) src(%dma_wait3A_221 : memref<128x128xf32, #tpu.memory_space<vmem_shared>>) dst(%arg12 : memref<128x128xf32, #tpu.memory_space<vmem>>)
      tpu.yield
    }) : () -> ()
    %add3A_45 = arith.constant 384 : i32
    %add3A_46 = arith.addi %multiple_of3A, %add3A_45 : i32
    %run_scoped3A_47 = arith.constant 0 : i32
    "tpu.region"() ({
      %run_scoped3A_215 = tpu.sem_alloc : memref<!tpu.dma_semaphore, #tpu.memory_space<semaphore_mem>>
      %dma_start3A = arith.constant 0 : i32
      %dma_start3A_216 = tpu.memref_slice %arg8[%arg0, %run_scoped3A_47, %add3A_46, %dma_start3A] : memref<2x4x10240x128xf32, #tpu.memory_space<hbm>> -> memref<1x1x128x128xf32, #tpu.memory_space<hbm>>
      %dma_start3A_217 = tpu.memref_squeeze %dma_start3A_216 : memref<1x1x128x128xf32, #tpu.memory_space<hbm>> -> memref<128x128xf32, #tpu.memory_space<hbm>>
      %dma_start3A_218 = arith.constant 0 : i32
      %dma_start3A_219 = tpu.memref_slice %arg8[%arg0, %run_scoped3A_47, %add3A_46, %dma_start3A_218] : memref<2x4x10240x128xf32, #tpu.memory_space<hbm>> -> memref<1x1x128x128xf32, #tpu.memory_space<hbm>>
      %dma_start3A_220 = tpu.memref_squeeze %dma_start3A_219 : memref<1x1x128x128xf32, #tpu.memory_space<hbm>> -> memref<128x128xf32, #tpu.memory_space<hbm>>
      tpu.enqueue_dma source(%arg12 : memref<128x128xf32, #tpu.memory_space<vmem>>) target(%dma_start3A_220 : memref<128x128xf32, #tpu.memory_space<hbm>>) target_semaphore(%run_scoped3A_215 : memref<!tpu.dma_semaphore, #tpu.memory_space<semaphore_mem>>)
      %dma_wait3A = arith.constant 0 : i32
      %dma_wait3A_221 = tpu.memref_slice %arg8[%arg0, %run_scoped3A_47, %add3A_46, %dma_wait3A] : memref<2x4x10240x128xf32, #tpu.memory_space<hbm>> -> memref<1x1x128x128xf32, #tpu.memory_space<hbm>>
      %dma_wait3A_222 = tpu.memref_squeeze %dma_wait3A_221 : memref<1x1x128x128xf32, #tpu.memory_space<hbm>> -> memref<128x128xf32, #tpu.memory_space<hbm>>
      %dma_wait3A_223 = arith.constant 0 : i32
      %dma_wait3A_224 = tpu.memref_slice %arg8[%arg0, %run_scoped3A_47, %add3A_46, %dma_wait3A_223] : memref<2x4x10240x128xf32, #tpu.memory_space<hbm>> -> memref<1x1x128x128xf32, #tpu.memory_space<hbm>>
      %dma_wait3A_225 = tpu.memref_squeeze %dma_wait3A_224 : memref<1x1x128x128xf32, #tpu.memory_space<hbm>> -> memref<128x128xf32, #tpu.memory_space<hbm>>
      tpu.wait_dma2 semaphore(%run_scoped3A_215 : memref<!tpu.dma_semaphore, #tpu.memory_space<semaphore_mem>>) src(%arg12 : memref<128x128xf32, #tpu.memory_space<vmem>>) dst(%dma_wait3A_225 : memref<128x128xf32, #tpu.memory_space<hbm>>)
      tpu.yield
    }) : () -> ()
    %add3A_48 = arith.constant 512 : i32
    %add3A_49 = arith.addi %multiple_of3A, %add3A_48 : i32
    "tpu.region"() ({
      %run_scoped3A_215 = tpu.sem_alloc : memref<!tpu.dma_semaphore, #tpu.memory_space<semaphore_mem>>
      %dma_start3A = arith.constant 0 : i32
      %dma_start3A_216 = tpu.memref_slice %arg9[%add3A_49, %dma_start3A] : memref<10240x128xf32, #tpu.memory_space<vmem_shared>> -> memref<128x128xf32, #tpu.memory_space<vmem_shared>>
      %dma_start3A_217 = arith.constant 0 : i32
      %dma_start3A_218 = tpu.memref_slice %arg9[%add3A_49, %dma_start3A_217] : memref<10240x128xf32, #tpu.memory_space<vmem_shared>> -> memref<128x128xf32, #tpu.memory_space<vmem_shared>>
      tpu.enqueue_dma source(%dma_start3A_218 : memref<128x128xf32, #tpu.memory_space<vmem_shared>>) target(%arg12 : memref<128x128xf32, #tpu.memory_space<vmem>>) target_semaphore(%run_scoped3A_215 : memref<!tpu.dma_semaphore, #tpu.memory_space<semaphore_mem>>)
      %dma_wait3A = arith.constant 0 : i32
      %dma_wait3A_219 = tpu.memref_slice %arg9[%add3A_49, %dma_wait3A] : memref<10240x128xf32, #tpu.memory_space<vmem_shared>> -> memref<128x128xf32, #tpu.memory_space<vmem_shared>>
      %dma_wait3A_220 = arith.constant 0 : i32
      %dma_wait3A_221 = tpu.memref_slice %arg9[%add3A_49, %dma_wait3A_220] : memref<10240x128xf32, #tpu.memory_space<vmem_shared>> -> memref<128x128xf32, #tpu.memory_space<vmem_shared>>
      tpu.wait_dma2 semaphore(%run_scoped3A_215 : memref<!tpu.dma_semaphore, #tpu.memory_space<semaphore_mem>>) src(%dma_wait3A_221 : memref<128x128xf32, #tpu.memory_space<vmem_shared>>) dst(%arg12 : memref<128x128xf32, #tpu.memory_space<vmem>>)
      tpu.yield
    }) : () -> ()
    %add3A_50 = arith.constant 512 : i32
    %add3A_51 = arith.addi %multiple_of3A, %add3A_50 : i32
    %run_scoped3A_52 = arith.constant 0 : i32
    "tpu.region"() ({
      %run_scoped3A_215 = tpu.sem_alloc : memref<!tpu.dma_semaphore, #tpu.memory_space<semaphore_mem>>
      %dma_start3A = arith.constant 0 : i32
      %dma_start3A_216 = tpu.memref_slice %arg8[%arg0, %run_scoped3A_52, %add3A_51, %dma_start3A] : memref<2x4x10240x128xf32, #tpu.memory_space<hbm>> -> memref<1x1x128x128xf32, #tpu.memory_space<hbm>>
      %dma_start3A_217 = tpu.memref_squeeze %dma_start3A_216 : memref<1x1x128x128xf32, #tpu.memory_space<hbm>> -> memref<128x128xf32, #tpu.memory_space<hbm>>
      %dma_start3A_218 = arith.constant 0 : i32
      %dma_start3A_219 = tpu.memref_slice %arg8[%arg0, %run_scoped3A_52, %add3A_51, %dma_start3A_218] : memref<2x4x10240x128xf32, #tpu.memory_space<hbm>> -> memref<1x1x128x128xf32, #tpu.memory_space<hbm>>
      %dma_start3A_220 = tpu.memref_squeeze %dma_start3A_219 : memref<1x1x128x128xf32, #tpu.memory_space<hbm>> -> memref<128x128xf32, #tpu.memory_space<hbm>>
      tpu.enqueue_dma source(%arg12 : memref<128x128xf32, #tpu.memory_space<vmem>>) target(%dma_start3A_220 : memref<128x128xf32, #tpu.memory_space<hbm>>) target_semaphore(%run_scoped3A_215 : memref<!tpu.dma_semaphore, #tpu.memory_space<semaphore_mem>>)
      %dma_wait3A = arith.constant 0 : i32
      %dma_wait3A_221 = tpu.memref_slice %arg8[%arg0, %run_scoped3A_52, %add3A_51, %dma_wait3A] : memref<2x4x10240x128xf32, #tpu.memory_space<hbm>> -> memref<1x1x128x128xf32, #tpu.memory_space<hbm>>
      %dma_wait3A_222 = tpu.memref_squeeze %dma_wait3A_221 : memref<1x1x128x128xf32, #tpu.memory_space<hbm>> -> memref<128x128xf32, #tpu.memory_space<hbm>>
      %dma_wait3A_223 = arith.constant 0 : i32
      %dma_wait3A_224 = tpu.memref_slice %arg8[%arg0, %run_scoped3A_52, %add3A_51, %dma_wait3A_223] : memref<2x4x10240x128xf32, #tpu.memory_space<hbm>> -> memref<1x1x128x128xf32, #tpu.memory_space<hbm>>
      %dma_wait3A_225 = tpu.memref_squeeze %dma_wait3A_224 : memref<1x1x128x128xf32, #tpu.memory_space<hbm>> -> memref<128x128xf32, #tpu.memory_space<hbm>>
      tpu.wait_dma2 semaphore(%run_scoped3A_215 : memref<!tpu.dma_semaphore, #tpu.memory_space<semaphore_mem>>) src(%arg12 : memref<128x128xf32, #tpu.memory_space<vmem>>) dst(%dma_wait3A_225 : memref<128x128xf32, #tpu.memory_space<hbm>>)
      tpu.yield
    }) : () -> ()
    %barrier3A_53 = arith.constant 0 : index
    tpu.barrier barrier_id(%barrier3A_53)
    %add3A_54 = arith.constant 0 : i32
    %add3A_55 = arith.addi %multiple_of3A, %add3A_54 : i32
    "tpu.region"() ({
      %run_scoped3A_215 = tpu.sem_alloc : memref<!tpu.dma_semaphore, #tpu.memory_space<semaphore_mem>>
      %dma_start3A = arith.constant 0 : i32
      %dma_start3A_216 = tpu.memref_slice %arg3[%add3A_55, %dma_start3A] : memref<10240x128xf32, #tpu.memory_space<hbm>> -> memref<128x128xf32, #tpu.memory_space<hbm>>
      %dma_start3A_217 = arith.constant 0 : i32
      %dma_start3A_218 = tpu.memref_slice %arg3[%add3A_55, %dma_start3A_217] : memref<10240x128xf32, #tpu.memory_space<hbm>> -> memref<128x128xf32, #tpu.memory_space<hbm>>
      tpu.enqueue_dma source(%dma_start3A_218 : memref<128x128xf32, #tpu.memory_space<hbm>>) target(%arg12 : memref<128x128xf32, #tpu.memory_space<vmem>>) target_semaphore(%run_scoped3A_215 : memref<!tpu.dma_semaphore, #tpu.memory_space<semaphore_mem>>)
      %dma_wait3A = arith.constant 0 : i32
      %dma_wait3A_219 = tpu.memref_slice %arg3[%add3A_55, %dma_wait3A] : memref<10240x128xf32, #tpu.memory_space<hbm>> -> memref<128x128xf32, #tpu.memory_space<hbm>>
      %dma_wait3A_220 = arith.constant 0 : i32
      %dma_wait3A_221 = tpu.memref_slice %arg3[%add3A_55, %dma_wait3A_220] : memref<10240x128xf32, #tpu.memory_space<hbm>> -> memref<128x128xf32, #tpu.memory_space<hbm>>
      tpu.wait_dma2 semaphore(%run_scoped3A_215 : memref<!tpu.dma_semaphore, #tpu.memory_space<semaphore_mem>>) src(%dma_wait3A_221 : memref<128x128xf32, #tpu.memory_space<hbm>>) dst(%arg12 : memref<128x128xf32, #tpu.memory_space<vmem>>)
      tpu.yield
    }) : () -> ()
    %add3A_56 = arith.constant 0 : i32
    %add3A_57 = arith.addi %multiple_of3A, %add3A_56 : i32
    "tpu.region"() ({
      %run_scoped3A_215 = tpu.sem_alloc : memref<!tpu.dma_semaphore, #tpu.memory_space<semaphore_mem>>
      %dma_start3A = arith.constant 0 : i32
      %dma_start3A_216 = tpu.memref_slice %arg9[%add3A_57, %dma_start3A] : memref<10240x128xf32, #tpu.memory_space<vmem_shared>> -> memref<128x128xf32, #tpu.memory_space<vmem_shared>>
      %dma_start3A_217 = arith.constant 0 : i32
      %dma_start3A_218 = tpu.memref_slice %arg9[%add3A_57, %dma_start3A_217] : memref<10240x128xf32, #tpu.memory_space<vmem_shared>> -> memref<128x128xf32, #tpu.memory_space<vmem_shared>>
      tpu.enqueue_dma source(%arg12 : memref<128x128xf32, #tpu.memory_space<vmem>>) target(%dma_start3A_218 : memref<128x128xf32, #tpu.memory_space<vmem_shared>>) target_semaphore(%run_scoped3A_215 : memref<!tpu.dma_semaphore, #tpu.memory_space<semaphore_mem>>)
      %dma_wait3A = arith.constant 0 : i32
      %dma_wait3A_219 = tpu.memref_slice %arg9[%add3A_57, %dma_wait3A] : memref<10240x128xf32, #tpu.memory_space<vmem_shared>> -> memref<128x128xf32, #tpu.memory_space<vmem_shared>>
      %dma_wait3A_220 = arith.constant 0 : i32
      %dma_wait3A_221 = tpu.memref_slice %arg9[%add3A_57, %dma_wait3A_220] : memref<10240x128xf32, #tpu.memory_space<vmem_shared>> -> memref<128x128xf32, #tpu.memory_space<vmem_shared>>
      tpu.wait_dma2 semaphore(%run_scoped3A_215 : memref<!tpu.dma_semaphore, #tpu.memory_space<semaphore_mem>>) src(%arg12 : memref<128x128xf32, #tpu.memory_space<vmem>>) dst(%dma_wait3A_221 : memref<128x128xf32, #tpu.memory_space<vmem_shared>>)
      tpu.yield
    }) : () -> ()
    %add3A_58 = arith.constant 128 : i32
    %add3A_59 = arith.addi %multiple_of3A, %add3A_58 : i32
    "tpu.region"() ({
      %run_scoped3A_215 = tpu.sem_alloc : memref<!tpu.dma_semaphore, #tpu.memory_space<semaphore_mem>>
      %dma_start3A = arith.constant 0 : i32
      %dma_start3A_216 = tpu.memref_slice %arg3[%add3A_59, %dma_start3A] : memref<10240x128xf32, #tpu.memory_space<hbm>> -> memref<128x128xf32, #tpu.memory_space<hbm>>
      %dma_start3A_217 = arith.constant 0 : i32
      %dma_start3A_218 = tpu.memref_slice %arg3[%add3A_59, %dma_start3A_217] : memref<10240x128xf32, #tpu.memory_space<hbm>> -> memref<128x128xf32, #tpu.memory_space<hbm>>
      tpu.enqueue_dma source(%dma_start3A_218 : memref<128x128xf32, #tpu.memory_space<hbm>>) target(%arg12 : memref<128x128xf32, #tpu.memory_space<vmem>>) target_semaphore(%run_scoped3A_215 : memref<!tpu.dma_semaphore, #tpu.memory_space<semaphore_mem>>)
      %dma_wait3A = arith.constant 0 : i32
      %dma_wait3A_219 = tpu.memref_slice %arg3[%add3A_59, %dma_wait3A] : memref<10240x128xf32, #tpu.memory_space<hbm>> -> memref<128x128xf32, #tpu.memory_space<hbm>>
      %dma_wait3A_220 = arith.constant 0 : i32
      %dma_wait3A_221 = tpu.memref_slice %arg3[%add3A_59, %dma_wait3A_220] : memref<10240x128xf32, #tpu.memory_space<hbm>> -> memref<128x128xf32, #tpu.memory_space<hbm>>
      tpu.wait_dma2 semaphore(%run_scoped3A_215 : memref<!tpu.dma_semaphore, #tpu.memory_space<semaphore_mem>>) src(%dma_wait3A_221 : memref<128x128xf32, #tpu.memory_space<hbm>>) dst(%arg12 : memref<128x128xf32, #tpu.memory_space<vmem>>)
      tpu.yield
    }) : () -> ()
    %add3A_60 = arith.constant 128 : i32
    %add3A_61 = arith.addi %multiple_of3A, %add3A_60 : i32
    "tpu.region"() ({
      %run_scoped3A_215 = tpu.sem_alloc : memref<!tpu.dma_semaphore, #tpu.memory_space<semaphore_mem>>
      %dma_start3A = arith.constant 0 : i32
      %dma_start3A_216 = tpu.memref_slice %arg9[%add3A_61, %dma_start3A] : memref<10240x128xf32, #tpu.memory_space<vmem_shared>> -> memref<128x128xf32, #tpu.memory_space<vmem_shared>>
      %dma_start3A_217 = arith.constant 0 : i32
      %dma_start3A_218 = tpu.memref_slice %arg9[%add3A_61, %dma_start3A_217] : memref<10240x128xf32, #tpu.memory_space<vmem_shared>> -> memref<128x128xf32, #tpu.memory_space<vmem_shared>>
      tpu.enqueue_dma source(%arg12 : memref<128x128xf32, #tpu.memory_space<vmem>>) target(%dma_start3A_218 : memref<128x128xf32, #tpu.memory_space<vmem_shared>>) target_semaphore(%run_scoped3A_215 : memref<!tpu.dma_semaphore, #tpu.memory_space<semaphore_mem>>)
      %dma_wait3A = arith.constant 0 : i32
      %dma_wait3A_219 = tpu.memref_slice %arg9[%add3A_61, %dma_wait3A] : memref<10240x128xf32, #tpu.memory_space<vmem_shared>> -> memref<128x128xf32, #tpu.memory_space<vmem_shared>>
      %dma_wait3A_220 = arith.constant 0 : i32
      %dma_wait3A_221 = tpu.memref_slice %arg9[%add3A_61, %dma_wait3A_220] : memref<10240x128xf32, #tpu.memory_space<vmem_shared>> -> memref<128x128xf32, #tpu.memory_space<vmem_shared>>
      tpu.wait_dma2 semaphore(%run_scoped3A_215 : memref<!tpu.dma_semaphore, #tpu.memory_space<semaphore_mem>>) src(%arg12 : memref<128x128xf32, #tpu.memory_space<vmem>>) dst(%dma_wait3A_221 : memref<128x128xf32, #tpu.memory_space<vmem_shared>>)
      tpu.yield
    }) : () -> ()
    %add3A_62 = arith.constant 256 : i32
    %add3A_63 = arith.addi %multiple_of3A, %add3A_62 : i32
    "tpu.region"() ({
      %run_scoped3A_215 = tpu.sem_alloc : memref<!tpu.dma_semaphore, #tpu.memory_space<semaphore_mem>>
      %dma_start3A = arith.constant 0 : i32
      %dma_start3A_216 = tpu.memref_slice %arg3[%add3A_63, %dma_start3A] : memref<10240x128xf32, #tpu.memory_space<hbm>> -> memref<128x128xf32, #tpu.memory_space<hbm>>
      %dma_start3A_217 = arith.constant 0 : i32
      %dma_start3A_218 = tpu.memref_slice %arg3[%add3A_63, %dma_start3A_217] : memref<10240x128xf32, #tpu.memory_space<hbm>> -> memref<128x128xf32, #tpu.memory_space<hbm>>
      tpu.enqueue_dma source(%dma_start3A_218 : memref<128x128xf32, #tpu.memory_space<hbm>>) target(%arg12 : memref<128x128xf32, #tpu.memory_space<vmem>>) target_semaphore(%run_scoped3A_215 : memref<!tpu.dma_semaphore, #tpu.memory_space<semaphore_mem>>)
      %dma_wait3A = arith.constant 0 : i32
      %dma_wait3A_219 = tpu.memref_slice %arg3[%add3A_63, %dma_wait3A] : memref<10240x128xf32, #tpu.memory_space<hbm>> -> memref<128x128xf32, #tpu.memory_space<hbm>>
      %dma_wait3A_220 = arith.constant 0 : i32
      %dma_wait3A_221 = tpu.memref_slice %arg3[%add3A_63, %dma_wait3A_220] : memref<10240x128xf32, #tpu.memory_space<hbm>> -> memref<128x128xf32, #tpu.memory_space<hbm>>
      tpu.wait_dma2 semaphore(%run_scoped3A_215 : memref<!tpu.dma_semaphore, #tpu.memory_space<semaphore_mem>>) src(%dma_wait3A_221 : memref<128x128xf32, #tpu.memory_space<hbm>>) dst(%arg12 : memref<128x128xf32, #tpu.memory_space<vmem>>)
      tpu.yield
    }) : () -> ()
    %add3A_64 = arith.constant 256 : i32
    %add3A_65 = arith.addi %multiple_of3A, %add3A_64 : i32
    "tpu.region"() ({
      %run_scoped3A_215 = tpu.sem_alloc : memref<!tpu.dma_semaphore, #tpu.memory_space<semaphore_mem>>
      %dma_start3A = arith.constant 0 : i32
      %dma_start3A_216 = tpu.memref_slice %arg9[%add3A_65, %dma_start3A] : memref<10240x128xf32, #tpu.memory_space<vmem_shared>> -> memref<128x128xf32, #tpu.memory_space<vmem_shared>>
      %dma_start3A_217 = arith.constant 0 : i32
      %dma_start3A_218 = tpu.memref_slice %arg9[%add3A_65, %dma_start3A_217] : memref<10240x128xf32, #tpu.memory_space<vmem_shared>> -> memref<128x128xf32, #tpu.memory_space<vmem_shared>>
      tpu.enqueue_dma source(%arg12 : memref<128x128xf32, #tpu.memory_space<vmem>>) target(%dma_start3A_218 : memref<128x128xf32, #tpu.memory_space<vmem_shared>>) target_semaphore(%run_scoped3A_215 : memref<!tpu.dma_semaphore, #tpu.memory_space<semaphore_mem>>)
      %dma_wait3A = arith.constant 0 : i32
      %dma_wait3A_219 = tpu.memref_slice %arg9[%add3A_65, %dma_wait3A] : memref<10240x128xf32, #tpu.memory_space<vmem_shared>> -> memref<128x128xf32, #tpu.memory_space<vmem_shared>>
      %dma_wait3A_220 = arith.constant 0 : i32
      %dma_wait3A_221 = tpu.memref_slice %arg9[%add3A_65, %dma_wait3A_220] : memref<10240x128xf32, #tpu.memory_space<vmem_shared>> -> memref<128x128xf32, #tpu.memory_space<vmem_shared>>
      tpu.wait_dma2 semaphore(%run_scoped3A_215 : memref<!tpu.dma_semaphore, #tpu.memory_space<semaphore_mem>>) src(%arg12 : memref<128x128xf32, #tpu.memory_space<vmem>>) dst(%dma_wait3A_221 : memref<128x128xf32, #tpu.memory_space<vmem_shared>>)
      tpu.yield
    }) : () -> ()
    %add3A_66 = arith.constant 384 : i32
    %add3A_67 = arith.addi %multiple_of3A, %add3A_66 : i32
    "tpu.region"() ({
      %run_scoped3A_215 = tpu.sem_alloc : memref<!tpu.dma_semaphore, #tpu.memory_space<semaphore_mem>>
      %dma_start3A = arith.constant 0 : i32
      %dma_start3A_216 = tpu.memref_slice %arg3[%add3A_67, %dma_start3A] : memref<10240x128xf32, #tpu.memory_space<hbm>> -> memref<128x128xf32, #tpu.memory_space<hbm>>
      %dma_start3A_217 = arith.constant 0 : i32
      %dma_start3A_218 = tpu.memref_slice %arg3[%add3A_67, %dma_start3A_217] : memref<10240x128xf32, #tpu.memory_space<hbm>> -> memref<128x128xf32, #tpu.memory_space<hbm>>
      tpu.enqueue_dma source(%dma_start3A_218 : memref<128x128xf32, #tpu.memory_space<hbm>>) target(%arg12 : memref<128x128xf32, #tpu.memory_space<vmem>>) target_semaphore(%run_scoped3A_215 : memref<!tpu.dma_semaphore, #tpu.memory_space<semaphore_mem>>)
      %dma_wait3A = arith.constant 0 : i32
      %dma_wait3A_219 = tpu.memref_slice %arg3[%add3A_67, %dma_wait3A] : memref<10240x128xf32, #tpu.memory_space<hbm>> -> memref<128x128xf32, #tpu.memory_space<hbm>>
      %dma_wait3A_220 = arith.constant 0 : i32
      %dma_wait3A_221 = tpu.memref_slice %arg3[%add3A_67, %dma_wait3A_220] : memref<10240x128xf32, #tpu.memory_space<hbm>> -> memref<128x128xf32, #tpu.memory_space<hbm>>
      tpu.wait_dma2 semaphore(%run_scoped3A_215 : memref<!tpu.dma_semaphore, #tpu.memory_space<semaphore_mem>>) src(%dma_wait3A_221 : memref<128x128xf32, #tpu.memory_space<hbm>>) dst(%arg12 : memref<128x128xf32, #tpu.memory_space<vmem>>)
      tpu.yield
    }) : () -> ()
    %add3A_68 = arith.constant 384 : i32
    %add3A_69 = arith.addi %multiple_of3A, %add3A_68 : i32
    "tpu.region"() ({
      %run_scoped3A_215 = tpu.sem_alloc : memref<!tpu.dma_semaphore, #tpu.memory_space<semaphore_mem>>
      %dma_start3A = arith.constant 0 : i32
      %dma_start3A_216 = tpu.memref_slice %arg9[%add3A_69, %dma_start3A] : memref<10240x128xf32, #tpu.memory_space<vmem_shared>> -> memref<128x128xf32, #tpu.memory_space<vmem_shared>>
      %dma_start3A_217 = arith.constant 0 : i32
      %dma_start3A_218 = tpu.memref_slice %arg9[%add3A_69, %dma_start3A_217] : memref<10240x128xf32, #tpu.memory_space<vmem_shared>> -> memref<128x128xf32, #tpu.memory_space<vmem_shared>>
      tpu.enqueue_dma source(%arg12 : memref<128x128xf32, #tpu.memory_space<vmem>>) target(%dma_start3A_218 : memref<128x128xf32, #tpu.memory_space<vmem_shared>>) target_semaphore(%run_scoped3A_215 : memref<!tpu.dma_semaphore, #tpu.memory_space<semaphore_mem>>)
      %dma_wait3A = arith.constant 0 : i32
      %dma_wait3A_219 = tpu.memref_slice %arg9[%add3A_69, %dma_wait3A] : memref<10240x128xf32, #tpu.memory_space<vmem_shared>> -> memref<128x128xf32, #tpu.memory_space<vmem_shared>>
      %dma_wait3A_220 = arith.constant 0 : i32
      %dma_wait3A_221 = tpu.memref_slice %arg9[%add3A_69, %dma_wait3A_220] : memref<10240x128xf32, #tpu.memory_space<vmem_shared>> -> memref<128x128xf32, #tpu.memory_space<vmem_shared>>
      tpu.wait_dma2 semaphore(%run_scoped3A_215 : memref<!tpu.dma_semaphore, #tpu.memory_space<semaphore_mem>>) src(%arg12 : memref<128x128xf32, #tpu.memory_space<vmem>>) dst(%dma_wait3A_221 : memref<128x128xf32, #tpu.memory_space<vmem_shared>>)
      tpu.yield
    }) : () -> ()
    %add3A_70 = arith.constant 512 : i32
    %add3A_71 = arith.addi %multiple_of3A, %add3A_70 : i32
    "tpu.region"() ({
      %run_scoped3A_215 = tpu.sem_alloc : memref<!tpu.dma_semaphore, #tpu.memory_space<semaphore_mem>>
      %dma_start3A = arith.constant 0 : i32
      %dma_start3A_216 = tpu.memref_slice %arg3[%add3A_71, %dma_start3A] : memref<10240x128xf32, #tpu.memory_space<hbm>> -> memref<128x128xf32, #tpu.memory_space<hbm>>
      %dma_start3A_217 = arith.constant 0 : i32
      %dma_start3A_218 = tpu.memref_slice %arg3[%add3A_71, %dma_start3A_217] : memref<10240x128xf32, #tpu.memory_space<hbm>> -> memref<128x128xf32, #tpu.memory_space<hbm>>
      tpu.enqueue_dma source(%dma_start3A_218 : memref<128x128xf32, #tpu.memory_space<hbm>>) target(%arg12 : memref<128x128xf32, #tpu.memory_space<vmem>>) target_semaphore(%run_scoped3A_215 : memref<!tpu.dma_semaphore, #tpu.memory_space<semaphore_mem>>)
      %dma_wait3A = arith.constant 0 : i32
      %dma_wait3A_219 = tpu.memref_slice %arg3[%add3A_71, %dma_wait3A] : memref<10240x128xf32, #tpu.memory_space<hbm>> -> memref<128x128xf32, #tpu.memory_space<hbm>>
      %dma_wait3A_220 = arith.constant 0 : i32
      %dma_wait3A_221 = tpu.memref_slice %arg3[%add3A_71, %dma_wait3A_220] : memref<10240x128xf32, #tpu.memory_space<hbm>> -> memref<128x128xf32, #tpu.memory_space<hbm>>
      tpu.wait_dma2 semaphore(%run_scoped3A_215 : memref<!tpu.dma_semaphore, #tpu.memory_space<semaphore_mem>>) src(%dma_wait3A_221 : memref<128x128xf32, #tpu.memory_space<hbm>>) dst(%arg12 : memref<128x128xf32, #tpu.memory_space<vmem>>)
      tpu.yield
    }) : () -> ()
    %add3A_72 = arith.constant 512 : i32
    %add3A_73 = arith.addi %multiple_of3A, %add3A_72 : i32
    "tpu.region"() ({
      %run_scoped3A_215 = tpu.sem_alloc : memref<!tpu.dma_semaphore, #tpu.memory_space<semaphore_mem>>
      %dma_start3A = arith.constant 0 : i32
      %dma_start3A_216 = tpu.memref_slice %arg9[%add3A_73, %dma_start3A] : memref<10240x128xf32, #tpu.memory_space<vmem_shared>> -> memref<128x128xf32, #tpu.memory_space<vmem_shared>>
      %dma_start3A_217 = arith.constant 0 : i32
      %dma_start3A_218 = tpu.memref_slice %arg9[%add3A_73, %dma_start3A_217] : memref<10240x128xf32, #tpu.memory_space<vmem_shared>> -> memref<128x128xf32, #tpu.memory_space<vmem_shared>>
      tpu.enqueue_dma source(%arg12 : memref<128x128xf32, #tpu.memory_space<vmem>>) target(%dma_start3A_218 : memref<128x128xf32, #tpu.memory_space<vmem_shared>>) target_semaphore(%run_scoped3A_215 : memref<!tpu.dma_semaphore, #tpu.memory_space<semaphore_mem>>)
      %dma_wait3A = arith.constant 0 : i32
      %dma_wait3A_219 = tpu.memref_slice %arg9[%add3A_73, %dma_wait3A] : memref<10240x128xf32, #tpu.memory_space<vmem_shared>> -> memref<128x128xf32, #tpu.memory_space<vmem_shared>>
      %dma_wait3A_220 = arith.constant 0 : i32
      %dma_wait3A_221 = tpu.memref_slice %arg9[%add3A_73, %dma_wait3A_220] : memref<10240x128xf32, #tpu.memory_space<vmem_shared>> -> memref<128x128xf32, #tpu.memory_space<vmem_shared>>
      tpu.wait_dma2 semaphore(%run_scoped3A_215 : memref<!tpu.dma_semaphore, #tpu.memory_space<semaphore_mem>>) src(%arg12 : memref<128x128xf32, #tpu.memory_space<vmem>>) dst(%dma_wait3A_221 : memref<128x128xf32, #tpu.memory_space<vmem_shared>>)
      tpu.yield
    }) : () -> ()
    %barrier3A_74 = arith.constant 0 : index
    tpu.barrier barrier_id(%barrier3A_74)
    %scan3A_75 = arith.constant 0 : i32
    %scan3A_76 = arith.constant 0 : i32
    %scan3A_77 = arith.constant 79 : i32
    %scan3A_78 = arith.addi %scan3A_76, %scan3A_77 : i32
    %scan3A_79 = arith.constant 1 : i32
    scf.for %scan3A_215 = %scan3A_76 to %scan3A_78 step %scan3A_79  : i32 {
      %mul3A_216 = arith.constant 79 : i32
      %mul3A_217 = arith.muli %add3A, %mul3A_216 : i32
      %add3A_218 = arith.addi %mul3A_217, %scan3A_215 : i32
      %mul3A_219 = arith.constant 128 : i32
      %mul3A_220 = arith.muli %add3A_218, %mul3A_219 : i32
      %multiple_of3A_221 = tpu.assume_multiple %mul3A_220, 8 : i32
      "tpu.region"() ({
        %run_scoped3A_226 = tpu.sem_alloc : memref<!tpu.dma_semaphore, #tpu.memory_space<semaphore_mem>>
        %dma_start3A_227 = tpu.memref_slice %arg6[%multiple_of3A_221] : memref<323584xi32, #tpu.memory_space<hbm>> -> memref<128xi32, #tpu.memory_space<hbm>>
        %dma_start3A_228 = tpu.memref_slice %arg6[%multiple_of3A_221] : memref<323584xi32, #tpu.memory_space<hbm>> -> memref<128xi32, #tpu.memory_space<hbm>>
        tpu.enqueue_dma source(%dma_start3A_228 : memref<128xi32, #tpu.memory_space<hbm>>) target(%arg10 : memref<128xi32, #tpu.memory_space<vmem>>) target_semaphore(%run_scoped3A_226 : memref<!tpu.dma_semaphore, #tpu.memory_space<semaphore_mem>>)
        %dma_wait3A_229 = tpu.memref_slice %arg6[%multiple_of3A_221] : memref<323584xi32, #tpu.memory_space<hbm>> -> memref<128xi32, #tpu.memory_space<hbm>>
        %dma_wait3A_230 = tpu.memref_slice %arg6[%multiple_of3A_221] : memref<323584xi32, #tpu.memory_space<hbm>> -> memref<128xi32, #tpu.memory_space<hbm>>
        tpu.wait_dma2 semaphore(%run_scoped3A_226 : memref<!tpu.dma_semaphore, #tpu.memory_space<semaphore_mem>>) src(%dma_wait3A_230 : memref<128xi32, #tpu.memory_space<hbm>>) dst(%arg10 : memref<128xi32, #tpu.memory_space<vmem>>)
        tpu.yield
      }) : () -> ()
      "tpu.region"() ({
        %run_scoped3A_226 = tpu.sem_alloc : memref<!tpu.dma_semaphore, #tpu.memory_space<semaphore_mem>>
        %dma_start3A_227 = tpu.memref_slice %arg7[%multiple_of3A_221] : memref<323584xi32, #tpu.memory_space<hbm>> -> memref<128xi32, #tpu.memory_space<hbm>>
        %dma_start3A_228 = tpu.memref_slice %arg7[%multiple_of3A_221] : memref<323584xi32, #tpu.memory_space<hbm>> -> memref<128xi32, #tpu.memory_space<hbm>>
        tpu.enqueue_dma source(%dma_start3A_228 : memref<128xi32, #tpu.memory_space<hbm>>) target(%arg11 : memref<128xi32, #tpu.memory_space<vmem>>) target_semaphore(%run_scoped3A_226 : memref<!tpu.dma_semaphore, #tpu.memory_space<semaphore_mem>>)
        %dma_wait3A_229 = tpu.memref_slice %arg7[%multiple_of3A_221] : memref<323584xi32, #tpu.memory_space<hbm>> -> memref<128xi32, #tpu.memory_space<hbm>>
        %dma_wait3A_230 = tpu.memref_slice %arg7[%multiple_of3A_221] : memref<323584xi32, #tpu.memory_space<hbm>> -> memref<128xi32, #tpu.memory_space<hbm>>
        tpu.wait_dma2 semaphore(%run_scoped3A_226 : memref<!tpu.dma_semaphore, #tpu.memory_space<semaphore_mem>>) src(%dma_wait3A_230 : memref<128xi32, #tpu.memory_space<hbm>>) dst(%arg11 : memref<128xi32, #tpu.memory_space<vmem>>)
        tpu.yield
      }) : () -> ()
      %dma_start3A = arith.constant 0 : i32
      %dma_start3A_222 = arith.constant 0 : i32
      %dma_start3A_223 = tpu.memref_slice %arg3[%dma_start3A, %dma_start3A_222] : memref<10240x128xf32, #tpu.memory_space<hbm>> -> memref<10240x128xf32, #tpu.memory_space<hbm>>
      tpu.enqueue_indirect_dma source(%dma_start3A_223 : memref<10240x128xf32, #tpu.memory_space<hbm>>) target(%arg12 : memref<128x128xf32, #tpu.memory_space<vmem>>) offsets(%arg10 : memref<128xi32, #tpu.memory_space<vmem>>) semaphore(%arg13 : memref<!tpu.dma_semaphore, #tpu.memory_space<semaphore_mem>>)
      %dma_wait3A = arith.constant 0 : i32
      %dma_wait3A_224 = arith.constant 0 : i32
      %dma_wait3A_225 = tpu.memref_slice %arg3[%dma_wait3A, %dma_wait3A_224] : memref<10240x128xf32, #tpu.memory_space<hbm>> -> memref<10240x128xf32, #tpu.memory_space<hbm>>
      tpu.wait_indirect_dma semaphore(%arg13 : memref<!tpu.dma_semaphore, #tpu.memory_space<semaphore_mem>>) src(%dma_wait3A_225 : memref<10240x128xf32, #tpu.memory_space<hbm>>) dst(%arg12 : memref<128x128xf32, #tpu.memory_space<vmem>>)
      "tpu.region"() ({
        %run_scoped3A_226 = tpu.sem_alloc : memref<!tpu.dma_semaphore, #tpu.memory_space<semaphore_mem>>
        %dma_start3A_227 = arith.constant 0 : i32
        %dma_start3A_228 = arith.constant 0 : i32
        %dma_start3A_229 = tpu.memref_slice %arg9[%dma_start3A_227, %dma_start3A_228] : memref<10240x128xf32, #tpu.memory_space<vmem_shared>> -> memref<10240x128xf32, #tpu.memory_space<vmem_shared>>
        tpu.enqueue_indirect_dma source(%arg12 : memref<128x128xf32, #tpu.memory_space<vmem>>) target(%dma_start3A_229 : memref<10240x128xf32, #tpu.memory_space<vmem_shared>>) offsets(%arg11 : memref<128xi32, #tpu.memory_space<vmem>>) semaphore(%run_scoped3A_226 : memref<!tpu.dma_semaphore, #tpu.memory_space<semaphore_mem>>) {add = true}
        %dma_wait3A_230 = arith.constant 0 : i32
        %dma_wait3A_231 = arith.constant 0 : i32
        %dma_wait3A_232 = tpu.memref_slice %arg9[%dma_wait3A_230, %dma_wait3A_231] : memref<10240x128xf32, #tpu.memory_space<vmem_shared>> -> memref<10240x128xf32, #tpu.memory_space<vmem_shared>>
        tpu.wait_indirect_dma semaphore(%run_scoped3A_226 : memref<!tpu.dma_semaphore, #tpu.memory_space<semaphore_mem>>) src(%arg12 : memref<128x128xf32, #tpu.memory_space<vmem>>) dst(%dma_wait3A_232 : memref<10240x128xf32, #tpu.memory_space<vmem_shared>>)
        tpu.yield
      }) : () -> ()
    }
    %scan3A_80 = arith.constant 79 : i32
    %barrier3A_81 = arith.constant 0 : index
    tpu.barrier barrier_id(%barrier3A_81)
    %add3A_82 = arith.constant 0 : i32
    %add3A_83 = arith.addi %multiple_of3A, %add3A_82 : i32
    "tpu.region"() ({
      %run_scoped3A_215 = tpu.sem_alloc : memref<!tpu.dma_semaphore, #tpu.memory_space<semaphore_mem>>
      %dma_start3A = arith.constant 0 : i32
      %dma_start3A_216 = tpu.memref_slice %arg9[%add3A_83, %dma_start3A] : memref<10240x128xf32, #tpu.memory_space<vmem_shared>> -> memref<128x128xf32, #tpu.memory_space<vmem_shared>>
      %dma_start3A_217 = arith.constant 0 : i32
      %dma_start3A_218 = tpu.memref_slice %arg9[%add3A_83, %dma_start3A_217] : memref<10240x128xf32, #tpu.memory_space<vmem_shared>> -> memref<128x128xf32, #tpu.memory_space<vmem_shared>>
      tpu.enqueue_dma source(%dma_start3A_218 : memref<128x128xf32, #tpu.memory_space<vmem_shared>>) target(%arg12 : memref<128x128xf32, #tpu.memory_space<vmem>>) target_semaphore(%run_scoped3A_215 : memref<!tpu.dma_semaphore, #tpu.memory_space<semaphore_mem>>)
      %dma_wait3A = arith.constant 0 : i32
      %dma_wait3A_219 = tpu.memref_slice %arg9[%add3A_83, %dma_wait3A] : memref<10240x128xf32, #tpu.memory_space<vmem_shared>> -> memref<128x128xf32, #tpu.memory_space<vmem_shared>>
      %dma_wait3A_220 = arith.constant 0 : i32
      %dma_wait3A_221 = tpu.memref_slice %arg9[%add3A_83, %dma_wait3A_220] : memref<10240x128xf32, #tpu.memory_space<vmem_shared>> -> memref<128x128xf32, #tpu.memory_space<vmem_shared>>
      tpu.wait_dma2 semaphore(%run_scoped3A_215 : memref<!tpu.dma_semaphore, #tpu.memory_space<semaphore_mem>>) src(%dma_wait3A_221 : memref<128x128xf32, #tpu.memory_space<vmem_shared>>) dst(%arg12 : memref<128x128xf32, #tpu.memory_space<vmem>>)
      tpu.yield
    }) : () -> ()
    %add3A_84 = arith.constant 0 : i32
    %add3A_85 = arith.addi %multiple_of3A, %add3A_84 : i32
    %run_scoped3A_86 = arith.constant 1 : i32
    "tpu.region"() ({
      %run_scoped3A_215 = tpu.sem_alloc : memref<!tpu.dma_semaphore, #tpu.memory_space<semaphore_mem>>
      %dma_start3A = arith.constant 0 : i32
      %dma_start3A_216 = tpu.memref_slice %arg8[%arg0, %run_scoped3A_86, %add3A_85, %dma_start3A] : memref<2x4x10240x128xf32, #tpu.memory_space<hbm>> -> memref<1x1x128x128xf32, #tpu.memory_space<hbm>>
      %dma_start3A_217 = tpu.memref_squeeze %dma_start3A_216 : memref<1x1x128x128xf32, #tpu.memory_space<hbm>> -> memref<128x128xf32, #tpu.memory_space<hbm>>
      %dma_start3A_218 = arith.constant 0 : i32
      %dma_start3A_219 = tpu.memref_slice %arg8[%arg0, %run_scoped3A_86, %add3A_85, %dma_start3A_218] : memref<2x4x10240x128xf32, #tpu.memory_space<hbm>> -> memref<1x1x128x128xf32, #tpu.memory_space<hbm>>
      %dma_start3A_220 = tpu.memref_squeeze %dma_start3A_219 : memref<1x1x128x128xf32, #tpu.memory_space<hbm>> -> memref<128x128xf32, #tpu.memory_space<hbm>>
      tpu.enqueue_dma source(%arg12 : memref<128x128xf32, #tpu.memory_space<vmem>>) target(%dma_start3A_220 : memref<128x128xf32, #tpu.memory_space<hbm>>) target_semaphore(%run_scoped3A_215 : memref<!tpu.dma_semaphore, #tpu.memory_space<semaphore_mem>>)
      %dma_wait3A = arith.constant 0 : i32
      %dma_wait3A_221 = tpu.memref_slice %arg8[%arg0, %run_scoped3A_86, %add3A_85, %dma_wait3A] : memref<2x4x10240x128xf32, #tpu.memory_space<hbm>> -> memref<1x1x128x128xf32, #tpu.memory_space<hbm>>
      %dma_wait3A_222 = tpu.memref_squeeze %dma_wait3A_221 : memref<1x1x128x128xf32, #tpu.memory_space<hbm>> -> memref<128x128xf32, #tpu.memory_space<hbm>>
      %dma_wait3A_223 = arith.constant 0 : i32
      %dma_wait3A_224 = tpu.memref_slice %arg8[%arg0, %run_scoped3A_86, %add3A_85, %dma_wait3A_223] : memref<2x4x10240x128xf32, #tpu.memory_space<hbm>> -> memref<1x1x128x128xf32, #tpu.memory_space<hbm>>
      %dma_wait3A_225 = tpu.memref_squeeze %dma_wait3A_224 : memref<1x1x128x128xf32, #tpu.memory_space<hbm>> -> memref<128x128xf32, #tpu.memory_space<hbm>>
      tpu.wait_dma2 semaphore(%run_scoped3A_215 : memref<!tpu.dma_semaphore, #tpu.memory_space<semaphore_mem>>) src(%arg12 : memref<128x128xf32, #tpu.memory_space<vmem>>) dst(%dma_wait3A_225 : memref<128x128xf32, #tpu.memory_space<hbm>>)
      tpu.yield
    }) : () -> ()
    %add3A_87 = arith.constant 128 : i32
    %add3A_88 = arith.addi %multiple_of3A, %add3A_87 : i32
    "tpu.region"() ({
      %run_scoped3A_215 = tpu.sem_alloc : memref<!tpu.dma_semaphore, #tpu.memory_space<semaphore_mem>>
      %dma_start3A = arith.constant 0 : i32
      %dma_start3A_216 = tpu.memref_slice %arg9[%add3A_88, %dma_start3A] : memref<10240x128xf32, #tpu.memory_space<vmem_shared>> -> memref<128x128xf32, #tpu.memory_space<vmem_shared>>
      %dma_start3A_217 = arith.constant 0 : i32
      %dma_start3A_218 = tpu.memref_slice %arg9[%add3A_88, %dma_start3A_217] : memref<10240x128xf32, #tpu.memory_space<vmem_shared>> -> memref<128x128xf32, #tpu.memory_space<vmem_shared>>
      tpu.enqueue_dma source(%dma_start3A_218 : memref<128x128xf32, #tpu.memory_space<vmem_shared>>) target(%arg12 : memref<128x128xf32, #tpu.memory_space<vmem>>) target_semaphore(%run_scoped3A_215 : memref<!tpu.dma_semaphore, #tpu.memory_space<semaphore_mem>>)
      %dma_wait3A = arith.constant 0 : i32
      %dma_wait3A_219 = tpu.memref_slice %arg9[%add3A_88, %dma_wait3A] : memref<10240x128xf32, #tpu.memory_space<vmem_shared>> -> memref<128x128xf32, #tpu.memory_space<vmem_shared>>
      %dma_wait3A_220 = arith.constant 0 : i32
      %dma_wait3A_221 = tpu.memref_slice %arg9[%add3A_88, %dma_wait3A_220] : memref<10240x128xf32, #tpu.memory_space<vmem_shared>> -> memref<128x128xf32, #tpu.memory_space<vmem_shared>>
      tpu.wait_dma2 semaphore(%run_scoped3A_215 : memref<!tpu.dma_semaphore, #tpu.memory_space<semaphore_mem>>) src(%dma_wait3A_221 : memref<128x128xf32, #tpu.memory_space<vmem_shared>>) dst(%arg12 : memref<128x128xf32, #tpu.memory_space<vmem>>)
      tpu.yield
    }) : () -> ()
    %add3A_89 = arith.constant 128 : i32
    %add3A_90 = arith.addi %multiple_of3A, %add3A_89 : i32
    %run_scoped3A_91 = arith.constant 1 : i32
    "tpu.region"() ({
      %run_scoped3A_215 = tpu.sem_alloc : memref<!tpu.dma_semaphore, #tpu.memory_space<semaphore_mem>>
      %dma_start3A = arith.constant 0 : i32
      %dma_start3A_216 = tpu.memref_slice %arg8[%arg0, %run_scoped3A_91, %add3A_90, %dma_start3A] : memref<2x4x10240x128xf32, #tpu.memory_space<hbm>> -> memref<1x1x128x128xf32, #tpu.memory_space<hbm>>
      %dma_start3A_217 = tpu.memref_squeeze %dma_start3A_216 : memref<1x1x128x128xf32, #tpu.memory_space<hbm>> -> memref<128x128xf32, #tpu.memory_space<hbm>>
      %dma_start3A_218 = arith.constant 0 : i32
      %dma_start3A_219 = tpu.memref_slice %arg8[%arg0, %run_scoped3A_91, %add3A_90, %dma_start3A_218] : memref<2x4x10240x128xf32, #tpu.memory_space<hbm>> -> memref<1x1x128x128xf32, #tpu.memory_space<hbm>>
      %dma_start3A_220 = tpu.memref_squeeze %dma_start3A_219 : memref<1x1x128x128xf32, #tpu.memory_space<hbm>> -> memref<128x128xf32, #tpu.memory_space<hbm>>
      tpu.enqueue_dma source(%arg12 : memref<128x128xf32, #tpu.memory_space<vmem>>) target(%dma_start3A_220 : memref<128x128xf32, #tpu.memory_space<hbm>>) target_semaphore(%run_scoped3A_215 : memref<!tpu.dma_semaphore, #tpu.memory_space<semaphore_mem>>)
      %dma_wait3A = arith.constant 0 : i32
      %dma_wait3A_221 = tpu.memref_slice %arg8[%arg0, %run_scoped3A_91, %add3A_90, %dma_wait3A] : memref<2x4x10240x128xf32, #tpu.memory_space<hbm>> -> memref<1x1x128x128xf32, #tpu.memory_space<hbm>>
      %dma_wait3A_222 = tpu.memref_squeeze %dma_wait3A_221 : memref<1x1x128x128xf32, #tpu.memory_space<hbm>> -> memref<128x128xf32, #tpu.memory_space<hbm>>
      %dma_wait3A_223 = arith.constant 0 : i32
      %dma_wait3A_224 = tpu.memref_slice %arg8[%arg0, %run_scoped3A_91, %add3A_90, %dma_wait3A_223] : memref<2x4x10240x128xf32, #tpu.memory_space<hbm>> -> memref<1x1x128x128xf32, #tpu.memory_space<hbm>>
      %dma_wait3A_225 = tpu.memref_squeeze %dma_wait3A_224 : memref<1x1x128x128xf32, #tpu.memory_space<hbm>> -> memref<128x128xf32, #tpu.memory_space<hbm>>
      tpu.wait_dma2 semaphore(%run_scoped3A_215 : memref<!tpu.dma_semaphore, #tpu.memory_space<semaphore_mem>>) src(%arg12 : memref<128x128xf32, #tpu.memory_space<vmem>>) dst(%dma_wait3A_225 : memref<128x128xf32, #tpu.memory_space<hbm>>)
      tpu.yield
    }) : () -> ()
    %add3A_92 = arith.constant 256 : i32
    %add3A_93 = arith.addi %multiple_of3A, %add3A_92 : i32
    "tpu.region"() ({
      %run_scoped3A_215 = tpu.sem_alloc : memref<!tpu.dma_semaphore, #tpu.memory_space<semaphore_mem>>
      %dma_start3A = arith.constant 0 : i32
      %dma_start3A_216 = tpu.memref_slice %arg9[%add3A_93, %dma_start3A] : memref<10240x128xf32, #tpu.memory_space<vmem_shared>> -> memref<128x128xf32, #tpu.memory_space<vmem_shared>>
      %dma_start3A_217 = arith.constant 0 : i32
      %dma_start3A_218 = tpu.memref_slice %arg9[%add3A_93, %dma_start3A_217] : memref<10240x128xf32, #tpu.memory_space<vmem_shared>> -> memref<128x128xf32, #tpu.memory_space<vmem_shared>>
      tpu.enqueue_dma source(%dma_start3A_218 : memref<128x128xf32, #tpu.memory_space<vmem_shared>>) target(%arg12 : memref<128x128xf32, #tpu.memory_space<vmem>>) target_semaphore(%run_scoped3A_215 : memref<!tpu.dma_semaphore, #tpu.memory_space<semaphore_mem>>)
      %dma_wait3A = arith.constant 0 : i32
      %dma_wait3A_219 = tpu.memref_slice %arg9[%add3A_93, %dma_wait3A] : memref<10240x128xf32, #tpu.memory_space<vmem_shared>> -> memref<128x128xf32, #tpu.memory_space<vmem_shared>>
      %dma_wait3A_220 = arith.constant 0 : i32
      %dma_wait3A_221 = tpu.memref_slice %arg9[%add3A_93, %dma_wait3A_220] : memref<10240x128xf32, #tpu.memory_space<vmem_shared>> -> memref<128x128xf32, #tpu.memory_space<vmem_shared>>
      tpu.wait_dma2 semaphore(%run_scoped3A_215 : memref<!tpu.dma_semaphore, #tpu.memory_space<semaphore_mem>>) src(%dma_wait3A_221 : memref<128x128xf32, #tpu.memory_space<vmem_shared>>) dst(%arg12 : memref<128x128xf32, #tpu.memory_space<vmem>>)
      tpu.yield
    }) : () -> ()
    %add3A_94 = arith.constant 256 : i32
    %add3A_95 = arith.addi %multiple_of3A, %add3A_94 : i32
    %run_scoped3A_96 = arith.constant 1 : i32
    "tpu.region"() ({
      %run_scoped3A_215 = tpu.sem_alloc : memref<!tpu.dma_semaphore, #tpu.memory_space<semaphore_mem>>
      %dma_start3A = arith.constant 0 : i32
      %dma_start3A_216 = tpu.memref_slice %arg8[%arg0, %run_scoped3A_96, %add3A_95, %dma_start3A] : memref<2x4x10240x128xf32, #tpu.memory_space<hbm>> -> memref<1x1x128x128xf32, #tpu.memory_space<hbm>>
      %dma_start3A_217 = tpu.memref_squeeze %dma_start3A_216 : memref<1x1x128x128xf32, #tpu.memory_space<hbm>> -> memref<128x128xf32, #tpu.memory_space<hbm>>
      %dma_start3A_218 = arith.constant 0 : i32
      %dma_start3A_219 = tpu.memref_slice %arg8[%arg0, %run_scoped3A_96, %add3A_95, %dma_start3A_218] : memref<2x4x10240x128xf32, #tpu.memory_space<hbm>> -> memref<1x1x128x128xf32, #tpu.memory_space<hbm>>
      %dma_start3A_220 = tpu.memref_squeeze %dma_start3A_219 : memref<1x1x128x128xf32, #tpu.memory_space<hbm>> -> memref<128x128xf32, #tpu.memory_space<hbm>>
      tpu.enqueue_dma source(%arg12 : memref<128x128xf32, #tpu.memory_space<vmem>>) target(%dma_start3A_220 : memref<128x128xf32, #tpu.memory_space<hbm>>) target_semaphore(%run_scoped3A_215 : memref<!tpu.dma_semaphore, #tpu.memory_space<semaphore_mem>>)
      %dma_wait3A = arith.constant 0 : i32
      %dma_wait3A_221 = tpu.memref_slice %arg8[%arg0, %run_scoped3A_96, %add3A_95, %dma_wait3A] : memref<2x4x10240x128xf32, #tpu.memory_space<hbm>> -> memref<1x1x128x128xf32, #tpu.memory_space<hbm>>
      %dma_wait3A_222 = tpu.memref_squeeze %dma_wait3A_221 : memref<1x1x128x128xf32, #tpu.memory_space<hbm>> -> memref<128x128xf32, #tpu.memory_space<hbm>>
      %dma_wait3A_223 = arith.constant 0 : i32
      %dma_wait3A_224 = tpu.memref_slice %arg8[%arg0, %run_scoped3A_96, %add3A_95, %dma_wait3A_223] : memref<2x4x10240x128xf32, #tpu.memory_space<hbm>> -> memref<1x1x128x128xf32, #tpu.memory_space<hbm>>
      %dma_wait3A_225 = tpu.memref_squeeze %dma_wait3A_224 : memref<1x1x128x128xf32, #tpu.memory_space<hbm>> -> memref<128x128xf32, #tpu.memory_space<hbm>>
      tpu.wait_dma2 semaphore(%run_scoped3A_215 : memref<!tpu.dma_semaphore, #tpu.memory_space<semaphore_mem>>) src(%arg12 : memref<128x128xf32, #tpu.memory_space<vmem>>) dst(%dma_wait3A_225 : memref<128x128xf32, #tpu.memory_space<hbm>>)
      tpu.yield
    }) : () -> ()
    %add3A_97 = arith.constant 384 : i32
    %add3A_98 = arith.addi %multiple_of3A, %add3A_97 : i32
    "tpu.region"() ({
      %run_scoped3A_215 = tpu.sem_alloc : memref<!tpu.dma_semaphore, #tpu.memory_space<semaphore_mem>>
      %dma_start3A = arith.constant 0 : i32
      %dma_start3A_216 = tpu.memref_slice %arg9[%add3A_98, %dma_start3A] : memref<10240x128xf32, #tpu.memory_space<vmem_shared>> -> memref<128x128xf32, #tpu.memory_space<vmem_shared>>
      %dma_start3A_217 = arith.constant 0 : i32
      %dma_start3A_218 = tpu.memref_slice %arg9[%add3A_98, %dma_start3A_217] : memref<10240x128xf32, #tpu.memory_space<vmem_shared>> -> memref<128x128xf32, #tpu.memory_space<vmem_shared>>
      tpu.enqueue_dma source(%dma_start3A_218 : memref<128x128xf32, #tpu.memory_space<vmem_shared>>) target(%arg12 : memref<128x128xf32, #tpu.memory_space<vmem>>) target_semaphore(%run_scoped3A_215 : memref<!tpu.dma_semaphore, #tpu.memory_space<semaphore_mem>>)
      %dma_wait3A = arith.constant 0 : i32
      %dma_wait3A_219 = tpu.memref_slice %arg9[%add3A_98, %dma_wait3A] : memref<10240x128xf32, #tpu.memory_space<vmem_shared>> -> memref<128x128xf32, #tpu.memory_space<vmem_shared>>
      %dma_wait3A_220 = arith.constant 0 : i32
      %dma_wait3A_221 = tpu.memref_slice %arg9[%add3A_98, %dma_wait3A_220] : memref<10240x128xf32, #tpu.memory_space<vmem_shared>> -> memref<128x128xf32, #tpu.memory_space<vmem_shared>>
      tpu.wait_dma2 semaphore(%run_scoped3A_215 : memref<!tpu.dma_semaphore, #tpu.memory_space<semaphore_mem>>) src(%dma_wait3A_221 : memref<128x128xf32, #tpu.memory_space<vmem_shared>>) dst(%arg12 : memref<128x128xf32, #tpu.memory_space<vmem>>)
      tpu.yield
    }) : () -> ()
    %add3A_99 = arith.constant 384 : i32
    %add3A_100 = arith.addi %multiple_of3A, %add3A_99 : i32
    %run_scoped3A_101 = arith.constant 1 : i32
    "tpu.region"() ({
      %run_scoped3A_215 = tpu.sem_alloc : memref<!tpu.dma_semaphore, #tpu.memory_space<semaphore_mem>>
      %dma_start3A = arith.constant 0 : i32
      %dma_start3A_216 = tpu.memref_slice %arg8[%arg0, %run_scoped3A_101, %add3A_100, %dma_start3A] : memref<2x4x10240x128xf32, #tpu.memory_space<hbm>> -> memref<1x1x128x128xf32, #tpu.memory_space<hbm>>
      %dma_start3A_217 = tpu.memref_squeeze %dma_start3A_216 : memref<1x1x128x128xf32, #tpu.memory_space<hbm>> -> memref<128x128xf32, #tpu.memory_space<hbm>>
      %dma_start3A_218 = arith.constant 0 : i32
      %dma_start3A_219 = tpu.memref_slice %arg8[%arg0, %run_scoped3A_101, %add3A_100, %dma_start3A_218] : memref<2x4x10240x128xf32, #tpu.memory_space<hbm>> -> memref<1x1x128x128xf32, #tpu.memory_space<hbm>>
      %dma_start3A_220 = tpu.memref_squeeze %dma_start3A_219 : memref<1x1x128x128xf32, #tpu.memory_space<hbm>> -> memref<128x128xf32, #tpu.memory_space<hbm>>
      tpu.enqueue_dma source(%arg12 : memref<128x128xf32, #tpu.memory_space<vmem>>) target(%dma_start3A_220 : memref<128x128xf32, #tpu.memory_space<hbm>>) target_semaphore(%run_scoped3A_215 : memref<!tpu.dma_semaphore, #tpu.memory_space<semaphore_mem>>)
      %dma_wait3A = arith.constant 0 : i32
      %dma_wait3A_221 = tpu.memref_slice %arg8[%arg0, %run_scoped3A_101, %add3A_100, %dma_wait3A] : memref<2x4x10240x128xf32, #tpu.memory_space<hbm>> -> memref<1x1x128x128xf32, #tpu.memory_space<hbm>>
      %dma_wait3A_222 = tpu.memref_squeeze %dma_wait3A_221 : memref<1x1x128x128xf32, #tpu.memory_space<hbm>> -> memref<128x128xf32, #tpu.memory_space<hbm>>
      %dma_wait3A_223 = arith.constant 0 : i32
      %dma_wait3A_224 = tpu.memref_slice %arg8[%arg0, %run_scoped3A_101, %add3A_100, %dma_wait3A_223] : memref<2x4x10240x128xf32, #tpu.memory_space<hbm>> -> memref<1x1x128x128xf32, #tpu.memory_space<hbm>>
      %dma_wait3A_225 = tpu.memref_squeeze %dma_wait3A_224 : memref<1x1x128x128xf32, #tpu.memory_space<hbm>> -> memref<128x128xf32, #tpu.memory_space<hbm>>
      tpu.wait_dma2 semaphore(%run_scoped3A_215 : memref<!tpu.dma_semaphore, #tpu.memory_space<semaphore_mem>>) src(%arg12 : memref<128x128xf32, #tpu.memory_space<vmem>>) dst(%dma_wait3A_225 : memref<128x128xf32, #tpu.memory_space<hbm>>)
      tpu.yield
    }) : () -> ()
    %add3A_102 = arith.constant 512 : i32
    %add3A_103 = arith.addi %multiple_of3A, %add3A_102 : i32
    "tpu.region"() ({
      %run_scoped3A_215 = tpu.sem_alloc : memref<!tpu.dma_semaphore, #tpu.memory_space<semaphore_mem>>
      %dma_start3A = arith.constant 0 : i32
      %dma_start3A_216 = tpu.memref_slice %arg9[%add3A_103, %dma_start3A] : memref<10240x128xf32, #tpu.memory_space<vmem_shared>> -> memref<128x128xf32, #tpu.memory_space<vmem_shared>>
      %dma_start3A_217 = arith.constant 0 : i32
      %dma_start3A_218 = tpu.memref_slice %arg9[%add3A_103, %dma_start3A_217] : memref<10240x128xf32, #tpu.memory_space<vmem_shared>> -> memref<128x128xf32, #tpu.memory_space<vmem_shared>>
      tpu.enqueue_dma source(%dma_start3A_218 : memref<128x128xf32, #tpu.memory_space<vmem_shared>>) target(%arg12 : memref<128x128xf32, #tpu.memory_space<vmem>>) target_semaphore(%run_scoped3A_215 : memref<!tpu.dma_semaphore, #tpu.memory_space<semaphore_mem>>)
      %dma_wait3A = arith.constant 0 : i32
      %dma_wait3A_219 = tpu.memref_slice %arg9[%add3A_103, %dma_wait3A] : memref<10240x128xf32, #tpu.memory_space<vmem_shared>> -> memref<128x128xf32, #tpu.memory_space<vmem_shared>>
      %dma_wait3A_220 = arith.constant 0 : i32
      %dma_wait3A_221 = tpu.memref_slice %arg9[%add3A_103, %dma_wait3A_220] : memref<10240x128xf32, #tpu.memory_space<vmem_shared>> -> memref<128x128xf32, #tpu.memory_space<vmem_shared>>
      tpu.wait_dma2 semaphore(%run_scoped3A_215 : memref<!tpu.dma_semaphore, #tpu.memory_space<semaphore_mem>>) src(%dma_wait3A_221 : memref<128x128xf32, #tpu.memory_space<vmem_shared>>) dst(%arg12 : memref<128x128xf32, #tpu.memory_space<vmem>>)
      tpu.yield
    }) : () -> ()
    %add3A_104 = arith.constant 512 : i32
    %add3A_105 = arith.addi %multiple_of3A, %add3A_104 : i32
    %run_scoped3A_106 = arith.constant 1 : i32
    "tpu.region"() ({
      %run_scoped3A_215 = tpu.sem_alloc : memref<!tpu.dma_semaphore, #tpu.memory_space<semaphore_mem>>
      %dma_start3A = arith.constant 0 : i32
      %dma_start3A_216 = tpu.memref_slice %arg8[%arg0, %run_scoped3A_106, %add3A_105, %dma_start3A] : memref<2x4x10240x128xf32, #tpu.memory_space<hbm>> -> memref<1x1x128x128xf32, #tpu.memory_space<hbm>>
      %dma_start3A_217 = tpu.memref_squeeze %dma_start3A_216 : memref<1x1x128x128xf32, #tpu.memory_space<hbm>> -> memref<128x128xf32, #tpu.memory_space<hbm>>
      %dma_start3A_218 = arith.constant 0 : i32
      %dma_start3A_219 = tpu.memref_slice %arg8[%arg0, %run_scoped3A_106, %add3A_105, %dma_start3A_218] : memref<2x4x10240x128xf32, #tpu.memory_space<hbm>> -> memref<1x1x128x128xf32, #tpu.memory_space<hbm>>
      %dma_start3A_220 = tpu.memref_squeeze %dma_start3A_219 : memref<1x1x128x128xf32, #tpu.memory_space<hbm>> -> memref<128x128xf32, #tpu.memory_space<hbm>>
      tpu.enqueue_dma source(%arg12 : memref<128x128xf32, #tpu.memory_space<vmem>>) target(%dma_start3A_220 : memref<128x128xf32, #tpu.memory_space<hbm>>) target_semaphore(%run_scoped3A_215 : memref<!tpu.dma_semaphore, #tpu.memory_space<semaphore_mem>>)
      %dma_wait3A = arith.constant 0 : i32
      %dma_wait3A_221 = tpu.memref_slice %arg8[%arg0, %run_scoped3A_106, %add3A_105, %dma_wait3A] : memref<2x4x10240x128xf32, #tpu.memory_space<hbm>> -> memref<1x1x128x128xf32, #tpu.memory_space<hbm>>
      %dma_wait3A_222 = tpu.memref_squeeze %dma_wait3A_221 : memref<1x1x128x128xf32, #tpu.memory_space<hbm>> -> memref<128x128xf32, #tpu.memory_space<hbm>>
      %dma_wait3A_223 = arith.constant 0 : i32
      %dma_wait3A_224 = tpu.memref_slice %arg8[%arg0, %run_scoped3A_106, %add3A_105, %dma_wait3A_223] : memref<2x4x10240x128xf32, #tpu.memory_space<hbm>> -> memref<1x1x128x128xf32, #tpu.memory_space<hbm>>
      %dma_wait3A_225 = tpu.memref_squeeze %dma_wait3A_224 : memref<1x1x128x128xf32, #tpu.memory_space<hbm>> -> memref<128x128xf32, #tpu.memory_space<hbm>>
      tpu.wait_dma2 semaphore(%run_scoped3A_215 : memref<!tpu.dma_semaphore, #tpu.memory_space<semaphore_mem>>) src(%arg12 : memref<128x128xf32, #tpu.memory_space<vmem>>) dst(%dma_wait3A_225 : memref<128x128xf32, #tpu.memory_space<hbm>>)
      tpu.yield
    }) : () -> ()
    %barrier3A_107 = arith.constant 0 : index
    tpu.barrier barrier_id(%barrier3A_107)
    %add3A_108 = arith.constant 0 : i32
    %add3A_109 = arith.addi %multiple_of3A, %add3A_108 : i32
    "tpu.region"() ({
      %run_scoped3A_215 = tpu.sem_alloc : memref<!tpu.dma_semaphore, #tpu.memory_space<semaphore_mem>>
      %dma_start3A = arith.constant 0 : i32
      %dma_start3A_216 = tpu.memref_slice %arg4[%add3A_109, %dma_start3A] : memref<10240x128xf32, #tpu.memory_space<hbm>> -> memref<128x128xf32, #tpu.memory_space<hbm>>
      %dma_start3A_217 = arith.constant 0 : i32
      %dma_start3A_218 = tpu.memref_slice %arg4[%add3A_109, %dma_start3A_217] : memref<10240x128xf32, #tpu.memory_space<hbm>> -> memref<128x128xf32, #tpu.memory_space<hbm>>
      tpu.enqueue_dma source(%dma_start3A_218 : memref<128x128xf32, #tpu.memory_space<hbm>>) target(%arg12 : memref<128x128xf32, #tpu.memory_space<vmem>>) target_semaphore(%run_scoped3A_215 : memref<!tpu.dma_semaphore, #tpu.memory_space<semaphore_mem>>)
      %dma_wait3A = arith.constant 0 : i32
      %dma_wait3A_219 = tpu.memref_slice %arg4[%add3A_109, %dma_wait3A] : memref<10240x128xf32, #tpu.memory_space<hbm>> -> memref<128x128xf32, #tpu.memory_space<hbm>>
      %dma_wait3A_220 = arith.constant 0 : i32
      %dma_wait3A_221 = tpu.memref_slice %arg4[%add3A_109, %dma_wait3A_220] : memref<10240x128xf32, #tpu.memory_space<hbm>> -> memref<128x128xf32, #tpu.memory_space<hbm>>
      tpu.wait_dma2 semaphore(%run_scoped3A_215 : memref<!tpu.dma_semaphore, #tpu.memory_space<semaphore_mem>>) src(%dma_wait3A_221 : memref<128x128xf32, #tpu.memory_space<hbm>>) dst(%arg12 : memref<128x128xf32, #tpu.memory_space<vmem>>)
      tpu.yield
    }) : () -> ()
    %add3A_110 = arith.constant 0 : i32
    %add3A_111 = arith.addi %multiple_of3A, %add3A_110 : i32
    "tpu.region"() ({
      %run_scoped3A_215 = tpu.sem_alloc : memref<!tpu.dma_semaphore, #tpu.memory_space<semaphore_mem>>
      %dma_start3A = arith.constant 0 : i32
      %dma_start3A_216 = tpu.memref_slice %arg9[%add3A_111, %dma_start3A] : memref<10240x128xf32, #tpu.memory_space<vmem_shared>> -> memref<128x128xf32, #tpu.memory_space<vmem_shared>>
      %dma_start3A_217 = arith.constant 0 : i32
      %dma_start3A_218 = tpu.memref_slice %arg9[%add3A_111, %dma_start3A_217] : memref<10240x128xf32, #tpu.memory_space<vmem_shared>> -> memref<128x128xf32, #tpu.memory_space<vmem_shared>>
      tpu.enqueue_dma source(%arg12 : memref<128x128xf32, #tpu.memory_space<vmem>>) target(%dma_start3A_218 : memref<128x128xf32, #tpu.memory_space<vmem_shared>>) target_semaphore(%run_scoped3A_215 : memref<!tpu.dma_semaphore, #tpu.memory_space<semaphore_mem>>)
      %dma_wait3A = arith.constant 0 : i32
      %dma_wait3A_219 = tpu.memref_slice %arg9[%add3A_111, %dma_wait3A] : memref<10240x128xf32, #tpu.memory_space<vmem_shared>> -> memref<128x128xf32, #tpu.memory_space<vmem_shared>>
      %dma_wait3A_220 = arith.constant 0 : i32
      %dma_wait3A_221 = tpu.memref_slice %arg9[%add3A_111, %dma_wait3A_220] : memref<10240x128xf32, #tpu.memory_space<vmem_shared>> -> memref<128x128xf32, #tpu.memory_space<vmem_shared>>
      tpu.wait_dma2 semaphore(%run_scoped3A_215 : memref<!tpu.dma_semaphore, #tpu.memory_space<semaphore_mem>>) src(%arg12 : memref<128x128xf32, #tpu.memory_space<vmem>>) dst(%dma_wait3A_221 : memref<128x128xf32, #tpu.memory_space<vmem_shared>>)
      tpu.yield
    }) : () -> ()
    %add3A_112 = arith.constant 128 : i32
    %add3A_113 = arith.addi %multiple_of3A, %add3A_112 : i32
    "tpu.region"() ({
      %run_scoped3A_215 = tpu.sem_alloc : memref<!tpu.dma_semaphore, #tpu.memory_space<semaphore_mem>>
      %dma_start3A = arith.constant 0 : i32
      %dma_start3A_216 = tpu.memref_slice %arg4[%add3A_113, %dma_start3A] : memref<10240x128xf32, #tpu.memory_space<hbm>> -> memref<128x128xf32, #tpu.memory_space<hbm>>
      %dma_start3A_217 = arith.constant 0 : i32
      %dma_start3A_218 = tpu.memref_slice %arg4[%add3A_113, %dma_start3A_217] : memref<10240x128xf32, #tpu.memory_space<hbm>> -> memref<128x128xf32, #tpu.memory_space<hbm>>
      tpu.enqueue_dma source(%dma_start3A_218 : memref<128x128xf32, #tpu.memory_space<hbm>>) target(%arg12 : memref<128x128xf32, #tpu.memory_space<vmem>>) target_semaphore(%run_scoped3A_215 : memref<!tpu.dma_semaphore, #tpu.memory_space<semaphore_mem>>)
      %dma_wait3A = arith.constant 0 : i32
      %dma_wait3A_219 = tpu.memref_slice %arg4[%add3A_113, %dma_wait3A] : memref<10240x128xf32, #tpu.memory_space<hbm>> -> memref<128x128xf32, #tpu.memory_space<hbm>>
      %dma_wait3A_220 = arith.constant 0 : i32
      %dma_wait3A_221 = tpu.memref_slice %arg4[%add3A_113, %dma_wait3A_220] : memref<10240x128xf32, #tpu.memory_space<hbm>> -> memref<128x128xf32, #tpu.memory_space<hbm>>
      tpu.wait_dma2 semaphore(%run_scoped3A_215 : memref<!tpu.dma_semaphore, #tpu.memory_space<semaphore_mem>>) src(%dma_wait3A_221 : memref<128x128xf32, #tpu.memory_space<hbm>>) dst(%arg12 : memref<128x128xf32, #tpu.memory_space<vmem>>)
      tpu.yield
    }) : () -> ()
    %add3A_114 = arith.constant 128 : i32
    %add3A_115 = arith.addi %multiple_of3A, %add3A_114 : i32
    "tpu.region"() ({
      %run_scoped3A_215 = tpu.sem_alloc : memref<!tpu.dma_semaphore, #tpu.memory_space<semaphore_mem>>
      %dma_start3A = arith.constant 0 : i32
      %dma_start3A_216 = tpu.memref_slice %arg9[%add3A_115, %dma_start3A] : memref<10240x128xf32, #tpu.memory_space<vmem_shared>> -> memref<128x128xf32, #tpu.memory_space<vmem_shared>>
      %dma_start3A_217 = arith.constant 0 : i32
      %dma_start3A_218 = tpu.memref_slice %arg9[%add3A_115, %dma_start3A_217] : memref<10240x128xf32, #tpu.memory_space<vmem_shared>> -> memref<128x128xf32, #tpu.memory_space<vmem_shared>>
      tpu.enqueue_dma source(%arg12 : memref<128x128xf32, #tpu.memory_space<vmem>>) target(%dma_start3A_218 : memref<128x128xf32, #tpu.memory_space<vmem_shared>>) target_semaphore(%run_scoped3A_215 : memref<!tpu.dma_semaphore, #tpu.memory_space<semaphore_mem>>)
      %dma_wait3A = arith.constant 0 : i32
      %dma_wait3A_219 = tpu.memref_slice %arg9[%add3A_115, %dma_wait3A] : memref<10240x128xf32, #tpu.memory_space<vmem_shared>> -> memref<128x128xf32, #tpu.memory_space<vmem_shared>>
      %dma_wait3A_220 = arith.constant 0 : i32
      %dma_wait3A_221 = tpu.memref_slice %arg9[%add3A_115, %dma_wait3A_220] : memref<10240x128xf32, #tpu.memory_space<vmem_shared>> -> memref<128x128xf32, #tpu.memory_space<vmem_shared>>
      tpu.wait_dma2 semaphore(%run_scoped3A_215 : memref<!tpu.dma_semaphore, #tpu.memory_space<semaphore_mem>>) src(%arg12 : memref<128x128xf32, #tpu.memory_space<vmem>>) dst(%dma_wait3A_221 : memref<128x128xf32, #tpu.memory_space<vmem_shared>>)
      tpu.yield
    }) : () -> ()
    %add3A_116 = arith.constant 256 : i32
    %add3A_117 = arith.addi %multiple_of3A, %add3A_116 : i32
    "tpu.region"() ({
      %run_scoped3A_215 = tpu.sem_alloc : memref<!tpu.dma_semaphore, #tpu.memory_space<semaphore_mem>>
      %dma_start3A = arith.constant 0 : i32
      %dma_start3A_216 = tpu.memref_slice %arg4[%add3A_117, %dma_start3A] : memref<10240x128xf32, #tpu.memory_space<hbm>> -> memref<128x128xf32, #tpu.memory_space<hbm>>
      %dma_start3A_217 = arith.constant 0 : i32
      %dma_start3A_218 = tpu.memref_slice %arg4[%add3A_117, %dma_start3A_217] : memref<10240x128xf32, #tpu.memory_space<hbm>> -> memref<128x128xf32, #tpu.memory_space<hbm>>
      tpu.enqueue_dma source(%dma_start3A_218 : memref<128x128xf32, #tpu.memory_space<hbm>>) target(%arg12 : memref<128x128xf32, #tpu.memory_space<vmem>>) target_semaphore(%run_scoped3A_215 : memref<!tpu.dma_semaphore, #tpu.memory_space<semaphore_mem>>)
      %dma_wait3A = arith.constant 0 : i32
      %dma_wait3A_219 = tpu.memref_slice %arg4[%add3A_117, %dma_wait3A] : memref<10240x128xf32, #tpu.memory_space<hbm>> -> memref<128x128xf32, #tpu.memory_space<hbm>>
      %dma_wait3A_220 = arith.constant 0 : i32
      %dma_wait3A_221 = tpu.memref_slice %arg4[%add3A_117, %dma_wait3A_220] : memref<10240x128xf32, #tpu.memory_space<hbm>> -> memref<128x128xf32, #tpu.memory_space<hbm>>
      tpu.wait_dma2 semaphore(%run_scoped3A_215 : memref<!tpu.dma_semaphore, #tpu.memory_space<semaphore_mem>>) src(%dma_wait3A_221 : memref<128x128xf32, #tpu.memory_space<hbm>>) dst(%arg12 : memref<128x128xf32, #tpu.memory_space<vmem>>)
      tpu.yield
    }) : () -> ()
    %add3A_118 = arith.constant 256 : i32
    %add3A_119 = arith.addi %multiple_of3A, %add3A_118 : i32
    "tpu.region"() ({
      %run_scoped3A_215 = tpu.sem_alloc : memref<!tpu.dma_semaphore, #tpu.memory_space<semaphore_mem>>
      %dma_start3A = arith.constant 0 : i32
      %dma_start3A_216 = tpu.memref_slice %arg9[%add3A_119, %dma_start3A] : memref<10240x128xf32, #tpu.memory_space<vmem_shared>> -> memref<128x128xf32, #tpu.memory_space<vmem_shared>>
      %dma_start3A_217 = arith.constant 0 : i32
      %dma_start3A_218 = tpu.memref_slice %arg9[%add3A_119, %dma_start3A_217] : memref<10240x128xf32, #tpu.memory_space<vmem_shared>> -> memref<128x128xf32, #tpu.memory_space<vmem_shared>>
      tpu.enqueue_dma source(%arg12 : memref<128x128xf32, #tpu.memory_space<vmem>>) target(%dma_start3A_218 : memref<128x128xf32, #tpu.memory_space<vmem_shared>>) target_semaphore(%run_scoped3A_215 : memref<!tpu.dma_semaphore, #tpu.memory_space<semaphore_mem>>)
      %dma_wait3A = arith.constant 0 : i32
      %dma_wait3A_219 = tpu.memref_slice %arg9[%add3A_119, %dma_wait3A] : memref<10240x128xf32, #tpu.memory_space<vmem_shared>> -> memref<128x128xf32, #tpu.memory_space<vmem_shared>>
      %dma_wait3A_220 = arith.constant 0 : i32
      %dma_wait3A_221 = tpu.memref_slice %arg9[%add3A_119, %dma_wait3A_220] : memref<10240x128xf32, #tpu.memory_space<vmem_shared>> -> memref<128x128xf32, #tpu.memory_space<vmem_shared>>
      tpu.wait_dma2 semaphore(%run_scoped3A_215 : memref<!tpu.dma_semaphore, #tpu.memory_space<semaphore_mem>>) src(%arg12 : memref<128x128xf32, #tpu.memory_space<vmem>>) dst(%dma_wait3A_221 : memref<128x128xf32, #tpu.memory_space<vmem_shared>>)
      tpu.yield
    }) : () -> ()
    %add3A_120 = arith.constant 384 : i32
    %add3A_121 = arith.addi %multiple_of3A, %add3A_120 : i32
    "tpu.region"() ({
      %run_scoped3A_215 = tpu.sem_alloc : memref<!tpu.dma_semaphore, #tpu.memory_space<semaphore_mem>>
      %dma_start3A = arith.constant 0 : i32
      %dma_start3A_216 = tpu.memref_slice %arg4[%add3A_121, %dma_start3A] : memref<10240x128xf32, #tpu.memory_space<hbm>> -> memref<128x128xf32, #tpu.memory_space<hbm>>
      %dma_start3A_217 = arith.constant 0 : i32
      %dma_start3A_218 = tpu.memref_slice %arg4[%add3A_121, %dma_start3A_217] : memref<10240x128xf32, #tpu.memory_space<hbm>> -> memref<128x128xf32, #tpu.memory_space<hbm>>
      tpu.enqueue_dma source(%dma_start3A_218 : memref<128x128xf32, #tpu.memory_space<hbm>>) target(%arg12 : memref<128x128xf32, #tpu.memory_space<vmem>>) target_semaphore(%run_scoped3A_215 : memref<!tpu.dma_semaphore, #tpu.memory_space<semaphore_mem>>)
      %dma_wait3A = arith.constant 0 : i32
      %dma_wait3A_219 = tpu.memref_slice %arg4[%add3A_121, %dma_wait3A] : memref<10240x128xf32, #tpu.memory_space<hbm>> -> memref<128x128xf32, #tpu.memory_space<hbm>>
      %dma_wait3A_220 = arith.constant 0 : i32
      %dma_wait3A_221 = tpu.memref_slice %arg4[%add3A_121, %dma_wait3A_220] : memref<10240x128xf32, #tpu.memory_space<hbm>> -> memref<128x128xf32, #tpu.memory_space<hbm>>
      tpu.wait_dma2 semaphore(%run_scoped3A_215 : memref<!tpu.dma_semaphore, #tpu.memory_space<semaphore_mem>>) src(%dma_wait3A_221 : memref<128x128xf32, #tpu.memory_space<hbm>>) dst(%arg12 : memref<128x128xf32, #tpu.memory_space<vmem>>)
      tpu.yield
    }) : () -> ()
    %add3A_122 = arith.constant 384 : i32
    %add3A_123 = arith.addi %multiple_of3A, %add3A_122 : i32
    "tpu.region"() ({
      %run_scoped3A_215 = tpu.sem_alloc : memref<!tpu.dma_semaphore, #tpu.memory_space<semaphore_mem>>
      %dma_start3A = arith.constant 0 : i32
      %dma_start3A_216 = tpu.memref_slice %arg9[%add3A_123, %dma_start3A] : memref<10240x128xf32, #tpu.memory_space<vmem_shared>> -> memref<128x128xf32, #tpu.memory_space<vmem_shared>>
      %dma_start3A_217 = arith.constant 0 : i32
      %dma_start3A_218 = tpu.memref_slice %arg9[%add3A_123, %dma_start3A_217] : memref<10240x128xf32, #tpu.memory_space<vmem_shared>> -> memref<128x128xf32, #tpu.memory_space<vmem_shared>>
      tpu.enqueue_dma source(%arg12 : memref<128x128xf32, #tpu.memory_space<vmem>>) target(%dma_start3A_218 : memref<128x128xf32, #tpu.memory_space<vmem_shared>>) target_semaphore(%run_scoped3A_215 : memref<!tpu.dma_semaphore, #tpu.memory_space<semaphore_mem>>)
      %dma_wait3A = arith.constant 0 : i32
      %dma_wait3A_219 = tpu.memref_slice %arg9[%add3A_123, %dma_wait3A] : memref<10240x128xf32, #tpu.memory_space<vmem_shared>> -> memref<128x128xf32, #tpu.memory_space<vmem_shared>>
      %dma_wait3A_220 = arith.constant 0 : i32
      %dma_wait3A_221 = tpu.memref_slice %arg9[%add3A_123, %dma_wait3A_220] : memref<10240x128xf32, #tpu.memory_space<vmem_shared>> -> memref<128x128xf32, #tpu.memory_space<vmem_shared>>
      tpu.wait_dma2 semaphore(%run_scoped3A_215 : memref<!tpu.dma_semaphore, #tpu.memory_space<semaphore_mem>>) src(%arg12 : memref<128x128xf32, #tpu.memory_space<vmem>>) dst(%dma_wait3A_221 : memref<128x128xf32, #tpu.memory_space<vmem_shared>>)
      tpu.yield
    }) : () -> ()
    %add3A_124 = arith.constant 512 : i32
    %add3A_125 = arith.addi %multiple_of3A, %add3A_124 : i32
    "tpu.region"() ({
      %run_scoped3A_215 = tpu.sem_alloc : memref<!tpu.dma_semaphore, #tpu.memory_space<semaphore_mem>>
      %dma_start3A = arith.constant 0 : i32
      %dma_start3A_216 = tpu.memref_slice %arg4[%add3A_125, %dma_start3A] : memref<10240x128xf32, #tpu.memory_space<hbm>> -> memref<128x128xf32, #tpu.memory_space<hbm>>
      %dma_start3A_217 = arith.constant 0 : i32
      %dma_start3A_218 = tpu.memref_slice %arg4[%add3A_125, %dma_start3A_217] : memref<10240x128xf32, #tpu.memory_space<hbm>> -> memref<128x128xf32, #tpu.memory_space<hbm>>
      tpu.enqueue_dma source(%dma_start3A_218 : memref<128x128xf32, #tpu.memory_space<hbm>>) target(%arg12 : memref<128x128xf32, #tpu.memory_space<vmem>>) target_semaphore(%run_scoped3A_215 : memref<!tpu.dma_semaphore, #tpu.memory_space<semaphore_mem>>)
      %dma_wait3A = arith.constant 0 : i32
      %dma_wait3A_219 = tpu.memref_slice %arg4[%add3A_125, %dma_wait3A] : memref<10240x128xf32, #tpu.memory_space<hbm>> -> memref<128x128xf32, #tpu.memory_space<hbm>>
      %dma_wait3A_220 = arith.constant 0 : i32
      %dma_wait3A_221 = tpu.memref_slice %arg4[%add3A_125, %dma_wait3A_220] : memref<10240x128xf32, #tpu.memory_space<hbm>> -> memref<128x128xf32, #tpu.memory_space<hbm>>
      tpu.wait_dma2 semaphore(%run_scoped3A_215 : memref<!tpu.dma_semaphore, #tpu.memory_space<semaphore_mem>>) src(%dma_wait3A_221 : memref<128x128xf32, #tpu.memory_space<hbm>>) dst(%arg12 : memref<128x128xf32, #tpu.memory_space<vmem>>)
      tpu.yield
    }) : () -> ()
    %add3A_126 = arith.constant 512 : i32
    %add3A_127 = arith.addi %multiple_of3A, %add3A_126 : i32
    "tpu.region"() ({
      %run_scoped3A_215 = tpu.sem_alloc : memref<!tpu.dma_semaphore, #tpu.memory_space<semaphore_mem>>
      %dma_start3A = arith.constant 0 : i32
      %dma_start3A_216 = tpu.memref_slice %arg9[%add3A_127, %dma_start3A] : memref<10240x128xf32, #tpu.memory_space<vmem_shared>> -> memref<128x128xf32, #tpu.memory_space<vmem_shared>>
      %dma_start3A_217 = arith.constant 0 : i32
      %dma_start3A_218 = tpu.memref_slice %arg9[%add3A_127, %dma_start3A_217] : memref<10240x128xf32, #tpu.memory_space<vmem_shared>> -> memref<128x128xf32, #tpu.memory_space<vmem_shared>>
      tpu.enqueue_dma source(%arg12 : memref<128x128xf32, #tpu.memory_space<vmem>>) target(%dma_start3A_218 : memref<128x128xf32, #tpu.memory_space<vmem_shared>>) target_semaphore(%run_scoped3A_215 : memref<!tpu.dma_semaphore, #tpu.memory_space<semaphore_mem>>)
      %dma_wait3A = arith.constant 0 : i32
      %dma_wait3A_219 = tpu.memref_slice %arg9[%add3A_127, %dma_wait3A] : memref<10240x128xf32, #tpu.memory_space<vmem_shared>> -> memref<128x128xf32, #tpu.memory_space<vmem_shared>>
      %dma_wait3A_220 = arith.constant 0 : i32
      %dma_wait3A_221 = tpu.memref_slice %arg9[%add3A_127, %dma_wait3A_220] : memref<10240x128xf32, #tpu.memory_space<vmem_shared>> -> memref<128x128xf32, #tpu.memory_space<vmem_shared>>
      tpu.wait_dma2 semaphore(%run_scoped3A_215 : memref<!tpu.dma_semaphore, #tpu.memory_space<semaphore_mem>>) src(%arg12 : memref<128x128xf32, #tpu.memory_space<vmem>>) dst(%dma_wait3A_221 : memref<128x128xf32, #tpu.memory_space<vmem_shared>>)
      tpu.yield
    }) : () -> ()
    %barrier3A_128 = arith.constant 0 : index
    tpu.barrier barrier_id(%barrier3A_128)
    %scan3A_129 = arith.constant 0 : i32
    %scan3A_130 = arith.constant 0 : i32
    %scan3A_131 = arith.constant 79 : i32
    %scan3A_132 = arith.addi %scan3A_130, %scan3A_131 : i32
    %scan3A_133 = arith.constant 1 : i32
    scf.for %scan3A_215 = %scan3A_130 to %scan3A_132 step %scan3A_133  : i32 {
      %mul3A_216 = arith.constant 79 : i32
      %mul3A_217 = arith.muli %add3A, %mul3A_216 : i32
      %add3A_218 = arith.addi %mul3A_217, %scan3A_215 : i32
      %mul3A_219 = arith.constant 128 : i32
      %mul3A_220 = arith.muli %add3A_218, %mul3A_219 : i32
      %multiple_of3A_221 = tpu.assume_multiple %mul3A_220, 8 : i32
      "tpu.region"() ({
        %run_scoped3A_226 = tpu.sem_alloc : memref<!tpu.dma_semaphore, #tpu.memory_space<semaphore_mem>>
        %dma_start3A_227 = tpu.memref_slice %arg6[%multiple_of3A_221] : memref<323584xi32, #tpu.memory_space<hbm>> -> memref<128xi32, #tpu.memory_space<hbm>>
        %dma_start3A_228 = tpu.memref_slice %arg6[%multiple_of3A_221] : memref<323584xi32, #tpu.memory_space<hbm>> -> memref<128xi32, #tpu.memory_space<hbm>>
        tpu.enqueue_dma source(%dma_start3A_228 : memref<128xi32, #tpu.memory_space<hbm>>) target(%arg10 : memref<128xi32, #tpu.memory_space<vmem>>) target_semaphore(%run_scoped3A_226 : memref<!tpu.dma_semaphore, #tpu.memory_space<semaphore_mem>>)
        %dma_wait3A_229 = tpu.memref_slice %arg6[%multiple_of3A_221] : memref<323584xi32, #tpu.memory_space<hbm>> -> memref<128xi32, #tpu.memory_space<hbm>>
        %dma_wait3A_230 = tpu.memref_slice %arg6[%multiple_of3A_221] : memref<323584xi32, #tpu.memory_space<hbm>> -> memref<128xi32, #tpu.memory_space<hbm>>
        tpu.wait_dma2 semaphore(%run_scoped3A_226 : memref<!tpu.dma_semaphore, #tpu.memory_space<semaphore_mem>>) src(%dma_wait3A_230 : memref<128xi32, #tpu.memory_space<hbm>>) dst(%arg10 : memref<128xi32, #tpu.memory_space<vmem>>)
        tpu.yield
      }) : () -> ()
      "tpu.region"() ({
        %run_scoped3A_226 = tpu.sem_alloc : memref<!tpu.dma_semaphore, #tpu.memory_space<semaphore_mem>>
        %dma_start3A_227 = tpu.memref_slice %arg7[%multiple_of3A_221] : memref<323584xi32, #tpu.memory_space<hbm>> -> memref<128xi32, #tpu.memory_space<hbm>>
        %dma_start3A_228 = tpu.memref_slice %arg7[%multiple_of3A_221] : memref<323584xi32, #tpu.memory_space<hbm>> -> memref<128xi32, #tpu.memory_space<hbm>>
        tpu.enqueue_dma source(%dma_start3A_228 : memref<128xi32, #tpu.memory_space<hbm>>) target(%arg11 : memref<128xi32, #tpu.memory_space<vmem>>) target_semaphore(%run_scoped3A_226 : memref<!tpu.dma_semaphore, #tpu.memory_space<semaphore_mem>>)
        %dma_wait3A_229 = tpu.memref_slice %arg7[%multiple_of3A_221] : memref<323584xi32, #tpu.memory_space<hbm>> -> memref<128xi32, #tpu.memory_space<hbm>>
        %dma_wait3A_230 = tpu.memref_slice %arg7[%multiple_of3A_221] : memref<323584xi32, #tpu.memory_space<hbm>> -> memref<128xi32, #tpu.memory_space<hbm>>
        tpu.wait_dma2 semaphore(%run_scoped3A_226 : memref<!tpu.dma_semaphore, #tpu.memory_space<semaphore_mem>>) src(%dma_wait3A_230 : memref<128xi32, #tpu.memory_space<hbm>>) dst(%arg11 : memref<128xi32, #tpu.memory_space<vmem>>)
        tpu.yield
      }) : () -> ()
      %dma_start3A = arith.constant 0 : i32
      %dma_start3A_222 = arith.constant 0 : i32
      %dma_start3A_223 = tpu.memref_slice %arg4[%dma_start3A, %dma_start3A_222] : memref<10240x128xf32, #tpu.memory_space<hbm>> -> memref<10240x128xf32, #tpu.memory_space<hbm>>
      tpu.enqueue_indirect_dma source(%dma_start3A_223 : memref<10240x128xf32, #tpu.memory_space<hbm>>) target(%arg12 : memref<128x128xf32, #tpu.memory_space<vmem>>) offsets(%arg10 : memref<128xi32, #tpu.memory_space<vmem>>) semaphore(%arg13 : memref<!tpu.dma_semaphore, #tpu.memory_space<semaphore_mem>>)
      %dma_wait3A = arith.constant 0 : i32
      %dma_wait3A_224 = arith.constant 0 : i32
      %dma_wait3A_225 = tpu.memref_slice %arg4[%dma_wait3A, %dma_wait3A_224] : memref<10240x128xf32, #tpu.memory_space<hbm>> -> memref<10240x128xf32, #tpu.memory_space<hbm>>
      tpu.wait_indirect_dma semaphore(%arg13 : memref<!tpu.dma_semaphore, #tpu.memory_space<semaphore_mem>>) src(%dma_wait3A_225 : memref<10240x128xf32, #tpu.memory_space<hbm>>) dst(%arg12 : memref<128x128xf32, #tpu.memory_space<vmem>>)
      "tpu.region"() ({
        %run_scoped3A_226 = tpu.sem_alloc : memref<!tpu.dma_semaphore, #tpu.memory_space<semaphore_mem>>
        %dma_start3A_227 = arith.constant 0 : i32
        %dma_start3A_228 = arith.constant 0 : i32
        %dma_start3A_229 = tpu.memref_slice %arg9[%dma_start3A_227, %dma_start3A_228] : memref<10240x128xf32, #tpu.memory_space<vmem_shared>> -> memref<10240x128xf32, #tpu.memory_space<vmem_shared>>
        tpu.enqueue_indirect_dma source(%arg12 : memref<128x128xf32, #tpu.memory_space<vmem>>) target(%dma_start3A_229 : memref<10240x128xf32, #tpu.memory_space<vmem_shared>>) offsets(%arg11 : memref<128xi32, #tpu.memory_space<vmem>>) semaphore(%run_scoped3A_226 : memref<!tpu.dma_semaphore, #tpu.memory_space<semaphore_mem>>) {add = true}
        %dma_wait3A_230 = arith.constant 0 : i32
        %dma_wait3A_231 = arith.constant 0 : i32
        %dma_wait3A_232 = tpu.memref_slice %arg9[%dma_wait3A_230, %dma_wait3A_231] : memref<10240x128xf32, #tpu.memory_space<vmem_shared>> -> memref<10240x128xf32, #tpu.memory_space<vmem_shared>>
        tpu.wait_indirect_dma semaphore(%run_scoped3A_226 : memref<!tpu.dma_semaphore, #tpu.memory_space<semaphore_mem>>) src(%arg12 : memref<128x128xf32, #tpu.memory_space<vmem>>) dst(%dma_wait3A_232 : memref<10240x128xf32, #tpu.memory_space<vmem_shared>>)
        tpu.yield
      }) : () -> ()
    }
    %scan3A_134 = arith.constant 79 : i32
    %barrier3A_135 = arith.constant 0 : index
    tpu.barrier barrier_id(%barrier3A_135)
    %add3A_136 = arith.constant 0 : i32
    %add3A_137 = arith.addi %multiple_of3A, %add3A_136 : i32
    "tpu.region"() ({
      %run_scoped3A_215 = tpu.sem_alloc : memref<!tpu.dma_semaphore, #tpu.memory_space<semaphore_mem>>
      %dma_start3A = arith.constant 0 : i32
      %dma_start3A_216 = tpu.memref_slice %arg9[%add3A_137, %dma_start3A] : memref<10240x128xf32, #tpu.memory_space<vmem_shared>> -> memref<128x128xf32, #tpu.memory_space<vmem_shared>>
      %dma_start3A_217 = arith.constant 0 : i32
      %dma_start3A_218 = tpu.memref_slice %arg9[%add3A_137, %dma_start3A_217] : memref<10240x128xf32, #tpu.memory_space<vmem_shared>> -> memref<128x128xf32, #tpu.memory_space<vmem_shared>>
      tpu.enqueue_dma source(%dma_start3A_218 : memref<128x128xf32, #tpu.memory_space<vmem_shared>>) target(%arg12 : memref<128x128xf32, #tpu.memory_space<vmem>>) target_semaphore(%run_scoped3A_215 : memref<!tpu.dma_semaphore, #tpu.memory_space<semaphore_mem>>)
      %dma_wait3A = arith.constant 0 : i32
      %dma_wait3A_219 = tpu.memref_slice %arg9[%add3A_137, %dma_wait3A] : memref<10240x128xf32, #tpu.memory_space<vmem_shared>> -> memref<128x128xf32, #tpu.memory_space<vmem_shared>>
      %dma_wait3A_220 = arith.constant 0 : i32
      %dma_wait3A_221 = tpu.memref_slice %arg9[%add3A_137, %dma_wait3A_220] : memref<10240x128xf32, #tpu.memory_space<vmem_shared>> -> memref<128x128xf32, #tpu.memory_space<vmem_shared>>
      tpu.wait_dma2 semaphore(%run_scoped3A_215 : memref<!tpu.dma_semaphore, #tpu.memory_space<semaphore_mem>>) src(%dma_wait3A_221 : memref<128x128xf32, #tpu.memory_space<vmem_shared>>) dst(%arg12 : memref<128x128xf32, #tpu.memory_space<vmem>>)
      tpu.yield
    }) : () -> ()
    %add3A_138 = arith.constant 0 : i32
    %add3A_139 = arith.addi %multiple_of3A, %add3A_138 : i32
    %run_scoped3A_140 = arith.constant 2 : i32
    "tpu.region"() ({
      %run_scoped3A_215 = tpu.sem_alloc : memref<!tpu.dma_semaphore, #tpu.memory_space<semaphore_mem>>
      %dma_start3A = arith.constant 0 : i32
      %dma_start3A_216 = tpu.memref_slice %arg8[%arg0, %run_scoped3A_140, %add3A_139, %dma_start3A] : memref<2x4x10240x128xf32, #tpu.memory_space<hbm>> -> memref<1x1x128x128xf32, #tpu.memory_space<hbm>>
      %dma_start3A_217 = tpu.memref_squeeze %dma_start3A_216 : memref<1x1x128x128xf32, #tpu.memory_space<hbm>> -> memref<128x128xf32, #tpu.memory_space<hbm>>
      %dma_start3A_218 = arith.constant 0 : i32
      %dma_start3A_219 = tpu.memref_slice %arg8[%arg0, %run_scoped3A_140, %add3A_139, %dma_start3A_218] : memref<2x4x10240x128xf32, #tpu.memory_space<hbm>> -> memref<1x1x128x128xf32, #tpu.memory_space<hbm>>
      %dma_start3A_220 = tpu.memref_squeeze %dma_start3A_219 : memref<1x1x128x128xf32, #tpu.memory_space<hbm>> -> memref<128x128xf32, #tpu.memory_space<hbm>>
      tpu.enqueue_dma source(%arg12 : memref<128x128xf32, #tpu.memory_space<vmem>>) target(%dma_start3A_220 : memref<128x128xf32, #tpu.memory_space<hbm>>) target_semaphore(%run_scoped3A_215 : memref<!tpu.dma_semaphore, #tpu.memory_space<semaphore_mem>>)
      %dma_wait3A = arith.constant 0 : i32
      %dma_wait3A_221 = tpu.memref_slice %arg8[%arg0, %run_scoped3A_140, %add3A_139, %dma_wait3A] : memref<2x4x10240x128xf32, #tpu.memory_space<hbm>> -> memref<1x1x128x128xf32, #tpu.memory_space<hbm>>
      %dma_wait3A_222 = tpu.memref_squeeze %dma_wait3A_221 : memref<1x1x128x128xf32, #tpu.memory_space<hbm>> -> memref<128x128xf32, #tpu.memory_space<hbm>>
      %dma_wait3A_223 = arith.constant 0 : i32
      %dma_wait3A_224 = tpu.memref_slice %arg8[%arg0, %run_scoped3A_140, %add3A_139, %dma_wait3A_223] : memref<2x4x10240x128xf32, #tpu.memory_space<hbm>> -> memref<1x1x128x128xf32, #tpu.memory_space<hbm>>
      %dma_wait3A_225 = tpu.memref_squeeze %dma_wait3A_224 : memref<1x1x128x128xf32, #tpu.memory_space<hbm>> -> memref<128x128xf32, #tpu.memory_space<hbm>>
      tpu.wait_dma2 semaphore(%run_scoped3A_215 : memref<!tpu.dma_semaphore, #tpu.memory_space<semaphore_mem>>) src(%arg12 : memref<128x128xf32, #tpu.memory_space<vmem>>) dst(%dma_wait3A_225 : memref<128x128xf32, #tpu.memory_space<hbm>>)
      tpu.yield
    }) : () -> ()
    %add3A_141 = arith.constant 128 : i32
    %add3A_142 = arith.addi %multiple_of3A, %add3A_141 : i32
    "tpu.region"() ({
      %run_scoped3A_215 = tpu.sem_alloc : memref<!tpu.dma_semaphore, #tpu.memory_space<semaphore_mem>>
      %dma_start3A = arith.constant 0 : i32
      %dma_start3A_216 = tpu.memref_slice %arg9[%add3A_142, %dma_start3A] : memref<10240x128xf32, #tpu.memory_space<vmem_shared>> -> memref<128x128xf32, #tpu.memory_space<vmem_shared>>
      %dma_start3A_217 = arith.constant 0 : i32
      %dma_start3A_218 = tpu.memref_slice %arg9[%add3A_142, %dma_start3A_217] : memref<10240x128xf32, #tpu.memory_space<vmem_shared>> -> memref<128x128xf32, #tpu.memory_space<vmem_shared>>
      tpu.enqueue_dma source(%dma_start3A_218 : memref<128x128xf32, #tpu.memory_space<vmem_shared>>) target(%arg12 : memref<128x128xf32, #tpu.memory_space<vmem>>) target_semaphore(%run_scoped3A_215 : memref<!tpu.dma_semaphore, #tpu.memory_space<semaphore_mem>>)
      %dma_wait3A = arith.constant 0 : i32
      %dma_wait3A_219 = tpu.memref_slice %arg9[%add3A_142, %dma_wait3A] : memref<10240x128xf32, #tpu.memory_space<vmem_shared>> -> memref<128x128xf32, #tpu.memory_space<vmem_shared>>
      %dma_wait3A_220 = arith.constant 0 : i32
      %dma_wait3A_221 = tpu.memref_slice %arg9[%add3A_142, %dma_wait3A_220] : memref<10240x128xf32, #tpu.memory_space<vmem_shared>> -> memref<128x128xf32, #tpu.memory_space<vmem_shared>>
      tpu.wait_dma2 semaphore(%run_scoped3A_215 : memref<!tpu.dma_semaphore, #tpu.memory_space<semaphore_mem>>) src(%dma_wait3A_221 : memref<128x128xf32, #tpu.memory_space<vmem_shared>>) dst(%arg12 : memref<128x128xf32, #tpu.memory_space<vmem>>)
      tpu.yield
    }) : () -> ()
    %add3A_143 = arith.constant 128 : i32
    %add3A_144 = arith.addi %multiple_of3A, %add3A_143 : i32
    %run_scoped3A_145 = arith.constant 2 : i32
    "tpu.region"() ({
      %run_scoped3A_215 = tpu.sem_alloc : memref<!tpu.dma_semaphore, #tpu.memory_space<semaphore_mem>>
      %dma_start3A = arith.constant 0 : i32
      %dma_start3A_216 = tpu.memref_slice %arg8[%arg0, %run_scoped3A_145, %add3A_144, %dma_start3A] : memref<2x4x10240x128xf32, #tpu.memory_space<hbm>> -> memref<1x1x128x128xf32, #tpu.memory_space<hbm>>
      %dma_start3A_217 = tpu.memref_squeeze %dma_start3A_216 : memref<1x1x128x128xf32, #tpu.memory_space<hbm>> -> memref<128x128xf32, #tpu.memory_space<hbm>>
      %dma_start3A_218 = arith.constant 0 : i32
      %dma_start3A_219 = tpu.memref_slice %arg8[%arg0, %run_scoped3A_145, %add3A_144, %dma_start3A_218] : memref<2x4x10240x128xf32, #tpu.memory_space<hbm>> -> memref<1x1x128x128xf32, #tpu.memory_space<hbm>>
      %dma_start3A_220 = tpu.memref_squeeze %dma_start3A_219 : memref<1x1x128x128xf32, #tpu.memory_space<hbm>> -> memref<128x128xf32, #tpu.memory_space<hbm>>
      tpu.enqueue_dma source(%arg12 : memref<128x128xf32, #tpu.memory_space<vmem>>) target(%dma_start3A_220 : memref<128x128xf32, #tpu.memory_space<hbm>>) target_semaphore(%run_scoped3A_215 : memref<!tpu.dma_semaphore, #tpu.memory_space<semaphore_mem>>)
      %dma_wait3A = arith.constant 0 : i32
      %dma_wait3A_221 = tpu.memref_slice %arg8[%arg0, %run_scoped3A_145, %add3A_144, %dma_wait3A] : memref<2x4x10240x128xf32, #tpu.memory_space<hbm>> -> memref<1x1x128x128xf32, #tpu.memory_space<hbm>>
      %dma_wait3A_222 = tpu.memref_squeeze %dma_wait3A_221 : memref<1x1x128x128xf32, #tpu.memory_space<hbm>> -> memref<128x128xf32, #tpu.memory_space<hbm>>
      %dma_wait3A_223 = arith.constant 0 : i32
      %dma_wait3A_224 = tpu.memref_slice %arg8[%arg0, %run_scoped3A_145, %add3A_144, %dma_wait3A_223] : memref<2x4x10240x128xf32, #tpu.memory_space<hbm>> -> memref<1x1x128x128xf32, #tpu.memory_space<hbm>>
      %dma_wait3A_225 = tpu.memref_squeeze %dma_wait3A_224 : memref<1x1x128x128xf32, #tpu.memory_space<hbm>> -> memref<128x128xf32, #tpu.memory_space<hbm>>
      tpu.wait_dma2 semaphore(%run_scoped3A_215 : memref<!tpu.dma_semaphore, #tpu.memory_space<semaphore_mem>>) src(%arg12 : memref<128x128xf32, #tpu.memory_space<vmem>>) dst(%dma_wait3A_225 : memref<128x128xf32, #tpu.memory_space<hbm>>)
      tpu.yield
    }) : () -> ()
    %add3A_146 = arith.constant 256 : i32
    %add3A_147 = arith.addi %multiple_of3A, %add3A_146 : i32
    "tpu.region"() ({
      %run_scoped3A_215 = tpu.sem_alloc : memref<!tpu.dma_semaphore, #tpu.memory_space<semaphore_mem>>
      %dma_start3A = arith.constant 0 : i32
      %dma_start3A_216 = tpu.memref_slice %arg9[%add3A_147, %dma_start3A] : memref<10240x128xf32, #tpu.memory_space<vmem_shared>> -> memref<128x128xf32, #tpu.memory_space<vmem_shared>>
      %dma_start3A_217 = arith.constant 0 : i32
      %dma_start3A_218 = tpu.memref_slice %arg9[%add3A_147, %dma_start3A_217] : memref<10240x128xf32, #tpu.memory_space<vmem_shared>> -> memref<128x128xf32, #tpu.memory_space<vmem_shared>>
      tpu.enqueue_dma source(%dma_start3A_218 : memref<128x128xf32, #tpu.memory_space<vmem_shared>>) target(%arg12 : memref<128x128xf32, #tpu.memory_space<vmem>>) target_semaphore(%run_scoped3A_215 : memref<!tpu.dma_semaphore, #tpu.memory_space<semaphore_mem>>)
      %dma_wait3A = arith.constant 0 : i32
      %dma_wait3A_219 = tpu.memref_slice %arg9[%add3A_147, %dma_wait3A] : memref<10240x128xf32, #tpu.memory_space<vmem_shared>> -> memref<128x128xf32, #tpu.memory_space<vmem_shared>>
      %dma_wait3A_220 = arith.constant 0 : i32
      %dma_wait3A_221 = tpu.memref_slice %arg9[%add3A_147, %dma_wait3A_220] : memref<10240x128xf32, #tpu.memory_space<vmem_shared>> -> memref<128x128xf32, #tpu.memory_space<vmem_shared>>
      tpu.wait_dma2 semaphore(%run_scoped3A_215 : memref<!tpu.dma_semaphore, #tpu.memory_space<semaphore_mem>>) src(%dma_wait3A_221 : memref<128x128xf32, #tpu.memory_space<vmem_shared>>) dst(%arg12 : memref<128x128xf32, #tpu.memory_space<vmem>>)
      tpu.yield
    }) : () -> ()
    %add3A_148 = arith.constant 256 : i32
    %add3A_149 = arith.addi %multiple_of3A, %add3A_148 : i32
    %run_scoped3A_150 = arith.constant 2 : i32
    "tpu.region"() ({
      %run_scoped3A_215 = tpu.sem_alloc : memref<!tpu.dma_semaphore, #tpu.memory_space<semaphore_mem>>
      %dma_start3A = arith.constant 0 : i32
      %dma_start3A_216 = tpu.memref_slice %arg8[%arg0, %run_scoped3A_150, %add3A_149, %dma_start3A] : memref<2x4x10240x128xf32, #tpu.memory_space<hbm>> -> memref<1x1x128x128xf32, #tpu.memory_space<hbm>>
      %dma_start3A_217 = tpu.memref_squeeze %dma_start3A_216 : memref<1x1x128x128xf32, #tpu.memory_space<hbm>> -> memref<128x128xf32, #tpu.memory_space<hbm>>
      %dma_start3A_218 = arith.constant 0 : i32
      %dma_start3A_219 = tpu.memref_slice %arg8[%arg0, %run_scoped3A_150, %add3A_149, %dma_start3A_218] : memref<2x4x10240x128xf32, #tpu.memory_space<hbm>> -> memref<1x1x128x128xf32, #tpu.memory_space<hbm>>
      %dma_start3A_220 = tpu.memref_squeeze %dma_start3A_219 : memref<1x1x128x128xf32, #tpu.memory_space<hbm>> -> memref<128x128xf32, #tpu.memory_space<hbm>>
      tpu.enqueue_dma source(%arg12 : memref<128x128xf32, #tpu.memory_space<vmem>>) target(%dma_start3A_220 : memref<128x128xf32, #tpu.memory_space<hbm>>) target_semaphore(%run_scoped3A_215 : memref<!tpu.dma_semaphore, #tpu.memory_space<semaphore_mem>>)
      %dma_wait3A = arith.constant 0 : i32
      %dma_wait3A_221 = tpu.memref_slice %arg8[%arg0, %run_scoped3A_150, %add3A_149, %dma_wait3A] : memref<2x4x10240x128xf32, #tpu.memory_space<hbm>> -> memref<1x1x128x128xf32, #tpu.memory_space<hbm>>
      %dma_wait3A_222 = tpu.memref_squeeze %dma_wait3A_221 : memref<1x1x128x128xf32, #tpu.memory_space<hbm>> -> memref<128x128xf32, #tpu.memory_space<hbm>>
      %dma_wait3A_223 = arith.constant 0 : i32
      %dma_wait3A_224 = tpu.memref_slice %arg8[%arg0, %run_scoped3A_150, %add3A_149, %dma_wait3A_223] : memref<2x4x10240x128xf32, #tpu.memory_space<hbm>> -> memref<1x1x128x128xf32, #tpu.memory_space<hbm>>
      %dma_wait3A_225 = tpu.memref_squeeze %dma_wait3A_224 : memref<1x1x128x128xf32, #tpu.memory_space<hbm>> -> memref<128x128xf32, #tpu.memory_space<hbm>>
      tpu.wait_dma2 semaphore(%run_scoped3A_215 : memref<!tpu.dma_semaphore, #tpu.memory_space<semaphore_mem>>) src(%arg12 : memref<128x128xf32, #tpu.memory_space<vmem>>) dst(%dma_wait3A_225 : memref<128x128xf32, #tpu.memory_space<hbm>>)
      tpu.yield
    }) : () -> ()
    %add3A_151 = arith.constant 384 : i32
    %add3A_152 = arith.addi %multiple_of3A, %add3A_151 : i32
    "tpu.region"() ({
      %run_scoped3A_215 = tpu.sem_alloc : memref<!tpu.dma_semaphore, #tpu.memory_space<semaphore_mem>>
      %dma_start3A = arith.constant 0 : i32
      %dma_start3A_216 = tpu.memref_slice %arg9[%add3A_152, %dma_start3A] : memref<10240x128xf32, #tpu.memory_space<vmem_shared>> -> memref<128x128xf32, #tpu.memory_space<vmem_shared>>
      %dma_start3A_217 = arith.constant 0 : i32
      %dma_start3A_218 = tpu.memref_slice %arg9[%add3A_152, %dma_start3A_217] : memref<10240x128xf32, #tpu.memory_space<vmem_shared>> -> memref<128x128xf32, #tpu.memory_space<vmem_shared>>
      tpu.enqueue_dma source(%dma_start3A_218 : memref<128x128xf32, #tpu.memory_space<vmem_shared>>) target(%arg12 : memref<128x128xf32, #tpu.memory_space<vmem>>) target_semaphore(%run_scoped3A_215 : memref<!tpu.dma_semaphore, #tpu.memory_space<semaphore_mem>>)
      %dma_wait3A = arith.constant 0 : i32
      %dma_wait3A_219 = tpu.memref_slice %arg9[%add3A_152, %dma_wait3A] : memref<10240x128xf32, #tpu.memory_space<vmem_shared>> -> memref<128x128xf32, #tpu.memory_space<vmem_shared>>
      %dma_wait3A_220 = arith.constant 0 : i32
      %dma_wait3A_221 = tpu.memref_slice %arg9[%add3A_152, %dma_wait3A_220] : memref<10240x128xf32, #tpu.memory_space<vmem_shared>> -> memref<128x128xf32, #tpu.memory_space<vmem_shared>>
      tpu.wait_dma2 semaphore(%run_scoped3A_215 : memref<!tpu.dma_semaphore, #tpu.memory_space<semaphore_mem>>) src(%dma_wait3A_221 : memref<128x128xf32, #tpu.memory_space<vmem_shared>>) dst(%arg12 : memref<128x128xf32, #tpu.memory_space<vmem>>)
      tpu.yield
    }) : () -> ()
    %add3A_153 = arith.constant 384 : i32
    %add3A_154 = arith.addi %multiple_of3A, %add3A_153 : i32
    %run_scoped3A_155 = arith.constant 2 : i32
    "tpu.region"() ({
      %run_scoped3A_215 = tpu.sem_alloc : memref<!tpu.dma_semaphore, #tpu.memory_space<semaphore_mem>>
      %dma_start3A = arith.constant 0 : i32
      %dma_start3A_216 = tpu.memref_slice %arg8[%arg0, %run_scoped3A_155, %add3A_154, %dma_start3A] : memref<2x4x10240x128xf32, #tpu.memory_space<hbm>> -> memref<1x1x128x128xf32, #tpu.memory_space<hbm>>
      %dma_start3A_217 = tpu.memref_squeeze %dma_start3A_216 : memref<1x1x128x128xf32, #tpu.memory_space<hbm>> -> memref<128x128xf32, #tpu.memory_space<hbm>>
      %dma_start3A_218 = arith.constant 0 : i32
      %dma_start3A_219 = tpu.memref_slice %arg8[%arg0, %run_scoped3A_155, %add3A_154, %dma_start3A_218] : memref<2x4x10240x128xf32, #tpu.memory_space<hbm>> -> memref<1x1x128x128xf32, #tpu.memory_space<hbm>>
      %dma_start3A_220 = tpu.memref_squeeze %dma_start3A_219 : memref<1x1x128x128xf32, #tpu.memory_space<hbm>> -> memref<128x128xf32, #tpu.memory_space<hbm>>
      tpu.enqueue_dma source(%arg12 : memref<128x128xf32, #tpu.memory_space<vmem>>) target(%dma_start3A_220 : memref<128x128xf32, #tpu.memory_space<hbm>>) target_semaphore(%run_scoped3A_215 : memref<!tpu.dma_semaphore, #tpu.memory_space<semaphore_mem>>)
      %dma_wait3A = arith.constant 0 : i32
      %dma_wait3A_221 = tpu.memref_slice %arg8[%arg0, %run_scoped3A_155, %add3A_154, %dma_wait3A] : memref<2x4x10240x128xf32, #tpu.memory_space<hbm>> -> memref<1x1x128x128xf32, #tpu.memory_space<hbm>>
      %dma_wait3A_222 = tpu.memref_squeeze %dma_wait3A_221 : memref<1x1x128x128xf32, #tpu.memory_space<hbm>> -> memref<128x128xf32, #tpu.memory_space<hbm>>
      %dma_wait3A_223 = arith.constant 0 : i32
      %dma_wait3A_224 = tpu.memref_slice %arg8[%arg0, %run_scoped3A_155, %add3A_154, %dma_wait3A_223] : memref<2x4x10240x128xf32, #tpu.memory_space<hbm>> -> memref<1x1x128x128xf32, #tpu.memory_space<hbm>>
      %dma_wait3A_225 = tpu.memref_squeeze %dma_wait3A_224 : memref<1x1x128x128xf32, #tpu.memory_space<hbm>> -> memref<128x128xf32, #tpu.memory_space<hbm>>
      tpu.wait_dma2 semaphore(%run_scoped3A_215 : memref<!tpu.dma_semaphore, #tpu.memory_space<semaphore_mem>>) src(%arg12 : memref<128x128xf32, #tpu.memory_space<vmem>>) dst(%dma_wait3A_225 : memref<128x128xf32, #tpu.memory_space<hbm>>)
      tpu.yield
    }) : () -> ()
    %add3A_156 = arith.constant 512 : i32
    %add3A_157 = arith.addi %multiple_of3A, %add3A_156 : i32
    "tpu.region"() ({
      %run_scoped3A_215 = tpu.sem_alloc : memref<!tpu.dma_semaphore, #tpu.memory_space<semaphore_mem>>
      %dma_start3A = arith.constant 0 : i32
      %dma_start3A_216 = tpu.memref_slice %arg9[%add3A_157, %dma_start3A] : memref<10240x128xf32, #tpu.memory_space<vmem_shared>> -> memref<128x128xf32, #tpu.memory_space<vmem_shared>>
      %dma_start3A_217 = arith.constant 0 : i32
      %dma_start3A_218 = tpu.memref_slice %arg9[%add3A_157, %dma_start3A_217] : memref<10240x128xf32, #tpu.memory_space<vmem_shared>> -> memref<128x128xf32, #tpu.memory_space<vmem_shared>>
      tpu.enqueue_dma source(%dma_start3A_218 : memref<128x128xf32, #tpu.memory_space<vmem_shared>>) target(%arg12 : memref<128x128xf32, #tpu.memory_space<vmem>>) target_semaphore(%run_scoped3A_215 : memref<!tpu.dma_semaphore, #tpu.memory_space<semaphore_mem>>)
      %dma_wait3A = arith.constant 0 : i32
      %dma_wait3A_219 = tpu.memref_slice %arg9[%add3A_157, %dma_wait3A] : memref<10240x128xf32, #tpu.memory_space<vmem_shared>> -> memref<128x128xf32, #tpu.memory_space<vmem_shared>>
      %dma_wait3A_220 = arith.constant 0 : i32
      %dma_wait3A_221 = tpu.memref_slice %arg9[%add3A_157, %dma_wait3A_220] : memref<10240x128xf32, #tpu.memory_space<vmem_shared>> -> memref<128x128xf32, #tpu.memory_space<vmem_shared>>
      tpu.wait_dma2 semaphore(%run_scoped3A_215 : memref<!tpu.dma_semaphore, #tpu.memory_space<semaphore_mem>>) src(%dma_wait3A_221 : memref<128x128xf32, #tpu.memory_space<vmem_shared>>) dst(%arg12 : memref<128x128xf32, #tpu.memory_space<vmem>>)
      tpu.yield
    }) : () -> ()
    %add3A_158 = arith.constant 512 : i32
    %add3A_159 = arith.addi %multiple_of3A, %add3A_158 : i32
    %run_scoped3A_160 = arith.constant 2 : i32
    "tpu.region"() ({
      %run_scoped3A_215 = tpu.sem_alloc : memref<!tpu.dma_semaphore, #tpu.memory_space<semaphore_mem>>
      %dma_start3A = arith.constant 0 : i32
      %dma_start3A_216 = tpu.memref_slice %arg8[%arg0, %run_scoped3A_160, %add3A_159, %dma_start3A] : memref<2x4x10240x128xf32, #tpu.memory_space<hbm>> -> memref<1x1x128x128xf32, #tpu.memory_space<hbm>>
      %dma_start3A_217 = tpu.memref_squeeze %dma_start3A_216 : memref<1x1x128x128xf32, #tpu.memory_space<hbm>> -> memref<128x128xf32, #tpu.memory_space<hbm>>
      %dma_start3A_218 = arith.constant 0 : i32
      %dma_start3A_219 = tpu.memref_slice %arg8[%arg0, %run_scoped3A_160, %add3A_159, %dma_start3A_218] : memref<2x4x10240x128xf32, #tpu.memory_space<hbm>> -> memref<1x1x128x128xf32, #tpu.memory_space<hbm>>
      %dma_start3A_220 = tpu.memref_squeeze %dma_start3A_219 : memref<1x1x128x128xf32, #tpu.memory_space<hbm>> -> memref<128x128xf32, #tpu.memory_space<hbm>>
      tpu.enqueue_dma source(%arg12 : memref<128x128xf32, #tpu.memory_space<vmem>>) target(%dma_start3A_220 : memref<128x128xf32, #tpu.memory_space<hbm>>) target_semaphore(%run_scoped3A_215 : memref<!tpu.dma_semaphore, #tpu.memory_space<semaphore_mem>>)
      %dma_wait3A = arith.constant 0 : i32
      %dma_wait3A_221 = tpu.memref_slice %arg8[%arg0, %run_scoped3A_160, %add3A_159, %dma_wait3A] : memref<2x4x10240x128xf32, #tpu.memory_space<hbm>> -> memref<1x1x128x128xf32, #tpu.memory_space<hbm>>
      %dma_wait3A_222 = tpu.memref_squeeze %dma_wait3A_221 : memref<1x1x128x128xf32, #tpu.memory_space<hbm>> -> memref<128x128xf32, #tpu.memory_space<hbm>>
      %dma_wait3A_223 = arith.constant 0 : i32
      %dma_wait3A_224 = tpu.memref_slice %arg8[%arg0, %run_scoped3A_160, %add3A_159, %dma_wait3A_223] : memref<2x4x10240x128xf32, #tpu.memory_space<hbm>> -> memref<1x1x128x128xf32, #tpu.memory_space<hbm>>
      %dma_wait3A_225 = tpu.memref_squeeze %dma_wait3A_224 : memref<1x1x128x128xf32, #tpu.memory_space<hbm>> -> memref<128x128xf32, #tpu.memory_space<hbm>>
      tpu.wait_dma2 semaphore(%run_scoped3A_215 : memref<!tpu.dma_semaphore, #tpu.memory_space<semaphore_mem>>) src(%arg12 : memref<128x128xf32, #tpu.memory_space<vmem>>) dst(%dma_wait3A_225 : memref<128x128xf32, #tpu.memory_space<hbm>>)
      tpu.yield
    }) : () -> ()
    %barrier3A_161 = arith.constant 0 : index
    tpu.barrier barrier_id(%barrier3A_161)
    %add3A_162 = arith.constant 0 : i32
    %add3A_163 = arith.addi %multiple_of3A, %add3A_162 : i32
    "tpu.region"() ({
      %run_scoped3A_215 = tpu.sem_alloc : memref<!tpu.dma_semaphore, #tpu.memory_space<semaphore_mem>>
      %dma_start3A = arith.constant 0 : i32
      %dma_start3A_216 = tpu.memref_slice %arg5[%add3A_163, %dma_start3A] : memref<10240x128xf32, #tpu.memory_space<hbm>> -> memref<128x128xf32, #tpu.memory_space<hbm>>
      %dma_start3A_217 = arith.constant 0 : i32
      %dma_start3A_218 = tpu.memref_slice %arg5[%add3A_163, %dma_start3A_217] : memref<10240x128xf32, #tpu.memory_space<hbm>> -> memref<128x128xf32, #tpu.memory_space<hbm>>
      tpu.enqueue_dma source(%dma_start3A_218 : memref<128x128xf32, #tpu.memory_space<hbm>>) target(%arg12 : memref<128x128xf32, #tpu.memory_space<vmem>>) target_semaphore(%run_scoped3A_215 : memref<!tpu.dma_semaphore, #tpu.memory_space<semaphore_mem>>)
      %dma_wait3A = arith.constant 0 : i32
      %dma_wait3A_219 = tpu.memref_slice %arg5[%add3A_163, %dma_wait3A] : memref<10240x128xf32, #tpu.memory_space<hbm>> -> memref<128x128xf32, #tpu.memory_space<hbm>>
      %dma_wait3A_220 = arith.constant 0 : i32
      %dma_wait3A_221 = tpu.memref_slice %arg5[%add3A_163, %dma_wait3A_220] : memref<10240x128xf32, #tpu.memory_space<hbm>> -> memref<128x128xf32, #tpu.memory_space<hbm>>
      tpu.wait_dma2 semaphore(%run_scoped3A_215 : memref<!tpu.dma_semaphore, #tpu.memory_space<semaphore_mem>>) src(%dma_wait3A_221 : memref<128x128xf32, #tpu.memory_space<hbm>>) dst(%arg12 : memref<128x128xf32, #tpu.memory_space<vmem>>)
      tpu.yield
    }) : () -> ()
    %add3A_164 = arith.constant 0 : i32
    %add3A_165 = arith.addi %multiple_of3A, %add3A_164 : i32
    "tpu.region"() ({
      %run_scoped3A_215 = tpu.sem_alloc : memref<!tpu.dma_semaphore, #tpu.memory_space<semaphore_mem>>
      %dma_start3A = arith.constant 0 : i32
      %dma_start3A_216 = tpu.memref_slice %arg9[%add3A_165, %dma_start3A] : memref<10240x128xf32, #tpu.memory_space<vmem_shared>> -> memref<128x128xf32, #tpu.memory_space<vmem_shared>>
      %dma_start3A_217 = arith.constant 0 : i32
      %dma_start3A_218 = tpu.memref_slice %arg9[%add3A_165, %dma_start3A_217] : memref<10240x128xf32, #tpu.memory_space<vmem_shared>> -> memref<128x128xf32, #tpu.memory_space<vmem_shared>>
      tpu.enqueue_dma source(%arg12 : memref<128x128xf32, #tpu.memory_space<vmem>>) target(%dma_start3A_218 : memref<128x128xf32, #tpu.memory_space<vmem_shared>>) target_semaphore(%run_scoped3A_215 : memref<!tpu.dma_semaphore, #tpu.memory_space<semaphore_mem>>)
      %dma_wait3A = arith.constant 0 : i32
      %dma_wait3A_219 = tpu.memref_slice %arg9[%add3A_165, %dma_wait3A] : memref<10240x128xf32, #tpu.memory_space<vmem_shared>> -> memref<128x128xf32, #tpu.memory_space<vmem_shared>>
      %dma_wait3A_220 = arith.constant 0 : i32
      %dma_wait3A_221 = tpu.memref_slice %arg9[%add3A_165, %dma_wait3A_220] : memref<10240x128xf32, #tpu.memory_space<vmem_shared>> -> memref<128x128xf32, #tpu.memory_space<vmem_shared>>
      tpu.wait_dma2 semaphore(%run_scoped3A_215 : memref<!tpu.dma_semaphore, #tpu.memory_space<semaphore_mem>>) src(%arg12 : memref<128x128xf32, #tpu.memory_space<vmem>>) dst(%dma_wait3A_221 : memref<128x128xf32, #tpu.memory_space<vmem_shared>>)
      tpu.yield
    }) : () -> ()
    %add3A_166 = arith.constant 128 : i32
    %add3A_167 = arith.addi %multiple_of3A, %add3A_166 : i32
    "tpu.region"() ({
      %run_scoped3A_215 = tpu.sem_alloc : memref<!tpu.dma_semaphore, #tpu.memory_space<semaphore_mem>>
      %dma_start3A = arith.constant 0 : i32
      %dma_start3A_216 = tpu.memref_slice %arg5[%add3A_167, %dma_start3A] : memref<10240x128xf32, #tpu.memory_space<hbm>> -> memref<128x128xf32, #tpu.memory_space<hbm>>
      %dma_start3A_217 = arith.constant 0 : i32
      %dma_start3A_218 = tpu.memref_slice %arg5[%add3A_167, %dma_start3A_217] : memref<10240x128xf32, #tpu.memory_space<hbm>> -> memref<128x128xf32, #tpu.memory_space<hbm>>
      tpu.enqueue_dma source(%dma_start3A_218 : memref<128x128xf32, #tpu.memory_space<hbm>>) target(%arg12 : memref<128x128xf32, #tpu.memory_space<vmem>>) target_semaphore(%run_scoped3A_215 : memref<!tpu.dma_semaphore, #tpu.memory_space<semaphore_mem>>)
      %dma_wait3A = arith.constant 0 : i32
      %dma_wait3A_219 = tpu.memref_slice %arg5[%add3A_167, %dma_wait3A] : memref<10240x128xf32, #tpu.memory_space<hbm>> -> memref<128x128xf32, #tpu.memory_space<hbm>>
      %dma_wait3A_220 = arith.constant 0 : i32
      %dma_wait3A_221 = tpu.memref_slice %arg5[%add3A_167, %dma_wait3A_220] : memref<10240x128xf32, #tpu.memory_space<hbm>> -> memref<128x128xf32, #tpu.memory_space<hbm>>
      tpu.wait_dma2 semaphore(%run_scoped3A_215 : memref<!tpu.dma_semaphore, #tpu.memory_space<semaphore_mem>>) src(%dma_wait3A_221 : memref<128x128xf32, #tpu.memory_space<hbm>>) dst(%arg12 : memref<128x128xf32, #tpu.memory_space<vmem>>)
      tpu.yield
    }) : () -> ()
    %add3A_168 = arith.constant 128 : i32
    %add3A_169 = arith.addi %multiple_of3A, %add3A_168 : i32
    "tpu.region"() ({
      %run_scoped3A_215 = tpu.sem_alloc : memref<!tpu.dma_semaphore, #tpu.memory_space<semaphore_mem>>
      %dma_start3A = arith.constant 0 : i32
      %dma_start3A_216 = tpu.memref_slice %arg9[%add3A_169, %dma_start3A] : memref<10240x128xf32, #tpu.memory_space<vmem_shared>> -> memref<128x128xf32, #tpu.memory_space<vmem_shared>>
      %dma_start3A_217 = arith.constant 0 : i32
      %dma_start3A_218 = tpu.memref_slice %arg9[%add3A_169, %dma_start3A_217] : memref<10240x128xf32, #tpu.memory_space<vmem_shared>> -> memref<128x128xf32, #tpu.memory_space<vmem_shared>>
      tpu.enqueue_dma source(%arg12 : memref<128x128xf32, #tpu.memory_space<vmem>>) target(%dma_start3A_218 : memref<128x128xf32, #tpu.memory_space<vmem_shared>>) target_semaphore(%run_scoped3A_215 : memref<!tpu.dma_semaphore, #tpu.memory_space<semaphore_mem>>)
      %dma_wait3A = arith.constant 0 : i32
      %dma_wait3A_219 = tpu.memref_slice %arg9[%add3A_169, %dma_wait3A] : memref<10240x128xf32, #tpu.memory_space<vmem_shared>> -> memref<128x128xf32, #tpu.memory_space<vmem_shared>>
      %dma_wait3A_220 = arith.constant 0 : i32
      %dma_wait3A_221 = tpu.memref_slice %arg9[%add3A_169, %dma_wait3A_220] : memref<10240x128xf32, #tpu.memory_space<vmem_shared>> -> memref<128x128xf32, #tpu.memory_space<vmem_shared>>
      tpu.wait_dma2 semaphore(%run_scoped3A_215 : memref<!tpu.dma_semaphore, #tpu.memory_space<semaphore_mem>>) src(%arg12 : memref<128x128xf32, #tpu.memory_space<vmem>>) dst(%dma_wait3A_221 : memref<128x128xf32, #tpu.memory_space<vmem_shared>>)
      tpu.yield
    }) : () -> ()
    %add3A_170 = arith.constant 256 : i32
    %add3A_171 = arith.addi %multiple_of3A, %add3A_170 : i32
    "tpu.region"() ({
      %run_scoped3A_215 = tpu.sem_alloc : memref<!tpu.dma_semaphore, #tpu.memory_space<semaphore_mem>>
      %dma_start3A = arith.constant 0 : i32
      %dma_start3A_216 = tpu.memref_slice %arg5[%add3A_171, %dma_start3A] : memref<10240x128xf32, #tpu.memory_space<hbm>> -> memref<128x128xf32, #tpu.memory_space<hbm>>
      %dma_start3A_217 = arith.constant 0 : i32
      %dma_start3A_218 = tpu.memref_slice %arg5[%add3A_171, %dma_start3A_217] : memref<10240x128xf32, #tpu.memory_space<hbm>> -> memref<128x128xf32, #tpu.memory_space<hbm>>
      tpu.enqueue_dma source(%dma_start3A_218 : memref<128x128xf32, #tpu.memory_space<hbm>>) target(%arg12 : memref<128x128xf32, #tpu.memory_space<vmem>>) target_semaphore(%run_scoped3A_215 : memref<!tpu.dma_semaphore, #tpu.memory_space<semaphore_mem>>)
      %dma_wait3A = arith.constant 0 : i32
      %dma_wait3A_219 = tpu.memref_slice %arg5[%add3A_171, %dma_wait3A] : memref<10240x128xf32, #tpu.memory_space<hbm>> -> memref<128x128xf32, #tpu.memory_space<hbm>>
      %dma_wait3A_220 = arith.constant 0 : i32
      %dma_wait3A_221 = tpu.memref_slice %arg5[%add3A_171, %dma_wait3A_220] : memref<10240x128xf32, #tpu.memory_space<hbm>> -> memref<128x128xf32, #tpu.memory_space<hbm>>
      tpu.wait_dma2 semaphore(%run_scoped3A_215 : memref<!tpu.dma_semaphore, #tpu.memory_space<semaphore_mem>>) src(%dma_wait3A_221 : memref<128x128xf32, #tpu.memory_space<hbm>>) dst(%arg12 : memref<128x128xf32, #tpu.memory_space<vmem>>)
      tpu.yield
    }) : () -> ()
    %add3A_172 = arith.constant 256 : i32
    %add3A_173 = arith.addi %multiple_of3A, %add3A_172 : i32
    "tpu.region"() ({
      %run_scoped3A_215 = tpu.sem_alloc : memref<!tpu.dma_semaphore, #tpu.memory_space<semaphore_mem>>
      %dma_start3A = arith.constant 0 : i32
      %dma_start3A_216 = tpu.memref_slice %arg9[%add3A_173, %dma_start3A] : memref<10240x128xf32, #tpu.memory_space<vmem_shared>> -> memref<128x128xf32, #tpu.memory_space<vmem_shared>>
      %dma_start3A_217 = arith.constant 0 : i32
      %dma_start3A_218 = tpu.memref_slice %arg9[%add3A_173, %dma_start3A_217] : memref<10240x128xf32, #tpu.memory_space<vmem_shared>> -> memref<128x128xf32, #tpu.memory_space<vmem_shared>>
      tpu.enqueue_dma source(%arg12 : memref<128x128xf32, #tpu.memory_space<vmem>>) target(%dma_start3A_218 : memref<128x128xf32, #tpu.memory_space<vmem_shared>>) target_semaphore(%run_scoped3A_215 : memref<!tpu.dma_semaphore, #tpu.memory_space<semaphore_mem>>)
      %dma_wait3A = arith.constant 0 : i32
      %dma_wait3A_219 = tpu.memref_slice %arg9[%add3A_173, %dma_wait3A] : memref<10240x128xf32, #tpu.memory_space<vmem_shared>> -> memref<128x128xf32, #tpu.memory_space<vmem_shared>>
      %dma_wait3A_220 = arith.constant 0 : i32
      %dma_wait3A_221 = tpu.memref_slice %arg9[%add3A_173, %dma_wait3A_220] : memref<10240x128xf32, #tpu.memory_space<vmem_shared>> -> memref<128x128xf32, #tpu.memory_space<vmem_shared>>
      tpu.wait_dma2 semaphore(%run_scoped3A_215 : memref<!tpu.dma_semaphore, #tpu.memory_space<semaphore_mem>>) src(%arg12 : memref<128x128xf32, #tpu.memory_space<vmem>>) dst(%dma_wait3A_221 : memref<128x128xf32, #tpu.memory_space<vmem_shared>>)
      tpu.yield
    }) : () -> ()
    %add3A_174 = arith.constant 384 : i32
    %add3A_175 = arith.addi %multiple_of3A, %add3A_174 : i32
    "tpu.region"() ({
      %run_scoped3A_215 = tpu.sem_alloc : memref<!tpu.dma_semaphore, #tpu.memory_space<semaphore_mem>>
      %dma_start3A = arith.constant 0 : i32
      %dma_start3A_216 = tpu.memref_slice %arg5[%add3A_175, %dma_start3A] : memref<10240x128xf32, #tpu.memory_space<hbm>> -> memref<128x128xf32, #tpu.memory_space<hbm>>
      %dma_start3A_217 = arith.constant 0 : i32
      %dma_start3A_218 = tpu.memref_slice %arg5[%add3A_175, %dma_start3A_217] : memref<10240x128xf32, #tpu.memory_space<hbm>> -> memref<128x128xf32, #tpu.memory_space<hbm>>
      tpu.enqueue_dma source(%dma_start3A_218 : memref<128x128xf32, #tpu.memory_space<hbm>>) target(%arg12 : memref<128x128xf32, #tpu.memory_space<vmem>>) target_semaphore(%run_scoped3A_215 : memref<!tpu.dma_semaphore, #tpu.memory_space<semaphore_mem>>)
      %dma_wait3A = arith.constant 0 : i32
      %dma_wait3A_219 = tpu.memref_slice %arg5[%add3A_175, %dma_wait3A] : memref<10240x128xf32, #tpu.memory_space<hbm>> -> memref<128x128xf32, #tpu.memory_space<hbm>>
      %dma_wait3A_220 = arith.constant 0 : i32
      %dma_wait3A_221 = tpu.memref_slice %arg5[%add3A_175, %dma_wait3A_220] : memref<10240x128xf32, #tpu.memory_space<hbm>> -> memref<128x128xf32, #tpu.memory_space<hbm>>
      tpu.wait_dma2 semaphore(%run_scoped3A_215 : memref<!tpu.dma_semaphore, #tpu.memory_space<semaphore_mem>>) src(%dma_wait3A_221 : memref<128x128xf32, #tpu.memory_space<hbm>>) dst(%arg12 : memref<128x128xf32, #tpu.memory_space<vmem>>)
      tpu.yield
    }) : () -> ()
    %add3A_176 = arith.constant 384 : i32
    %add3A_177 = arith.addi %multiple_of3A, %add3A_176 : i32
    "tpu.region"() ({
      %run_scoped3A_215 = tpu.sem_alloc : memref<!tpu.dma_semaphore, #tpu.memory_space<semaphore_mem>>
      %dma_start3A = arith.constant 0 : i32
      %dma_start3A_216 = tpu.memref_slice %arg9[%add3A_177, %dma_start3A] : memref<10240x128xf32, #tpu.memory_space<vmem_shared>> -> memref<128x128xf32, #tpu.memory_space<vmem_shared>>
      %dma_start3A_217 = arith.constant 0 : i32
      %dma_start3A_218 = tpu.memref_slice %arg9[%add3A_177, %dma_start3A_217] : memref<10240x128xf32, #tpu.memory_space<vmem_shared>> -> memref<128x128xf32, #tpu.memory_space<vmem_shared>>
      tpu.enqueue_dma source(%arg12 : memref<128x128xf32, #tpu.memory_space<vmem>>) target(%dma_start3A_218 : memref<128x128xf32, #tpu.memory_space<vmem_shared>>) target_semaphore(%run_scoped3A_215 : memref<!tpu.dma_semaphore, #tpu.memory_space<semaphore_mem>>)
      %dma_wait3A = arith.constant 0 : i32
      %dma_wait3A_219 = tpu.memref_slice %arg9[%add3A_177, %dma_wait3A] : memref<10240x128xf32, #tpu.memory_space<vmem_shared>> -> memref<128x128xf32, #tpu.memory_space<vmem_shared>>
      %dma_wait3A_220 = arith.constant 0 : i32
      %dma_wait3A_221 = tpu.memref_slice %arg9[%add3A_177, %dma_wait3A_220] : memref<10240x128xf32, #tpu.memory_space<vmem_shared>> -> memref<128x128xf32, #tpu.memory_space<vmem_shared>>
      tpu.wait_dma2 semaphore(%run_scoped3A_215 : memref<!tpu.dma_semaphore, #tpu.memory_space<semaphore_mem>>) src(%arg12 : memref<128x128xf32, #tpu.memory_space<vmem>>) dst(%dma_wait3A_221 : memref<128x128xf32, #tpu.memory_space<vmem_shared>>)
      tpu.yield
    }) : () -> ()
    %add3A_178 = arith.constant 512 : i32
    %add3A_179 = arith.addi %multiple_of3A, %add3A_178 : i32
    "tpu.region"() ({
      %run_scoped3A_215 = tpu.sem_alloc : memref<!tpu.dma_semaphore, #tpu.memory_space<semaphore_mem>>
      %dma_start3A = arith.constant 0 : i32
      %dma_start3A_216 = tpu.memref_slice %arg5[%add3A_179, %dma_start3A] : memref<10240x128xf32, #tpu.memory_space<hbm>> -> memref<128x128xf32, #tpu.memory_space<hbm>>
      %dma_start3A_217 = arith.constant 0 : i32
      %dma_start3A_218 = tpu.memref_slice %arg5[%add3A_179, %dma_start3A_217] : memref<10240x128xf32, #tpu.memory_space<hbm>> -> memref<128x128xf32, #tpu.memory_space<hbm>>
      tpu.enqueue_dma source(%dma_start3A_218 : memref<128x128xf32, #tpu.memory_space<hbm>>) target(%arg12 : memref<128x128xf32, #tpu.memory_space<vmem>>) target_semaphore(%run_scoped3A_215 : memref<!tpu.dma_semaphore, #tpu.memory_space<semaphore_mem>>)
      %dma_wait3A = arith.constant 0 : i32
      %dma_wait3A_219 = tpu.memref_slice %arg5[%add3A_179, %dma_wait3A] : memref<10240x128xf32, #tpu.memory_space<hbm>> -> memref<128x128xf32, #tpu.memory_space<hbm>>
      %dma_wait3A_220 = arith.constant 0 : i32
      %dma_wait3A_221 = tpu.memref_slice %arg5[%add3A_179, %dma_wait3A_220] : memref<10240x128xf32, #tpu.memory_space<hbm>> -> memref<128x128xf32, #tpu.memory_space<hbm>>
      tpu.wait_dma2 semaphore(%run_scoped3A_215 : memref<!tpu.dma_semaphore, #tpu.memory_space<semaphore_mem>>) src(%dma_wait3A_221 : memref<128x128xf32, #tpu.memory_space<hbm>>) dst(%arg12 : memref<128x128xf32, #tpu.memory_space<vmem>>)
      tpu.yield
    }) : () -> ()
    %add3A_180 = arith.constant 512 : i32
    %add3A_181 = arith.addi %multiple_of3A, %add3A_180 : i32
    "tpu.region"() ({
      %run_scoped3A_215 = tpu.sem_alloc : memref<!tpu.dma_semaphore, #tpu.memory_space<semaphore_mem>>
      %dma_start3A = arith.constant 0 : i32
      %dma_start3A_216 = tpu.memref_slice %arg9[%add3A_181, %dma_start3A] : memref<10240x128xf32, #tpu.memory_space<vmem_shared>> -> memref<128x128xf32, #tpu.memory_space<vmem_shared>>
      %dma_start3A_217 = arith.constant 0 : i32
      %dma_start3A_218 = tpu.memref_slice %arg9[%add3A_181, %dma_start3A_217] : memref<10240x128xf32, #tpu.memory_space<vmem_shared>> -> memref<128x128xf32, #tpu.memory_space<vmem_shared>>
      tpu.enqueue_dma source(%arg12 : memref<128x128xf32, #tpu.memory_space<vmem>>) target(%dma_start3A_218 : memref<128x128xf32, #tpu.memory_space<vmem_shared>>) target_semaphore(%run_scoped3A_215 : memref<!tpu.dma_semaphore, #tpu.memory_space<semaphore_mem>>)
      %dma_wait3A = arith.constant 0 : i32
      %dma_wait3A_219 = tpu.memref_slice %arg9[%add3A_181, %dma_wait3A] : memref<10240x128xf32, #tpu.memory_space<vmem_shared>> -> memref<128x128xf32, #tpu.memory_space<vmem_shared>>
      %dma_wait3A_220 = arith.constant 0 : i32
      %dma_wait3A_221 = tpu.memref_slice %arg9[%add3A_181, %dma_wait3A_220] : memref<10240x128xf32, #tpu.memory_space<vmem_shared>> -> memref<128x128xf32, #tpu.memory_space<vmem_shared>>
      tpu.wait_dma2 semaphore(%run_scoped3A_215 : memref<!tpu.dma_semaphore, #tpu.memory_space<semaphore_mem>>) src(%arg12 : memref<128x128xf32, #tpu.memory_space<vmem>>) dst(%dma_wait3A_221 : memref<128x128xf32, #tpu.memory_space<vmem_shared>>)
      tpu.yield
    }) : () -> ()
    %barrier3A_182 = arith.constant 0 : index
    tpu.barrier barrier_id(%barrier3A_182)
    %scan3A_183 = arith.constant 0 : i32
    %scan3A_184 = arith.constant 0 : i32
    %scan3A_185 = arith.constant 79 : i32
    %scan3A_186 = arith.addi %scan3A_184, %scan3A_185 : i32
    %scan3A_187 = arith.constant 1 : i32
    scf.for %scan3A_215 = %scan3A_184 to %scan3A_186 step %scan3A_187  : i32 {
      %mul3A_216 = arith.constant 79 : i32
      %mul3A_217 = arith.muli %add3A, %mul3A_216 : i32
      %add3A_218 = arith.addi %mul3A_217, %scan3A_215 : i32
      %mul3A_219 = arith.constant 128 : i32
      %mul3A_220 = arith.muli %add3A_218, %mul3A_219 : i32
      %multiple_of3A_221 = tpu.assume_multiple %mul3A_220, 8 : i32
      "tpu.region"() ({
        %run_scoped3A_226 = tpu.sem_alloc : memref<!tpu.dma_semaphore, #tpu.memory_space<semaphore_mem>>
        %dma_start3A_227 = tpu.memref_slice %arg6[%multiple_of3A_221] : memref<323584xi32, #tpu.memory_space<hbm>> -> memref<128xi32, #tpu.memory_space<hbm>>
        %dma_start3A_228 = tpu.memref_slice %arg6[%multiple_of3A_221] : memref<323584xi32, #tpu.memory_space<hbm>> -> memref<128xi32, #tpu.memory_space<hbm>>
        tpu.enqueue_dma source(%dma_start3A_228 : memref<128xi32, #tpu.memory_space<hbm>>) target(%arg10 : memref<128xi32, #tpu.memory_space<vmem>>) target_semaphore(%run_scoped3A_226 : memref<!tpu.dma_semaphore, #tpu.memory_space<semaphore_mem>>)
        %dma_wait3A_229 = tpu.memref_slice %arg6[%multiple_of3A_221] : memref<323584xi32, #tpu.memory_space<hbm>> -> memref<128xi32, #tpu.memory_space<hbm>>
        %dma_wait3A_230 = tpu.memref_slice %arg6[%multiple_of3A_221] : memref<323584xi32, #tpu.memory_space<hbm>> -> memref<128xi32, #tpu.memory_space<hbm>>
        tpu.wait_dma2 semaphore(%run_scoped3A_226 : memref<!tpu.dma_semaphore, #tpu.memory_space<semaphore_mem>>) src(%dma_wait3A_230 : memref<128xi32, #tpu.memory_space<hbm>>) dst(%arg10 : memref<128xi32, #tpu.memory_space<vmem>>)
        tpu.yield
      }) : () -> ()
      "tpu.region"() ({
        %run_scoped3A_226 = tpu.sem_alloc : memref<!tpu.dma_semaphore, #tpu.memory_space<semaphore_mem>>
        %dma_start3A_227 = tpu.memref_slice %arg7[%multiple_of3A_221] : memref<323584xi32, #tpu.memory_space<hbm>> -> memref<128xi32, #tpu.memory_space<hbm>>
        %dma_start3A_228 = tpu.memref_slice %arg7[%multiple_of3A_221] : memref<323584xi32, #tpu.memory_space<hbm>> -> memref<128xi32, #tpu.memory_space<hbm>>
        tpu.enqueue_dma source(%dma_start3A_228 : memref<128xi32, #tpu.memory_space<hbm>>) target(%arg11 : memref<128xi32, #tpu.memory_space<vmem>>) target_semaphore(%run_scoped3A_226 : memref<!tpu.dma_semaphore, #tpu.memory_space<semaphore_mem>>)
        %dma_wait3A_229 = tpu.memref_slice %arg7[%multiple_of3A_221] : memref<323584xi32, #tpu.memory_space<hbm>> -> memref<128xi32, #tpu.memory_space<hbm>>
        %dma_wait3A_230 = tpu.memref_slice %arg7[%multiple_of3A_221] : memref<323584xi32, #tpu.memory_space<hbm>> -> memref<128xi32, #tpu.memory_space<hbm>>
        tpu.wait_dma2 semaphore(%run_scoped3A_226 : memref<!tpu.dma_semaphore, #tpu.memory_space<semaphore_mem>>) src(%dma_wait3A_230 : memref<128xi32, #tpu.memory_space<hbm>>) dst(%arg11 : memref<128xi32, #tpu.memory_space<vmem>>)
        tpu.yield
      }) : () -> ()
      %dma_start3A = arith.constant 0 : i32
      %dma_start3A_222 = arith.constant 0 : i32
      %dma_start3A_223 = tpu.memref_slice %arg5[%dma_start3A, %dma_start3A_222] : memref<10240x128xf32, #tpu.memory_space<hbm>> -> memref<10240x128xf32, #tpu.memory_space<hbm>>
      tpu.enqueue_indirect_dma source(%dma_start3A_223 : memref<10240x128xf32, #tpu.memory_space<hbm>>) target(%arg12 : memref<128x128xf32, #tpu.memory_space<vmem>>) offsets(%arg10 : memref<128xi32, #tpu.memory_space<vmem>>) semaphore(%arg13 : memref<!tpu.dma_semaphore, #tpu.memory_space<semaphore_mem>>)
      %dma_wait3A = arith.constant 0 : i32
      %dma_wait3A_224 = arith.constant 0 : i32
      %dma_wait3A_225 = tpu.memref_slice %arg5[%dma_wait3A, %dma_wait3A_224] : memref<10240x128xf32, #tpu.memory_space<hbm>> -> memref<10240x128xf32, #tpu.memory_space<hbm>>
      tpu.wait_indirect_dma semaphore(%arg13 : memref<!tpu.dma_semaphore, #tpu.memory_space<semaphore_mem>>) src(%dma_wait3A_225 : memref<10240x128xf32, #tpu.memory_space<hbm>>) dst(%arg12 : memref<128x128xf32, #tpu.memory_space<vmem>>)
      "tpu.region"() ({
        %run_scoped3A_226 = tpu.sem_alloc : memref<!tpu.dma_semaphore, #tpu.memory_space<semaphore_mem>>
        %dma_start3A_227 = arith.constant 0 : i32
        %dma_start3A_228 = arith.constant 0 : i32
        %dma_start3A_229 = tpu.memref_slice %arg9[%dma_start3A_227, %dma_start3A_228] : memref<10240x128xf32, #tpu.memory_space<vmem_shared>> -> memref<10240x128xf32, #tpu.memory_space<vmem_shared>>
        tpu.enqueue_indirect_dma source(%arg12 : memref<128x128xf32, #tpu.memory_space<vmem>>) target(%dma_start3A_229 : memref<10240x128xf32, #tpu.memory_space<vmem_shared>>) offsets(%arg11 : memref<128xi32, #tpu.memory_space<vmem>>) semaphore(%run_scoped3A_226 : memref<!tpu.dma_semaphore, #tpu.memory_space<semaphore_mem>>) {add = true}
        %dma_wait3A_230 = arith.constant 0 : i32
        %dma_wait3A_231 = arith.constant 0 : i32
        %dma_wait3A_232 = tpu.memref_slice %arg9[%dma_wait3A_230, %dma_wait3A_231] : memref<10240x128xf32, #tpu.memory_space<vmem_shared>> -> memref<10240x128xf32, #tpu.memory_space<vmem_shared>>
        tpu.wait_indirect_dma semaphore(%run_scoped3A_226 : memref<!tpu.dma_semaphore, #tpu.memory_space<semaphore_mem>>) src(%arg12 : memref<128x128xf32, #tpu.memory_space<vmem>>) dst(%dma_wait3A_232 : memref<10240x128xf32, #tpu.memory_space<vmem_shared>>)
        tpu.yield
      }) : () -> ()
    }
    %scan3A_188 = arith.constant 79 : i32
    %barrier3A_189 = arith.constant 0 : index
    tpu.barrier barrier_id(%barrier3A_189)
    %add3A_190 = arith.constant 0 : i32
    %add3A_191 = arith.addi %multiple_of3A, %add3A_190 : i32
    "tpu.region"() ({
      %run_scoped3A_215 = tpu.sem_alloc : memref<!tpu.dma_semaphore, #tpu.memory_space<semaphore_mem>>
      %dma_start3A = arith.constant 0 : i32
      %dma_start3A_216 = tpu.memref_slice %arg9[%add3A_191, %dma_start3A] : memref<10240x128xf32, #tpu.memory_space<vmem_shared>> -> memref<128x128xf32, #tpu.memory_space<vmem_shared>>
      %dma_start3A_217 = arith.constant 0 : i32
      %dma_start3A_218 = tpu.memref_slice %arg9[%add3A_191, %dma_start3A_217] : memref<10240x128xf32, #tpu.memory_space<vmem_shared>> -> memref<128x128xf32, #tpu.memory_space<vmem_shared>>
      tpu.enqueue_dma source(%dma_start3A_218 : memref<128x128xf32, #tpu.memory_space<vmem_shared>>) target(%arg12 : memref<128x128xf32, #tpu.memory_space<vmem>>) target_semaphore(%run_scoped3A_215 : memref<!tpu.dma_semaphore, #tpu.memory_space<semaphore_mem>>)
      %dma_wait3A = arith.constant 0 : i32
      %dma_wait3A_219 = tpu.memref_slice %arg9[%add3A_191, %dma_wait3A] : memref<10240x128xf32, #tpu.memory_space<vmem_shared>> -> memref<128x128xf32, #tpu.memory_space<vmem_shared>>
      %dma_wait3A_220 = arith.constant 0 : i32
      %dma_wait3A_221 = tpu.memref_slice %arg9[%add3A_191, %dma_wait3A_220] : memref<10240x128xf32, #tpu.memory_space<vmem_shared>> -> memref<128x128xf32, #tpu.memory_space<vmem_shared>>
      tpu.wait_dma2 semaphore(%run_scoped3A_215 : memref<!tpu.dma_semaphore, #tpu.memory_space<semaphore_mem>>) src(%dma_wait3A_221 : memref<128x128xf32, #tpu.memory_space<vmem_shared>>) dst(%arg12 : memref<128x128xf32, #tpu.memory_space<vmem>>)
      tpu.yield
    }) : () -> ()
    %add3A_192 = arith.constant 0 : i32
    %add3A_193 = arith.addi %multiple_of3A, %add3A_192 : i32
    %run_scoped3A_194 = arith.constant 3 : i32
    "tpu.region"() ({
      %run_scoped3A_215 = tpu.sem_alloc : memref<!tpu.dma_semaphore, #tpu.memory_space<semaphore_mem>>
      %dma_start3A = arith.constant 0 : i32
      %dma_start3A_216 = tpu.memref_slice %arg8[%arg0, %run_scoped3A_194, %add3A_193, %dma_start3A] : memref<2x4x10240x128xf32, #tpu.memory_space<hbm>> -> memref<1x1x128x128xf32, #tpu.memory_space<hbm>>
      %dma_start3A_217 = tpu.memref_squeeze %dma_start3A_216 : memref<1x1x128x128xf32, #tpu.memory_space<hbm>> -> memref<128x128xf32, #tpu.memory_space<hbm>>
      %dma_start3A_218 = arith.constant 0 : i32
      %dma_start3A_219 = tpu.memref_slice %arg8[%arg0, %run_scoped3A_194, %add3A_193, %dma_start3A_218] : memref<2x4x10240x128xf32, #tpu.memory_space<hbm>> -> memref<1x1x128x128xf32, #tpu.memory_space<hbm>>
      %dma_start3A_220 = tpu.memref_squeeze %dma_start3A_219 : memref<1x1x128x128xf32, #tpu.memory_space<hbm>> -> memref<128x128xf32, #tpu.memory_space<hbm>>
      tpu.enqueue_dma source(%arg12 : memref<128x128xf32, #tpu.memory_space<vmem>>) target(%dma_start3A_220 : memref<128x128xf32, #tpu.memory_space<hbm>>) target_semaphore(%run_scoped3A_215 : memref<!tpu.dma_semaphore, #tpu.memory_space<semaphore_mem>>)
      %dma_wait3A = arith.constant 0 : i32
      %dma_wait3A_221 = tpu.memref_slice %arg8[%arg0, %run_scoped3A_194, %add3A_193, %dma_wait3A] : memref<2x4x10240x128xf32, #tpu.memory_space<hbm>> -> memref<1x1x128x128xf32, #tpu.memory_space<hbm>>
      %dma_wait3A_222 = tpu.memref_squeeze %dma_wait3A_221 : memref<1x1x128x128xf32, #tpu.memory_space<hbm>> -> memref<128x128xf32, #tpu.memory_space<hbm>>
      %dma_wait3A_223 = arith.constant 0 : i32
      %dma_wait3A_224 = tpu.memref_slice %arg8[%arg0, %run_scoped3A_194, %add3A_193, %dma_wait3A_223] : memref<2x4x10240x128xf32, #tpu.memory_space<hbm>> -> memref<1x1x128x128xf32, #tpu.memory_space<hbm>>
      %dma_wait3A_225 = tpu.memref_squeeze %dma_wait3A_224 : memref<1x1x128x128xf32, #tpu.memory_space<hbm>> -> memref<128x128xf32, #tpu.memory_space<hbm>>
      tpu.wait_dma2 semaphore(%run_scoped3A_215 : memref<!tpu.dma_semaphore, #tpu.memory_space<semaphore_mem>>) src(%arg12 : memref<128x128xf32, #tpu.memory_space<vmem>>) dst(%dma_wait3A_225 : memref<128x128xf32, #tpu.memory_space<hbm>>)
      tpu.yield
    }) : () -> ()
    %add3A_195 = arith.constant 128 : i32
    %add3A_196 = arith.addi %multiple_of3A, %add3A_195 : i32
    "tpu.region"() ({
      %run_scoped3A_215 = tpu.sem_alloc : memref<!tpu.dma_semaphore, #tpu.memory_space<semaphore_mem>>
      %dma_start3A = arith.constant 0 : i32
      %dma_start3A_216 = tpu.memref_slice %arg9[%add3A_196, %dma_start3A] : memref<10240x128xf32, #tpu.memory_space<vmem_shared>> -> memref<128x128xf32, #tpu.memory_space<vmem_shared>>
      %dma_start3A_217 = arith.constant 0 : i32
      %dma_start3A_218 = tpu.memref_slice %arg9[%add3A_196, %dma_start3A_217] : memref<10240x128xf32, #tpu.memory_space<vmem_shared>> -> memref<128x128xf32, #tpu.memory_space<vmem_shared>>
      tpu.enqueue_dma source(%dma_start3A_218 : memref<128x128xf32, #tpu.memory_space<vmem_shared>>) target(%arg12 : memref<128x128xf32, #tpu.memory_space<vmem>>) target_semaphore(%run_scoped3A_215 : memref<!tpu.dma_semaphore, #tpu.memory_space<semaphore_mem>>)
      %dma_wait3A = arith.constant 0 : i32
      %dma_wait3A_219 = tpu.memref_slice %arg9[%add3A_196, %dma_wait3A] : memref<10240x128xf32, #tpu.memory_space<vmem_shared>> -> memref<128x128xf32, #tpu.memory_space<vmem_shared>>
      %dma_wait3A_220 = arith.constant 0 : i32
      %dma_wait3A_221 = tpu.memref_slice %arg9[%add3A_196, %dma_wait3A_220] : memref<10240x128xf32, #tpu.memory_space<vmem_shared>> -> memref<128x128xf32, #tpu.memory_space<vmem_shared>>
      tpu.wait_dma2 semaphore(%run_scoped3A_215 : memref<!tpu.dma_semaphore, #tpu.memory_space<semaphore_mem>>) src(%dma_wait3A_221 : memref<128x128xf32, #tpu.memory_space<vmem_shared>>) dst(%arg12 : memref<128x128xf32, #tpu.memory_space<vmem>>)
      tpu.yield
    }) : () -> ()
    %add3A_197 = arith.constant 128 : i32
    %add3A_198 = arith.addi %multiple_of3A, %add3A_197 : i32
    %run_scoped3A_199 = arith.constant 3 : i32
    "tpu.region"() ({
      %run_scoped3A_215 = tpu.sem_alloc : memref<!tpu.dma_semaphore, #tpu.memory_space<semaphore_mem>>
      %dma_start3A = arith.constant 0 : i32
      %dma_start3A_216 = tpu.memref_slice %arg8[%arg0, %run_scoped3A_199, %add3A_198, %dma_start3A] : memref<2x4x10240x128xf32, #tpu.memory_space<hbm>> -> memref<1x1x128x128xf32, #tpu.memory_space<hbm>>
      %dma_start3A_217 = tpu.memref_squeeze %dma_start3A_216 : memref<1x1x128x128xf32, #tpu.memory_space<hbm>> -> memref<128x128xf32, #tpu.memory_space<hbm>>
      %dma_start3A_218 = arith.constant 0 : i32
      %dma_start3A_219 = tpu.memref_slice %arg8[%arg0, %run_scoped3A_199, %add3A_198, %dma_start3A_218] : memref<2x4x10240x128xf32, #tpu.memory_space<hbm>> -> memref<1x1x128x128xf32, #tpu.memory_space<hbm>>
      %dma_start3A_220 = tpu.memref_squeeze %dma_start3A_219 : memref<1x1x128x128xf32, #tpu.memory_space<hbm>> -> memref<128x128xf32, #tpu.memory_space<hbm>>
      tpu.enqueue_dma source(%arg12 : memref<128x128xf32, #tpu.memory_space<vmem>>) target(%dma_start3A_220 : memref<128x128xf32, #tpu.memory_space<hbm>>) target_semaphore(%run_scoped3A_215 : memref<!tpu.dma_semaphore, #tpu.memory_space<semaphore_mem>>)
      %dma_wait3A = arith.constant 0 : i32
      %dma_wait3A_221 = tpu.memref_slice %arg8[%arg0, %run_scoped3A_199, %add3A_198, %dma_wait3A] : memref<2x4x10240x128xf32, #tpu.memory_space<hbm>> -> memref<1x1x128x128xf32, #tpu.memory_space<hbm>>
      %dma_wait3A_222 = tpu.memref_squeeze %dma_wait3A_221 : memref<1x1x128x128xf32, #tpu.memory_space<hbm>> -> memref<128x128xf32, #tpu.memory_space<hbm>>
      %dma_wait3A_223 = arith.constant 0 : i32
      %dma_wait3A_224 = tpu.memref_slice %arg8[%arg0, %run_scoped3A_199, %add3A_198, %dma_wait3A_223] : memref<2x4x10240x128xf32, #tpu.memory_space<hbm>> -> memref<1x1x128x128xf32, #tpu.memory_space<hbm>>
      %dma_wait3A_225 = tpu.memref_squeeze %dma_wait3A_224 : memref<1x1x128x128xf32, #tpu.memory_space<hbm>> -> memref<128x128xf32, #tpu.memory_space<hbm>>
      tpu.wait_dma2 semaphore(%run_scoped3A_215 : memref<!tpu.dma_semaphore, #tpu.memory_space<semaphore_mem>>) src(%arg12 : memref<128x128xf32, #tpu.memory_space<vmem>>) dst(%dma_wait3A_225 : memref<128x128xf32, #tpu.memory_space<hbm>>)
      tpu.yield
    }) : () -> ()
    %add3A_200 = arith.constant 256 : i32
    %add3A_201 = arith.addi %multiple_of3A, %add3A_200 : i32
    "tpu.region"() ({
      %run_scoped3A_215 = tpu.sem_alloc : memref<!tpu.dma_semaphore, #tpu.memory_space<semaphore_mem>>
      %dma_start3A = arith.constant 0 : i32
      %dma_start3A_216 = tpu.memref_slice %arg9[%add3A_201, %dma_start3A] : memref<10240x128xf32, #tpu.memory_space<vmem_shared>> -> memref<128x128xf32, #tpu.memory_space<vmem_shared>>
      %dma_start3A_217 = arith.constant 0 : i32
      %dma_start3A_218 = tpu.memref_slice %arg9[%add3A_201, %dma_start3A_217] : memref<10240x128xf32, #tpu.memory_space<vmem_shared>> -> memref<128x128xf32, #tpu.memory_space<vmem_shared>>
      tpu.enqueue_dma source(%dma_start3A_218 : memref<128x128xf32, #tpu.memory_space<vmem_shared>>) target(%arg12 : memref<128x128xf32, #tpu.memory_space<vmem>>) target_semaphore(%run_scoped3A_215 : memref<!tpu.dma_semaphore, #tpu.memory_space<semaphore_mem>>)
      %dma_wait3A = arith.constant 0 : i32
      %dma_wait3A_219 = tpu.memref_slice %arg9[%add3A_201, %dma_wait3A] : memref<10240x128xf32, #tpu.memory_space<vmem_shared>> -> memref<128x128xf32, #tpu.memory_space<vmem_shared>>
      %dma_wait3A_220 = arith.constant 0 : i32
      %dma_wait3A_221 = tpu.memref_slice %arg9[%add3A_201, %dma_wait3A_220] : memref<10240x128xf32, #tpu.memory_space<vmem_shared>> -> memref<128x128xf32, #tpu.memory_space<vmem_shared>>
      tpu.wait_dma2 semaphore(%run_scoped3A_215 : memref<!tpu.dma_semaphore, #tpu.memory_space<semaphore_mem>>) src(%dma_wait3A_221 : memref<128x128xf32, #tpu.memory_space<vmem_shared>>) dst(%arg12 : memref<128x128xf32, #tpu.memory_space<vmem>>)
      tpu.yield
    }) : () -> ()
    %add3A_202 = arith.constant 256 : i32
    %add3A_203 = arith.addi %multiple_of3A, %add3A_202 : i32
    %run_scoped3A_204 = arith.constant 3 : i32
    "tpu.region"() ({
      %run_scoped3A_215 = tpu.sem_alloc : memref<!tpu.dma_semaphore, #tpu.memory_space<semaphore_mem>>
      %dma_start3A = arith.constant 0 : i32
      %dma_start3A_216 = tpu.memref_slice %arg8[%arg0, %run_scoped3A_204, %add3A_203, %dma_start3A] : memref<2x4x10240x128xf32, #tpu.memory_space<hbm>> -> memref<1x1x128x128xf32, #tpu.memory_space<hbm>>
      %dma_start3A_217 = tpu.memref_squeeze %dma_start3A_216 : memref<1x1x128x128xf32, #tpu.memory_space<hbm>> -> memref<128x128xf32, #tpu.memory_space<hbm>>
      %dma_start3A_218 = arith.constant 0 : i32
      %dma_start3A_219 = tpu.memref_slice %arg8[%arg0, %run_scoped3A_204, %add3A_203, %dma_start3A_218] : memref<2x4x10240x128xf32, #tpu.memory_space<hbm>> -> memref<1x1x128x128xf32, #tpu.memory_space<hbm>>
      %dma_start3A_220 = tpu.memref_squeeze %dma_start3A_219 : memref<1x1x128x128xf32, #tpu.memory_space<hbm>> -> memref<128x128xf32, #tpu.memory_space<hbm>>
      tpu.enqueue_dma source(%arg12 : memref<128x128xf32, #tpu.memory_space<vmem>>) target(%dma_start3A_220 : memref<128x128xf32, #tpu.memory_space<hbm>>) target_semaphore(%run_scoped3A_215 : memref<!tpu.dma_semaphore, #tpu.memory_space<semaphore_mem>>)
      %dma_wait3A = arith.constant 0 : i32
      %dma_wait3A_221 = tpu.memref_slice %arg8[%arg0, %run_scoped3A_204, %add3A_203, %dma_wait3A] : memref<2x4x10240x128xf32, #tpu.memory_space<hbm>> -> memref<1x1x128x128xf32, #tpu.memory_space<hbm>>
      %dma_wait3A_222 = tpu.memref_squeeze %dma_wait3A_221 : memref<1x1x128x128xf32, #tpu.memory_space<hbm>> -> memref<128x128xf32, #tpu.memory_space<hbm>>
      %dma_wait3A_223 = arith.constant 0 : i32
      %dma_wait3A_224 = tpu.memref_slice %arg8[%arg0, %run_scoped3A_204, %add3A_203, %dma_wait3A_223] : memref<2x4x10240x128xf32, #tpu.memory_space<hbm>> -> memref<1x1x128x128xf32, #tpu.memory_space<hbm>>
      %dma_wait3A_225 = tpu.memref_squeeze %dma_wait3A_224 : memref<1x1x128x128xf32, #tpu.memory_space<hbm>> -> memref<128x128xf32, #tpu.memory_space<hbm>>
      tpu.wait_dma2 semaphore(%run_scoped3A_215 : memref<!tpu.dma_semaphore, #tpu.memory_space<semaphore_mem>>) src(%arg12 : memref<128x128xf32, #tpu.memory_space<vmem>>) dst(%dma_wait3A_225 : memref<128x128xf32, #tpu.memory_space<hbm>>)
      tpu.yield
    }) : () -> ()
    %add3A_205 = arith.constant 384 : i32
    %add3A_206 = arith.addi %multiple_of3A, %add3A_205 : i32
    "tpu.region"() ({
      %run_scoped3A_215 = tpu.sem_alloc : memref<!tpu.dma_semaphore, #tpu.memory_space<semaphore_mem>>
      %dma_start3A = arith.constant 0 : i32
      %dma_start3A_216 = tpu.memref_slice %arg9[%add3A_206, %dma_start3A] : memref<10240x128xf32, #tpu.memory_space<vmem_shared>> -> memref<128x128xf32, #tpu.memory_space<vmem_shared>>
      %dma_start3A_217 = arith.constant 0 : i32
      %dma_start3A_218 = tpu.memref_slice %arg9[%add3A_206, %dma_start3A_217] : memref<10240x128xf32, #tpu.memory_space<vmem_shared>> -> memref<128x128xf32, #tpu.memory_space<vmem_shared>>
      tpu.enqueue_dma source(%dma_start3A_218 : memref<128x128xf32, #tpu.memory_space<vmem_shared>>) target(%arg12 : memref<128x128xf32, #tpu.memory_space<vmem>>) target_semaphore(%run_scoped3A_215 : memref<!tpu.dma_semaphore, #tpu.memory_space<semaphore_mem>>)
      %dma_wait3A = arith.constant 0 : i32
      %dma_wait3A_219 = tpu.memref_slice %arg9[%add3A_206, %dma_wait3A] : memref<10240x128xf32, #tpu.memory_space<vmem_shared>> -> memref<128x128xf32, #tpu.memory_space<vmem_shared>>
      %dma_wait3A_220 = arith.constant 0 : i32
      %dma_wait3A_221 = tpu.memref_slice %arg9[%add3A_206, %dma_wait3A_220] : memref<10240x128xf32, #tpu.memory_space<vmem_shared>> -> memref<128x128xf32, #tpu.memory_space<vmem_shared>>
      tpu.wait_dma2 semaphore(%run_scoped3A_215 : memref<!tpu.dma_semaphore, #tpu.memory_space<semaphore_mem>>) src(%dma_wait3A_221 : memref<128x128xf32, #tpu.memory_space<vmem_shared>>) dst(%arg12 : memref<128x128xf32, #tpu.memory_space<vmem>>)
      tpu.yield
    }) : () -> ()
    %add3A_207 = arith.constant 384 : i32
    %add3A_208 = arith.addi %multiple_of3A, %add3A_207 : i32
    %run_scoped3A_209 = arith.constant 3 : i32
    "tpu.region"() ({
      %run_scoped3A_215 = tpu.sem_alloc : memref<!tpu.dma_semaphore, #tpu.memory_space<semaphore_mem>>
      %dma_start3A = arith.constant 0 : i32
      %dma_start3A_216 = tpu.memref_slice %arg8[%arg0, %run_scoped3A_209, %add3A_208, %dma_start3A] : memref<2x4x10240x128xf32, #tpu.memory_space<hbm>> -> memref<1x1x128x128xf32, #tpu.memory_space<hbm>>
      %dma_start3A_217 = tpu.memref_squeeze %dma_start3A_216 : memref<1x1x128x128xf32, #tpu.memory_space<hbm>> -> memref<128x128xf32, #tpu.memory_space<hbm>>
      %dma_start3A_218 = arith.constant 0 : i32
      %dma_start3A_219 = tpu.memref_slice %arg8[%arg0, %run_scoped3A_209, %add3A_208, %dma_start3A_218] : memref<2x4x10240x128xf32, #tpu.memory_space<hbm>> -> memref<1x1x128x128xf32, #tpu.memory_space<hbm>>
      %dma_start3A_220 = tpu.memref_squeeze %dma_start3A_219 : memref<1x1x128x128xf32, #tpu.memory_space<hbm>> -> memref<128x128xf32, #tpu.memory_space<hbm>>
      tpu.enqueue_dma source(%arg12 : memref<128x128xf32, #tpu.memory_space<vmem>>) target(%dma_start3A_220 : memref<128x128xf32, #tpu.memory_space<hbm>>) target_semaphore(%run_scoped3A_215 : memref<!tpu.dma_semaphore, #tpu.memory_space<semaphore_mem>>)
      %dma_wait3A = arith.constant 0 : i32
      %dma_wait3A_221 = tpu.memref_slice %arg8[%arg0, %run_scoped3A_209, %add3A_208, %dma_wait3A] : memref<2x4x10240x128xf32, #tpu.memory_space<hbm>> -> memref<1x1x128x128xf32, #tpu.memory_space<hbm>>
      %dma_wait3A_222 = tpu.memref_squeeze %dma_wait3A_221 : memref<1x1x128x128xf32, #tpu.memory_space<hbm>> -> memref<128x128xf32, #tpu.memory_space<hbm>>
      %dma_wait3A_223 = arith.constant 0 : i32
      %dma_wait3A_224 = tpu.memref_slice %arg8[%arg0, %run_scoped3A_209, %add3A_208, %dma_wait3A_223] : memref<2x4x10240x128xf32, #tpu.memory_space<hbm>> -> memref<1x1x128x128xf32, #tpu.memory_space<hbm>>
      %dma_wait3A_225 = tpu.memref_squeeze %dma_wait3A_224 : memref<1x1x128x128xf32, #tpu.memory_space<hbm>> -> memref<128x128xf32, #tpu.memory_space<hbm>>
      tpu.wait_dma2 semaphore(%run_scoped3A_215 : memref<!tpu.dma_semaphore, #tpu.memory_space<semaphore_mem>>) src(%arg12 : memref<128x128xf32, #tpu.memory_space<vmem>>) dst(%dma_wait3A_225 : memref<128x128xf32, #tpu.memory_space<hbm>>)
      tpu.yield
    }) : () -> ()
    %add3A_210 = arith.constant 512 : i32
    %add3A_211 = arith.addi %multiple_of3A, %add3A_210 : i32
    "tpu.region"() ({
      %run_scoped3A_215 = tpu.sem_alloc : memref<!tpu.dma_semaphore, #tpu.memory_space<semaphore_mem>>
      %dma_start3A = arith.constant 0 : i32
      %dma_start3A_216 = tpu.memref_slice %arg9[%add3A_211, %dma_start3A] : memref<10240x128xf32, #tpu.memory_space<vmem_shared>> -> memref<128x128xf32, #tpu.memory_space<vmem_shared>>
      %dma_start3A_217 = arith.constant 0 : i32
      %dma_start3A_218 = tpu.memref_slice %arg9[%add3A_211, %dma_start3A_217] : memref<10240x128xf32, #tpu.memory_space<vmem_shared>> -> memref<128x128xf32, #tpu.memory_space<vmem_shared>>
      tpu.enqueue_dma source(%dma_start3A_218 : memref<128x128xf32, #tpu.memory_space<vmem_shared>>) target(%arg12 : memref<128x128xf32, #tpu.memory_space<vmem>>) target_semaphore(%run_scoped3A_215 : memref<!tpu.dma_semaphore, #tpu.memory_space<semaphore_mem>>)
      %dma_wait3A = arith.constant 0 : i32
      %dma_wait3A_219 = tpu.memref_slice %arg9[%add3A_211, %dma_wait3A] : memref<10240x128xf32, #tpu.memory_space<vmem_shared>> -> memref<128x128xf32, #tpu.memory_space<vmem_shared>>
      %dma_wait3A_220 = arith.constant 0 : i32
      %dma_wait3A_221 = tpu.memref_slice %arg9[%add3A_211, %dma_wait3A_220] : memref<10240x128xf32, #tpu.memory_space<vmem_shared>> -> memref<128x128xf32, #tpu.memory_space<vmem_shared>>
      tpu.wait_dma2 semaphore(%run_scoped3A_215 : memref<!tpu.dma_semaphore, #tpu.memory_space<semaphore_mem>>) src(%dma_wait3A_221 : memref<128x128xf32, #tpu.memory_space<vmem_shared>>) dst(%arg12 : memref<128x128xf32, #tpu.memory_space<vmem>>)
      tpu.yield
    }) : () -> ()
    %add3A_212 = arith.constant 512 : i32
    %add3A_213 = arith.addi %multiple_of3A, %add3A_212 : i32
    %run_scoped3A_214 = arith.constant 3 : i32
    "tpu.region"() ({
      %run_scoped3A_215 = tpu.sem_alloc : memref<!tpu.dma_semaphore, #tpu.memory_space<semaphore_mem>>
      %dma_start3A = arith.constant 0 : i32
      %dma_start3A_216 = tpu.memref_slice %arg8[%arg0, %run_scoped3A_214, %add3A_213, %dma_start3A] : memref<2x4x10240x128xf32, #tpu.memory_space<hbm>> -> memref<1x1x128x128xf32, #tpu.memory_space<hbm>>
      %dma_start3A_217 = tpu.memref_squeeze %dma_start3A_216 : memref<1x1x128x128xf32, #tpu.memory_space<hbm>> -> memref<128x128xf32, #tpu.memory_space<hbm>>
      %dma_start3A_218 = arith.constant 0 : i32
      %dma_start3A_219 = tpu.memref_slice %arg8[%arg0, %run_scoped3A_214, %add3A_213, %dma_start3A_218] : memref<2x4x10240x128xf32, #tpu.memory_space<hbm>> -> memref<1x1x128x128xf32, #tpu.memory_space<hbm>>
      %dma_start3A_220 = tpu.memref_squeeze %dma_start3A_219 : memref<1x1x128x128xf32, #tpu.memory_space<hbm>> -> memref<128x128xf32, #tpu.memory_space<hbm>>
      tpu.enqueue_dma source(%arg12 : memref<128x128xf32, #tpu.memory_space<vmem>>) target(%dma_start3A_220 : memref<128x128xf32, #tpu.memory_space<hbm>>) target_semaphore(%run_scoped3A_215 : memref<!tpu.dma_semaphore, #tpu.memory_space<semaphore_mem>>)
      %dma_wait3A = arith.constant 0 : i32
      %dma_wait3A_221 = tpu.memref_slice %arg8[%arg0, %run_scoped3A_214, %add3A_213, %dma_wait3A] : memref<2x4x10240x128xf32, #tpu.memory_space<hbm>> -> memref<1x1x128x128xf32, #tpu.memory_space<hbm>>
      %dma_wait3A_222 = tpu.memref_squeeze %dma_wait3A_221 : memref<1x1x128x128xf32, #tpu.memory_space<hbm>> -> memref<128x128xf32, #tpu.memory_space<hbm>>
      %dma_wait3A_223 = arith.constant 0 : i32
      %dma_wait3A_224 = tpu.memref_slice %arg8[%arg0, %run_scoped3A_214, %add3A_213, %dma_wait3A_223] : memref<2x4x10240x128xf32, #tpu.memory_space<hbm>> -> memref<1x1x128x128xf32, #tpu.memory_space<hbm>>
      %dma_wait3A_225 = tpu.memref_squeeze %dma_wait3A_224 : memref<1x1x128x128xf32, #tpu.memory_space<hbm>> -> memref<128x128xf32, #tpu.memory_space<hbm>>
      tpu.wait_dma2 semaphore(%run_scoped3A_215 : memref<!tpu.dma_semaphore, #tpu.memory_space<semaphore_mem>>) src(%arg12 : memref<128x128xf32, #tpu.memory_space<vmem>>) dst(%dma_wait3A_225 : memref<128x128xf32, #tpu.memory_space<hbm>>)
      tpu.yield
    }) : () -> ()
    return
  }
}

module attributes {stable_mosaic.version = 14 : i64} {
  func.func @body(%arg0: i32, %arg1: memref<1024x128xf32, #tpu.memory_space<vmem>>, %arg2: memref<1024x128xf32, #tpu.memory_space<vmem>>, %arg3: memref<2x1024x16xf32, #tpu.memory_space<vmem>>, %arg4: memref<128x256xf32, #tpu.memory_space<vmem>>, %arg5: memref<4x1024x128xf32, #tpu.memory_space<vmem>>, %arg6: memref<1024x16xf32, #tpu.memory_space<vmem>>) attributes {dimension_semantics = [#tpu.dimension_semantics<arbitrary>], iteration_bounds = array<i64: 10>, scalar_prefetch = 0 : i64, scratch_operands = 0 : i64, tpu.core_type = #tpu.core_type<tc>, window_params = [{transform_indices = @transform_0, window_bounds = array<i64: 1024, 128>}, {transform_indices = @transform_1, window_bounds = array<i64: 1024, 128>}, {transform_indices = @transform_2, window_bounds = array<i64: 2, 1024, 16>}, {pipeline_mode = #tpu.pipeline_mode<synchronous>, transform_indices = @transform_3, window_bounds = array<i64: 128, 256>}, {transform_indices = @transform_4, window_bounds = array<i64: 4, 1024, 128>}, {transform_indices = @transform_5, window_bounds = array<i64: 1024, 16>}]} {
    %get3A = arith.constant 0 : index
    %get3A_0 = arith.constant 0 : index
    %get3A_1 = arith.constant 0 : index
    %get3A_2 = vector.load %arg3[%get3A, %get3A_0, %get3A_1] : memref<2x1024x16xf32, #tpu.memory_space<vmem>>, vector<1x1024x16xf32>
    %get3A_3 = vector.shape_cast %get3A_2 : vector<1x1024x16xf32> to vector<1024x16xf32>
    %get3A_4 = arith.constant 1 : index
    %get3A_5 = arith.constant 0 : index
    %get3A_6 = arith.constant 0 : index
    %get3A_7 = vector.load %arg3[%get3A_4, %get3A_5, %get3A_6] : memref<2x1024x16xf32, #tpu.memory_space<vmem>>, vector<1x1024x16xf32>
    %get3A_8 = vector.shape_cast %get3A_7 : vector<1x1024x16xf32> to vector<1024x16xf32>
    %add3A = arith.addf %get3A_3, %get3A_8 : vector<1024x16xf32>
    %sub3A = arith.constant 1.000000e+00 : f32
    %sub3A_9 = vector.broadcast %sub3A : f32 to vector<1024x16xf32>
    %sub3A_10 = arith.subf %add3A, %sub3A_9 : vector<1024x16xf32>
    %rsqrt3A = math.rsqrt %sub3A_10 : vector<1024x16xf32>
    %swap3A = arith.constant 0 : index
    %swap3A_11 = arith.constant 0 : index
    %swap3A_12 = vector.load %arg6[%swap3A, %swap3A_11] : memref<1024x16xf32, #tpu.memory_space<vmem>>, vector<1024x16xf32>
    tpu.vector_store %arg6[%swap3A, %swap3A_11], %rsqrt3A {strides = array<i32>} : memref<1024x16xf32, #tpu.memory_space<vmem>>, vector<1024x16xf32>,
    %slice3A = vector.extract_strided_slice %rsqrt3A {offsets = [0, 0], sizes = [1024, 1], strides = [1, 1]} : vector<1024x16xf32> to vector<1024x1xf32>
    %get3A_13 = arith.constant 0 : index
    %get3A_14 = arith.constant 0 : index
    %get3A_15 = vector.load %arg1[%get3A_13, %get3A_14] : memref<1024x128xf32, #tpu.memory_space<vmem>>, vector<1024x128xf32>
    %mul3A = vector.broadcast %slice3A : vector<1024x1xf32> to vector<1024x128xf32>
    %mul3A_16 = arith.mulf %get3A_15, %mul3A : vector<1024x128xf32>
    %get3A_17 = arith.constant 0 : index
    %get3A_18 = arith.constant 0 : index
    %get3A_19 = vector.load %arg4[%get3A_17, %get3A_18] : memref<128x256xf32, #tpu.memory_space<vmem>>, vector<128x256xf32>
    %dot_general3A = arith.constant dense<0.000000e+00> : vector<1024x256xf32>
    %dot_general3A_20 = tpu.matmul %mul3A_16, %get3A_19, %dot_general3A {dimension_numbers = #tpu.dot_dimension_numbers<[1], [0], [0], [1], [0, 0, 1, 1], [], []>, transpose_lhs_hint = false} : vector<1024x128xf32>, vector<128x256xf32>, vector<1024x256xf32> -> vector<1024x256xf32>
    %get3A_21 = arith.constant 0 : index
    %get3A_22 = arith.constant 0 : index
    %get3A_23 = vector.load %arg2[%get3A_21, %get3A_22] : memref<1024x128xf32, #tpu.memory_space<vmem>>, vector<1024x128xf32>
    %mul3A_24 = vector.broadcast %slice3A : vector<1024x1xf32> to vector<1024x128xf32>
    %mul3A_25 = arith.mulf %get3A_23, %mul3A_24 : vector<1024x128xf32>
    %get3A_26 = arith.constant 0 : index
    %get3A_27 = arith.constant 0 : index
    %get3A_28 = vector.load %arg4[%get3A_26, %get3A_27] : memref<128x256xf32, #tpu.memory_space<vmem>>, vector<128x256xf32>
    %dot_general3A_29 = arith.constant dense<0.000000e+00> : vector<1024x256xf32>
    %dot_general3A_30 = tpu.matmul %mul3A_25, %get3A_28, %dot_general3A_29 {dimension_numbers = #tpu.dot_dimension_numbers<[1], [0], [0], [1], [0, 0, 1, 1], [], []>, transpose_lhs_hint = false} : vector<1024x128xf32>, vector<128x256xf32>, vector<1024x256xf32> -> vector<1024x256xf32>
    %slice3A_31 = vector.extract_strided_slice %dot_general3A_20 {offsets = [0, 0], sizes = [1024, 128], strides = [1, 1]} : vector<1024x256xf32> to vector<1024x128xf32>
    %swap3A_32 = arith.constant 0 : index
    %swap3A_33 = arith.constant 0 : index
    %swap3A_34 = arith.constant 0 : index
    %swap3A_35 = vector.load %arg5[%swap3A_32, %swap3A_33, %swap3A_34] : memref<4x1024x128xf32, #tpu.memory_space<vmem>>, vector<1x1024x128xf32>
    %swap3A_36 = vector.shape_cast %swap3A_35 : vector<1x1024x128xf32> to vector<1024x128xf32>
    %swap3A_37 = vector.shape_cast %slice3A_31 : vector<1024x128xf32> to vector<1x1024x128xf32>
    tpu.vector_store %arg5[%swap3A_32, %swap3A_33, %swap3A_34], %swap3A_37 {strides = array<i32>} : memref<4x1024x128xf32, #tpu.memory_space<vmem>>, vector<1x1024x128xf32>,
    %slice3A_38 = vector.extract_strided_slice %dot_general3A_20 {offsets = [0, 128], sizes = [1024, 128], strides = [1, 1]} : vector<1024x256xf32> to vector<1024x128xf32>
    %swap3A_39 = arith.constant 1 : index
    %swap3A_40 = arith.constant 0 : index
    %swap3A_41 = arith.constant 0 : index
    %swap3A_42 = vector.load %arg5[%swap3A_39, %swap3A_40, %swap3A_41] : memref<4x1024x128xf32, #tpu.memory_space<vmem>>, vector<1x1024x128xf32>
    %swap3A_43 = vector.shape_cast %swap3A_42 : vector<1x1024x128xf32> to vector<1024x128xf32>
    %swap3A_44 = vector.shape_cast %slice3A_38 : vector<1024x128xf32> to vector<1x1024x128xf32>
    tpu.vector_store %arg5[%swap3A_39, %swap3A_40, %swap3A_41], %swap3A_44 {strides = array<i32>} : memref<4x1024x128xf32, #tpu.memory_space<vmem>>, vector<1x1024x128xf32>,
    %slice3A_45 = vector.extract_strided_slice %dot_general3A_30 {offsets = [0, 0], sizes = [1024, 128], strides = [1, 1]} : vector<1024x256xf32> to vector<1024x128xf32>
    %swap3A_46 = arith.constant 2 : index
    %swap3A_47 = arith.constant 0 : index
    %swap3A_48 = arith.constant 0 : index
    %swap3A_49 = vector.load %arg5[%swap3A_46, %swap3A_47, %swap3A_48] : memref<4x1024x128xf32, #tpu.memory_space<vmem>>, vector<1x1024x128xf32>
    %swap3A_50 = vector.shape_cast %swap3A_49 : vector<1x1024x128xf32> to vector<1024x128xf32>
    %swap3A_51 = vector.shape_cast %slice3A_45 : vector<1024x128xf32> to vector<1x1024x128xf32>
    tpu.vector_store %arg5[%swap3A_46, %swap3A_47, %swap3A_48], %swap3A_51 {strides = array<i32>} : memref<4x1024x128xf32, #tpu.memory_space<vmem>>, vector<1x1024x128xf32>,
    %slice3A_52 = vector.extract_strided_slice %dot_general3A_30 {offsets = [0, 128], sizes = [1024, 128], strides = [1, 1]} : vector<1024x256xf32> to vector<1024x128xf32>
    %swap3A_53 = arith.constant 3 : index
    %swap3A_54 = arith.constant 0 : index
    %swap3A_55 = arith.constant 0 : index
    %swap3A_56 = vector.load %arg5[%swap3A_53, %swap3A_54, %swap3A_55] : memref<4x1024x128xf32, #tpu.memory_space<vmem>>, vector<1x1024x128xf32>
    %swap3A_57 = vector.shape_cast %swap3A_56 : vector<1x1024x128xf32> to vector<1024x128xf32>
    %swap3A_58 = vector.shape_cast %slice3A_52 : vector<1024x128xf32> to vector<1x1024x128xf32>
    tpu.vector_store %arg5[%swap3A_53, %swap3A_54, %swap3A_55], %swap3A_58 {strides = array<i32>} : memref<4x1024x128xf32, #tpu.memory_space<vmem>>, vector<1x1024x128xf32>,
    return
  }
  func.func @transform_0(%arg0: i32) -> (i32, i32) {
    %c0_i32 = arith.constant 0 : i32
    %c0_i32_0 = arith.constant 0 : i32
    return %arg0, %c0_i32 : i32, i32
  }
  func.func @transform_1(%arg0: i32) -> (i32, i32) {
    %c0_i32 = arith.constant 0 : i32
    %c0_i32_0 = arith.constant 0 : i32
    return %arg0, %c0_i32 : i32, i32
  }
  func.func @transform_2(%arg0: i32) -> (i32, i32, i32) {
    %c0_i32 = arith.constant 0 : i32
    %c0_i32_0 = arith.constant 0 : i32
    %c0_i32_1 = arith.constant 0 : i32
    return %c0_i32, %arg0, %c0_i32_0 : i32, i32, i32
  }
  func.func @transform_3(%arg0: i32) -> (i32, i32) {
    %c0_i32 = arith.constant 0 : i32
    %c0_i32_0 = arith.constant 0 : i32
    %c0_i32_1 = arith.constant 0 : i32
    return %c0_i32, %c0_i32_0 : i32, i32
  }
  func.func @transform_4(%arg0: i32) -> (i32, i32, i32) {
    %c0_i32 = arith.constant 0 : i32
    %c0_i32_0 = arith.constant 0 : i32
    %c0_i32_1 = arith.constant 0 : i32
    return %c0_i32, %arg0, %c0_i32_0 : i32, i32, i32
  }
  func.func @transform_5(%arg0: i32) -> (i32, i32) {
    %c0_i32 = arith.constant 0 : i32
    %c0_i32_0 = arith.constant 0 : i32
    return %arg0, %c0_i32 : i32, i32
  }
}

module attributes {stable_mosaic.version = 14 : i64} {
  func.func @body(%arg0: i32, %arg1: memref<2x4x1024x128xf32, #tpu.memory_space<vmem>>, %arg2: memref<4x1024x128xf32, #tpu.memory_space<vmem>>, %arg3: memref<1024x16xf32, #tpu.memory_space<vmem>>, %arg4: memref<1x256xf32, #tpu.memory_space<vmem>>, %arg5: memref<256x128xf32, #tpu.memory_space<vmem>>, %arg6: memref<2x1024x128xf32, #tpu.memory_space<vmem>>) attributes {dimension_semantics = [#tpu.dimension_semantics<arbitrary>], iteration_bounds = array<i64: 10>, scalar_prefetch = 0 : i64, scratch_operands = 0 : i64, tpu.core_type = #tpu.core_type<tc>, window_params = [{transform_indices = @transform_0, window_bounds = array<i64: 2, 4, 1024, 128>}, {transform_indices = @transform_1, window_bounds = array<i64: 4, 1024, 128>}, {transform_indices = @transform_2, window_bounds = array<i64: 1024, 16>}, {pipeline_mode = #tpu.pipeline_mode<synchronous>, transform_indices = @transform_3, window_bounds = array<i64: 1, 256>}, {pipeline_mode = #tpu.pipeline_mode<synchronous>, transform_indices = @transform_4, window_bounds = array<i64: 256, 128>}, {transform_indices = @transform_5, window_bounds = array<i64: 2, 1024, 128>}]} {
    %get3A = arith.constant 0 : index
    %get3A_0 = arith.constant 0 : index
    %get3A_1 = vector.load %arg3[%get3A, %get3A_0] : memref<1024x16xf32, #tpu.memory_space<vmem>>, vector<1024x16xf32>
    %slice3A = vector.extract_strided_slice %get3A_1 {offsets = [0, 0], sizes = [1024, 1], strides = [1, 1]} : vector<1024x16xf32> to vector<1024x1xf32>
    %get3A_2 = arith.constant 0 : index
    %get3A_3 = arith.constant 0 : index
    %get3A_4 = vector.load %arg4[%get3A_2, %get3A_3] : memref<1x256xf32, #tpu.memory_space<vmem>>, vector<1x256xf32>
    %get3A_5 = arith.constant 0 : index
    %get3A_6 = arith.constant 0 : index
    %get3A_7 = arith.constant 0 : index
    %get3A_8 = arith.constant 0 : index
    %get3A_9 = vector.load %arg1[%get3A_5, %get3A_6, %get3A_7, %get3A_8] : memref<2x4x1024x128xf32, #tpu.memory_space<vmem>>, vector<1x1x1024x128xf32>
    %get3A_10 = vector.shape_cast %get3A_9 : vector<1x1x1024x128xf32> to vector<1024x128xf32>
    %get3A_11 = arith.constant 1 : index
    %get3A_12 = arith.constant 0 : index
    %get3A_13 = arith.constant 0 : index
    %get3A_14 = arith.constant 0 : index
    %get3A_15 = vector.load %arg1[%get3A_11, %get3A_12, %get3A_13, %get3A_14] : memref<2x4x1024x128xf32, #tpu.memory_space<vmem>>, vector<1x1x1024x128xf32>
    %get3A_16 = vector.shape_cast %get3A_15 : vector<1x1x1024x128xf32> to vector<1024x128xf32>
    %add3A = arith.addf %get3A_10, %get3A_16 : vector<1024x128xf32>
    %get3A_17 = arith.constant 0 : index
    %get3A_18 = arith.constant 0 : index
    %get3A_19 = arith.constant 0 : index
    %get3A_20 = vector.load %arg2[%get3A_17, %get3A_18, %get3A_19] : memref<4x1024x128xf32, #tpu.memory_space<vmem>>, vector<1x1024x128xf32>
    %get3A_21 = vector.shape_cast %get3A_20 : vector<1x1024x128xf32> to vector<1024x128xf32>
    %sub3A = arith.subf %add3A, %get3A_21 : vector<1024x128xf32>
    %get3A_22 = arith.constant 0 : index
    %get3A_23 = arith.constant 1 : index
    %get3A_24 = arith.constant 0 : index
    %get3A_25 = arith.constant 0 : index
    %get3A_26 = vector.load %arg1[%get3A_22, %get3A_23, %get3A_24, %get3A_25] : memref<2x4x1024x128xf32, #tpu.memory_space<vmem>>, vector<1x1x1024x128xf32>
    %get3A_27 = vector.shape_cast %get3A_26 : vector<1x1x1024x128xf32> to vector<1024x128xf32>
    %get3A_28 = arith.constant 1 : index
    %get3A_29 = arith.constant 1 : index
    %get3A_30 = arith.constant 0 : index
    %get3A_31 = arith.constant 0 : index
    %get3A_32 = vector.load %arg1[%get3A_28, %get3A_29, %get3A_30, %get3A_31] : memref<2x4x1024x128xf32, #tpu.memory_space<vmem>>, vector<1x1x1024x128xf32>
    %get3A_33 = vector.shape_cast %get3A_32 : vector<1x1x1024x128xf32> to vector<1024x128xf32>
    %add3A_34 = arith.addf %get3A_27, %get3A_33 : vector<1024x128xf32>
    %get3A_35 = arith.constant 1 : index
    %get3A_36 = arith.constant 0 : index
    %get3A_37 = arith.constant 0 : index
    %get3A_38 = vector.load %arg2[%get3A_35, %get3A_36, %get3A_37] : memref<4x1024x128xf32, #tpu.memory_space<vmem>>, vector<1x1024x128xf32>
    %get3A_39 = vector.shape_cast %get3A_38 : vector<1x1024x128xf32> to vector<1024x128xf32>
    %sub3A_40 = arith.subf %add3A_34, %get3A_39 : vector<1024x128xf32>
    %concatenate3A = tpu.concatenate %sub3A, %sub3A_40 in 1 : vector<1024x128xf32>, vector<1024x128xf32> -> vector<1024x256xf32>
    %get3A_41 = arith.constant 0 : index
    %get3A_42 = arith.constant 2 : index
    %get3A_43 = arith.constant 0 : index
    %get3A_44 = arith.constant 0 : index
    %get3A_45 = vector.load %arg1[%get3A_41, %get3A_42, %get3A_43, %get3A_44] : memref<2x4x1024x128xf32, #tpu.memory_space<vmem>>, vector<1x1x1024x128xf32>
    %get3A_46 = vector.shape_cast %get3A_45 : vector<1x1x1024x128xf32> to vector<1024x128xf32>
    %get3A_47 = arith.constant 1 : index
    %get3A_48 = arith.constant 2 : index
    %get3A_49 = arith.constant 0 : index
    %get3A_50 = arith.constant 0 : index
    %get3A_51 = vector.load %arg1[%get3A_47, %get3A_48, %get3A_49, %get3A_50] : memref<2x4x1024x128xf32, #tpu.memory_space<vmem>>, vector<1x1x1024x128xf32>
    %get3A_52 = vector.shape_cast %get3A_51 : vector<1x1x1024x128xf32> to vector<1024x128xf32>
    %add3A_53 = arith.addf %get3A_46, %get3A_52 : vector<1024x128xf32>
    %get3A_54 = arith.constant 2 : index
    %get3A_55 = arith.constant 0 : index
    %get3A_56 = arith.constant 0 : index
    %get3A_57 = vector.load %arg2[%get3A_54, %get3A_55, %get3A_56] : memref<4x1024x128xf32, #tpu.memory_space<vmem>>, vector<1x1024x128xf32>
    %get3A_58 = vector.shape_cast %get3A_57 : vector<1x1024x128xf32> to vector<1024x128xf32>
    %sub3A_59 = arith.subf %add3A_53, %get3A_58 : vector<1024x128xf32>
    %get3A_60 = arith.constant 0 : index
    %get3A_61 = arith.constant 3 : index
    %get3A_62 = arith.constant 0 : index
    %get3A_63 = arith.constant 0 : index
    %get3A_64 = vector.load %arg1[%get3A_60, %get3A_61, %get3A_62, %get3A_63] : memref<2x4x1024x128xf32, #tpu.memory_space<vmem>>, vector<1x1x1024x128xf32>
    %get3A_65 = vector.shape_cast %get3A_64 : vector<1x1x1024x128xf32> to vector<1024x128xf32>
    %get3A_66 = arith.constant 1 : index
    %get3A_67 = arith.constant 3 : index
    %get3A_68 = arith.constant 0 : index
    %get3A_69 = arith.constant 0 : index
    %get3A_70 = vector.load %arg1[%get3A_66, %get3A_67, %get3A_68, %get3A_69] : memref<2x4x1024x128xf32, #tpu.memory_space<vmem>>, vector<1x1x1024x128xf32>
    %get3A_71 = vector.shape_cast %get3A_70 : vector<1x1x1024x128xf32> to vector<1024x128xf32>
    %add3A_72 = arith.addf %get3A_65, %get3A_71 : vector<1024x128xf32>
    %get3A_73 = arith.constant 3 : index
    %get3A_74 = arith.constant 0 : index
    %get3A_75 = arith.constant 0 : index
    %get3A_76 = vector.load %arg2[%get3A_73, %get3A_74, %get3A_75] : memref<4x1024x128xf32, #tpu.memory_space<vmem>>, vector<1x1024x128xf32>
    %get3A_77 = vector.shape_cast %get3A_76 : vector<1x1024x128xf32> to vector<1024x128xf32>
    %sub3A_78 = arith.subf %add3A_72, %get3A_77 : vector<1024x128xf32>
    %concatenate3A_79 = tpu.concatenate %sub3A_59, %sub3A_78 in 1 : vector<1024x128xf32>, vector<1024x128xf32> -> vector<1024x256xf32>
    %mul3A = vector.broadcast %slice3A : vector<1024x1xf32> to vector<1024x256xf32>
    %mul3A_80 = arith.mulf %mul3A, %concatenate3A : vector<1024x256xf32>
    %add3A_81 = vector.broadcast %get3A_4 : vector<1x256xf32> to vector<1024x256xf32>
    %add3A_82 = arith.addf %mul3A_80, %add3A_81 : vector<1024x256xf32>
    %max3A = arith.constant 0.000000e+00 : f32
    %max3A_83 = vector.broadcast %max3A : f32 to vector<1024x256xf32>
    %max3A_84 = arith.maximumf %add3A_82, %max3A_83 : vector<1024x256xf32>
    %mul3A_85 = vector.broadcast %slice3A : vector<1024x1xf32> to vector<1024x256xf32>
    %mul3A_86 = arith.mulf %mul3A_85, %max3A_84 : vector<1024x256xf32>
    %mul3A_87 = vector.broadcast %slice3A : vector<1024x1xf32> to vector<1024x256xf32>
    %mul3A_88 = arith.mulf %mul3A_87, %concatenate3A_79 : vector<1024x256xf32>
    %add3A_89 = vector.broadcast %get3A_4 : vector<1x256xf32> to vector<1024x256xf32>
    %add3A_90 = arith.addf %mul3A_88, %add3A_89 : vector<1024x256xf32>
    %max3A_91 = arith.constant 0.000000e+00 : f32
    %max3A_92 = vector.broadcast %max3A_91 : f32 to vector<1024x256xf32>
    %max3A_93 = arith.maximumf %add3A_90, %max3A_92 : vector<1024x256xf32>
    %mul3A_94 = vector.broadcast %slice3A : vector<1024x1xf32> to vector<1024x256xf32>
    %mul3A_95 = arith.mulf %mul3A_94, %max3A_93 : vector<1024x256xf32>
    %get3A_96 = arith.constant 0 : index
    %get3A_97 = arith.constant 0 : index
    %get3A_98 = vector.load %arg5[%get3A_96, %get3A_97] : memref<256x128xf32, #tpu.memory_space<vmem>>, vector<256x128xf32>
    %dot_general3A = arith.constant dense<0.000000e+00> : vector<1024x128xf32>
    %dot_general3A_99 = tpu.matmul %mul3A_86, %get3A_98, %dot_general3A {dimension_numbers = #tpu.dot_dimension_numbers<[1], [0], [0], [1], [0, 0, 1, 1], [], []>, transpose_lhs_hint = false} : vector<1024x256xf32>, vector<256x128xf32>, vector<1024x128xf32> -> vector<1024x128xf32>
    %swap3A = arith.constant 0 : index
    %swap3A_100 = arith.constant 0 : index
    %swap3A_101 = arith.constant 0 : index
    %swap3A_102 = vector.load %arg6[%swap3A, %swap3A_100, %swap3A_101] : memref<2x1024x128xf32, #tpu.memory_space<vmem>>, vector<1x1024x128xf32>
    %swap3A_103 = vector.shape_cast %swap3A_102 : vector<1x1024x128xf32> to vector<1024x128xf32>
    %swap3A_104 = vector.shape_cast %dot_general3A_99 : vector<1024x128xf32> to vector<1x1024x128xf32>
    tpu.vector_store %arg6[%swap3A, %swap3A_100, %swap3A_101], %swap3A_104 {strides = array<i32>} : memref<2x1024x128xf32, #tpu.memory_space<vmem>>, vector<1x1024x128xf32>,
    %get3A_105 = arith.constant 0 : index
    %get3A_106 = arith.constant 0 : index
    %get3A_107 = vector.load %arg5[%get3A_105, %get3A_106] : memref<256x128xf32, #tpu.memory_space<vmem>>, vector<256x128xf32>
    %dot_general3A_108 = arith.constant dense<0.000000e+00> : vector<1024x128xf32>
    %dot_general3A_109 = tpu.matmul %mul3A_95, %get3A_107, %dot_general3A_108 {dimension_numbers = #tpu.dot_dimension_numbers<[1], [0], [0], [1], [0, 0, 1, 1], [], []>, transpose_lhs_hint = false} : vector<1024x256xf32>, vector<256x128xf32>, vector<1024x128xf32> -> vector<1024x128xf32>
    %swap3A_110 = arith.constant 1 : index
    %swap3A_111 = arith.constant 0 : index
    %swap3A_112 = arith.constant 0 : index
    %swap3A_113 = vector.load %arg6[%swap3A_110, %swap3A_111, %swap3A_112] : memref<2x1024x128xf32, #tpu.memory_space<vmem>>, vector<1x1024x128xf32>
    %swap3A_114 = vector.shape_cast %swap3A_113 : vector<1x1024x128xf32> to vector<1024x128xf32>
    %swap3A_115 = vector.shape_cast %dot_general3A_109 : vector<1024x128xf32> to vector<1x1024x128xf32>
    tpu.vector_store %arg6[%swap3A_110, %swap3A_111, %swap3A_112], %swap3A_115 {strides = array<i32>} : memref<2x1024x128xf32, #tpu.memory_space<vmem>>, vector<1x1024x128xf32>,
    return
  }
  func.func @transform_0(%arg0: i32) -> (i32, i32, i32, i32) {
    %c0_i32 = arith.constant 0 : i32
    %c0_i32_0 = arith.constant 0 : i32
    %c0_i32_1 = arith.constant 0 : i32
    %c0_i32_2 = arith.constant 0 : i32
    return %c0_i32, %c0_i32_0, %arg0, %c0_i32_1 : i32, i32, i32, i32
  }
  func.func @transform_1(%arg0: i32) -> (i32, i32, i32) {
    %c0_i32 = arith.constant 0 : i32
    %c0_i32_0 = arith.constant 0 : i32
    %c0_i32_1 = arith.constant 0 : i32
    return %c0_i32, %arg0, %c0_i32_0 : i32, i32, i32
  }
  func.func @transform_2(%arg0: i32) -> (i32, i32) {
    %c0_i32 = arith.constant 0 : i32
    %c0_i32_0 = arith.constant 0 : i32
    return %arg0, %c0_i32 : i32, i32
  }
  func.func @transform_3(%arg0: i32) -> (i32, i32) {
    %c0_i32 = arith.constant 0 : i32
    %c0_i32_0 = arith.constant 0 : i32
    %c0_i32_1 = arith.constant 0 : i32
    return %c0_i32, %c0_i32_0 : i32, i32
  }
  func.func @transform_4(%arg0: i32) -> (i32, i32) {
    %c0_i32 = arith.constant 0 : i32
    %c0_i32_0 = arith.constant 0 : i32
    %c0_i32_1 = arith.constant 0 : i32
    return %c0_i32, %c0_i32_0 : i32, i32
  }
  func.func @transform_5(%arg0: i32) -> (i32, i32, i32) {
    %c0_i32 = arith.constant 0 : i32
    %c0_i32_0 = arith.constant 0 : i32
    %c0_i32_1 = arith.constant 0 : i32
    return %c0_i32, %arg0, %c0_i32_0 : i32, i32, i32
  }
}

module attributes {stable_mosaic.version = 14 : i64} {
  func.func @body(%arg0: i32, %arg1: memref<2x2x1024x128xf32, #tpu.memory_space<vmem>>, %arg2: memref<2x1024x128xf32, #tpu.memory_space<vmem>>, %arg3: memref<1024x16xf32, #tpu.memory_space<vmem>>, %arg4: memref<1x128xf32, #tpu.memory_space<vmem>>, %arg5: memref<1x128x128xf32, #tpu.memory_space<vmem>>, %arg6: memref<1x128xf32, #tpu.memory_space<vmem>>, %arg7: memref<1024x2xf32, #tpu.memory_space<vmem>>) attributes {dimension_semantics = [#tpu.dimension_semantics<arbitrary>], iteration_bounds = array<i64: 10>, scalar_prefetch = 0 : i64, scratch_operands = 0 : i64, tpu.core_type = #tpu.core_type<tc>, window_params = [{transform_indices = @transform_0, window_bounds = array<i64: 2, 2, 1024, 128>}, {transform_indices = @transform_1, window_bounds = array<i64: 2, 1024, 128>}, {transform_indices = @transform_2, window_bounds = array<i64: 1024, 16>}, {pipeline_mode = #tpu.pipeline_mode<synchronous>, transform_indices = @transform_3, window_bounds = array<i64: 1, 128>}, {pipeline_mode = #tpu.pipeline_mode<synchronous>, transform_indices = @transform_4, window_bounds = array<i64: 1, 128, 128>}, {pipeline_mode = #tpu.pipeline_mode<synchronous>, transform_indices = @transform_5, window_bounds = array<i64: 1, 128>}, {transform_indices = @transform_6, window_bounds = array<i64: 1024, 2>}]} {
    %get3A = arith.constant 0 : index
    %get3A_0 = arith.constant 0 : index
    %get3A_1 = vector.load %arg3[%get3A, %get3A_0] : memref<1024x16xf32, #tpu.memory_space<vmem>>, vector<1024x16xf32>
    %slice3A = vector.extract_strided_slice %get3A_1 {offsets = [0, 0], sizes = [1024, 1], strides = [1, 1]} : vector<1024x16xf32> to vector<1024x1xf32>
    %get3A_2 = arith.constant 0 : index
    %get3A_3 = arith.constant 0 : index
    %get3A_4 = vector.load %arg4[%get3A_2, %get3A_3] : memref<1x128xf32, #tpu.memory_space<vmem>>, vector<1x128xf32>
    %get3A_5 = arith.constant 0 : index
    %get3A_6 = arith.constant 0 : index
    %get3A_7 = arith.constant 0 : index
    %get3A_8 = arith.constant 0 : index
    %get3A_9 = vector.load %arg1[%get3A_5, %get3A_6, %get3A_7, %get3A_8] : memref<2x2x1024x128xf32, #tpu.memory_space<vmem>>, vector<1x1x1024x128xf32>
    %get3A_10 = vector.shape_cast %get3A_9 : vector<1x1x1024x128xf32> to vector<1024x128xf32>
    %get3A_11 = arith.constant 1 : index
    %get3A_12 = arith.constant 0 : index
    %get3A_13 = arith.constant 0 : index
    %get3A_14 = arith.constant 0 : index
    %get3A_15 = vector.load %arg1[%get3A_11, %get3A_12, %get3A_13, %get3A_14] : memref<2x2x1024x128xf32, #tpu.memory_space<vmem>>, vector<1x1x1024x128xf32>
    %get3A_16 = vector.shape_cast %get3A_15 : vector<1x1x1024x128xf32> to vector<1024x128xf32>
    %add3A = arith.addf %get3A_10, %get3A_16 : vector<1024x128xf32>
    %get3A_17 = arith.constant 0 : index
    %get3A_18 = arith.constant 0 : index
    %get3A_19 = arith.constant 0 : index
    %get3A_20 = vector.load %arg2[%get3A_17, %get3A_18, %get3A_19] : memref<2x1024x128xf32, #tpu.memory_space<vmem>>, vector<1x1024x128xf32>
    %get3A_21 = vector.shape_cast %get3A_20 : vector<1x1024x128xf32> to vector<1024x128xf32>
    %sub3A = arith.subf %add3A, %get3A_21 : vector<1024x128xf32>
    %mul3A = vector.broadcast %slice3A : vector<1024x1xf32> to vector<1024x128xf32>
    %mul3A_22 = arith.mulf %mul3A, %sub3A : vector<1024x128xf32>
    %add3A_23 = vector.broadcast %get3A_4 : vector<1x128xf32> to vector<1024x128xf32>
    %add3A_24 = arith.addf %mul3A_22, %add3A_23 : vector<1024x128xf32>
    %max3A = arith.constant 0.000000e+00 : f32
    %max3A_25 = vector.broadcast %max3A : f32 to vector<1024x128xf32>
    %max3A_26 = arith.maximumf %add3A_24, %max3A_25 : vector<1024x128xf32>
    %get3A_27 = arith.constant 0 : index
    %get3A_28 = arith.constant 1 : index
    %get3A_29 = arith.constant 0 : index
    %get3A_30 = arith.constant 0 : index
    %get3A_31 = vector.load %arg1[%get3A_27, %get3A_28, %get3A_29, %get3A_30] : memref<2x2x1024x128xf32, #tpu.memory_space<vmem>>, vector<1x1x1024x128xf32>
    %get3A_32 = vector.shape_cast %get3A_31 : vector<1x1x1024x128xf32> to vector<1024x128xf32>
    %get3A_33 = arith.constant 1 : index
    %get3A_34 = arith.constant 1 : index
    %get3A_35 = arith.constant 0 : index
    %get3A_36 = arith.constant 0 : index
    %get3A_37 = vector.load %arg1[%get3A_33, %get3A_34, %get3A_35, %get3A_36] : memref<2x2x1024x128xf32, #tpu.memory_space<vmem>>, vector<1x1x1024x128xf32>
    %get3A_38 = vector.shape_cast %get3A_37 : vector<1x1x1024x128xf32> to vector<1024x128xf32>
    %add3A_39 = arith.addf %get3A_32, %get3A_38 : vector<1024x128xf32>
    %get3A_40 = arith.constant 1 : index
    %get3A_41 = arith.constant 0 : index
    %get3A_42 = arith.constant 0 : index
    %get3A_43 = vector.load %arg2[%get3A_40, %get3A_41, %get3A_42] : memref<2x1024x128xf32, #tpu.memory_space<vmem>>, vector<1x1024x128xf32>
    %get3A_44 = vector.shape_cast %get3A_43 : vector<1x1024x128xf32> to vector<1024x128xf32>
    %sub3A_45 = arith.subf %add3A_39, %get3A_44 : vector<1024x128xf32>
    %mul3A_46 = vector.broadcast %slice3A : vector<1024x1xf32> to vector<1024x128xf32>
    %mul3A_47 = arith.mulf %mul3A_46, %sub3A_45 : vector<1024x128xf32>
    %add3A_48 = vector.broadcast %get3A_4 : vector<1x128xf32> to vector<1024x128xf32>
    %add3A_49 = arith.addf %mul3A_47, %add3A_48 : vector<1024x128xf32>
    %max3A_50 = arith.constant 0.000000e+00 : f32
    %max3A_51 = vector.broadcast %max3A_50 : f32 to vector<1024x128xf32>
    %max3A_52 = arith.maximumf %add3A_49, %max3A_51 : vector<1024x128xf32>
    %reduce_sum3A = arith.constant dense<0.000000e+00> : vector<1024xf32>
    %reduce_sum3A_53 = vector.multi_reduction <add>, %max3A_26, %reduce_sum3A [1] : vector<1024x128xf32> to vector<1024xf32>
    %broadcast_in_dim3A = vector.shape_cast %reduce_sum3A_53 : vector<1024xf32> to vector<1024x1xf32>
    %div3A = arith.constant 1.280000e+02 : f32
    %div3A_54 = vector.broadcast %div3A : f32 to vector<1024x1xf32>
    %div3A_55 = arith.divf %broadcast_in_dim3A, %div3A_54 : vector<1024x1xf32>
    %logistic3A = arith.negf %div3A_55 : vector<1024x1xf32>
    %logistic3A_56 = math.exp %logistic3A : vector<1024x1xf32>
    %logistic3A_57 = arith.constant 1.000000e+00 : f32
    %logistic3A_58 = vector.broadcast %logistic3A_57 : f32 to vector<1024x1xf32>
    %logistic3A_59 = arith.addf %logistic3A_58, %logistic3A_56 : vector<1024x1xf32>
    %logistic3A_60 = arith.divf %logistic3A_58, %logistic3A_59 : vector<1024x1xf32>
    %get3A_61 = arith.constant 0 : index
    %get3A_62 = arith.constant 0 : index
    %get3A_63 = arith.constant 0 : index
    %get3A_64 = vector.load %arg5[%get3A_61, %get3A_62, %get3A_63] : memref<1x128x128xf32, #tpu.memory_space<vmem>>, vector<1x128x128xf32>
    %get3A_65 = vector.shape_cast %get3A_64 : vector<1x128x128xf32> to vector<128x128xf32>
    %reduce_sum3A_66 = arith.constant dense<0.000000e+00> : vector<128xf32>
    %reduce_sum3A_67 = vector.multi_reduction <add>, %get3A_65, %reduce_sum3A_66 [1] : vector<128x128xf32> to vector<128xf32>
    %broadcast_in_dim3A_68 = vector.shape_cast %reduce_sum3A_67 : vector<128xf32> to vector<128x1xf32>
    %get3A_69 = arith.constant 0 : index
    %get3A_70 = arith.constant 0 : index
    %get3A_71 = vector.load %arg6[%get3A_69, %get3A_70] : memref<1x128xf32, #tpu.memory_space<vmem>>, vector<1x1xf32>
    %get3A_72 = vector.extract %get3A_71[0, 0] : f32 from vector<1x1xf32>
    %dot_general3A = arith.constant dense<0.000000e+00> : vector<1024x1xf32>
    %dot_general3A_73 = tpu.matmul %max3A_26, %broadcast_in_dim3A_68, %dot_general3A {dimension_numbers = #tpu.dot_dimension_numbers<[1], [0], [0], [1], [0, 0, 1, 1], [], []>, transpose_lhs_hint = false} : vector<1024x128xf32>, vector<128x1xf32>, vector<1024x1xf32> -> vector<1024x1xf32>
    %mul3A_74 = arith.mulf %logistic3A_60, %dot_general3A_73 : vector<1024x1xf32>
    %add3A_75 = vector.broadcast %get3A_72 : f32 to vector<1024x1xf32>
    %add3A_76 = arith.addf %mul3A_74, %add3A_75 : vector<1024x1xf32>
    %dot_general3A_77 = arith.constant dense<0.000000e+00> : vector<1024x1xf32>
    %dot_general3A_78 = tpu.matmul %max3A_52, %broadcast_in_dim3A_68, %dot_general3A_77 {dimension_numbers = #tpu.dot_dimension_numbers<[1], [0], [0], [1], [0, 0, 1, 1], [], []>, transpose_lhs_hint = false} : vector<1024x128xf32>, vector<128x1xf32>, vector<1024x1xf32> -> vector<1024x1xf32>
    %mul3A_79 = arith.mulf %logistic3A_60, %dot_general3A_78 : vector<1024x1xf32>
    %add3A_80 = vector.broadcast %get3A_72 : f32 to vector<1024x1xf32>
    %add3A_81 = arith.addf %mul3A_79, %add3A_80 : vector<1024x1xf32>
    %concatenate3A = tpu.concatenate %add3A_76, %add3A_81 in 1 : vector<1024x1xf32>, vector<1024x1xf32> -> vector<1024x2xf32>
    %swap3A = arith.constant 0 : index
    %swap3A_82 = arith.constant 0 : index
    %swap3A_83 = vector.load %arg7[%swap3A, %swap3A_82] : memref<1024x2xf32, #tpu.memory_space<vmem>>, vector<1024x2xf32>
    tpu.vector_store %arg7[%swap3A, %swap3A_82], %concatenate3A {strides = array<i32>} : memref<1024x2xf32, #tpu.memory_space<vmem>>, vector<1024x2xf32>,
    return
  }
  func.func @transform_0(%arg0: i32) -> (i32, i32, i32, i32) {
    %c0_i32 = arith.constant 0 : i32
    %c0_i32_0 = arith.constant 0 : i32
    %c0_i32_1 = arith.constant 0 : i32
    %c0_i32_2 = arith.constant 0 : i32
    return %c0_i32, %c0_i32_0, %arg0, %c0_i32_1 : i32, i32, i32, i32
  }
  func.func @transform_1(%arg0: i32) -> (i32, i32, i32) {
    %c0_i32 = arith.constant 0 : i32
    %c0_i32_0 = arith.constant 0 : i32
    %c0_i32_1 = arith.constant 0 : i32
    return %c0_i32, %arg0, %c0_i32_0 : i32, i32, i32
  }
  func.func @transform_2(%arg0: i32) -> (i32, i32) {
    %c0_i32 = arith.constant 0 : i32
    %c0_i32_0 = arith.constant 0 : i32
    return %arg0, %c0_i32 : i32, i32
  }
  func.func @transform_3(%arg0: i32) -> (i32, i32) {
    %c0_i32 = arith.constant 0 : i32
    %c0_i32_0 = arith.constant 0 : i32
    %c0_i32_1 = arith.constant 0 : i32
    return %c0_i32, %c0_i32_0 : i32, i32
  }
  func.func @transform_4(%arg0: i32) -> (i32, i32, i32) {
    %c0_i32 = arith.constant 0 : i32
    %c0_i32_0 = arith.constant 0 : i32
    %c0_i32_1 = arith.constant 0 : i32
    %c0_i32_2 = arith.constant 0 : i32
    return %c0_i32, %c0_i32_0, %c0_i32_1 : i32, i32, i32
  }
  func.func @transform_5(%arg0: i32) -> (i32, i32) {
    %c0_i32 = arith.constant 0 : i32
    %c0_i32_0 = arith.constant 0 : i32
    %c0_i32_1 = arith.constant 0 : i32
    return %c0_i32, %c0_i32_0 : i32, i32
  }
  func.func @transform_6(%arg0: i32) -> (i32, i32) {
    %c0_i32 = arith.constant 0 : i32
    %c0_i32_0 = arith.constant 0 : i32
    return %arg0, %c0_i32 : i32, i32
  }
}

</mosaic_0001>

<sc_bundles>
// kernel: kernel.11.cloned.1.call-start
scs
__scs_entry_jumppad:
0x0: {  	(pc) =	sbr.rel $0x88, $3  }
0x1: {  	(tag) =	ssettag $0x0;
	lr =	simm.s32 $0x1  }
0x2: {  	[smem:$0x3F98] =	sst lr;
	_ =	strace $0xD0000000  }
0x3: {  	_ = 	snop  }
0x4: {  	_ = 	snop  }
0x5: {  	_ = 	snop  }
0x6: {  	_ = 	snop  }
0x7: {  	_ = 	snop  }
__scs_overlays_trampoline_lowered:
0x8: {  	[smem:$0x3FA7] =	sst s0  }
0x9: {  	[smem:$0x3FA8] =	sst s1  }
0xa: {  	[smem:$0x3FA9] =	sst s2  }
0xb: {  	[smem:$0x3FAA] =	sst s3  }
0xc: {  	[smem:$0x3FAB] =	sst s4  }
0xd: {  	[smem:$0x3FAC] =	sst s5  }
0xe: {  	[smem:$0x3FAD] =	sst s6  }
0xf: {  	[smem:$0x3FAE] =	sst s7  }
0x10: {  	[smem:$0x3FAF] =	sst s8  }
0x11: {  	[smem:$0x3FB0] =	sst s9;
	s0 =	simm.s32 @!p0 $0x0  }
0x12: {  	s1 =	sld [smem:$0x3F96];
	s0 =	simm.s32 @p0 $0x1  }
0x13: {  	[smem:$0x3FB1] =	sst s0;
	s0 =	simm.s32 @!p1 $0x0  }
0x14: {  	s2 =	sld [smem:$0x3F95];
	s0 =	simm.s32 @p1 $0x1  }
0x15: {  	[smem:$0x3FB2] =	sst s0;
	s0 =	simm.s32 @!p2 $0x0  }
0x16: {  	s3 =	sld [smem:$0x3FDB];
	s0 =	simm.s32 @p2 $0x1  }
0x17: {  	s4 =	simm.s32 $0x1BF5;
	[smem:$0x3FB4] =	sst s0  }
0x18: {  	s0 =	sld [smem:$0x3F97];
	_ =	swait.ge [sflag:s4], $0x0  }
0x19: {  	s7 =	sld [smem:$0x3F98]  }
0x1a: {  	s8 =	sadd.s32 $0xFFFFE003, lr  }
0x1b: {  	s9 =	sadd.s32 $0xFFFFFEF7, lr;
	s5 =	simm.s32 $0xFFFFFFFF;
	p2 =	slt.u32 s8, $0xFFFFF086  }
0x1c: {  	p1 =	slt.u32 s9, $0xF7A;
	s5 =	simm.s32 @!p2 $0x0  }
0x1d: {  	s5 =	simm.s32 @p1 $0x1;
	p0 =	seq.s32 s7, s2  }
0x1e: {  	s7 =	smul.u32 @!p0 $0xF7A, s2;
	p2 =	seq.s32 @!p0 s5, $0x0  }
0x1f: {  	s9 =	smul.u32 $0xF7A, s1;
	s8 =	simm.s32 @!p0 $0x1BF5;
	p2 =	por !p2, p0  }
0x20: {  	[sflag:s8] =	ssyncset.s32 @!p0 $0xFFFFF086;
	s6 =	sadd.s32 @!p0 s3, s7;
	s7 =	simm.s32 @!p0 $0x108  }
0x21: {  	s3 =	sadd.s32 s3, s9;
	s6 =	sadd.s32 @!p0 $0x88, s6;
	s7 =	simm.s32 @p2 $0x1082  }
0x22: {  	[simem:s7], [sflag:s8] =	dma.local @!p0 [hbm:s6], $0xF7A  }
0x23: {  	s9 =	sor.u32 $0xD0000000, s2;
	s6 =	simm.s32 $0x108;
	_ =	swait.ge @!p0 [sflag:s8], $0x0  }
0x24: {  	s3 =	sadd.s32 $0x88, s3;
	s6 =	simm.s32 @!p1 $0x1082;
	[sflag:s4] =	ssyncset.s32 $0xFFFFF086  }
0x25: {  	[simem:s6], [sflag:s4] =	dma.local [hbm:s3], $0xF7A  }
0x26: {  	[smem:$0x3F98] =	sst s1;
	(tag) =	ssettag s2;
	_ =	strace s9  }
0x27: {  	s1 =	sld [smem:$0x3FA8]  }
0x28: {  	s2 =	sld [smem:$0x3FA9]  }
0x29: {  	s4 =	sld [smem:$0x3FAB]  }
0x2a: {  	p0 =	seq.s32 s5, $0x0;
	s5 =	sld [smem:$0x3FAC]  }
0x2b: {  	s6 =	sld [smem:$0x3FAD]  }
0x2c: {  	s7 =	sld [smem:$0x3FAE]  }
0x2d: {  	s3 =	simm.s32 $0x108;
	s8 =	sld [smem:$0x3FAF]  }
0x2e: {  	s3 =	simm.s32 @!p0 $0x1082;
	s9 =	sld [smem:$0x3FB0]  }
0x2f: {  	lr =	sadd.s32 s0, s3;
	s0 =	sld [smem:$0x3FA7]  }
0x30: {  	s3 =	sld [smem:$0x3FAA]  }
0x31: {  	[smem:$0x3FB3] =	sst s10  }
0x32: {  	s10 =	sld [smem:$0x3FB1];
	_ =	sdelay $0x3  }
0x33: {  	p0 =	seq.s32 s10, $0x1;
	s10 =	sld [smem:$0x3FB3];
	_ =	sdelay $0x3  }
0x34: {  	[smem:$0x3FB3] =	sst s10  }
0x35: {  	s10 =	sld [smem:$0x3FB2];
	_ =	sdelay $0x3  }
0x36: {  	p1 =	seq.s32 s10, $0x1;
	s10 =	sld [smem:$0x3FB3];
	_ =	sdelay $0x3  }
0x37: {  	[smem:$0x3FB3] =	sst s10  }
0x38: {  	s10 =	sld [smem:$0x3FB4]  }
0x39: {  	_ = 	snop;
	(pc) =	sbr.ind lr, $3  }
0x3a: {  	_ = 	snop  }
0x3b: {  	_ = 	snop  }
0x3c: {  	p2 =	seq.s32 s10, $0x1;
	s10 =	sld [smem:$0x3FB3]  }
0x3d: {  	_ =	shalt  }
0x3e: {  	_ =	shalt  }
0x3f: {  	_ =	shalt  }
0x40: {  	_ =	shalt  }
0x41: {  	_ =	shalt  }
0x42: {  	_ =	shalt  }
0x43: {  	_ =	shalt  }
0x44: {  	_ =	shalt  }
0x45: {  	_ =	shalt  }
0x46: {  	_ =	shalt  }
0x47: {  	_ =	shalt  }
0x48: {  	_ =	shalt  }
0x49: {  	_ =	shalt  }
0x4a: {  	_ =	shalt  }
0x4b: {  	_ =	shalt  }
0x4c: {  	_ =	shalt  }
0x4d: {  	_ =	shalt  }
0x4e: {  	_ =	shalt  }
0x4f: {  	_ =	shalt  }
0x50: {  	_ =	shalt  }
0x51: {  	_ =	shalt  }
0x52: {  	_ =	shalt  }
0x53: {  	_ =	shalt  }
0x54: {  	_ =	shalt  }
0x55: {  	_ =	shalt  }
0x56: {  	_ =	shalt  }
0x57: {  	_ =	shalt  }
0x58: {  	_ =	shalt  }
0x59: {  	_ =	shalt  }
0x5a: {  	_ =	shalt  }
0x5b: {  	_ =	shalt  }
0x5c: {  	_ =	shalt  }
0x5d: {  	_ =	shalt  }
0x5e: {  	_ =	shalt  }
0x5f: {  	_ =	shalt  }
0x60: {  	_ =	shalt  }
0x61: {  	_ =	shalt  }
0x62: {  	_ =	shalt  }
0x63: {  	_ =	shalt  }
0x64: {  	_ =	shalt  }
0x65: {  	_ =	shalt  }
0x66: {  	_ =	shalt  }
0x67: {  	_ =	shalt  }
0x68: {  	_ =	shalt  }
0x69: {  	_ =	shalt  }
0x6a: {  	_ =	shalt  }
0x6b: {  	_ =	shalt  }
0x6c: {  	_ =	shalt  }
0x6d: {  	_ =	shalt  }
0x6e: {  	_ =	shalt  }
0x6f: {  	_ =	shalt  }
0x70: {  	_ =	shalt  }
0x71: {  	_ =	shalt  }
0x72: {  	_ =	shalt  }
0x73: {  	_ =	shalt  }
0x74: {  	_ =	shalt  }
0x75: {  	_ =	shalt  }
0x76: {  	_ =	shalt  }
0x77: {  	_ =	shalt  }
0x78: {  	_ =	shalt  }
0x79: {  	_ =	shalt  }
0x7a: {  	_ =	shalt  }
0x7b: {  	_ =	shalt  }
0x7c: {  	_ =	shalt  }
0x7d: {  	_ =	shalt  }
0x7e: {  	_ =	shalt  }
0x7f: {  	_ =	shalt  }
0x80: {  	_ =	shalt  }
0x81: {  	_ =	shalt  }
0x82: {  	_ =	shalt  }
0x83: {  	_ =	shalt  }
0x84: {  	_ =	shalt  }
0x85: {  	_ =	shalt  }
0x86: {  	_ =	shalt  }
0x87: {  	_ =	shalt  }
.Lfunc_end0:
.L_simem_size_0:
called_computation.1_lowered:
.L_overlay_start_0:
0x88: {  	s2 =	sld [smem:$0x3FD9]  }
0x89: {  	s3 =	sld [smem:$0x3FFE];
	_ =	sdelay $0x1  }
0x8a: {  	s1 =	srdreg.scid  }
0x8b: {  	s0 =	sand.u32 $0x1, s1  }
0x8c: {  	s16 =	sshll.u32 s0, $0xA;
	s2 =	sadd.s32 s3, s2  }
0x8d: {  	s2 =	sadd.s32 s2, s16  }
0x8e: {  	[smem:$0x3FBF] =	sst s2  }
0x8f: {  	_ = 	snop  }
0x90: {  	(tm) =	ssettm $0x1  }
0x91: {  	s17 =	sld [smem:$0x3FFB];
	_ =	sdelay $0x3  }
0x92: {  	_ =	strace s17  }
0x93: {  	s2 =	sld [smem:$0x3FFC];
	_ =	sdelay $0x3  }
0x94: {  	_ =	strace s2  }
0x95: {  	s2 =	sld [smem:$0x3FFD];
	_ =	sdelay $0x3  }
0x96: {  	_ =	strace s2  }
0x97: {  	_ =	strace $0x8FFFFFFF  }
0x98: {  	s18 =	sld [smem:$0x3FDB];
	_ =	sdelay $0x1  }
0x99: {  	s19 =	simm.s32 $_scs_section_size  }
0x9a: {  	s4 =	simm.s32 $_size__tile_overlayer_lowered;
	s5 =	simm.s32 $_tile_overlayer_lowered  }
0x9b: {  	s22 =	simm.s32 $0x1BFF;
	s21 =	sshll.u32 s5, $0x1;
	s2 =	sadd.s32 s19, s18  }
0x9c: {  	s6 =	simm.s32 $0x0;
	s20 =	sshll.u32 s4, $0x1;
	s4 =	sadd.s32 s21, s2  }
0x9d: {  	[timem:s6], [sflag:s22] =	dma.local [hbm:s4], s20  }
0x9e: {  	_ =	swait.ge [sflag:s22], s20  }
0x9f: {  	s3 =	ssub.s32 $0x0, s20;
	[sflag:s22] =	ssyncset.done $0x0  }
0xa0: {  	[sflag:s22] =	ssyncadd.s32 s3;
	_ =	sdelay $0x1  }
0xa1: {  	s23 =	simm.s32 $0x1B8B  }
0xa2: {  	_ =	swait.ge [sflag:s23], $0x1  }
0xa3: {  	[sflag:s23] =	ssyncset.done $0x0  }
0xa4: {  	s25 =	simm.s32 $0x1B8E;
	s24 =	sld [smem:$0x3FFE];
	[sflag:s23] =	ssyncadd.s32 $0xFFFFFFFF  }
0xa5: {  	s26 =	simm.s32 $execute0_lowered;
	[smem:$0x3FD2] =	sst s25  }
0xa6: {  	s4 =	sshll.u32 s26, $0x1;
	_ =	strace $0x80000049;
	[dreg:$0x1] =	wrdreg $0xFFFFFFFF  }
0xa7: {  	s28 =	simm.s32 $_size_execute0_lowered;
	s2 =	sadd.s32 s2, s4;
	[dreg:$0x0] =	wrdreg $0x0  }
0xa8: {  	s4 =	sshll.u32 s28, $0x1;
	[dreg:$0x2] =	wrdreg s2  }
0xa9: {  	[dreg:$0x3] =	wrdreg s4  }
0xaa: {  	[dreg:$0x4] =	wrdreg $0xC0  }
0xab: {  	_ =	task [dreg:s6], $0x5FFFF  }
0xac: {  	[dreg:$0x1] =	wrdreg $0xFFFFFFFF  }
0xad: {  	[dreg:$0x0] =	wrdreg $0x60  }
0xae: {  	[dreg:$0x2] =	wrdreg s24  }
0xaf: {  	[dreg:$0x3] =	wrdreg $0x0  }
0xb0: {  	[dreg:$0x4] =	wrdreg $0x9  }
0xb1: {  	_ =	task.clear_ibuf [dreg:s6], $0x5FFFF;
	_ =	strace $0x90000049  }
0xb2: {  	s29 =	simm.s32 $0x9;
	_ =	strace $0x8000004B  }
0xb3: {  	_ =	swait.ge [sflag:s29], $0x1  }
0xb4: {  	[sflag:s29] =	ssyncadd.s32 $0xFFFFFFFF  }
0xb5: {  	_ =	strace $0x9000004B  }
0xb6: {  	_ =	sfence  }
0xb7: {  	s30 =	sld [smem:$0x0];
	_ =	sdelay $0x2  }
0xb8: {  	s31 =	sshll.u32 s1, $0xD;
	s1 =	sshrl.u32 s1, $0x2  }
0xb9: {  	s3 =	sand.u32 $0x4000, s31;
	s1 =	sadd.s32 s1, s30  }
0xba: {  	s0 =	sor.u32 s3, s0;
	s1 =	sshll.u32 s1, $0x11  }
0xbb: {  	s0 =	sor.u32 s1, s0  }
0xbc: {  	s0 =	sadd.s32 $0x8F2B, s0  }
0xbd: {  	[sflag:s0] =	ssyncadd.remote.s32 $0x1  }
0xbe: {  	_ =	sfence.sel $0xFFFF  }
0xbf: {  	[dreg:$0x0] =	wrdreg $0xFFFFFFFF;
	(pc) =	sbr.abs _section_cstart, $3  }
0xc0: {  	[dreg:$0x1] =	wrdreg $0xFFFFFFFF  }
0xc1: {  	_ =	task.clear_ibuf [dreg:s6], $0x2FFFF;
	_ =	strace $0x9FFFFFFF  }
0xc2: {  	(tm) =	ssettm $0x7FFFFFFF  }
0xc3: {  	_ =	shalt  }
tec
execute0_lowered:
.L_overlay_start_1:
0x0: {  	(tag) =	ssettag $0x1  }
0x1: {  	s0 =	rddreg [dreg:$0x0]  }
0x2: {  	s1 =	rddreg [dreg:$0x1];
	s11 =	stileid.u32  }
0x3: {  	s2 =	simm.s32 $0x0;
	s3 =	srdreg.scid;
	s7 =	smul.u32 $0x280, s11  }
0x4: {  	[smem:$0x7FF] =	sst s2;
	s13 =	smul.u32 $0x14000, s11  }
0x5: {  	s3 =	sand.u32 $0x1, s3;
	s4 =	sadd.s32 $0x156000, s0;
	s14 =	smul.u32 $0x50000, s11  }
0x6: {  	s5 =	sadd.s32 $0x12E000, s0;
	s10 =	sadd.s32 $0x17E000, s0;
	s25 =	smul.u32 $0x4F0, s11  }
0x7: {  	s11 =	sadd.s32 $0x5C200, s0;
	s12 =	smul.u32 $0x4F00, s3;
	s6 =	ssub.s32 $0x2, s3  }
0x8: {  	_ =	strace $0x8000004A;
	s3 =	smul.u32 $0x500000, s3;
	s8 =	sshrl.u32 s6, $0x1  }
0x9: {  	s15 =	sadd.s32 $0x80, s7;
	s16 =	sadd.s32 $0x100, s7;
	s17 =	sadd.s32 $0x180, s7  }
0xa: {  	s22 =	sadd.s32 $0x200, s7;
	s26 =	sshrl.u32 s14, $0x2;
	s19 =	ssub.s32 s6, s8  }
0xb: {  	s18 =	sshll.u32 s15, $0x7;
	s20 =	sshll.u32 s16, $0x7;
	s21 =	sshll.u32 s17, $0x7  }
0xc: {  	s8 =	sadd.s32 s13, s3;
	s23 =	sshll.u32 s22, $0x7;
	s14 =	sadd.s32 s26, s1  }
0xd: {  	s9 =	sadd.s32 s3, s18;
	s6 =	sshrl.u32 s8, $0x3;
	s24 =	sadd.s32 s3, s20  }
0xe: {  	s7 =	sshrl.u32 s9, $0x3;
	s6 =	sadd.s32 s10, s6;
	s8 =	sshrl.u32 s24, $0x3  }
0xf: {  	s9 =	sadd.s32 s3, s21;
	s3 =	sadd.s32 s3, s23;
	s24 =	sadd.s32 s12, s0  }
0x10: {  	s12 =	sadd.s32 $0x34200, s0;
	s0 =	sshrl.u32 s13, $0x3;
	s13 =	sshll.u32 s15, $0x4  }
0x11: {  	s15 =	sadd.s32 s18, s1;
	s18 =	sadd.s32 s23, s1;
	s7 =	sadd.s32 s10, s7  }
0x12: {  	s8 =	sadd.s32 s10, s8;
	s9 =	sshrl.u32 s9, $0x3;
	s3 =	sshrl.u32 s3, $0x3  }
0x13: {  	s26 =	sadd.s32 s11, s0;
	s23 =	sadd.s32 s5, s13;
	s9 =	sadd.s32 s10, s9  }
0x14: {  	s10 =	sadd.s32 s10, s3;
	s3 =	sadd.s32 s25, s24;
	[dreg:$0x5] =	wrdreg s26  }
0x15: {  	s24 =	sadd.s32 s4, s0;
	s25 =	sadd.s32 s5, s0;
	[dreg:$0x8] =	wrdreg s23  }
0x16: {  	s0 =	sadd.s32 s12, s0;
	s26 =	sadd.s32 s12, s13;
	[dreg:$0x3] =	wrdreg s24  }
0x17: {  	s24 =	sshll.u32 s16, $0x4;
	s16 =	sadd.s32 s20, s1;
	[dreg:$0x4] =	wrdreg s25  }
0x18: {  	s20 =	sshll.u32 s17, $0x4;
	s17 =	sadd.s32 s21, s1;
	[dreg:$0x6] =	wrdreg s0  }
0x19: {  	s21 =	sshll.u32 s22, $0x4;
	s22 =	sadd.s32 s4, s13;
	[dreg:$0xa] =	wrdreg s26  }
0x1a: {  	s25 =	sadd.s32 s11, s13;
	[dreg:$0x7] =	wrdreg s22  }
0x1b: {  	[dreg:$0x9] =	wrdreg s25;
	s13 =	sadd.s32 s4, s24  }
0x1c: {  	s22 =	sadd.s32 s5, s24;
	[dreg:$0xb] =	wrdreg s13  }
0x1d: {  	s23 =	sadd.s32 s11, s24;
	[dreg:$0xc] =	wrdreg s22  }
0x1e: {  	s24 =	sadd.s32 s12, s24;
	[dreg:$0xd] =	wrdreg s23  }
0x1f: {  	s25 =	sadd.s32 s4, s20;
	[dreg:$0xe] =	wrdreg s24  }
0x20: {  	s26 =	sadd.s32 s5, s20;
	[dreg:$0xf] =	wrdreg s25  }
0x21: {  	[dreg:$0x10] =	wrdreg s26;
	s13 =	sadd.s32 s11, s20  }
0x22: {  	s22 =	sadd.s32 s12, s20;
	[dreg:$0x11] =	wrdreg s13  }
0x23: {  	s23 =	sadd.s32 s4, s21;
	[dreg:$0x12] =	wrdreg s22  }
0x24: {  	s24 =	sadd.s32 s5, s21;
	[dreg:$0x13] =	wrdreg s23  }
0x25: {  	s25 =	sadd.s32 s11, s21;
	[dreg:$0x14] =	wrdreg s24  }
0x26: {  	s26 =	sadd.s32 s12, s21;
	[dreg:$0x15] =	wrdreg s25  }
0x27: {  	s20 =	sadd.s32 $0x28000, s7;
	[dreg:$0x16] =	wrdreg s26  }
0x28: {  	s21 =	sadd.s32 $0x28000, s8;
	[dreg:$0x19] =	wrdreg s20  }
0x29: {  	s13 =	smax.u32 s19, $0x1;
	[dreg:$0x1a] =	wrdreg s21  }
0x2a: {  	s19 =	sadd.s32 $0x28000, s6;
	[dreg:$0x17] =	wrdreg s13  }
0x2b: {  	s22 =	sadd.s32 $0x28000, s9;
	[dreg:$0x18] =	wrdreg s19  }
0x2c: {  	s23 =	sadd.s32 $0x28000, s10;
	[dreg:$0x1b] =	wrdreg s22  }
0x2d: {  	s24 =	sadd.s32 $0x2400, s3;
	s26 =	sadd.s32 $0x50000, s6;
	[dreg:$0x1c] =	wrdreg s23  }
0x2e: {  	s25 =	sadd.s32 $0x84200, s3;
	s3 =	sadd.s32 $0x50000, s7;
	[dreg:$0x1d] =	wrdreg s26  }
0x2f: {  	s20 =	sadd.s32 $0x50000, s10;
	[dreg:$0x1e] =	wrdreg s3  }
0x30: {  	s29 =	simm.s32 $0x14100;
	s21 =	sadd.s32 $0x78000, s6;
	[smem:$0x7F9] =	sst s20  }
0x31: {  	s30 =	simm.s32 $0x2;
	s13 =	sadd.s32 $0x50000, s8;
	[smem:$0x7FA] =	sst s21  }
0x32: {  	s31 =	simm.s32 $0x14000;
	s19 =	sadd.s32 $0x50000, s9;
	[dreg:$0x1f] =	wrdreg s13  }
0x33: {  	s28 =	sadd.s32 $0x78000, s10;
	s22 =	sadd.s32 $0x78000, s7;
	[smem:$0x7F8] =	sst s19  }
0x34: {  	s0 =	simm.s32 $0x14080;
	s23 =	sadd.s32 $0x78000, s8;
	[smem:$0x7FB] =	sst s22  }
0x35: {  	s26 =	sadd.s32 $0x78000, s9;
	s3 =	simm.s32 $0x80;
	[smem:$0x7FC] =	sst s23  }
0x36: {  	[smem:$0x7FD] =	sst s26;
	s13 =	simm.s32 $0x1;
	s19 =	simm.s32 $0x0  }
.LBB2_1:
0x37: {  	s20 =	rddreg [dreg:$0x3]  }
0x38: {  	[tilespmem:s29], [sflag:$0x2] =	stream.linear.gather [hbm4b:s20+s2], $0x4000, $0x38;
	[tilespmem:$0x18100] =	vst v63  }
0x39: {  	_ =	swait.ge [sflag:s30], $0x4000  }
0x3a: {  	[sflag:s30] =	ssyncset.done $0x0  }
0x3b: {  	[sflag:s30] =	ssyncadd.s32 $0xFFFFC000  }
0x3c: {  	[spmem:s14] =	stream.linear.scatter [tilespmem:s29], [sflag:$0x2], $0x4000, $0x38;
	[tilespmem:$0x18100] =	vst v63  }
0x3d: {  	_ =	swait.ge [sflag:s30], $0x4000  }
0x3e: {  	[sflag:s30] =	ssyncset.done $0x0  }
0x3f: {  	s23 =	rddreg [dreg:$0x7];
	[sflag:s30] =	ssyncadd.s32 $0xFFFFC000  }
0x40: {  	[tilespmem:s29], [sflag:$0x2] =	stream.linear.gather [hbm4b:s23+s2], $0x4000, $0x38;
	[tilespmem:$0x18100] =	vst v63  }
0x41: {  	_ =	swait.ge [sflag:s30], $0x4000  }
0x42: {  	[sflag:s30] =	ssyncset.done $0x0  }
0x43: {  	[sflag:s30] =	ssyncadd.s32 $0xFFFFC000  }
0x44: {  	[spmem:s15] =	stream.linear.scatter [tilespmem:s29], [sflag:$0x2], $0x4000, $0x38;
	[tilespmem:$0x18100] =	vst v63  }
0x45: {  	_ =	swait.ge [sflag:s30], $0x4000  }
0x46: {  	[sflag:s30] =	ssyncset.done $0x0  }
0x47: {  	s26 =	rddreg [dreg:$0xb];
	[sflag:s30] =	ssyncadd.s32 $0xFFFFC000  }
0x48: {  	[tilespmem:s29], [sflag:$0x2] =	stream.linear.gather [hbm4b:s26+s2], $0x4000, $0x38;
	[tilespmem:$0x18100] =	vst v63  }
0x49: {  	_ =	swait.ge [sflag:s30], $0x4000  }
0x4a: {  	[sflag:s30] =	ssyncset.done $0x0  }
0x4b: {  	[sflag:s30] =	ssyncadd.s32 $0xFFFFC000  }
0x4c: {  	[spmem:s16] =	stream.linear.scatter [tilespmem:s29], [sflag:$0x2], $0x4000, $0x38;
	[tilespmem:$0x18100] =	vst v63  }
0x4d: {  	_ =	swait.ge [sflag:s30], $0x4000  }
0x4e: {  	[sflag:s30] =	ssyncset.done $0x0  }
0x4f: {  	s21 =	rddreg [dreg:$0xf];
	[sflag:s30] =	ssyncadd.s32 $0xFFFFC000  }
0x50: {  	[tilespmem:s29], [sflag:$0x2] =	stream.linear.gather [hbm4b:s21+s2], $0x4000, $0x38;
	[tilespmem:$0x18100] =	vst v63  }
0x51: {  	_ =	swait.ge [sflag:s30], $0x4000  }
0x52: {  	[sflag:s30] =	ssyncset.done $0x0  }
0x53: {  	[sflag:s30] =	ssyncadd.s32 $0xFFFFC000  }
0x54: {  	[spmem:s17] =	stream.linear.scatter [tilespmem:s29], [sflag:$0x2], $0x4000, $0x38;
	[tilespmem:$0x18100] =	vst v63  }
0x55: {  	_ =	swait.ge [sflag:s30], $0x4000  }
0x56: {  	[sflag:s30] =	ssyncset.done $0x0  }
0x57: {  	s22 =	rddreg [dreg:$0x13];
	[sflag:s30] =	ssyncadd.s32 $0xFFFFC000  }
0x58: {  	[tilespmem:s29], [sflag:$0x2] =	stream.linear.gather [hbm4b:s22+s2], $0x4000, $0x38;
	[tilespmem:$0x18100] =	vst v63  }
0x59: {  	_ =	swait.ge [sflag:s30], $0x4000  }
0x5a: {  	[sflag:s30] =	ssyncset.done $0x0  }
0x5b: {  	[sflag:s30] =	ssyncadd.s32 $0xFFFFC000  }
0x5c: {  	[spmem:s18] =	stream.linear.scatter [tilespmem:s29], [sflag:$0x2], $0x4000, $0x38;
	[tilespmem:$0x18100] =	vst v63  }
0x5d: {  	_ =	swait.ge [sflag:s30], $0x4000  }
0x5e: {  	[sflag:s30] =	ssyncset.done $0x0  }
0x5f: {  	[sflag:s30] =	ssyncadd.s32 $0xFFFFC000  }
0x60: {  	s23 =	sadd.s32 $0x0, s25;
	[bflag:$0x0] =	sbarrier.arrive $0xFFFF  }
0x61: {  	[tilespmem:s31], [sflag:$0x2] =	stream.linear.gather [hbm4b:s23+s2], $0x80, $0x38;
	[tilespmem:$0x18100] =	vst v63  }
0x62: {  	_ =	swait.ge [sflag:s30], $0x80  }
0x63: {  	[sflag:s30] =	ssyncset.done $0x0  }
0x64: {  	s26 =	sadd.s32 $0x0, s24;
	[sflag:s30] =	ssyncadd.s32 $0xFFFFFF80  }
0x65: {  	[tilespmem:s0], [sflag:$0x2] =	stream.linear.gather [hbm4b:s26+s2], $0x80, $0x38;
	[tilespmem:$0x18100] =	vst v63  }
0x66: {  	_ =	swait.ge [sflag:s30], $0x80  }
0x67: {  	[sflag:s30] =	ssyncset.done $0x0  }
0x68: {  	[sflag:s30] =	ssyncadd.s32 $0xFFFFFF80  }
0x69: {  	[tilespmem:s29], [sflag:$0x1] =	stream.indirect.gather [hbm4b:s4+s3], $0x80, s31, s3, $0xb8;
	[tilespmem:$0x18100] =	vst v63  }
0x6a: {  	_ =	swait.ge [sflag:s13], $0x4000  }
0x6b: {  	[sflag:s13] =	ssyncset.done $0x0  }
0x6c: {  	[sflag:s13] =	ssyncadd.s32 $0xFFFFC000  }
0x6d: {  	[spmem:s1] =	stream.indirect.scatter.add.f32 [tilespmem:s29], [sflag:$0x2], $0x80, s0, s3, $0xb8;
	[tilespmem:$0x18100] =	vst v63  }
0x6e: {  	_ =	swait.ge [sflag:s30], $0x4000  }
0x6f: {  	s20 =	simm.s32 $0x10;
	s21 =	simm.s32 $0x20;
	[sflag:s30] =	ssyncset.done $0x0  }
.LBB2_2:
0x70: {  	s22 =	sadd.s32 s20, s25  }
0x71: {  	[sflag:s30] =	ssyncadd.s32 $0xFFFFC000;
	s23 =	smov.u32 s21;
	s26 =	sadd.s32 $0x10, s21  }
0x72: {  	[tilespmem:s31], [sflag:$0x2] =	stream.linear.gather [hbm4b:s22+s2], $0x80, $0x38;
	[tilespmem:$0x18100] =	vst v63  }
0x73: {  	p0 =	sne.s32 s21, $0x4E0;
	_ =	swait.ge [sflag:s30], $0x80  }
0x74: {  	[sflag:s30] =	ssyncset.done $0x0  }
0x75: {  	s21 =	sadd.s32 s20, s24;
	s20 =	smov.u32 s23;
	[sflag:s30] =	ssyncadd.s32 $0xFFFFFF80  }
0x76: {  	[tilespmem:s0], [sflag:$0x2] =	stream.linear.gather [hbm4b:s21+s2], $0x80, $0x38;
	[tilespmem:$0x18100] =	vst v63  }
0x77: {  	_ =	swait.ge [sflag:s30], $0x80  }
0x78: {  	[sflag:s30] =	ssyncset.done $0x0  }
0x79: {  	[sflag:s30] =	ssyncadd.s32 $0xFFFFFF80  }
0x7a: {  	[tilespmem:s29], [sflag:$0x1] =	stream.indirect.gather [hbm4b:s4+s3], $0x80, s31, s3, $0xb8;
	[tilespmem:$0x18100] =	vst v63  }
0x7b: {  	_ =	swait.ge [sflag:s13], $0x4000  }
.Ltmp0:
0x7c: {  	[sflag:s13] =	ssyncset.done $0x0;
	(pc) =	sbr.rel @p0 .LBB2_2-.Ltmp0, $4  }
0x7d: {  	[sflag:s13] =	ssyncadd.s32 $0xFFFFC000  }
0x7e: {  	[spmem:s1] =	stream.indirect.scatter.add.f32 [tilespmem:s29], [sflag:$0x2], $0x80, s0, s3, $0xb8;
	[tilespmem:$0x18100] =	vst v63  }
0x7f: {  	_ =	swait.ge [sflag:s30], $0x4000  }
0x80: {  	s21 =	smov.u32 s26;
	[sflag:s30] =	ssyncset.done $0x0  }
0x81: {  	s21 =	sadd.s32 s20, s25;
	[sflag:s30] =	ssyncadd.s32 $0xFFFFC000  }
0x82: {  	[tilespmem:s31], [sflag:$0x2] =	stream.linear.gather [hbm4b:s21+s2], $0x80, $0x38;
	[tilespmem:$0x18100] =	vst v63  }
0x83: {  	_ =	swait.ge [sflag:s30], $0x80  }
0x84: {  	[sflag:s30] =	ssyncset.done $0x0  }
0x85: {  	s23 =	sadd.s32 s20, s24;
	[sflag:s30] =	ssyncadd.s32 $0xFFFFFF80  }
0x86: {  	[tilespmem:s0], [sflag:$0x2] =	stream.linear.gather [hbm4b:s23+s2], $0x80, $0x38;
	[tilespmem:$0x18100] =	vst v63  }
0x87: {  	_ =	swait.ge [sflag:s30], $0x80  }
0x88: {  	[sflag:s30] =	ssyncset.done $0x0  }
0x89: {  	[sflag:s30] =	ssyncadd.s32 $0xFFFFFF80  }
0x8a: {  	[tilespmem:s29], [sflag:$0x1] =	stream.indirect.gather [hbm4b:s4+s3], $0x80, s31, s3, $0xb8;
	[tilespmem:$0x18100] =	vst v63  }
0x8b: {  	_ =	swait.ge [sflag:s13], $0x4000  }
0x8c: {  	[sflag:s13] =	ssyncset.done $0x0  }
0x8d: {  	[sflag:s13] =	ssyncadd.s32 $0xFFFFC000  }
0x8e: {  	[spmem:s1] =	stream.indirect.scatter.add.f32 [tilespmem:s29], [sflag:$0x2], $0x80, s0, s3, $0xb8;
	[tilespmem:$0x18100] =	vst v63  }
0x8f: {  	_ =	swait.ge [sflag:s30], $0x4000  }
0x90: {  	[sflag:s30] =	ssyncset.done $0x0  }
0x91: {  	[sflag:s30] =	ssyncadd.s32 $0xFFFFC000  }
0x92: {  	[bflag:$0x0] =	sbarrier.arrive $0xFFFF  }
0x93: {  	[tilespmem:s29], [sflag:$0x2] =	stream.linear.gather [spmem:s14], $0x4000, $0x38;
	[tilespmem:$0x18100] =	vst v63  }
0x94: {  	_ =	swait.ge [sflag:s30], $0x4000  }
0x95: {  	[sflag:s30] =	ssyncset.done $0x0  }
0x96: {  	s20 =	simm.s32 $0x0;
	[sflag:s30] =	ssyncadd.s32 $0xFFFFC000  }
0x97: {  	[hbm4b:s6+s20] =	stream.linear.scatter [tilespmem:s29], [sflag:$0x2], $0x4000, $0x38;
	[tilespmem:$0x18100] =	vst v63  }
0x98: {  	_ =	swait.ge [sflag:s30], $0x4000  }
0x99: {  	[sflag:s30] =	ssyncset.done $0x0  }
0x9a: {  	[sflag:s30] =	ssyncadd.s32 $0xFFFFC000  }
0x9b: {  	[tilespmem:s29], [sflag:$0x2] =	stream.linear.gather [spmem:s15], $0x4000, $0x38;
	[tilespmem:$0x18100] =	vst v63  }
0x9c: {  	_ =	swait.ge [sflag:s30], $0x4000  }
0x9d: {  	[sflag:s30] =	ssyncset.done $0x0  }
0x9e: {  	[sflag:s30] =	ssyncadd.s32 $0xFFFFC000  }
0x9f: {  	[hbm4b:s7+s20] =	stream.linear.scatter [tilespmem:s29], [sflag:$0x2], $0x4000, $0x38;
	[tilespmem:$0x18100] =	vst v63  }
0xa0: {  	_ =	swait.ge [sflag:s30], $0x4000  }
0xa1: {  	[sflag:s30] =	ssyncset.done $0x0  }
0xa2: {  	[sflag:s30] =	ssyncadd.s32 $0xFFFFC000  }
0xa3: {  	[tilespmem:s29], [sflag:$0x2] =	stream.linear.gather [spmem:s16], $0x4000, $0x38;
	[tilespmem:$0x18100] =	vst v63  }
0xa4: {  	_ =	swait.ge [sflag:s30], $0x4000  }
0xa5: {  	[sflag:s30] =	ssyncset.done $0x0  }
0xa6: {  	[sflag:s30] =	ssyncadd.s32 $0xFFFFC000  }
0xa7: {  	[hbm4b:s8+s20] =	stream.linear.scatter [tilespmem:s29], [sflag:$0x2], $0x4000, $0x38;
	[tilespmem:$0x18100] =	vst v63  }
0xa8: {  	_ =	swait.ge [sflag:s30], $0x4000  }
0xa9: {  	[sflag:s30] =	ssyncset.done $0x0  }
0xaa: {  	[sflag:s30] =	ssyncadd.s32 $0xFFFFC000  }
0xab: {  	[tilespmem:s29], [sflag:$0x2] =	stream.linear.gather [spmem:s17], $0x4000, $0x38;
	[tilespmem:$0x18100] =	vst v63  }
0xac: {  	_ =	swait.ge [sflag:s30], $0x4000  }
0xad: {  	[sflag:s30] =	ssyncset.done $0x0  }
0xae: {  	[sflag:s30] =	ssyncadd.s32 $0xFFFFC000  }
0xaf: {  	[hbm4b:s9+s20] =	stream.linear.scatter [tilespmem:s29], [sflag:$0x2], $0x4000, $0x38;
	[tilespmem:$0x18100] =	vst v63  }
0xb0: {  	_ =	swait.ge [sflag:s30], $0x4000  }
0xb1: {  	[sflag:s30] =	ssyncset.done $0x0  }
0xb2: {  	[sflag:s30] =	ssyncadd.s32 $0xFFFFC000  }
0xb3: {  	[tilespmem:s29], [sflag:$0x2] =	stream.linear.gather [spmem:s18], $0x4000, $0x38;
	[tilespmem:$0x18100] =	vst v63  }
0xb4: {  	_ =	swait.ge [sflag:s30], $0x4000  }
0xb5: {  	[sflag:s30] =	ssyncset.done $0x0  }
0xb6: {  	[sflag:s30] =	ssyncadd.s32 $0xFFFFC000  }
0xb7: {  	[hbm4b:s10+s20] =	stream.linear.scatter [tilespmem:s29], [sflag:$0x2], $0x4000, $0x38;
	[tilespmem:$0x18100] =	vst v63  }
0xb8: {  	_ =	swait.ge [sflag:s30], $0x4000  }
0xb9: {  	[sflag:s30] =	ssyncset.done $0x0  }
0xba: {  	[sflag:s30] =	ssyncadd.s32 $0xFFFFC000  }
0xbb: {  	[bflag:$0x0] =	sbarrier.arrive $0xFFFF  }
0xbc: {  	s26 =	rddreg [dreg:$0x4]  }
0xbd: {  	[tilespmem:s29], [sflag:$0x2] =	stream.linear.gather [hbm4b:s26+s20], $0x4000, $0x38;
	[tilespmem:$0x18100] =	vst v63  }
0xbe: {  	_ =	swait.ge [sflag:s30], $0x4000  }
0xbf: {  	[sflag:s30] =	ssyncset.done $0x0  }
0xc0: {  	[sflag:s30] =	ssyncadd.s32 $0xFFFFC000  }
0xc1: {  	[spmem:s14] =	stream.linear.scatter [tilespmem:s29], [sflag:$0x2], $0x4000, $0x38;
	[tilespmem:$0x18100] =	vst v63  }
0xc2: {  	_ =	swait.ge [sflag:s30], $0x4000  }
0xc3: {  	[sflag:s30] =	ssyncset.done $0x0  }
0xc4: {  	s22 =	rddreg [dreg:$0x8];
	[sflag:s30] =	ssyncadd.s32 $0xFFFFC000  }
0xc5: {  	[tilespmem:s29], [sflag:$0x2] =	stream.linear.gather [hbm4b:s22+s20], $0x4000, $0x38;
	[tilespmem:$0x18100] =	vst v63  }
0xc6: {  	_ =	swait.ge [sflag:s30], $0x4000  }
0xc7: {  	[sflag:s30] =	ssyncset.done $0x0  }
0xc8: {  	[sflag:s30] =	ssyncadd.s32 $0xFFFFC000  }
0xc9: {  	[spmem:s15] =	stream.linear.scatter [tilespmem:s29], [sflag:$0x2], $0x4000, $0x38;
	[tilespmem:$0x18100] =	vst v63  }
0xca: {  	_ =	swait.ge [sflag:s30], $0x4000  }
0xcb: {  	[sflag:s30] =	ssyncset.done $0x0  }
0xcc: {  	s23 =	rddreg [dreg:$0xc];
	[sflag:s30] =	ssyncadd.s32 $0xFFFFC000  }
0xcd: {  	[tilespmem:s29], [sflag:$0x2] =	stream.linear.gather [hbm4b:s23+s20], $0x4000, $0x38;
	[tilespmem:$0x18100] =	vst v63  }
0xce: {  	_ =	swait.ge [sflag:s30], $0x4000  }
0xcf: {  	[sflag:s30] =	ssyncset.done $0x0  }
0xd0: {  	[sflag:s30] =	ssyncadd.s32 $0xFFFFC000  }
0xd1: {  	[spmem:s16] =	stream.linear.scatter [tilespmem:s29], [sflag:$0x2], $0x4000, $0x38;
	[tilespmem:$0x18100] =	vst v63  }
0xd2: {  	_ =	swait.ge [sflag:s30], $0x4000  }
0xd3: {  	[sflag:s30] =	ssyncset.done $0x0  }
0xd4: {  	s26 =	rddreg [dreg:$0x10];
	[sflag:s30] =	ssyncadd.s32 $0xFFFFC000  }
0xd5: {  	[tilespmem:s29], [sflag:$0x2] =	stream.linear.gather [hbm4b:s26+s20], $0x4000, $0x38;
	[tilespmem:$0x18100] =	vst v63  }
0xd6: {  	_ =	swait.ge [sflag:s30], $0x4000  }
0xd7: {  	[sflag:s30] =	ssyncset.done $0x0  }
0xd8: {  	[sflag:s30] =	ssyncadd.s32 $0xFFFFC000  }
0xd9: {  	[spmem:s17] =	stream.linear.scatter [tilespmem:s29], [sflag:$0x2], $0x4000, $0x38;
	[tilespmem:$0x18100] =	vst v63  }
0xda: {  	_ =	swait.ge [sflag:s30], $0x4000  }
0xdb: {  	[sflag:s30] =	ssyncset.done $0x0  }
0xdc: {  	s22 =	rddreg [dreg:$0x14];
	[sflag:s30] =	ssyncadd.s32 $0xFFFFC000  }
0xdd: {  	[tilespmem:s29], [sflag:$0x2] =	stream.linear.gather [hbm4b:s22+s20], $0x4000, $0x38;
	[tilespmem:$0x18100] =	vst v63  }
0xde: {  	_ =	swait.ge [sflag:s30], $0x4000  }
0xdf: {  	[sflag:s30] =	ssyncset.done $0x0  }
0xe0: {  	[sflag:s30] =	ssyncadd.s32 $0xFFFFC000  }
0xe1: {  	[spmem:s18] =	stream.linear.scatter [tilespmem:s29], [sflag:$0x2], $0x4000, $0x38;
	[tilespmem:$0x18100] =	vst v63  }
0xe2: {  	_ =	swait.ge [sflag:s30], $0x4000  }
0xe3: {  	[sflag:s30] =	ssyncset.done $0x0  }
0xe4: {  	[sflag:s30] =	ssyncadd.s32 $0xFFFFC000  }
0xe5: {  	s23 =	sadd.s32 $0x0, s25;
	[bflag:$0x0] =	sbarrier.arrive $0xFFFF  }
0xe6: {  	[tilespmem:s31], [sflag:$0x2] =	stream.linear.gather [hbm4b:s23+s2], $0x80, $0x38;
	[tilespmem:$0x18100] =	vst v63  }
0xe7: {  	_ =	swait.ge [sflag:s30], $0x80  }
0xe8: {  	[sflag:s30] =	ssyncset.done $0x0  }
0xe9: {  	s26 =	sadd.s32 $0x0, s24;
	[sflag:s30] =	ssyncadd.s32 $0xFFFFFF80  }
0xea: {  	[tilespmem:s0], [sflag:$0x2] =	stream.linear.gather [hbm4b:s26+s2], $0x80, $0x38;
	[tilespmem:$0x18100] =	vst v63  }
0xeb: {  	_ =	swait.ge [sflag:s30], $0x80  }
0xec: {  	[sflag:s30] =	ssyncset.done $0x0  }
0xed: {  	[sflag:s30] =	ssyncadd.s32 $0xFFFFFF80  }
0xee: {  	[tilespmem:s29], [sflag:$0x1] =	stream.indirect.gather [hbm4b:s5+s3], $0x80, s31, s3, $0xb8;
	[tilespmem:$0x18100] =	vst v63  }
0xef: {  	_ =	swait.ge [sflag:s13], $0x4000  }
0xf0: {  	[sflag:s13] =	ssyncset.done $0x0  }
0xf1: {  	[sflag:s13] =	ssyncadd.s32 $0xFFFFC000  }
0xf2: {  	[spmem:s1] =	stream.indirect.scatter.add.f32 [tilespmem:s29], [sflag:$0x2], $0x80, s0, s3, $0xb8;
	[tilespmem:$0x18100] =	vst v63  }
0xf3: {  	_ =	swait.ge [sflag:s30], $0x4000  }
0xf4: {  	s21 =	simm.s32 $0x20;
	s20 =	simm.s32 $0x10;
	[sflag:s30] =	ssyncset.done $0x0  }
.LBB2_4:
0xf5: {  	s22 =	sadd.s32 s20, s25  }
0xf6: {  	[sflag:s30] =	ssyncadd.s32 $0xFFFFC000;
	s23 =	smov.u32 s21;
	s26 =	sadd.s32 $0x10, s21  }
0xf7: {  	[tilespmem:s31], [sflag:$0x2] =	stream.linear.gather [hbm4b:s22+s2], $0x80, $0x38;
	[tilespmem:$0x18100] =	vst v63  }
0xf8: {  	p0 =	sne.s32 s21, $0x4E0;
	_ =	swait.ge [sflag:s30], $0x80  }
0xf9: {  	[sflag:s30] =	ssyncset.done $0x0  }
0xfa: {  	s21 =	sadd.s32 s20, s24;
	s20 =	smov.u32 s23;
	[sflag:s30] =	ssyncadd.s32 $0xFFFFFF80  }
0xfb: {  	[tilespmem:s0], [sflag:$0x2] =	stream.linear.gather [hbm4b:s21+s2], $0x80, $0x38;
	[tilespmem:$0x18100] =	vst v63  }
0xfc: {  	_ =	swait.ge [sflag:s30], $0x80  }
0xfd: {  	[sflag:s30] =	ssyncset.done $0x0  }
0xfe: {  	[sflag:s30] =	ssyncadd.s32 $0xFFFFFF80  }
0xff: {  	[tilespmem:s29], [sflag:$0x1] =	stream.indirect.gather [hbm4b:s5+s3], $0x80, s31, s3, $0xb8;
	[tilespmem:$0x18100] =	vst v63  }
0x100: {  	_ =	swait.ge [sflag:s13], $0x4000  }
.Ltmp1:
0x101: {  	[sflag:s13] =	ssyncset.done $0x0;
	(pc) =	sbr.rel @p0 .LBB2_4-.Ltmp1, $4  }
0x102: {  	[sflag:s13] =	ssyncadd.s32 $0xFFFFC000  }
0x103: {  	[spmem:s1] =	stream.indirect.scatter.add.f32 [tilespmem:s29], [sflag:$0x2], $0x80, s0, s3, $0xb8;
	[tilespmem:$0x18100] =	vst v63  }
0x104: {  	_ =	swait.ge [sflag:s30], $0x4000  }
0x105: {  	s21 =	smov.u32 s26;
	[sflag:s30] =	ssyncset.done $0x0  }
0x106: {  	s21 =	sadd.s32 s20, s25;
	[sflag:s30] =	ssyncadd.s32 $0xFFFFC000  }
0x107: {  	[tilespmem:s31], [sflag:$0x2] =	stream.linear.gather [hbm4b:s21+s2], $0x80, $0x38;
	[tilespmem:$0x18100] =	vst v63  }
0x108: {  	_ =	swait.ge [sflag:s30], $0x80  }
0x109: {  	[sflag:s30] =	ssyncset.done $0x0  }
0x10a: {  	s21 =	sadd.s32 s20, s24;
	[sflag:s30] =	ssyncadd.s32 $0xFFFFFF80  }
0x10b: {  	[tilespmem:s0], [sflag:$0x2] =	stream.linear.gather [hbm4b:s21+s2], $0x80, $0x38;
	[tilespmem:$0x18100] =	vst v63  }
0x10c: {  	_ =	swait.ge [sflag:s30], $0x80  }
0x10d: {  	[sflag:s30] =	ssyncset.done $0x0  }
0x10e: {  	[sflag:s30] =	ssyncadd.s32 $0xFFFFFF80  }
0x10f: {  	[tilespmem:s29], [sflag:$0x1] =	stream.indirect.gather [hbm4b:s5+s3], $0x80, s31, s3, $0xb8;
	[tilespmem:$0x18100] =	vst v63  }
0x110: {  	_ =	swait.ge [sflag:s13], $0x4000  }
0x111: {  	[sflag:s13] =	ssyncset.done $0x0  }
0x112: {  	[sflag:s13] =	ssyncadd.s32 $0xFFFFC000  }
0x113: {  	[spmem:s1] =	stream.indirect.scatter.add.f32 [tilespmem:s29], [sflag:$0x2], $0x80, s0, s3, $0xb8;
	[tilespmem:$0x18100] =	vst v63  }
0x114: {  	_ =	swait.ge [sflag:s30], $0x4000  }
0x115: {  	[sflag:s30] =	ssyncset.done $0x0  }
0x116: {  	[sflag:s30] =	ssyncadd.s32 $0xFFFFC000  }
0x117: {  	[bflag:$0x0] =	sbarrier.arrive $0xFFFF  }
0x118: {  	[tilespmem:s29], [sflag:$0x2] =	stream.linear.gather [spmem:s14], $0x4000, $0x38;
	[tilespmem:$0x18100] =	vst v63  }
0x119: {  	_ =	swait.ge [sflag:s30], $0x4000  }
0x11a: {  	[sflag:s30] =	ssyncset.done $0x0  }
0x11b: {  	s20 =	simm.s32 $0x0;
	s22 =	rddreg [dreg:$0x18];
	[sflag:s30] =	ssyncadd.s32 $0xFFFFC000  }
0x11c: {  	[hbm4b:s22+s20] =	stream.linear.scatter [tilespmem:s29], [sflag:$0x2], $0x4000, $0x38;
	[tilespmem:$0x18100] =	vst v63  }
0x11d: {  	_ =	swait.ge [sflag:s30], $0x4000  }
0x11e: {  	[sflag:s30] =	ssyncset.done $0x0  }
0x11f: {  	[sflag:s30] =	ssyncadd.s32 $0xFFFFC000  }
0x120: {  	[tilespmem:s29], [sflag:$0x2] =	stream.linear.gather [spmem:s15], $0x4000, $0x38;
	[tilespmem:$0x18100] =	vst v63  }
0x121: {  	_ =	swait.ge [sflag:s30], $0x4000  }
0x122: {  	[sflag:s30] =	ssyncset.done $0x0  }
0x123: {  	s23 =	rddreg [dreg:$0x19];
	[sflag:s30] =	ssyncadd.s32 $0xFFFFC000  }
0x124: {  	[hbm4b:s23+s20] =	stream.linear.scatter [tilespmem:s29], [sflag:$0x2], $0x4000, $0x38;
	[tilespmem:$0x18100] =	vst v63  }
0x125: {  	_ =	swait.ge [sflag:s30], $0x4000  }
0x126: {  	[sflag:s30] =	ssyncset.done $0x0  }
0x127: {  	[sflag:s30] =	ssyncadd.s32 $0xFFFFC000  }
0x128: {  	[tilespmem:s29], [sflag:$0x2] =	stream.linear.gather [spmem:s16], $0x4000, $0x38;
	[tilespmem:$0x18100] =	vst v63  }
0x129: {  	_ =	swait.ge [sflag:s30], $0x4000  }
0x12a: {  	[sflag:s30] =	ssyncset.done $0x0  }
0x12b: {  	s26 =	rddreg [dreg:$0x1a];
	[sflag:s30] =	ssyncadd.s32 $0xFFFFC000  }
0x12c: {  	[hbm4b:s26+s20] =	stream.linear.scatter [tilespmem:s29], [sflag:$0x2], $0x4000, $0x38;
	[tilespmem:$0x18100] =	vst v63  }
0x12d: {  	_ =	swait.ge [sflag:s30], $0x4000  }
0x12e: {  	[sflag:s30] =	ssyncset.done $0x0  }
0x12f: {  	[sflag:s30] =	ssyncadd.s32 $0xFFFFC000  }
0x130: {  	[tilespmem:s29], [sflag:$0x2] =	stream.linear.gather [spmem:s17], $0x4000, $0x38;
	[tilespmem:$0x18100] =	vst v63  }
0x131: {  	_ =	swait.ge [sflag:s30], $0x4000  }
0x132: {  	[sflag:s30] =	ssyncset.done $0x0  }
0x133: {  	s22 =	rddreg [dreg:$0x1b];
	[sflag:s30] =	ssyncadd.s32 $0xFFFFC000  }
0x134: {  	[hbm4b:s22+s20] =	stream.linear.scatter [tilespmem:s29], [sflag:$0x2], $0x4000, $0x38;
	[tilespmem:$0x18100] =	vst v63  }
0x135: {  	_ =	swait.ge [sflag:s30], $0x4000  }
0x136: {  	[sflag:s30] =	ssyncset.done $0x0  }
0x137: {  	[sflag:s30] =	ssyncadd.s32 $0xFFFFC000  }
0x138: {  	[tilespmem:s29], [sflag:$0x2] =	stream.linear.gather [spmem:s18], $0x4000, $0x38;
	[tilespmem:$0x18100] =	vst v63  }
0x139: {  	_ =	swait.ge [sflag:s30], $0x4000  }
0x13a: {  	[sflag:s30] =	ssyncset.done $0x0  }
0x13b: {  	s23 =	rddreg [dreg:$0x1c];
	[sflag:s30] =	ssyncadd.s32 $0xFFFFC000  }
0x13c: {  	[hbm4b:s23+s20] =	stream.linear.scatter [tilespmem:s29], [sflag:$0x2], $0x4000, $0x38;
	[tilespmem:$0x18100] =	vst v63  }
0x13d: {  	_ =	swait.ge [sflag:s30], $0x4000  }
0x13e: {  	[sflag:s30] =	ssyncset.done $0x0  }
0x13f: {  	[sflag:s30] =	ssyncadd.s32 $0xFFFFC000  }
0x140: {  	[bflag:$0x0] =	sbarrier.arrive $0xFFFF  }
0x141: {  	s26 =	rddreg [dreg:$0x5]  }
0x142: {  	[tilespmem:s29], [sflag:$0x2] =	stream.linear.gather [hbm4b:s26+s20], $0x4000, $0x38;
	[tilespmem:$0x18100] =	vst v63  }
0x143: {  	_ =	swait.ge [sflag:s30], $0x4000  }
0x144: {  	[sflag:s30] =	ssyncset.done $0x0  }
0x145: {  	[sflag:s30] =	ssyncadd.s32 $0xFFFFC000  }
0x146: {  	[spmem:s14] =	stream.linear.scatter [tilespmem:s29], [sflag:$0x2], $0x4000, $0x38;
	[tilespmem:$0x18100] =	vst v63  }
0x147: {  	_ =	swait.ge [sflag:s30], $0x4000  }
0x148: {  	[sflag:s30] =	ssyncset.done $0x0  }
0x149: {  	s22 =	rddreg [dreg:$0x9];
	[sflag:s30] =	ssyncadd.s32 $0xFFFFC000  }
0x14a: {  	[tilespmem:s29], [sflag:$0x2] =	stream.linear.gather [hbm4b:s22+s20], $0x4000, $0x38;
	[tilespmem:$0x18100] =	vst v63  }
0x14b: {  	_ =	swait.ge [sflag:s30], $0x4000  }
0x14c: {  	[sflag:s30] =	ssyncset.done $0x0  }
0x14d: {  	[sflag:s30] =	ssyncadd.s32 $0xFFFFC000  }
0x14e: {  	[spmem:s15] =	stream.linear.scatter [tilespmem:s29], [sflag:$0x2], $0x4000, $0x38;
	[tilespmem:$0x18100] =	vst v63  }
0x14f: {  	_ =	swait.ge [sflag:s30], $0x4000  }
0x150: {  	[sflag:s30] =	ssyncset.done $0x0  }
0x151: {  	s23 =	rddreg [dreg:$0xd];
	[sflag:s30] =	ssyncadd.s32 $0xFFFFC000  }
0x152: {  	[tilespmem:s29], [sflag:$0x2] =	stream.linear.gather [hbm4b:s23+s20], $0x4000, $0x38;
	[tilespmem:$0x18100] =	vst v63  }
0x153: {  	_ =	swait.ge [sflag:s30], $0x4000  }
0x154: {  	[sflag:s30] =	ssyncset.done $0x0  }
0x155: {  	[sflag:s30] =	ssyncadd.s32 $0xFFFFC000  }
0x156: {  	[spmem:s16] =	stream.linear.scatter [tilespmem:s29], [sflag:$0x2], $0x4000, $0x38;
	[tilespmem:$0x18100] =	vst v63  }
0x157: {  	_ =	swait.ge [sflag:s30], $0x4000  }
0x158: {  	[sflag:s30] =	ssyncset.done $0x0  }
0x159: {  	s26 =	rddreg [dreg:$0x11];
	[sflag:s30] =	ssyncadd.s32 $0xFFFFC000  }
0x15a: {  	[tilespmem:s29], [sflag:$0x2] =	stream.linear.gather [hbm4b:s26+s20], $0x4000, $0x38;
	[tilespmem:$0x18100] =	vst v63  }
0x15b: {  	_ =	swait.ge [sflag:s30], $0x4000  }
0x15c: {  	[sflag:s30] =	ssyncset.done $0x0  }
0x15d: {  	[sflag:s30] =	ssyncadd.s32 $0xFFFFC000  }
0x15e: {  	[spmem:s17] =	stream.linear.scatter [tilespmem:s29], [sflag:$0x2], $0x4000, $0x38;
	[tilespmem:$0x18100] =	vst v63  }
0x15f: {  	_ =	swait.ge [sflag:s30], $0x4000  }
0x160: {  	[sflag:s30] =	ssyncset.done $0x0  }
0x161: {  	s22 =	rddreg [dreg:$0x15];
	[sflag:s30] =	ssyncadd.s32 $0xFFFFC000  }
0x162: {  	[tilespmem:s29], [sflag:$0x2] =	stream.linear.gather [hbm4b:s22+s20], $0x4000, $0x38;
	[tilespmem:$0x18100] =	vst v63  }
0x163: {  	_ =	swait.ge [sflag:s30], $0x4000  }
0x164: {  	[sflag:s30] =	ssyncset.done $0x0  }
0x165: {  	[sflag:s30] =	ssyncadd.s32 $0xFFFFC000  }
0x166: {  	[spmem:s18] =	stream.linear.scatter [tilespmem:s29], [sflag:$0x2], $0x4000, $0x38;
	[tilespmem:$0x18100] =	vst v63  }
0x167: {  	_ =	swait.ge [sflag:s30], $0x4000  }
0x168: {  	[sflag:s30] =	ssyncset.done $0x0  }
0x169: {  	[sflag:s30] =	ssyncadd.s32 $0xFFFFC000  }
0x16a: {  	s23 =	sadd.s32 $0x0, s25;
	[bflag:$0x0] =	sbarrier.arrive $0xFFFF  }
0x16b: {  	[tilespmem:s31], [sflag:$0x2] =	stream.linear.gather [hbm4b:s23+s2], $0x80, $0x38;
	[tilespmem:$0x18100] =	vst v63  }
0x16c: {  	_ =	swait.ge [sflag:s30], $0x80  }
0x16d: {  	[sflag:s30] =	ssyncset.done $0x0  }
0x16e: {  	s26 =	sadd.s32 $0x0, s24;
	[sflag:s30] =	ssyncadd.s32 $0xFFFFFF80  }
0x16f: {  	[tilespmem:s0], [sflag:$0x2] =	stream.linear.gather [hbm4b:s26+s2], $0x80, $0x38;
	[tilespmem:$0x18100] =	vst v63  }
0x170: {  	_ =	swait.ge [sflag:s30], $0x80  }
0x171: {  	[sflag:s30] =	ssyncset.done $0x0  }
0x172: {  	[sflag:s30] =	ssyncadd.s32 $0xFFFFFF80  }
0x173: {  	[tilespmem:s29], [sflag:$0x1] =	stream.indirect.gather [hbm4b:s11+s3], $0x80, s31, s3, $0xb8;
	[tilespmem:$0x18100] =	vst v63  }
0x174: {  	_ =	swait.ge [sflag:s13], $0x4000  }
0x175: {  	[sflag:s13] =	ssyncset.done $0x0  }
0x176: {  	[sflag:s13] =	ssyncadd.s32 $0xFFFFC000  }
0x177: {  	[spmem:s1] =	stream.indirect.scatter.add.f32 [tilespmem:s29], [sflag:$0x2], $0x80, s0, s3, $0xb8;
	[tilespmem:$0x18100] =	vst v63  }
0x178: {  	_ =	swait.ge [sflag:s30], $0x4000  }
0x179: {  	s21 =	simm.s32 $0x20;
	s20 =	simm.s32 $0x10;
	[sflag:s30] =	ssyncset.done $0x0  }
.LBB2_6:
0x17a: {  	s22 =	sadd.s32 s20, s25  }
0x17b: {  	[sflag:s30] =	ssyncadd.s32 $0xFFFFC000;
	s23 =	smov.u32 s21;
	s26 =	sadd.s32 $0x10, s21  }
0x17c: {  	[tilespmem:s31], [sflag:$0x2] =	stream.linear.gather [hbm4b:s22+s2], $0x80, $0x38;
	[tilespmem:$0x18100] =	vst v63  }
0x17d: {  	p0 =	sne.s32 s21, $0x4E0;
	_ =	swait.ge [sflag:s30], $0x80  }
0x17e: {  	[sflag:s30] =	ssyncset.done $0x0  }
0x17f: {  	s21 =	sadd.s32 s20, s24;
	s20 =	smov.u32 s23;
	[sflag:s30] =	ssyncadd.s32 $0xFFFFFF80  }
0x180: {  	[tilespmem:s0], [sflag:$0x2] =	stream.linear.gather [hbm4b:s21+s2], $0x80, $0x38;
	[tilespmem:$0x18100] =	vst v63  }
0x181: {  	_ =	swait.ge [sflag:s30], $0x80  }
0x182: {  	[sflag:s30] =	ssyncset.done $0x0  }
0x183: {  	[sflag:s30] =	ssyncadd.s32 $0xFFFFFF80  }
0x184: {  	[tilespmem:s29], [sflag:$0x1] =	stream.indirect.gather [hbm4b:s11+s3], $0x80, s31, s3, $0xb8;
	[tilespmem:$0x18100] =	vst v63  }
0x185: {  	_ =	swait.ge [sflag:s13], $0x4000  }
.Ltmp2:
0x186: {  	[sflag:s13] =	ssyncset.done $0x0;
	(pc) =	sbr.rel @p0 .LBB2_6-.Ltmp2, $4  }
0x187: {  	[sflag:s13] =	ssyncadd.s32 $0xFFFFC000  }
0x188: {  	[spmem:s1] =	stream.indirect.scatter.add.f32 [tilespmem:s29], [sflag:$0x2], $0x80, s0, s3, $0xb8;
	[tilespmem:$0x18100] =	vst v63  }
0x189: {  	_ =	swait.ge [sflag:s30], $0x4000  }
0x18a: {  	s21 =	smov.u32 s26;
	[sflag:s30] =	ssyncset.done $0x0  }
0x18b: {  	s21 =	sadd.s32 s20, s25;
	[sflag:s30] =	ssyncadd.s32 $0xFFFFC000  }
0x18c: {  	[tilespmem:s31], [sflag:$0x2] =	stream.linear.gather [hbm4b:s21+s2], $0x80, $0x38;
	[tilespmem:$0x18100] =	vst v63  }
0x18d: {  	_ =	swait.ge [sflag:s30], $0x80  }
0x18e: {  	[sflag:s30] =	ssyncset.done $0x0  }
0x18f: {  	s21 =	sadd.s32 s20, s24;
	[sflag:s30] =	ssyncadd.s32 $0xFFFFFF80  }
0x190: {  	[tilespmem:s0], [sflag:$0x2] =	stream.linear.gather [hbm4b:s21+s2], $0x80, $0x38;
	[tilespmem:$0x18100] =	vst v63  }
0x191: {  	_ =	swait.ge [sflag:s30], $0x80  }
0x192: {  	[sflag:s30] =	ssyncset.done $0x0  }
0x193: {  	[sflag:s30] =	ssyncadd.s32 $0xFFFFFF80  }
0x194: {  	[tilespmem:s29], [sflag:$0x1] =	stream.indirect.gather [hbm4b:s11+s3], $0x80, s31, s3, $0xb8;
	[tilespmem:$0x18100] =	vst v63  }
0x195: {  	_ =	swait.ge [sflag:s13], $0x4000  }
0x196: {  	[sflag:s13] =	ssyncset.done $0x0  }
0x197: {  	[sflag:s13] =	ssyncadd.s32 $0xFFFFC000  }
0x198: {  	[spmem:s1] =	stream.indirect.scatter.add.f32 [tilespmem:s29], [sflag:$0x2], $0x80, s0, s3, $0xb8;
	[tilespmem:$0x18100] =	vst v63  }
0x199: {  	_ =	swait.ge [sflag:s30], $0x4000  }
0x19a: {  	[sflag:s30] =	ssyncset.done $0x0  }
0x19b: {  	[sflag:s30] =	ssyncadd.s32 $0xFFFFC000  }
0x19c: {  	[bflag:$0x0] =	sbarrier.arrive $0xFFFF  }
0x19d: {  	[tilespmem:s29], [sflag:$0x2] =	stream.linear.gather [spmem:s14], $0x4000, $0x38;
	[tilespmem:$0x18100] =	vst v63  }
0x19e: {  	_ =	swait.ge [sflag:s30], $0x4000  }
0x19f: {  	[sflag:s30] =	ssyncset.done $0x0  }
0x1a0: {  	s20 =	simm.s32 $0x0;
	s22 =	rddreg [dreg:$0x1d];
	[sflag:s30] =	ssyncadd.s32 $0xFFFFC000  }
0x1a1: {  	[hbm4b:s22+s20] =	stream.linear.scatter [tilespmem:s29], [sflag:$0x2], $0x4000, $0x38;
	[tilespmem:$0x18100] =	vst v63  }
0x1a2: {  	_ =	swait.ge [sflag:s30], $0x4000  }
0x1a3: {  	[sflag:s30] =	ssyncset.done $0x0  }
0x1a4: {  	[sflag:s30] =	ssyncadd.s32 $0xFFFFC000  }
0x1a5: {  	[tilespmem:s29], [sflag:$0x2] =	stream.linear.gather [spmem:s15], $0x4000, $0x38;
	[tilespmem:$0x18100] =	vst v63  }
0x1a6: {  	_ =	swait.ge [sflag:s30], $0x4000  }
0x1a7: {  	[sflag:s30] =	ssyncset.done $0x0  }
0x1a8: {  	s23 =	rddreg [dreg:$0x1e];
	[sflag:s30] =	ssyncadd.s32 $0xFFFFC000  }
0x1a9: {  	[hbm4b:s23+s20] =	stream.linear.scatter [tilespmem:s29], [sflag:$0x2], $0x4000, $0x38;
	[tilespmem:$0x18100] =	vst v63  }
0x1aa: {  	_ =	swait.ge [sflag:s30], $0x4000  }
0x1ab: {  	[sflag:s30] =	ssyncset.done $0x0  }
0x1ac: {  	[sflag:s30] =	ssyncadd.s32 $0xFFFFC000  }
0x1ad: {  	[tilespmem:s29], [sflag:$0x2] =	stream.linear.gather [spmem:s16], $0x4000, $0x38;
	[tilespmem:$0x18100] =	vst v63  }
0x1ae: {  	_ =	swait.ge [sflag:s30], $0x4000  }
0x1af: {  	[sflag:s30] =	ssyncset.done $0x0  }
0x1b0: {  	s26 =	rddreg [dreg:$0x1f];
	[sflag:s30] =	ssyncadd.s32 $0xFFFFC000  }
0x1b1: {  	[hbm4b:s26+s20] =	stream.linear.scatter [tilespmem:s29], [sflag:$0x2], $0x4000, $0x38;
	[tilespmem:$0x18100] =	vst v63  }
0x1b2: {  	_ =	swait.ge [sflag:s30], $0x4000  }
0x1b3: {  	[sflag:s30] =	ssyncset.done $0x0  }
0x1b4: {  	[sflag:s30] =	ssyncadd.s32 $0xFFFFC000  }
0x1b5: {  	[tilespmem:s29], [sflag:$0x2] =	stream.linear.gather [spmem:s17], $0x4000, $0x38;
	[tilespmem:$0x18100] =	vst v63  }
0x1b6: {  	_ =	swait.ge [sflag:s30], $0x4000  }
0x1b7: {  	s22 =	sld [smem:$0x7F8]  }
0x1b8: {  	[sflag:s30] =	ssyncset.done $0x0  }
0x1b9: {  	[sflag:s30] =	ssyncadd.s32 $0xFFFFC000  }
0x1ba: {  	[hbm4b:s22+s20] =	stream.linear.scatter [tilespmem:s29], [sflag:$0x2], $0x4000, $0x38;
	[tilespmem:$0x18100] =	vst v63  }
0x1bb: {  	_ =	swait.ge [sflag:s30], $0x4000  }
0x1bc: {  	[sflag:s30] =	ssyncset.done $0x0  }
0x1bd: {  	[sflag:s30] =	ssyncadd.s32 $0xFFFFC000  }
0x1be: {  	[tilespmem:s29], [sflag:$0x2] =	stream.linear.gather [spmem:s18], $0x4000, $0x38;
	[tilespmem:$0x18100] =	vst v63  }
0x1bf: {  	_ =	swait.ge [sflag:s30], $0x4000  }
0x1c0: {  	s23 =	sld [smem:$0x7F9]  }
0x1c1: {  	[sflag:s30] =	ssyncset.done $0x0  }
0x1c2: {  	[sflag:s30] =	ssyncadd.s32 $0xFFFFC000  }
0x1c3: {  	[hbm4b:s23+s20] =	stream.linear.scatter [tilespmem:s29], [sflag:$0x2], $0x4000, $0x38;
	[tilespmem:$0x18100] =	vst v63  }
0x1c4: {  	_ =	swait.ge [sflag:s30], $0x4000  }
0x1c5: {  	[sflag:s30] =	ssyncset.done $0x0  }
0x1c6: {  	[sflag:s30] =	ssyncadd.s32 $0xFFFFC000  }
0x1c7: {  	[bflag:$0x0] =	sbarrier.arrive $0xFFFF  }
0x1c8: {  	s26 =	rddreg [dreg:$0x6]  }
0x1c9: {  	[tilespmem:s29], [sflag:$0x2] =	stream.linear.gather [hbm4b:s26+s20], $0x4000, $0x38;
	[tilespmem:$0x18100] =	vst v63  }
0x1ca: {  	_ =	swait.ge [sflag:s30], $0x4000  }
0x1cb: {  	[sflag:s30] =	ssyncset.done $0x0  }
0x1cc: {  	[sflag:s30] =	ssyncadd.s32 $0xFFFFC000  }
0x1cd: {  	[spmem:s14] =	stream.linear.scatter [tilespmem:s29], [sflag:$0x2], $0x4000, $0x38;
	[tilespmem:$0x18100] =	vst v63  }
0x1ce: {  	_ =	swait.ge [sflag:s30], $0x4000  }
0x1cf: {  	[sflag:s30] =	ssyncset.done $0x0  }
0x1d0: {  	s22 =	rddreg [dreg:$0xa];
	[sflag:s30] =	ssyncadd.s32 $0xFFFFC000  }
0x1d1: {  	[tilespmem:s29], [sflag:$0x2] =	stream.linear.gather [hbm4b:s22+s20], $0x4000, $0x38;
	[tilespmem:$0x18100] =	vst v63  }
0x1d2: {  	_ =	swait.ge [sflag:s30], $0x4000  }
0x1d3: {  	[sflag:s30] =	ssyncset.done $0x0  }
0x1d4: {  	[sflag:s30] =	ssyncadd.s32 $0xFFFFC000  }
0x1d5: {  	[spmem:s15] =	stream.linear.scatter [tilespmem:s29], [sflag:$0x2], $0x4000, $0x38;
	[tilespmem:$0x18100] =	vst v63  }
0x1d6: {  	_ =	swait.ge [sflag:s30], $0x4000  }
0x1d7: {  	[sflag:s30] =	ssyncset.done $0x0  }
0x1d8: {  	s23 =	rddreg [dreg:$0xe];
	[sflag:s30] =	ssyncadd.s32 $0xFFFFC000  }
0x1d9: {  	[tilespmem:s29], [sflag:$0x2] =	stream.linear.gather [hbm4b:s23+s20], $0x4000, $0x38;
	[tilespmem:$0x18100] =	vst v63  }
0x1da: {  	_ =	swait.ge [sflag:s30], $0x4000  }
0x1db: {  	[sflag:s30] =	ssyncset.done $0x0  }
0x1dc: {  	[sflag:s30] =	ssyncadd.s32 $0xFFFFC000  }
0x1dd: {  	[spmem:s16] =	stream.linear.scatter [tilespmem:s29], [sflag:$0x2], $0x4000, $0x38;
	[tilespmem:$0x18100] =	vst v63  }
0x1de: {  	_ =	swait.ge [sflag:s30], $0x4000  }
0x1df: {  	[sflag:s30] =	ssyncset.done $0x0  }
0x1e0: {  	s26 =	rddreg [dreg:$0x12];
	[sflag:s30] =	ssyncadd.s32 $0xFFFFC000  }
0x1e1: {  	[tilespmem:s29], [sflag:$0x2] =	stream.linear.gather [hbm4b:s26+s20], $0x4000, $0x38;
	[tilespmem:$0x18100] =	vst v63  }
0x1e2: {  	_ =	swait.ge [sflag:s30], $0x4000  }
0x1e3: {  	[sflag:s30] =	ssyncset.done $0x0  }
0x1e4: {  	[sflag:s30] =	ssyncadd.s32 $0xFFFFC000  }
0x1e5: {  	[spmem:s17] =	stream.linear.scatter [tilespmem:s29], [sflag:$0x2], $0x4000, $0x38;
	[tilespmem:$0x18100] =	vst v63  }
0x1e6: {  	_ =	swait.ge [sflag:s30], $0x4000  }
0x1e7: {  	[sflag:s30] =	ssyncset.done $0x0  }
0x1e8: {  	s22 =	rddreg [dreg:$0x16];
	[sflag:s30] =	ssyncadd.s32 $0xFFFFC000  }
0x1e9: {  	[tilespmem:s29], [sflag:$0x2] =	stream.linear.gather [hbm4b:s22+s20], $0x4000, $0x38;
	[tilespmem:$0x18100] =	vst v63  }
0x1ea: {  	_ =	swait.ge [sflag:s30], $0x4000  }
0x1eb: {  	[sflag:s30] =	ssyncset.done $0x0  }
0x1ec: {  	[sflag:s30] =	ssyncadd.s32 $0xFFFFC000  }
0x1ed: {  	[spmem:s18] =	stream.linear.scatter [tilespmem:s29], [sflag:$0x2], $0x4000, $0x38;
	[tilespmem:$0x18100] =	vst v63  }
0x1ee: {  	_ =	swait.ge [sflag:s30], $0x4000  }
0x1ef: {  	[sflag:s30] =	ssyncset.done $0x0  }
0x1f0: {  	[sflag:s30] =	ssyncadd.s32 $0xFFFFC000  }
0x1f1: {  	s23 =	sadd.s32 $0x0, s25;
	[bflag:$0x0] =	sbarrier.arrive $0xFFFF  }
0x1f2: {  	[tilespmem:s31], [sflag:$0x2] =	stream.linear.gather [hbm4b:s23+s2], $0x80, $0x38;
	[tilespmem:$0x18100] =	vst v63  }
0x1f3: {  	_ =	swait.ge [sflag:s30], $0x80  }
0x1f4: {  	[sflag:s30] =	ssyncset.done $0x0  }
0x1f5: {  	s26 =	sadd.s32 $0x0, s24;
	[sflag:s30] =	ssyncadd.s32 $0xFFFFFF80  }
0x1f6: {  	[tilespmem:s0], [sflag:$0x2] =	stream.linear.gather [hbm4b:s26+s2], $0x80, $0x38;
	[tilespmem:$0x18100] =	vst v63  }
0x1f7: {  	_ =	swait.ge [sflag:s30], $0x80  }
0x1f8: {  	[sflag:s30] =	ssyncset.done $0x0  }
0x1f9: {  	[sflag:s30] =	ssyncadd.s32 $0xFFFFFF80  }
0x1fa: {  	[tilespmem:s29], [sflag:$0x1] =	stream.indirect.gather [hbm4b:s12+s3], $0x80, s31, s3, $0xb8;
	[tilespmem:$0x18100] =	vst v63  }
0x1fb: {  	_ =	swait.ge [sflag:s13], $0x4000  }
0x1fc: {  	[sflag:s13] =	ssyncset.done $0x0  }
0x1fd: {  	[sflag:s13] =	ssyncadd.s32 $0xFFFFC000  }
0x1fe: {  	[spmem:s1] =	stream.indirect.scatter.add.f32 [tilespmem:s29], [sflag:$0x2], $0x80, s0, s3, $0xb8;
	[tilespmem:$0x18100] =	vst v63  }
0x1ff: {  	_ =	swait.ge [sflag:s30], $0x4000  }
0x200: {  	s21 =	simm.s32 $0x20;
	s20 =	simm.s32 $0x10;
	[sflag:s30] =	ssyncset.done $0x0  }
.LBB2_8:
0x201: {  	s22 =	sadd.s32 s20, s25  }
0x202: {  	[sflag:s30] =	ssyncadd.s32 $0xFFFFC000;
	s23 =	smov.u32 s21;
	s26 =	sadd.s32 $0x10, s21  }
0x203: {  	[tilespmem:s31], [sflag:$0x2] =	stream.linear.gather [hbm4b:s22+s2], $0x80, $0x38;
	[tilespmem:$0x18100] =	vst v63  }
0x204: {  	p0 =	sne.s32 s21, $0x4E0;
	_ =	swait.ge [sflag:s30], $0x80  }
0x205: {  	[sflag:s30] =	ssyncset.done $0x0  }
0x206: {  	s21 =	sadd.s32 s20, s24;
	s20 =	smov.u32 s23;
	[sflag:s30] =	ssyncadd.s32 $0xFFFFFF80  }
0x207: {  	[tilespmem:s0], [sflag:$0x2] =	stream.linear.gather [hbm4b:s21+s2], $0x80, $0x38;
	[tilespmem:$0x18100] =	vst v63  }
0x208: {  	_ =	swait.ge [sflag:s30], $0x80  }
0x209: {  	[sflag:s30] =	ssyncset.done $0x0  }
0x20a: {  	[sflag:s30] =	ssyncadd.s32 $0xFFFFFF80  }
0x20b: {  	[tilespmem:s29], [sflag:$0x1] =	stream.indirect.gather [hbm4b:s12+s3], $0x80, s31, s3, $0xb8;
	[tilespmem:$0x18100] =	vst v63  }
0x20c: {  	_ =	swait.ge [sflag:s13], $0x4000  }
.Ltmp3:
0x20d: {  	[sflag:s13] =	ssyncset.done $0x0;
	(pc) =	sbr.rel @p0 .LBB2_8-.Ltmp3, $4  }
0x20e: {  	[sflag:s13] =	ssyncadd.s32 $0xFFFFC000  }
0x20f: {  	[spmem:s1] =	stream.indirect.scatter.add.f32 [tilespmem:s29], [sflag:$0x2], $0x80, s0, s3, $0xb8;
	[tilespmem:$0x18100] =	vst v63  }
0x210: {  	_ =	swait.ge [sflag:s30], $0x4000  }
0x211: {  	s21 =	smov.u32 s26;
	[sflag:s30] =	ssyncset.done $0x0  }
0x212: {  	s21 =	sadd.s32 s20, s25;
	[sflag:s30] =	ssyncadd.s32 $0xFFFFC000  }
0x213: {  	[tilespmem:s31], [sflag:$0x2] =	stream.linear.gather [hbm4b:s21+s2], $0x80, $0x38;
	[tilespmem:$0x18100] =	vst v63  }
0x214: {  	_ =	swait.ge [sflag:s30], $0x80  }
0x215: {  	[sflag:s30] =	ssyncset.done $0x0  }
0x216: {  	s23 =	sadd.s32 s20, s24;
	[sflag:s30] =	ssyncadd.s32 $0xFFFFFF80  }
0x217: {  	[tilespmem:s0], [sflag:$0x2] =	stream.linear.gather [hbm4b:s23+s2], $0x80, $0x38;
	[tilespmem:$0x18100] =	vst v63  }
0x218: {  	_ =	swait.ge [sflag:s30], $0x80  }
0x219: {  	[sflag:s30] =	ssyncset.done $0x0  }
0x21a: {  	[sflag:s30] =	ssyncadd.s32 $0xFFFFFF80  }
0x21b: {  	[tilespmem:s29], [sflag:$0x1] =	stream.indirect.gather [hbm4b:s12+s3], $0x80, s31, s3, $0xb8;
	[tilespmem:$0x18100] =	vst v63  }
0x21c: {  	_ =	swait.ge [sflag:s13], $0x4000  }
0x21d: {  	[sflag:s13] =	ssyncset.done $0x0  }
0x21e: {  	[sflag:s13] =	ssyncadd.s32 $0xFFFFC000  }
0x21f: {  	[spmem:s1] =	stream.indirect.scatter.add.f32 [tilespmem:s29], [sflag:$0x2], $0x80, s0, s3, $0xb8;
	[tilespmem:$0x18100] =	vst v63  }
0x220: {  	_ =	swait.ge [sflag:s30], $0x4000  }
0x221: {  	[sflag:s30] =	ssyncset.done $0x0  }
0x222: {  	[sflag:s30] =	ssyncadd.s32 $0xFFFFC000  }
0x223: {  	[bflag:$0x0] =	sbarrier.arrive $0xFFFF  }
0x224: {  	[tilespmem:s29], [sflag:$0x2] =	stream.linear.gather [spmem:s14], $0x4000, $0x38;
	[tilespmem:$0x18100] =	vst v63  }
0x225: {  	_ =	swait.ge [sflag:s30], $0x4000  }
0x226: {  	s26 =	sld [smem:$0x7FA]  }
0x227: {  	[sflag:s30] =	ssyncset.done $0x0  }
0x228: {  	[sflag:s30] =	ssyncadd.s32 $0xFFFFC000  }
0x229: {  	[hbm4b:s26+s2] =	stream.linear.scatter [tilespmem:s29], [sflag:$0x2], $0x4000, $0x38;
	[tilespmem:$0x18100] =	vst v63  }
0x22a: {  	_ =	swait.ge [sflag:s30], $0x4000  }
0x22b: {  	[sflag:s30] =	ssyncset.done $0x0  }
0x22c: {  	[sflag:s30] =	ssyncadd.s32 $0xFFFFC000  }
0x22d: {  	[tilespmem:s29], [sflag:$0x2] =	stream.linear.gather [spmem:s15], $0x4000, $0x38;
	[tilespmem:$0x18100] =	vst v63  }
0x22e: {  	_ =	swait.ge [sflag:s30], $0x4000  }
0x22f: {  	s21 =	sld [smem:$0x7FB]  }
0x230: {  	[sflag:s30] =	ssyncset.done $0x0  }
0x231: {  	[sflag:s30] =	ssyncadd.s32 $0xFFFFC000  }
0x232: {  	[hbm4b:s21+s2] =	stream.linear.scatter [tilespmem:s29], [sflag:$0x2], $0x4000, $0x38;
	[tilespmem:$0x18100] =	vst v63  }
0x233: {  	_ =	swait.ge [sflag:s30], $0x4000  }
0x234: {  	[sflag:s30] =	ssyncset.done $0x0  }
0x235: {  	[sflag:s30] =	ssyncadd.s32 $0xFFFFC000  }
0x236: {  	[tilespmem:s29], [sflag:$0x2] =	stream.linear.gather [spmem:s16], $0x4000, $0x38;
	[tilespmem:$0x18100] =	vst v63  }
0x237: {  	_ =	swait.ge [sflag:s30], $0x4000  }
0x238: {  	s22 =	sld [smem:$0x7FC]  }
0x239: {  	[sflag:s30] =	ssyncset.done $0x0  }
0x23a: {  	[sflag:s30] =	ssyncadd.s32 $0xFFFFC000  }
0x23b: {  	[hbm4b:s22+s2] =	stream.linear.scatter [tilespmem:s29], [sflag:$0x2], $0x4000, $0x38;
	[tilespmem:$0x18100] =	vst v63  }
0x23c: {  	_ =	swait.ge [sflag:s30], $0x4000  }
0x23d: {  	[sflag:s30] =	ssyncset.done $0x0  }
0x23e: {  	[sflag:s30] =	ssyncadd.s32 $0xFFFFC000  }
0x23f: {  	[tilespmem:s29], [sflag:$0x2] =	stream.linear.gather [spmem:s17], $0x4000, $0x38;
	[tilespmem:$0x18100] =	vst v63  }
0x240: {  	_ =	swait.ge [sflag:s30], $0x4000  }
0x241: {  	s23 =	sld [smem:$0x7FD]  }
0x242: {  	[sflag:s30] =	ssyncset.done $0x0  }
0x243: {  	[sflag:s30] =	ssyncadd.s32 $0xFFFFC000  }
0x244: {  	[hbm4b:s23+s2] =	stream.linear.scatter [tilespmem:s29], [sflag:$0x2], $0x4000, $0x38;
	[tilespmem:$0x18100] =	vst v63  }
0x245: {  	_ =	swait.ge [sflag:s30], $0x4000  }
0x246: {  	[sflag:s30] =	ssyncset.done $0x0  }
0x247: {  	[sflag:s30] =	ssyncadd.s32 $0xFFFFC000  }
0x248: {  	[tilespmem:s29], [sflag:$0x2] =	stream.linear.gather [spmem:s18], $0x4000, $0x38;
	[tilespmem:$0x18100] =	vst v63  }
0x249: {  	_ =	swait.ge [sflag:s30], $0x4000  }
0x24a: {  	[sflag:s30] =	ssyncset.done $0x0  }
0x24b: {  	[sflag:s30] =	ssyncadd.s32 $0xFFFFC000  }
0x24c: {  	[hbm4b:s28+s2] =	stream.linear.scatter [tilespmem:s29], [sflag:$0x2], $0x4000, $0x38;
	[tilespmem:$0x18100] =	vst v63  }
0x24d: {  	_ =	swait.ge [sflag:s30], $0x4000  }
0x24e: {  	s19 =	sadd.s32 $0x1, s19;
	s26 =	rddreg [dreg:$0x17]  }
0x24f: {  	p0 =	sne.s32 s19, s26  }
.Ltmp4:
0x250: {  	_ = 	snop;
	(pc) =	sbr.rel @p0 .LBB2_1-.Ltmp4, $3  }
0x251: {  	_ =	sdelay $0x1  }
0x252: {  	[sflag:s30] =	ssyncset.done $0x0  }
0x253: {  	[sflag:s30] =	ssyncadd.s32 $0xFFFFC000  }
0x254: {  	_ =	sfence.sel $0x180000  }
0x255: {  	[bflag:$0x0] =	sbarrier.arrive $0xFFFF  }
0x256: {  	_ =	strace $0x9000004A  }
0x257: {  	s0 =	stileid.u32;
	[bflag:$0x2] =	sbarrier.arrive $0xFFFF  }
0x258: {  	p0 =	sne.s32 s0, $0x0;
	s0 =	rddreg [dreg:$0x2]  }
0x259: {  	s0 =	sadd.s32 @!p0 $0x100000, s0  }
0x25a: {  	[sflag:s0] =	ssyncadd.tile.s32 @!p0 $0x1;
	_ =	shalt  }
.Lfunc_end2:
_tile_overlayer_lowered:
.L_overlay_start_2:
0x25b: {  	(tag) =	ssettag $0x2  }
0x25c: {  	s0 =	rddreg [dreg:$0x0];
	s2 =	stileid.u32  }
0x25d: {  	s1 =	rddreg [dreg:$0x1];
	p0 =	sne.s32 s2, $0x0  }
0x25e: {  	s3 =	rddreg [dreg:$0x2];
	[bflag:$0x3] =	sbarrier.arrive $0xFFFF;
	s2 =	simm.s32 @!p0 $0x1C02  }
0x25f: {  	[timem:s3], [sflag:s2] =	dma.local @!p0 [hbm:s0], s1  }
0x260: {  	s0 =	simm.s32 @!p0 $0x2  }
0x261: {  	_ =	swait.ge @!p0 [sflag:s0], s1  }
0x262: {  	s1 =	ssub.s32 @!p0 $0x0, s1;
	[sflag:s0] =	ssyncset.done @!p0 $0x0  }
0x263: {  	[sflag:s0] =	ssyncadd.s32 @!p0 s1  }
0x264: {  	[bflag:$0x3] =	sbarrier.arrive $0xFFFF  }
0x265: {  	_ =	shalt  }

// kernel: kernel.14.cloned.1.call-start
scs
__scs_entry_jumppad:
0x0: {  	(pc) =	sbr.rel $0x88, $3  }
0x1: {  	(tag) =	ssettag $0x0;
	lr =	simm.s32 $0x1  }
0x2: {  	[smem:$0x3F98] =	sst lr;
	_ =	strace $0xD0000000  }
0x3: {  	_ = 	snop  }
0x4: {  	_ = 	snop  }
0x5: {  	_ = 	snop  }
0x6: {  	_ = 	snop  }
0x7: {  	_ = 	snop  }
__scs_overlays_trampoline_lowered:
0x8: {  	[smem:$0x3FA7] =	sst s0  }
0x9: {  	[smem:$0x3FA8] =	sst s1  }
0xa: {  	[smem:$0x3FA9] =	sst s2  }
0xb: {  	[smem:$0x3FAA] =	sst s3  }
0xc: {  	[smem:$0x3FAB] =	sst s4  }
0xd: {  	[smem:$0x3FAC] =	sst s5  }
0xe: {  	[smem:$0x3FAD] =	sst s6  }
0xf: {  	[smem:$0x3FAE] =	sst s7  }
0x10: {  	[smem:$0x3FAF] =	sst s8  }
0x11: {  	[smem:$0x3FB0] =	sst s9;
	s0 =	simm.s32 @!p0 $0x0  }
0x12: {  	s1 =	sld [smem:$0x3F96];
	s0 =	simm.s32 @p0 $0x1  }
0x13: {  	[smem:$0x3FB1] =	sst s0;
	s0 =	simm.s32 @!p1 $0x0  }
0x14: {  	s2 =	sld [smem:$0x3F95];
	s0 =	simm.s32 @p1 $0x1  }
0x15: {  	[smem:$0x3FB2] =	sst s0;
	s0 =	simm.s32 @!p2 $0x0  }
0x16: {  	s3 =	sld [smem:$0x3FDB];
	s0 =	simm.s32 @p2 $0x1  }
0x17: {  	s4 =	simm.s32 $0x1BF5;
	[smem:$0x3FB4] =	sst s0  }
0x18: {  	s0 =	sld [smem:$0x3F97];
	_ =	swait.ge [sflag:s4], $0x0  }
0x19: {  	s7 =	sld [smem:$0x3F98]  }
0x1a: {  	s8 =	sadd.s32 $0xFFFFE003, lr  }
0x1b: {  	s9 =	sadd.s32 $0xFFFFFEF7, lr;
	s5 =	simm.s32 $0xFFFFFFFF;
	p2 =	slt.u32 s8, $0xFFFFF086  }
0x1c: {  	p1 =	slt.u32 s9, $0xF7A;
	s5 =	simm.s32 @!p2 $0x0  }
0x1d: {  	s5 =	simm.s32 @p1 $0x1;
	p0 =	seq.s32 s7, s2  }
0x1e: {  	s7 =	smul.u32 @!p0 $0xF7A, s2;
	p2 =	seq.s32 @!p0 s5, $0x0  }
0x1f: {  	s9 =	smul.u32 $0xF7A, s1;
	s8 =	simm.s32 @!p0 $0x1BF5;
	p2 =	por !p2, p0  }
0x20: {  	[sflag:s8] =	ssyncset.s32 @!p0 $0xFFFFF086;
	s6 =	sadd.s32 @!p0 s3, s7;
	s7 =	simm.s32 @!p0 $0x108  }
0x21: {  	s3 =	sadd.s32 s3, s9;
	s6 =	sadd.s32 @!p0 $0x88, s6;
	s7 =	simm.s32 @p2 $0x1082  }
0x22: {  	[simem:s7], [sflag:s8] =	dma.local @!p0 [hbm:s6], $0xF7A  }
0x23: {  	s9 =	sor.u32 $0xD0000000, s2;
	s6 =	simm.s32 $0x108;
	_ =	swait.ge @!p0 [sflag:s8], $0x0  }
0x24: {  	s3 =	sadd.s32 $0x88, s3;
	s6 =	simm.s32 @!p1 $0x1082;
	[sflag:s4] =	ssyncset.s32 $0xFFFFF086  }
0x25: {  	[simem:s6], [sflag:s4] =	dma.local [hbm:s3], $0xF7A  }
0x26: {  	[smem:$0x3F98] =	sst s1;
	(tag) =	ssettag s2;
	_ =	strace s9  }
0x27: {  	s1 =	sld [smem:$0x3FA8]  }
0x28: {  	s2 =	sld [smem:$0x3FA9]  }
0x29: {  	s4 =	sld [smem:$0x3FAB]  }
0x2a: {  	p0 =	seq.s32 s5, $0x0;
	s5 =	sld [smem:$0x3FAC]  }
0x2b: {  	s6 =	sld [smem:$0x3FAD]  }
0x2c: {  	s7 =	sld [smem:$0x3FAE]  }
0x2d: {  	s3 =	simm.s32 $0x108;
	s8 =	sld [smem:$0x3FAF]  }
0x2e: {  	s3 =	simm.s32 @!p0 $0x1082;
	s9 =	sld [smem:$0x3FB0]  }
0x2f: {  	lr =	sadd.s32 s0, s3;
	s0 =	sld [smem:$0x3FA7]  }
0x30: {  	s3 =	sld [smem:$0x3FAA]  }
0x31: {  	[smem:$0x3FB3] =	sst s10  }
0x32: {  	s10 =	sld [smem:$0x3FB1];
	_ =	sdelay $0x3  }
0x33: {  	p0 =	seq.s32 s10, $0x1;
	s10 =	sld [smem:$0x3FB3];
	_ =	sdelay $0x3  }
0x34: {  	[smem:$0x3FB3] =	sst s10  }
0x35: {  	s10 =	sld [smem:$0x3FB2];
	_ =	sdelay $0x3  }
0x36: {  	p1 =	seq.s32 s10, $0x1;
	s10 =	sld [smem:$0x3FB3];
	_ =	sdelay $0x3  }
0x37: {  	[smem:$0x3FB3] =	sst s10  }
0x38: {  	s10 =	sld [smem:$0x3FB4]  }
0x39: {  	_ = 	snop;
	(pc) =	sbr.ind lr, $3  }
0x3a: {  	_ = 	snop  }
0x3b: {  	_ = 	snop  }
0x3c: {  	p2 =	seq.s32 s10, $0x1;
	s10 =	sld [smem:$0x3FB3]  }
0x3d: {  	_ =	shalt  }
0x3e: {  	_ =	shalt  }
0x3f: {  	_ =	shalt  }
0x40: {  	_ =	shalt  }
0x41: {  	_ =	shalt  }
0x42: {  	_ =	shalt  }
0x43: {  	_ =	shalt  }
0x44: {  	_ =	shalt  }
0x45: {  	_ =	shalt  }
0x46: {  	_ =	shalt  }
0x47: {  	_ =	shalt  }
0x48: {  	_ =	shalt  }
0x49: {  	_ =	shalt  }
0x4a: {  	_ =	shalt  }
0x4b: {  	_ =	shalt  }
0x4c: {  	_ =	shalt  }
0x4d: {  	_ =	shalt  }
0x4e: {  	_ =	shalt  }
0x4f: {  	_ =	shalt  }
0x50: {  	_ =	shalt  }
0x51: {  	_ =	shalt  }
0x52: {  	_ =	shalt  }
0x53: {  	_ =	shalt  }
0x54: {  	_ =	shalt  }
0x55: {  	_ =	shalt  }
0x56: {  	_ =	shalt  }
0x57: {  	_ =	shalt  }
0x58: {  	_ =	shalt  }
0x59: {  	_ =	shalt  }
0x5a: {  	_ =	shalt  }
0x5b: {  	_ =	shalt  }
0x5c: {  	_ =	shalt  }
0x5d: {  	_ =	shalt  }
0x5e: {  	_ =	shalt  }
0x5f: {  	_ =	shalt  }
0x60: {  	_ =	shalt  }
0x61: {  	_ =	shalt  }
0x62: {  	_ =	shalt  }
0x63: {  	_ =	shalt  }
0x64: {  	_ =	shalt  }
0x65: {  	_ =	shalt  }
0x66: {  	_ =	shalt  }
0x67: {  	_ =	shalt  }
0x68: {  	_ =	shalt  }
0x69: {  	_ =	shalt  }
0x6a: {  	_ =	shalt  }
0x6b: {  	_ =	shalt  }
0x6c: {  	_ =	shalt  }
0x6d: {  	_ =	shalt  }
0x6e: {  	_ =	shalt  }
0x6f: {  	_ =	shalt  }
0x70: {  	_ =	shalt  }
0x71: {  	_ =	shalt  }
0x72: {  	_ =	shalt  }
0x73: {  	_ =	shalt  }
0x74: {  	_ =	shalt  }
0x75: {  	_ =	shalt  }
0x76: {  	_ =	shalt  }
0x77: {  	_ =	shalt  }
0x78: {  	_ =	shalt  }
0x79: {  	_ =	shalt  }
0x7a: {  	_ =	shalt  }
0x7b: {  	_ =	shalt  }
0x7c: {  	_ =	shalt  }
0x7d: {  	_ =	shalt  }
0x7e: {  	_ =	shalt  }
0x7f: {  	_ =	shalt  }
0x80: {  	_ =	shalt  }
0x81: {  	_ =	shalt  }
0x82: {  	_ =	shalt  }
0x83: {  	_ =	shalt  }
0x84: {  	_ =	shalt  }
0x85: {  	_ =	shalt  }
0x86: {  	_ =	shalt  }
0x87: {  	_ =	shalt  }
.Lfunc_end0:
.L_simem_size_0:
called_computation.2_lowered:
.L_overlay_start_0:
0x88: {  	s2 =	sld [smem:$0x3FD9]  }
0x89: {  	s3 =	sld [smem:$0x3FFE];
	_ =	sdelay $0x1  }
0x8a: {  	s1 =	srdreg.scid  }
0x8b: {  	s0 =	sand.u32 $0x1, s1  }
0x8c: {  	s16 =	sshll.u32 s0, $0xA;
	s2 =	sadd.s32 s3, s2  }
0x8d: {  	s2 =	sadd.s32 s2, s16  }
0x8e: {  	[smem:$0x3FBF] =	sst s2  }
0x8f: {  	_ = 	snop  }
0x90: {  	(tm) =	ssettm $0x1  }
0x91: {  	s17 =	sld [smem:$0x3FFB];
	_ =	sdelay $0x3  }
0x92: {  	_ =	strace s17  }
0x93: {  	s2 =	sld [smem:$0x3FFC];
	_ =	sdelay $0x3  }
0x94: {  	_ =	strace s2  }
0x95: {  	s2 =	sld [smem:$0x3FFD];
	_ =	sdelay $0x3  }
0x96: {  	_ =	strace s2  }
0x97: {  	_ =	strace $0x8FFFFFFF  }
0x98: {  	s18 =	sld [smem:$0x3FDB];
	_ =	sdelay $0x1  }
0x99: {  	s19 =	simm.s32 $_scs_section_size  }
0x9a: {  	s4 =	simm.s32 $_size__tile_overlayer_lowered;
	s5 =	simm.s32 $_tile_overlayer_lowered  }
0x9b: {  	s22 =	simm.s32 $0x1BFF;
	s21 =	sshll.u32 s5, $0x1;
	s2 =	sadd.s32 s19, s18  }
0x9c: {  	s6 =	simm.s32 $0x0;
	s20 =	sshll.u32 s4, $0x1;
	s4 =	sadd.s32 s21, s2  }
0x9d: {  	[timem:s6], [sflag:s22] =	dma.local [hbm:s4], s20  }
0x9e: {  	_ =	swait.ge [sflag:s22], s20  }
0x9f: {  	s3 =	ssub.s32 $0x0, s20;
	[sflag:s22] =	ssyncset.done $0x0  }
0xa0: {  	[sflag:s22] =	ssyncadd.s32 s3;
	_ =	sdelay $0x1  }
0xa1: {  	s23 =	simm.s32 $0x1B8B  }
0xa2: {  	_ =	swait.ge [sflag:s23], $0x1  }
0xa3: {  	[sflag:s23] =	ssyncset.done $0x0  }
0xa4: {  	s25 =	simm.s32 $0x1B8E;
	s24 =	sld [smem:$0x3FFE];
	[sflag:s23] =	ssyncadd.s32 $0xFFFFFFFF  }
0xa5: {  	s26 =	simm.s32 $execute0_lowered;
	[smem:$0x3FD2] =	sst s25  }
0xa6: {  	s4 =	sshll.u32 s26, $0x1;
	_ =	strace $0x8000004C;
	[dreg:$0x1] =	wrdreg $0xFFFFFFFF  }
0xa7: {  	s28 =	simm.s32 $_size_execute0_lowered;
	s2 =	sadd.s32 s2, s4;
	[dreg:$0x0] =	wrdreg $0x0  }
0xa8: {  	s4 =	sshll.u32 s28, $0x1;
	[dreg:$0x2] =	wrdreg s2  }
0xa9: {  	[dreg:$0x3] =	wrdreg s4  }
0xaa: {  	[dreg:$0x4] =	wrdreg $0xC0  }
0xab: {  	_ =	task [dreg:s6], $0x5FFFF  }
0xac: {  	[dreg:$0x1] =	wrdreg $0xFFFFFFFF  }
0xad: {  	[dreg:$0x0] =	wrdreg $0x60  }
0xae: {  	[dreg:$0x2] =	wrdreg s24  }
0xaf: {  	[dreg:$0x3] =	wrdreg $0x0  }
0xb0: {  	[dreg:$0x4] =	wrdreg $0x9  }
0xb1: {  	_ =	task.clear_ibuf [dreg:s6], $0x5FFFF;
	_ =	strace $0x9000004C  }
0xb2: {  	s29 =	simm.s32 $0x9;
	_ =	strace $0x8000004E  }
0xb3: {  	_ =	swait.ge [sflag:s29], $0x1  }
0xb4: {  	[sflag:s29] =	ssyncadd.s32 $0xFFFFFFFF  }
0xb5: {  	_ =	strace $0x9000004E  }
0xb6: {  	_ =	sfence  }
0xb7: {  	s30 =	sld [smem:$0x0];
	_ =	sdelay $0x2  }
0xb8: {  	s31 =	sshll.u32 s1, $0xD;
	s1 =	sshrl.u32 s1, $0x2  }
0xb9: {  	s3 =	sand.u32 $0x4000, s31;
	s1 =	sadd.s32 s1, s30  }
0xba: {  	s0 =	sor.u32 s3, s0;
	s1 =	sshll.u32 s1, $0x11  }
0xbb: {  	s0 =	sor.u32 s1, s0  }
0xbc: {  	s0 =	sadd.s32 $0x8F2B, s0  }
0xbd: {  	[sflag:s0] =	ssyncadd.remote.s32 $0x1  }
0xbe: {  	_ =	sfence.sel $0xFFFF  }
0xbf: {  	[dreg:$0x0] =	wrdreg $0xFFFFFFFF;
	(pc) =	sbr.abs _section_cstart, $3  }
0xc0: {  	[dreg:$0x1] =	wrdreg $0xFFFFFFFF  }
0xc1: {  	_ =	task.clear_ibuf [dreg:s6], $0x2FFFF;
	_ =	strace $0x9FFFFFFF  }
0xc2: {  	(tm) =	ssettm $0x7FFFFFFF  }
0xc3: {  	_ =	shalt  }
tec
execute0_lowered:
.L_overlay_start_1:
0x0: {  	(tag) =	ssettag $0x1  }
0x1: {  	s0 =	rddreg [dreg:$0x0]  }
0x2: {  	s1 =	rddreg [dreg:$0x1];
	s20 =	stileid.u32  }
0x3: {  	s2 =	simm.s32 $0x0;
	s3 =	srdreg.scid;
	s8 =	smul.u32 $0x14000, s20  }
0x4: {  	[smem:$0x7FF] =	sst s2;
	s3 =	sand.u32 $0x1, s3;
	s9 =	smul.u32 $0x50000, s20  }
0x5: {  	s4 =	sadd.s32 $0x5C200, s0;
	s5 =	sadd.s32 $0x34200, s0;
	s11 =	smul.u32 $0x280, s20  }
0x6: {  	_ =	strace $0x8000004D;
	s6 =	smul.u32 $0x4F00, s3;
	s7 =	ssub.s32 $0x2, s3  }
0x7: {  	s3 =	smul.u32 $0x280000, s3;
	s10 =	sshrl.u32 s7, $0x1;
	s12 =	sshrl.u32 s8, $0x3  }
0x8: {  	s19 =	sshrl.u32 s9, $0x2;
	s22 =	sadd.s32 $0x80, s11;
	s14 =	sadd.s32 $0x100, s11  }
0x9: {  	s17 =	sadd.s32 $0x180, s11;
	s11 =	sadd.s32 $0x200, s11;
	s6 =	sadd.s32 s6, s0  }
0xa: {  	s0 =	sadd.s32 $0x8E000, s0;
	s24 =	ssub.s32 s7, s10;
	s21 =	sadd.s32 s4, s12  }
0xb: {  	s7 =	sadd.s32 s19, s1;
	s13 =	sshll.u32 s22, $0x7;
	s9 =	sshll.u32 s22, $0x4  }
0xc: {  	s15 =	sshll.u32 s14, $0x7;
	s18 =	sshll.u32 s17, $0x7;
	s8 =	sadd.s32 s8, s3  }
0xd: {  	s19 =	sshll.u32 s11, $0x7;
	[dreg:$0x3] =	wrdreg s21;
	s8 =	sshrl.u32 s8, $0x3  }
0xe: {  	s16 =	sadd.s32 s3, s13;
	s25 =	sadd.s32 s3, s15;
	s10 =	sadd.s32 s3, s18  }
0xf: {  	s3 =	sadd.s32 s3, s19;
	s24 =	smax.u32 s24, $0x1;
	s21 =	sadd.s32 s0, s8  }
0x10: {  	s23 =	sshrl.u32 s16, $0x3;
	s26 =	sshrl.u32 s25, $0x3;
	s25 =	sshrl.u32 s10, $0x3  }
0x11: {  	s3 =	sshrl.u32 s3, $0x3;
	s16 =	sadd.s32 s15, s1;
	s15 =	sshll.u32 s17, $0x4  }
0x12: {  	s17 =	sadd.s32 s18, s1;
	s18 =	sadd.s32 s19, s1;
	[dreg:$0xd] =	wrdreg s24  }
0x13: {  	s8 =	simm.s32 $0x14100;
	s22 =	sadd.s32 s0, s23;
	s23 =	sadd.s32 s0, s26  }
0x14: {  	s10 =	sadd.s32 s0, s25;
	s26 =	smul.u32 $0x4F0, s20;
	s20 =	sadd.s32 s0, s3  }
0x15: {  	s3 =	sadd.s32 s4, s9;
	s0 =	sshll.u32 s14, $0x4;
	s14 =	sadd.s32 s13, s1  }
0x16: {  	s25 =	sshll.u32 s11, $0x4;
	s9 =	sadd.s32 s5, s9;
	s24 =	smov.u32 s21  }
0x17: {  	s11 =	simm.s32 $0x1;
	[dreg:$0x4] =	wrdreg s3;
	s13 =	sadd.s32 s4, s0  }
0x18: {  	[dreg:$0x7] =	wrdreg s9;
	s0 =	sadd.s32 s5, s0;
	s19 =	sadd.s32 s5, s25  }
0x19: {  	s30 =	smov.u32 s10;
	s31 =	smov.u32 s20;
	[dreg:$0x5] =	wrdreg s13  }
0x1a: {  	s9 =	simm.s32 $0x14000;
	s3 =	sadd.s32 s26, s6;
	[dreg:$0x8] =	wrdreg s0  }
0x1b: {  	s26 =	sadd.s32 s5, s12;
	s12 =	sadd.s32 s4, s15;
	[dreg:$0xc] =	wrdreg s19  }
0x1c: {  	s13 =	sadd.s32 s5, s15;
	s15 =	sadd.s32 s4, s25;
	[dreg:$0x6] =	wrdreg s26  }
0x1d: {  	s25 =	sadd.s32 $0x28000, s21;
	s0 =	sadd.s32 $0x28000, s23;
	[dreg:$0x9] =	wrdreg s12  }
0x1e: {  	s6 =	sadd.s32 $0x28000, s20;
	s19 =	simm.s32 $0x0;
	[dreg:$0xa] =	wrdreg s13  }
0x1f: {  	[dreg:$0xb] =	wrdreg s15;
	s28 =	sadd.s32 $0x2400, s3;
	s29 =	sadd.s32 $0x84200, s3  }
0x20: {  	[dreg:$0xe] =	wrdreg s25;
	s25 =	smov.u32 s22;
	s26 =	sadd.s32 $0x28000, s22  }
0x21: {  	s3 =	sadd.s32 $0x28000, s10;
	s13 =	simm.s32 $0x2;
	s15 =	simm.s32 $0x14080  }
0x22: {  	s10 =	simm.s32 $0x80;
	[dreg:$0xf] =	wrdreg s26;
	s26 =	smov.u32 s23  }
.LBB2_1:
0x23: {  	s12 =	rddreg [dreg:$0x3]  }
0x24: {  	[tilespmem:s8], [sflag:$0x2] =	stream.linear.gather [hbm4b:s12+s2], $0x4000, $0x38;
	[tilespmem:$0x18100] =	vst v63  }
0x25: {  	_ =	swait.ge [sflag:s13], $0x4000  }
0x26: {  	[sflag:s13] =	ssyncset.done $0x0  }
0x27: {  	[sflag:s13] =	ssyncadd.s32 $0xFFFFC000  }
0x28: {  	[spmem:s7] =	stream.linear.scatter [tilespmem:s8], [sflag:$0x2], $0x4000, $0x38;
	[tilespmem:$0x18100] =	vst v63  }
0x29: {  	_ =	swait.ge [sflag:s13], $0x4000  }
0x2a: {  	[sflag:s13] =	ssyncset.done $0x0  }
0x2b: {  	s22 =	rddreg [dreg:$0x4];
	[sflag:s13] =	ssyncadd.s32 $0xFFFFC000  }
0x2c: {  	[tilespmem:s8], [sflag:$0x2] =	stream.linear.gather [hbm4b:s22+s2], $0x4000, $0x38;
	[tilespmem:$0x18100] =	vst v63  }
0x2d: {  	_ =	swait.ge [sflag:s13], $0x4000  }
0x2e: {  	[sflag:s13] =	ssyncset.done $0x0  }
0x2f: {  	[sflag:s13] =	ssyncadd.s32 $0xFFFFC000  }
0x30: {  	[spmem:s14] =	stream.linear.scatter [tilespmem:s8], [sflag:$0x2], $0x4000, $0x38;
	[tilespmem:$0x18100] =	vst v63  }
0x31: {  	_ =	swait.ge [sflag:s13], $0x4000  }
0x32: {  	[sflag:s13] =	ssyncset.done $0x0  }
0x33: {  	s23 =	rddreg [dreg:$0x5];
	[sflag:s13] =	ssyncadd.s32 $0xFFFFC000  }
0x34: {  	[tilespmem:s8], [sflag:$0x2] =	stream.linear.gather [hbm4b:s23+s2], $0x4000, $0x38;
	[tilespmem:$0x18100] =	vst v63  }
0x35: {  	_ =	swait.ge [sflag:s13], $0x4000  }
0x36: {  	[sflag:s13] =	ssyncset.done $0x0  }
0x37: {  	[sflag:s13] =	ssyncadd.s32 $0xFFFFC000  }
0x38: {  	[spmem:s16] =	stream.linear.scatter [tilespmem:s8], [sflag:$0x2], $0x4000, $0x38;
	[tilespmem:$0x18100] =	vst v63  }
0x39: {  	_ =	swait.ge [sflag:s13], $0x4000  }
0x3a: {  	[sflag:s13] =	ssyncset.done $0x0  }
0x3b: {  	s20 =	rddreg [dreg:$0x9];
	[sflag:s13] =	ssyncadd.s32 $0xFFFFC000  }
0x3c: {  	[tilespmem:s8], [sflag:$0x2] =	stream.linear.gather [hbm4b:s20+s2], $0x4000, $0x38;
	[tilespmem:$0x18100] =	vst v63  }
0x3d: {  	_ =	swait.ge [sflag:s13], $0x4000  }
0x3e: {  	[sflag:s13] =	ssyncset.done $0x0  }
0x3f: {  	[sflag:s13] =	ssyncadd.s32 $0xFFFFC000  }
0x40: {  	[spmem:s17] =	stream.linear.scatter [tilespmem:s8], [sflag:$0x2], $0x4000, $0x38;
	[tilespmem:$0x18100] =	vst v63  }
0x41: {  	_ =	swait.ge [sflag:s13], $0x4000  }
0x42: {  	[sflag:s13] =	ssyncset.done $0x0  }
0x43: {  	s21 =	rddreg [dreg:$0xb];
	[sflag:s13] =	ssyncadd.s32 $0xFFFFC000  }
0x44: {  	[tilespmem:s8], [sflag:$0x2] =	stream.linear.gather [hbm4b:s21+s2], $0x4000, $0x38;
	[tilespmem:$0x18100] =	vst v63  }
0x45: {  	_ =	swait.ge [sflag:s13], $0x4000  }
0x46: {  	[sflag:s13] =	ssyncset.done $0x0  }
0x47: {  	[sflag:s13] =	ssyncadd.s32 $0xFFFFC000  }
0x48: {  	[spmem:s18] =	stream.linear.scatter [tilespmem:s8], [sflag:$0x2], $0x4000, $0x38;
	[tilespmem:$0x18100] =	vst v63  }
0x49: {  	_ =	swait.ge [sflag:s13], $0x4000  }
0x4a: {  	[sflag:s13] =	ssyncset.done $0x0  }
0x4b: {  	[sflag:s13] =	ssyncadd.s32 $0xFFFFC000  }
0x4c: {  	s22 =	sadd.s32 $0x0, s29;
	[bflag:$0x0] =	sbarrier.arrive $0xFFFF  }
0x4d: {  	[tilespmem:s9], [sflag:$0x2] =	stream.linear.gather [hbm4b:s22+s2], $0x80, $0x38;
	[tilespmem:$0x18100] =	vst v63  }
0x4e: {  	_ =	swait.ge [sflag:s13], $0x80  }
0x4f: {  	[sflag:s13] =	ssyncset.done $0x0  }
0x50: {  	s23 =	sadd.s32 $0x0, s28;
	[sflag:s13] =	ssyncadd.s32 $0xFFFFFF80  }
0x51: {  	[tilespmem:s15], [sflag:$0x2] =	stream.linear.gather [hbm4b:s23+s2], $0x80, $0x38;
	[tilespmem:$0x18100] =	vst v63  }
0x52: {  	_ =	swait.ge [sflag:s13], $0x80  }
0x53: {  	[sflag:s13] =	ssyncset.done $0x0  }
0x54: {  	[sflag:s13] =	ssyncadd.s32 $0xFFFFFF80  }
0x55: {  	[tilespmem:s8], [sflag:$0x1] =	stream.indirect.gather [hbm4b:s4+s10], $0x80, s9, s10, $0xb8;
	[tilespmem:$0x18100] =	vst v63  }
0x56: {  	_ =	swait.ge [sflag:s11], $0x4000  }
0x57: {  	[sflag:s11] =	ssyncset.done $0x0  }
0x58: {  	[sflag:s11] =	ssyncadd.s32 $0xFFFFC000  }
0x59: {  	[spmem:s1] =	stream.indirect.scatter.add.f32 [tilespmem:s8], [sflag:$0x2], $0x80, s15, s10, $0xb8;
	[tilespmem:$0x18100] =	vst v63  }
0x5a: {  	_ =	swait.ge [sflag:s13], $0x4000  }
0x5b: {  	s12 =	simm.s32 $0x10;
	s20 =	simm.s32 $0x20;
	[sflag:s13] =	ssyncset.done $0x0  }
.LBB2_2:
0x5c: {  	s21 =	sadd.s32 s12, s29  }
0x5d: {  	[sflag:s13] =	ssyncadd.s32 $0xFFFFC000;
	s22 =	smov.u32 s20;
	s23 =	sadd.s32 $0x10, s20  }
0x5e: {  	[tilespmem:s9], [sflag:$0x2] =	stream.linear.gather [hbm4b:s21+s2], $0x80, $0x38;
	[tilespmem:$0x18100] =	vst v63  }
0x5f: {  	p0 =	sne.s32 s20, $0x4E0;
	_ =	swait.ge [sflag:s13], $0x80  }
0x60: {  	[sflag:s13] =	ssyncset.done $0x0  }
0x61: {  	s20 =	sadd.s32 s12, s28;
	s12 =	smov.u32 s22;
	[sflag:s13] =	ssyncadd.s32 $0xFFFFFF80  }
0x62: {  	[tilespmem:s15], [sflag:$0x2] =	stream.linear.gather [hbm4b:s20+s2], $0x80, $0x38;
	[tilespmem:$0x18100] =	vst v63  }
0x63: {  	_ =	swait.ge [sflag:s13], $0x80  }
0x64: {  	[sflag:s13] =	ssyncset.done $0x0  }
0x65: {  	[sflag:s13] =	ssyncadd.s32 $0xFFFFFF80  }
0x66: {  	[tilespmem:s8], [sflag:$0x1] =	stream.indirect.gather [hbm4b:s4+s10], $0x80, s9, s10, $0xb8;
	[tilespmem:$0x18100] =	vst v63  }
0x67: {  	_ =	swait.ge [sflag:s11], $0x4000  }
.Ltmp0:
0x68: {  	[sflag:s11] =	ssyncset.done $0x0;
	(pc) =	sbr.rel @p0 .LBB2_2-.Ltmp0, $4  }
0x69: {  	[sflag:s11] =	ssyncadd.s32 $0xFFFFC000  }
0x6a: {  	[spmem:s1] =	stream.indirect.scatter.add.f32 [tilespmem:s8], [sflag:$0x2], $0x80, s15, s10, $0xb8;
	[tilespmem:$0x18100] =	vst v63  }
0x6b: {  	_ =	swait.ge [sflag:s13], $0x4000  }
0x6c: {  	s20 =	smov.u32 s23;
	[sflag:s13] =	ssyncset.done $0x0  }
0x6d: {  	s20 =	sadd.s32 s12, s29;
	[sflag:s13] =	ssyncadd.s32 $0xFFFFC000  }
0x6e: {  	[tilespmem:s9], [sflag:$0x2] =	stream.linear.gather [hbm4b:s20+s2], $0x80, $0x38;
	[tilespmem:$0x18100] =	vst v63  }
0x6f: {  	_ =	swait.ge [sflag:s13], $0x80  }
0x70: {  	[sflag:s13] =	ssyncset.done $0x0  }
0x71: {  	s22 =	sadd.s32 s12, s28;
	[sflag:s13] =	ssyncadd.s32 $0xFFFFFF80  }
0x72: {  	[tilespmem:s15], [sflag:$0x2] =	stream.linear.gather [hbm4b:s22+s2], $0x80, $0x38;
	[tilespmem:$0x18100] =	vst v63  }
0x73: {  	_ =	swait.ge [sflag:s13], $0x80  }
0x74: {  	[sflag:s13] =	ssyncset.done $0x0  }
0x75: {  	[sflag:s13] =	ssyncadd.s32 $0xFFFFFF80  }
0x76: {  	[tilespmem:s8], [sflag:$0x1] =	stream.indirect.gather [hbm4b:s4+s10], $0x80, s9, s10, $0xb8;
	[tilespmem:$0x18100] =	vst v63  }
0x77: {  	_ =	swait.ge [sflag:s11], $0x4000  }
0x78: {  	[sflag:s11] =	ssyncset.done $0x0  }
0x79: {  	[sflag:s11] =	ssyncadd.s32 $0xFFFFC000  }
0x7a: {  	[spmem:s1] =	stream.indirect.scatter.add.f32 [tilespmem:s8], [sflag:$0x2], $0x80, s15, s10, $0xb8;
	[tilespmem:$0x18100] =	vst v63  }
0x7b: {  	_ =	swait.ge [sflag:s13], $0x4000  }
0x7c: {  	[sflag:s13] =	ssyncset.done $0x0  }
0x7d: {  	[sflag:s13] =	ssyncadd.s32 $0xFFFFC000  }
0x7e: {  	[bflag:$0x0] =	sbarrier.arrive $0xFFFF  }
0x7f: {  	[tilespmem:s8], [sflag:$0x2] =	stream.linear.gather [spmem:s7], $0x4000, $0x38;
	[tilespmem:$0x18100] =	vst v63  }
0x80: {  	_ =	swait.ge [sflag:s13], $0x4000  }
0x81: {  	[sflag:s13] =	ssyncset.done $0x0  }
0x82: {  	s12 =	simm.s32 $0x0;
	[sflag:s13] =	ssyncadd.s32 $0xFFFFC000  }
0x83: {  	[hbm4b:s24+s12] =	stream.linear.scatter [tilespmem:s8], [sflag:$0x2], $0x4000, $0x38;
	[tilespmem:$0x18100] =	vst v63  }
0x84: {  	_ =	swait.ge [sflag:s13], $0x4000  }
0x85: {  	[sflag:s13] =	ssyncset.done $0x0  }
0x86: {  	[sflag:s13] =	ssyncadd.s32 $0xFFFFC000  }
0x87: {  	[tilespmem:s8], [sflag:$0x2] =	stream.linear.gather [spmem:s14], $0x4000, $0x38;
	[tilespmem:$0x18100] =	vst v63  }
0x88: {  	_ =	swait.ge [sflag:s13], $0x4000  }
0x89: {  	[sflag:s13] =	ssyncset.done $0x0  }
0x8a: {  	[sflag:s13] =	ssyncadd.s32 $0xFFFFC000  }
0x8b: {  	[hbm4b:s25+s12] =	stream.linear.scatter [tilespmem:s8], [sflag:$0x2], $0x4000, $0x38;
	[tilespmem:$0x18100] =	vst v63  }
0x8c: {  	_ =	swait.ge [sflag:s13], $0x4000  }
0x8d: {  	[sflag:s13] =	ssyncset.done $0x0  }
0x8e: {  	[sflag:s13] =	ssyncadd.s32 $0xFFFFC000  }
0x8f: {  	[tilespmem:s8], [sflag:$0x2] =	stream.linear.gather [spmem:s16], $0x4000, $0x38;
	[tilespmem:$0x18100] =	vst v63  }
0x90: {  	_ =	swait.ge [sflag:s13], $0x4000  }
0x91: {  	[sflag:s13] =	ssyncset.done $0x0  }
0x92: {  	[sflag:s13] =	ssyncadd.s32 $0xFFFFC000  }
0x93: {  	[hbm4b:s26+s12] =	stream.linear.scatter [tilespmem:s8], [sflag:$0x2], $0x4000, $0x38;
	[tilespmem:$0x18100] =	vst v63  }
0x94: {  	_ =	swait.ge [sflag:s13], $0x4000  }
0x95: {  	[sflag:s13] =	ssyncset.done $0x0  }
0x96: {  	[sflag:s13] =	ssyncadd.s32 $0xFFFFC000  }
0x97: {  	[tilespmem:s8], [sflag:$0x2] =	stream.linear.gather [spmem:s17], $0x4000, $0x38;
	[tilespmem:$0x18100] =	vst v63  }
0x98: {  	_ =	swait.ge [sflag:s13], $0x4000  }
0x99: {  	[sflag:s13] =	ssyncset.done $0x0  }
0x9a: {  	[sflag:s13] =	ssyncadd.s32 $0xFFFFC000  }
0x9b: {  	[hbm4b:s30+s12] =	stream.linear.scatter [tilespmem:s8], [sflag:$0x2], $0x4000, $0x38;
	[tilespmem:$0x18100] =	vst v63  }
0x9c: {  	_ =	swait.ge [sflag:s13], $0x4000  }
0x9d: {  	[sflag:s13] =	ssyncset.done $0x0  }
0x9e: {  	[sflag:s13] =	ssyncadd.s32 $0xFFFFC000  }
0x9f: {  	[tilespmem:s8], [sflag:$0x2] =	stream.linear.gather [spmem:s18], $0x4000, $0x38;
	[tilespmem:$0x18100] =	vst v63  }
0xa0: {  	_ =	swait.ge [sflag:s13], $0x4000  }
0xa1: {  	[sflag:s13] =	ssyncset.done $0x0  }
0xa2: {  	[sflag:s13] =	ssyncadd.s32 $0xFFFFC000  }
0xa3: {  	[hbm4b:s31+s12] =	stream.linear.scatter [tilespmem:s8], [sflag:$0x2], $0x4000, $0x38;
	[tilespmem:$0x18100] =	vst v63  }
0xa4: {  	_ =	swait.ge [sflag:s13], $0x4000  }
0xa5: {  	[sflag:s13] =	ssyncset.done $0x0  }
0xa6: {  	[sflag:s13] =	ssyncadd.s32 $0xFFFFC000  }
0xa7: {  	[bflag:$0x0] =	sbarrier.arrive $0xFFFF  }
0xa8: {  	s23 =	rddreg [dreg:$0x6]  }
0xa9: {  	[tilespmem:s8], [sflag:$0x2] =	stream.linear.gather [hbm4b:s23+s12], $0x4000, $0x38;
	[tilespmem:$0x18100] =	vst v63  }
0xaa: {  	_ =	swait.ge [sflag:s13], $0x4000  }
0xab: {  	[sflag:s13] =	ssyncset.done $0x0  }
0xac: {  	[sflag:s13] =	ssyncadd.s32 $0xFFFFC000  }
0xad: {  	[spmem:s7] =	stream.linear.scatter [tilespmem:s8], [sflag:$0x2], $0x4000, $0x38;
	[tilespmem:$0x18100] =	vst v63  }
0xae: {  	_ =	swait.ge [sflag:s13], $0x4000  }
0xaf: {  	[sflag:s13] =	ssyncset.done $0x0  }
0xb0: {  	s21 =	rddreg [dreg:$0x7];
	[sflag:s13] =	ssyncadd.s32 $0xFFFFC000  }
0xb1: {  	[tilespmem:s8], [sflag:$0x2] =	stream.linear.gather [hbm4b:s21+s12], $0x4000, $0x38;
	[tilespmem:$0x18100] =	vst v63  }
0xb2: {  	_ =	swait.ge [sflag:s13], $0x4000  }
0xb3: {  	[sflag:s13] =	ssyncset.done $0x0  }
0xb4: {  	[sflag:s13] =	ssyncadd.s32 $0xFFFFC000  }
0xb5: {  	[spmem:s14] =	stream.linear.scatter [tilespmem:s8], [sflag:$0x2], $0x4000, $0x38;
	[tilespmem:$0x18100] =	vst v63  }
0xb6: {  	_ =	swait.ge [sflag:s13], $0x4000  }
0xb7: {  	[sflag:s13] =	ssyncset.done $0x0  }
0xb8: {  	s22 =	rddreg [dreg:$0x8];
	[sflag:s13] =	ssyncadd.s32 $0xFFFFC000  }
0xb9: {  	[tilespmem:s8], [sflag:$0x2] =	stream.linear.gather [hbm4b:s22+s12], $0x4000, $0x38;
	[tilespmem:$0x18100] =	vst v63  }
0xba: {  	_ =	swait.ge [sflag:s13], $0x4000  }
0xbb: {  	[sflag:s13] =	ssyncset.done $0x0  }
0xbc: {  	[sflag:s13] =	ssyncadd.s32 $0xFFFFC000  }
0xbd: {  	[spmem:s16] =	stream.linear.scatter [tilespmem:s8], [sflag:$0x2], $0x4000, $0x38;
	[tilespmem:$0x18100] =	vst v63  }
0xbe: {  	_ =	swait.ge [sflag:s13], $0x4000  }
0xbf: {  	[sflag:s13] =	ssyncset.done $0x0  }
0xc0: {  	s23 =	rddreg [dreg:$0xa];
	[sflag:s13] =	ssyncadd.s32 $0xFFFFC000  }
0xc1: {  	[tilespmem:s8], [sflag:$0x2] =	stream.linear.gather [hbm4b:s23+s12], $0x4000, $0x38;
	[tilespmem:$0x18100] =	vst v63  }
0xc2: {  	_ =	swait.ge [sflag:s13], $0x4000  }
0xc3: {  	[sflag:s13] =	ssyncset.done $0x0  }
0xc4: {  	[sflag:s13] =	ssyncadd.s32 $0xFFFFC000  }
0xc5: {  	[spmem:s17] =	stream.linear.scatter [tilespmem:s8], [sflag:$0x2], $0x4000, $0x38;
	[tilespmem:$0x18100] =	vst v63  }
0xc6: {  	_ =	swait.ge [sflag:s13], $0x4000  }
0xc7: {  	[sflag:s13] =	ssyncset.done $0x0  }
0xc8: {  	s21 =	rddreg [dreg:$0xc];
	[sflag:s13] =	ssyncadd.s32 $0xFFFFC000  }
0xc9: {  	[tilespmem:s8], [sflag:$0x2] =	stream.linear.gather [hbm4b:s21+s12], $0x4000, $0x38;
	[tilespmem:$0x18100] =	vst v63  }
0xca: {  	_ =	swait.ge [sflag:s13], $0x4000  }
0xcb: {  	[sflag:s13] =	ssyncset.done $0x0  }
0xcc: {  	[sflag:s13] =	ssyncadd.s32 $0xFFFFC000  }
0xcd: {  	[spmem:s18] =	stream.linear.scatter [tilespmem:s8], [sflag:$0x2], $0x4000, $0x38;
	[tilespmem:$0x18100] =	vst v63  }
0xce: {  	_ =	swait.ge [sflag:s13], $0x4000  }
0xcf: {  	[sflag:s13] =	ssyncset.done $0x0  }
0xd0: {  	[sflag:s13] =	ssyncadd.s32 $0xFFFFC000  }
0xd1: {  	s22 =	sadd.s32 $0x0, s29;
	[bflag:$0x0] =	sbarrier.arrive $0xFFFF  }
0xd2: {  	[tilespmem:s9], [sflag:$0x2] =	stream.linear.gather [hbm4b:s22+s2], $0x80, $0x38;
	[tilespmem:$0x18100] =	vst v63  }
0xd3: {  	_ =	swait.ge [sflag:s13], $0x80  }
0xd4: {  	[sflag:s13] =	ssyncset.done $0x0  }
0xd5: {  	s23 =	sadd.s32 $0x0, s28;
	[sflag:s13] =	ssyncadd.s32 $0xFFFFFF80  }
0xd6: {  	[tilespmem:s15], [sflag:$0x2] =	stream.linear.gather [hbm4b:s23+s2], $0x80, $0x38;
	[tilespmem:$0x18100] =	vst v63  }
0xd7: {  	_ =	swait.ge [sflag:s13], $0x80  }
0xd8: {  	[sflag:s13] =	ssyncset.done $0x0  }
0xd9: {  	[sflag:s13] =	ssyncadd.s32 $0xFFFFFF80  }
0xda: {  	[tilespmem:s8], [sflag:$0x1] =	stream.indirect.gather [hbm4b:s5+s10], $0x80, s9, s10, $0xb8;
	[tilespmem:$0x18100] =	vst v63  }
0xdb: {  	_ =	swait.ge [sflag:s11], $0x4000  }
0xdc: {  	[sflag:s11] =	ssyncset.done $0x0  }
0xdd: {  	[sflag:s11] =	ssyncadd.s32 $0xFFFFC000  }
0xde: {  	[spmem:s1] =	stream.indirect.scatter.add.f32 [tilespmem:s8], [sflag:$0x2], $0x80, s15, s10, $0xb8;
	[tilespmem:$0x18100] =	vst v63  }
0xdf: {  	_ =	swait.ge [sflag:s13], $0x4000  }
0xe0: {  	s20 =	simm.s32 $0x20;
	s12 =	simm.s32 $0x10;
	[sflag:s13] =	ssyncset.done $0x0  }
.LBB2_4:
0xe1: {  	s21 =	sadd.s32 s12, s29  }
0xe2: {  	[sflag:s13] =	ssyncadd.s32 $0xFFFFC000;
	s22 =	smov.u32 s20;
	s23 =	sadd.s32 $0x10, s20  }
0xe3: {  	[tilespmem:s9], [sflag:$0x2] =	stream.linear.gather [hbm4b:s21+s2], $0x80, $0x38;
	[tilespmem:$0x18100] =	vst v63  }
0xe4: {  	p0 =	sne.s32 s20, $0x4E0;
	_ =	swait.ge [sflag:s13], $0x80  }
0xe5: {  	[sflag:s13] =	ssyncset.done $0x0  }
0xe6: {  	s20 =	sadd.s32 s12, s28;
	s12 =	smov.u32 s22;
	[sflag:s13] =	ssyncadd.s32 $0xFFFFFF80  }
0xe7: {  	[tilespmem:s15], [sflag:$0x2] =	stream.linear.gather [hbm4b:s20+s2], $0x80, $0x38;
	[tilespmem:$0x18100] =	vst v63  }
0xe8: {  	_ =	swait.ge [sflag:s13], $0x80  }
0xe9: {  	[sflag:s13] =	ssyncset.done $0x0  }
0xea: {  	[sflag:s13] =	ssyncadd.s32 $0xFFFFFF80  }
0xeb: {  	[tilespmem:s8], [sflag:$0x1] =	stream.indirect.gather [hbm4b:s5+s10], $0x80, s9, s10, $0xb8;
	[tilespmem:$0x18100] =	vst v63  }
0xec: {  	_ =	swait.ge [sflag:s11], $0x4000  }
.Ltmp1:
0xed: {  	[sflag:s11] =	ssyncset.done $0x0;
	(pc) =	sbr.rel @p0 .LBB2_4-.Ltmp1, $4  }
0xee: {  	[sflag:s11] =	ssyncadd.s32 $0xFFFFC000  }
0xef: {  	[spmem:s1] =	stream.indirect.scatter.add.f32 [tilespmem:s8], [sflag:$0x2], $0x80, s15, s10, $0xb8;
	[tilespmem:$0x18100] =	vst v63  }
0xf0: {  	_ =	swait.ge [sflag:s13], $0x4000  }
0xf1: {  	s20 =	smov.u32 s23;
	[sflag:s13] =	ssyncset.done $0x0  }
0xf2: {  	s20 =	sadd.s32 s12, s29;
	[sflag:s13] =	ssyncadd.s32 $0xFFFFC000  }
0xf3: {  	[tilespmem:s9], [sflag:$0x2] =	stream.linear.gather [hbm4b:s20+s2], $0x80, $0x38;
	[tilespmem:$0x18100] =	vst v63  }
0xf4: {  	_ =	swait.ge [sflag:s13], $0x80  }
0xf5: {  	[sflag:s13] =	ssyncset.done $0x0  }
0xf6: {  	s20 =	sadd.s32 s12, s28;
	[sflag:s13] =	ssyncadd.s32 $0xFFFFFF80  }
0xf7: {  	[tilespmem:s15], [sflag:$0x2] =	stream.linear.gather [hbm4b:s20+s2], $0x80, $0x38;
	[tilespmem:$0x18100] =	vst v63  }
0xf8: {  	_ =	swait.ge [sflag:s13], $0x80  }
0xf9: {  	[sflag:s13] =	ssyncset.done $0x0  }
0xfa: {  	[sflag:s13] =	ssyncadd.s32 $0xFFFFFF80  }
0xfb: {  	[tilespmem:s8], [sflag:$0x1] =	stream.indirect.gather [hbm4b:s5+s10], $0x80, s9, s10, $0xb8;
	[tilespmem:$0x18100] =	vst v63  }
0xfc: {  	_ =	swait.ge [sflag:s11], $0x4000  }
0xfd: {  	[sflag:s11] =	ssyncset.done $0x0  }
0xfe: {  	[sflag:s11] =	ssyncadd.s32 $0xFFFFC000  }
0xff: {  	[spmem:s1] =	stream.indirect.scatter.add.f32 [tilespmem:s8], [sflag:$0x2], $0x80, s15, s10, $0xb8;
	[tilespmem:$0x18100] =	vst v63  }
0x100: {  	_ =	swait.ge [sflag:s13], $0x4000  }
0x101: {  	[sflag:s13] =	ssyncset.done $0x0  }
0x102: {  	[sflag:s13] =	ssyncadd.s32 $0xFFFFC000  }
0x103: {  	[bflag:$0x0] =	sbarrier.arrive $0xFFFF  }
0x104: {  	[tilespmem:s8], [sflag:$0x2] =	stream.linear.gather [spmem:s7], $0x4000, $0x38;
	[tilespmem:$0x18100] =	vst v63  }
0x105: {  	_ =	swait.ge [sflag:s13], $0x4000  }
0x106: {  	[sflag:s13] =	ssyncset.done $0x0  }
0x107: {  	s21 =	rddreg [dreg:$0xe];
	[sflag:s13] =	ssyncadd.s32 $0xFFFFC000  }
0x108: {  	[hbm4b:s21+s2] =	stream.linear.scatter [tilespmem:s8], [sflag:$0x2], $0x4000, $0x38;
	[tilespmem:$0x18100] =	vst v63  }
0x109: {  	_ =	swait.ge [sflag:s13], $0x4000  }
0x10a: {  	[sflag:s13] =	ssyncset.done $0x0  }
0x10b: {  	[sflag:s13] =	ssyncadd.s32 $0xFFFFC000  }
0x10c: {  	[tilespmem:s8], [sflag:$0x2] =	stream.linear.gather [spmem:s14], $0x4000, $0x38;
	[tilespmem:$0x18100] =	vst v63  }
0x10d: {  	_ =	swait.ge [sflag:s13], $0x4000  }
0x10e: {  	[sflag:s13] =	ssyncset.done $0x0  }
0x10f: {  	s22 =	rddreg [dreg:$0xf];
	[sflag:s13] =	ssyncadd.s32 $0xFFFFC000  }
0x110: {  	[hbm4b:s22+s2] =	stream.linear.scatter [tilespmem:s8], [sflag:$0x2], $0x4000, $0x38;
	[tilespmem:$0x18100] =	vst v63  }
0x111: {  	_ =	swait.ge [sflag:s13], $0x4000  }
0x112: {  	[sflag:s13] =	ssyncset.done $0x0  }
0x113: {  	[sflag:s13] =	ssyncadd.s32 $0xFFFFC000  }
0x114: {  	[tilespmem:s8], [sflag:$0x2] =	stream.linear.gather [spmem:s16], $0x4000, $0x38;
	[tilespmem:$0x18100] =	vst v63  }
0x115: {  	_ =	swait.ge [sflag:s13], $0x4000  }
0x116: {  	[sflag:s13] =	ssyncset.done $0x0  }
0x117: {  	[sflag:s13] =	ssyncadd.s32 $0xFFFFC000  }
0x118: {  	[hbm4b:s0+s2] =	stream.linear.scatter [tilespmem:s8], [sflag:$0x2], $0x4000, $0x38;
	[tilespmem:$0x18100] =	vst v63  }
0x119: {  	_ =	swait.ge [sflag:s13], $0x4000  }
0x11a: {  	[sflag:s13] =	ssyncset.done $0x0  }
0x11b: {  	[sflag:s13] =	ssyncadd.s32 $0xFFFFC000  }
0x11c: {  	[tilespmem:s8], [sflag:$0x2] =	stream.linear.gather [spmem:s17], $0x4000, $0x38;
	[tilespmem:$0x18100] =	vst v63  }
0x11d: {  	_ =	swait.ge [sflag:s13], $0x4000  }
0x11e: {  	[sflag:s13] =	ssyncset.done $0x0  }
0x11f: {  	[sflag:s13] =	ssyncadd.s32 $0xFFFFC000  }
0x120: {  	[hbm4b:s3+s2] =	stream.linear.scatter [tilespmem:s8], [sflag:$0x2], $0x4000, $0x38;
	[tilespmem:$0x18100] =	vst v63  }
0x121: {  	_ =	swait.ge [sflag:s13], $0x4000  }
0x122: {  	[sflag:s13] =	ssyncset.done $0x0  }
0x123: {  	[sflag:s13] =	ssyncadd.s32 $0xFFFFC000  }
0x124: {  	[tilespmem:s8], [sflag:$0x2] =	stream.linear.gather [spmem:s18], $0x4000, $0x38;
	[tilespmem:$0x18100] =	vst v63  }
0x125: {  	_ =	swait.ge [sflag:s13], $0x4000  }
0x126: {  	[sflag:s13] =	ssyncset.done $0x0  }
0x127: {  	[sflag:s13] =	ssyncadd.s32 $0xFFFFC000  }
0x128: {  	[hbm4b:s6+s2] =	stream.linear.scatter [tilespmem:s8], [sflag:$0x2], $0x4000, $0x38;
	[tilespmem:$0x18100] =	vst v63  }
0x129: {  	_ =	swait.ge [sflag:s13], $0x4000  }
0x12a: {  	s19 =	sadd.s32 $0x1, s19;
	s23 =	rddreg [dreg:$0xd]  }
0x12b: {  	p0 =	sne.s32 s19, s23  }
.Ltmp2:
0x12c: {  	_ = 	snop;
	(pc) =	sbr.rel @p0 .LBB2_1-.Ltmp2, $3  }
0x12d: {  	_ =	sdelay $0x1  }
0x12e: {  	[sflag:s13] =	ssyncset.done $0x0  }
0x12f: {  	[sflag:s13] =	ssyncadd.s32 $0xFFFFC000  }
0x130: {  	_ =	sfence.sel $0x180000  }
0x131: {  	[bflag:$0x0] =	sbarrier.arrive $0xFFFF  }
0x132: {  	_ =	strace $0x9000004D  }
0x133: {  	s0 =	stileid.u32;
	[bflag:$0x2] =	sbarrier.arrive $0xFFFF  }
0x134: {  	p0 =	sne.s32 s0, $0x0;
	s0 =	rddreg [dreg:$0x2]  }
0x135: {  	s0 =	sadd.s32 @!p0 $0x100000, s0  }
0x136: {  	[sflag:s0] =	ssyncadd.tile.s32 @!p0 $0x1;
	_ =	shalt  }
.Lfunc_end2:
_tile_overlayer_lowered:
.L_overlay_start_2:
0x137: {  	(tag) =	ssettag $0x2  }
0x138: {  	s0 =	rddreg [dreg:$0x0];
	s2 =	stileid.u32  }
0x139: {  	s1 =	rddreg [dreg:$0x1];
	p0 =	sne.s32 s2, $0x0  }
0x13a: {  	s3 =	rddreg [dreg:$0x2];
	[bflag:$0x3] =	sbarrier.arrive $0xFFFF;
	s2 =	simm.s32 @!p0 $0x1C02  }
0x13b: {  	[timem:s3], [sflag:s2] =	dma.local @!p0 [hbm:s0], s1  }
0x13c: {  	s0 =	simm.s32 @!p0 $0x2  }
0x13d: {  	_ =	swait.ge @!p0 [sflag:s0], s1  }
0x13e: {  	s1 =	ssub.s32 @!p0 $0x0, s1;
	[sflag:s0] =	ssyncset.done @!p0 $0x0  }
0x13f: {  	[sflag:s0] =	ssyncadd.s32 @!p0 s1  }
0x140: {  	[bflag:$0x3] =	sbarrier.arrive $0xFFFF  }
0x141: {  	_ =	shalt  }

// kernel: kernel.8.cloned.1.call-start
scs
__scs_entry_jumppad:
0x0: {  	(pc) =	sbr.rel $0x88, $3  }
0x1: {  	(tag) =	ssettag $0x0;
	lr =	simm.s32 $0x1  }
0x2: {  	[smem:$0x3F98] =	sst lr;
	_ =	strace $0xD0000000  }
0x3: {  	_ = 	snop  }
0x4: {  	_ = 	snop  }
0x5: {  	_ = 	snop  }
0x6: {  	_ = 	snop  }
0x7: {  	_ = 	snop  }
__scs_overlays_trampoline_lowered:
0x8: {  	[smem:$0x3FA7] =	sst s0  }
0x9: {  	[smem:$0x3FA8] =	sst s1  }
0xa: {  	[smem:$0x3FA9] =	sst s2  }
0xb: {  	[smem:$0x3FAA] =	sst s3  }
0xc: {  	[smem:$0x3FAB] =	sst s4  }
0xd: {  	[smem:$0x3FAC] =	sst s5  }
0xe: {  	[smem:$0x3FAD] =	sst s6  }
0xf: {  	[smem:$0x3FAE] =	sst s7  }
0x10: {  	[smem:$0x3FAF] =	sst s8  }
0x11: {  	[smem:$0x3FB0] =	sst s9;
	s0 =	simm.s32 @!p0 $0x0  }
0x12: {  	s1 =	sld [smem:$0x3F96];
	s0 =	simm.s32 @p0 $0x1  }
0x13: {  	[smem:$0x3FB1] =	sst s0;
	s0 =	simm.s32 @!p1 $0x0  }
0x14: {  	s2 =	sld [smem:$0x3F95];
	s0 =	simm.s32 @p1 $0x1  }
0x15: {  	[smem:$0x3FB2] =	sst s0;
	s0 =	simm.s32 @!p2 $0x0  }
0x16: {  	s3 =	sld [smem:$0x3FDB];
	s0 =	simm.s32 @p2 $0x1  }
0x17: {  	s4 =	simm.s32 $0x1BF5;
	[smem:$0x3FB4] =	sst s0  }
0x18: {  	s0 =	sld [smem:$0x3F97];
	_ =	swait.ge [sflag:s4], $0x0  }
0x19: {  	s7 =	sld [smem:$0x3F98]  }
0x1a: {  	s8 =	sadd.s32 $0xFFFFE003, lr  }
0x1b: {  	s9 =	sadd.s32 $0xFFFFFEF7, lr;
	s5 =	simm.s32 $0xFFFFFFFF;
	p2 =	slt.u32 s8, $0xFFFFF086  }
0x1c: {  	p1 =	slt.u32 s9, $0xF7A;
	s5 =	simm.s32 @!p2 $0x0  }
0x1d: {  	s5 =	simm.s32 @p1 $0x1;
	p0 =	seq.s32 s7, s2  }
0x1e: {  	s7 =	smul.u32 @!p0 $0xF7A, s2;
	p2 =	seq.s32 @!p0 s5, $0x0  }
0x1f: {  	s9 =	smul.u32 $0xF7A, s1;
	s8 =	simm.s32 @!p0 $0x1BF5;
	p2 =	por !p2, p0  }
0x20: {  	[sflag:s8] =	ssyncset.s32 @!p0 $0xFFFFF086;
	s6 =	sadd.s32 @!p0 s3, s7;
	s7 =	simm.s32 @!p0 $0x108  }
0x21: {  	s3 =	sadd.s32 s3, s9;
	s6 =	sadd.s32 @!p0 $0x88, s6;
	s7 =	simm.s32 @p2 $0x1082  }
0x22: {  	[simem:s7], [sflag:s8] =	dma.local @!p0 [hbm:s6], $0xF7A  }
0x23: {  	s9 =	sor.u32 $0xD0000000, s2;
	s6 =	simm.s32 $0x108;
	_ =	swait.ge @!p0 [sflag:s8], $0x0  }
0x24: {  	s3 =	sadd.s32 $0x88, s3;
	s6 =	simm.s32 @!p1 $0x1082;
	[sflag:s4] =	ssyncset.s32 $0xFFFFF086  }
0x25: {  	[simem:s6], [sflag:s4] =	dma.local [hbm:s3], $0xF7A  }
0x26: {  	[smem:$0x3F98] =	sst s1;
	(tag) =	ssettag s2;
	_ =	strace s9  }
0x27: {  	s1 =	sld [smem:$0x3FA8]  }
0x28: {  	s2 =	sld [smem:$0x3FA9]  }
0x29: {  	s4 =	sld [smem:$0x3FAB]  }
0x2a: {  	p0 =	seq.s32 s5, $0x0;
	s5 =	sld [smem:$0x3FAC]  }
0x2b: {  	s6 =	sld [smem:$0x3FAD]  }
0x2c: {  	s7 =	sld [smem:$0x3FAE]  }
0x2d: {  	s3 =	simm.s32 $0x108;
	s8 =	sld [smem:$0x3FAF]  }
0x2e: {  	s3 =	simm.s32 @!p0 $0x1082;
	s9 =	sld [smem:$0x3FB0]  }
0x2f: {  	lr =	sadd.s32 s0, s3;
	s0 =	sld [smem:$0x3FA7]  }
0x30: {  	s3 =	sld [smem:$0x3FAA]  }
0x31: {  	[smem:$0x3FB3] =	sst s10  }
0x32: {  	s10 =	sld [smem:$0x3FB1];
	_ =	sdelay $0x3  }
0x33: {  	p0 =	seq.s32 s10, $0x1;
	s10 =	sld [smem:$0x3FB3];
	_ =	sdelay $0x3  }
0x34: {  	[smem:$0x3FB3] =	sst s10  }
0x35: {  	s10 =	sld [smem:$0x3FB2];
	_ =	sdelay $0x3  }
0x36: {  	p1 =	seq.s32 s10, $0x1;
	s10 =	sld [smem:$0x3FB3];
	_ =	sdelay $0x3  }
0x37: {  	[smem:$0x3FB3] =	sst s10  }
0x38: {  	s10 =	sld [smem:$0x3FB4]  }
0x39: {  	_ = 	snop;
	(pc) =	sbr.ind lr, $3  }
0x3a: {  	_ = 	snop  }
0x3b: {  	_ = 	snop  }
0x3c: {  	p2 =	seq.s32 s10, $0x1;
	s10 =	sld [smem:$0x3FB3]  }
0x3d: {  	_ =	shalt  }
0x3e: {  	_ =	shalt  }
0x3f: {  	_ =	shalt  }
0x40: {  	_ =	shalt  }
0x41: {  	_ =	shalt  }
0x42: {  	_ =	shalt  }
0x43: {  	_ =	shalt  }
0x44: {  	_ =	shalt  }
0x45: {  	_ =	shalt  }
0x46: {  	_ =	shalt  }
0x47: {  	_ =	shalt  }
0x48: {  	_ =	shalt  }
0x49: {  	_ =	shalt  }
0x4a: {  	_ =	shalt  }
0x4b: {  	_ =	shalt  }
0x4c: {  	_ =	shalt  }
0x4d: {  	_ =	shalt  }
0x4e: {  	_ =	shalt  }
0x4f: {  	_ =	shalt  }
0x50: {  	_ =	shalt  }
0x51: {  	_ =	shalt  }
0x52: {  	_ =	shalt  }
0x53: {  	_ =	shalt  }
0x54: {  	_ =	shalt  }
0x55: {  	_ =	shalt  }
0x56: {  	_ =	shalt  }
0x57: {  	_ =	shalt  }
0x58: {  	_ =	shalt  }
0x59: {  	_ =	shalt  }
0x5a: {  	_ =	shalt  }
0x5b: {  	_ =	shalt  }
0x5c: {  	_ =	shalt  }
0x5d: {  	_ =	shalt  }
0x5e: {  	_ =	shalt  }
0x5f: {  	_ =	shalt  }
0x60: {  	_ =	shalt  }
0x61: {  	_ =	shalt  }
0x62: {  	_ =	shalt  }
0x63: {  	_ =	shalt  }
0x64: {  	_ =	shalt  }
0x65: {  	_ =	shalt  }
0x66: {  	_ =	shalt  }
0x67: {  	_ =	shalt  }
0x68: {  	_ =	shalt  }
0x69: {  	_ =	shalt  }
0x6a: {  	_ =	shalt  }
0x6b: {  	_ =	shalt  }
0x6c: {  	_ =	shalt  }
0x6d: {  	_ =	shalt  }
0x6e: {  	_ =	shalt  }
0x6f: {  	_ =	shalt  }
0x70: {  	_ =	shalt  }
0x71: {  	_ =	shalt  }
0x72: {  	_ =	shalt  }
0x73: {  	_ =	shalt  }
0x74: {  	_ =	shalt  }
0x75: {  	_ =	shalt  }
0x76: {  	_ =	shalt  }
0x77: {  	_ =	shalt  }
0x78: {  	_ =	shalt  }
0x79: {  	_ =	shalt  }
0x7a: {  	_ =	shalt  }
0x7b: {  	_ =	shalt  }
0x7c: {  	_ =	shalt  }
0x7d: {  	_ =	shalt  }
0x7e: {  	_ =	shalt  }
0x7f: {  	_ =	shalt  }
0x80: {  	_ =	shalt  }
0x81: {  	_ =	shalt  }
0x82: {  	_ =	shalt  }
0x83: {  	_ =	shalt  }
0x84: {  	_ =	shalt  }
0x85: {  	_ =	shalt  }
0x86: {  	_ =	shalt  }
0x87: {  	_ =	shalt  }
.Lfunc_end0:
.L_simem_size_0:
called_computation_lowered:
.L_overlay_start_0:
0x88: {  	s2 =	sld [smem:$0x3FD9]  }
0x89: {  	s3 =	sld [smem:$0x3FFE];
	_ =	sdelay $0x1  }
0x8a: {  	s1 =	srdreg.scid  }
0x8b: {  	s0 =	sand.u32 $0x1, s1  }
0x8c: {  	s16 =	sshll.u32 s0, $0xA;
	s2 =	sadd.s32 s3, s2  }
0x8d: {  	s2 =	sadd.s32 s2, s16  }
0x8e: {  	[smem:$0x3FBF] =	sst s2  }
0x8f: {  	_ = 	snop  }
0x90: {  	(tm) =	ssettm $0x1  }
0x91: {  	s17 =	sld [smem:$0x3FFB];
	_ =	sdelay $0x3  }
0x92: {  	_ =	strace s17  }
0x93: {  	s2 =	sld [smem:$0x3FFC];
	_ =	sdelay $0x3  }
0x94: {  	_ =	strace s2  }
0x95: {  	s2 =	sld [smem:$0x3FFD];
	_ =	sdelay $0x3  }
0x96: {  	_ =	strace s2  }
0x97: {  	_ =	strace $0x8FFFFFFF  }
0x98: {  	s18 =	sld [smem:$0x3FDB];
	_ =	sdelay $0x1  }
0x99: {  	s19 =	simm.s32 $_scs_section_size  }
0x9a: {  	s4 =	simm.s32 $_size__tile_overlayer_lowered;
	s5 =	simm.s32 $_tile_overlayer_lowered  }
0x9b: {  	s22 =	simm.s32 $0x1BFF;
	s21 =	sshll.u32 s5, $0x1;
	s2 =	sadd.s32 s19, s18  }
0x9c: {  	s6 =	simm.s32 $0x0;
	s20 =	sshll.u32 s4, $0x1;
	s4 =	sadd.s32 s21, s2  }
0x9d: {  	[timem:s6], [sflag:s22] =	dma.local [hbm:s4], s20  }
0x9e: {  	_ =	swait.ge [sflag:s22], s20  }
0x9f: {  	s3 =	ssub.s32 $0x0, s20;
	[sflag:s22] =	ssyncset.done $0x0  }
0xa0: {  	[sflag:s22] =	ssyncadd.s32 s3;
	_ =	sdelay $0x1  }
0xa1: {  	s23 =	simm.s32 $0x1B8B  }
0xa2: {  	_ =	swait.ge [sflag:s23], $0x1  }
0xa3: {  	[sflag:s23] =	ssyncset.done $0x0  }
0xa4: {  	s25 =	simm.s32 $0x1B8E;
	s24 =	sld [smem:$0x3FFE];
	[sflag:s23] =	ssyncadd.s32 $0xFFFFFFFF  }
0xa5: {  	s26 =	simm.s32 $execute0_lowered;
	[smem:$0x3FD2] =	sst s25  }
0xa6: {  	s4 =	sshll.u32 s26, $0x1;
	_ =	strace $0x80000046;
	[dreg:$0x1] =	wrdreg $0xFFFFFFFF  }
0xa7: {  	s28 =	simm.s32 $_size_execute0_lowered;
	s2 =	sadd.s32 s2, s4;
	[dreg:$0x0] =	wrdreg $0x0  }
0xa8: {  	s4 =	sshll.u32 s28, $0x1;
	[dreg:$0x2] =	wrdreg s2  }
0xa9: {  	[dreg:$0x3] =	wrdreg s4  }
0xaa: {  	[dreg:$0x4] =	wrdreg $0xC0  }
0xab: {  	_ =	task [dreg:s6], $0x5FFFF  }
0xac: {  	[dreg:$0x1] =	wrdreg $0xFFFFFFFF  }
0xad: {  	[dreg:$0x0] =	wrdreg $0x60  }
0xae: {  	[dreg:$0x2] =	wrdreg s24  }
0xaf: {  	[dreg:$0x3] =	wrdreg $0x0  }
0xb0: {  	[dreg:$0x4] =	wrdreg $0x9  }
0xb1: {  	_ =	task.clear_ibuf [dreg:s6], $0x5FFFF;
	_ =	strace $0x90000046  }
0xb2: {  	s29 =	simm.s32 $0x9;
	_ =	strace $0x80000048  }
0xb3: {  	_ =	swait.ge [sflag:s29], $0x1  }
0xb4: {  	[sflag:s29] =	ssyncadd.s32 $0xFFFFFFFF  }
0xb5: {  	_ =	strace $0x90000048  }
0xb6: {  	_ =	sfence  }
0xb7: {  	s30 =	sld [smem:$0x0];
	_ =	sdelay $0x2  }
0xb8: {  	s31 =	sshll.u32 s1, $0xD;
	s1 =	sshrl.u32 s1, $0x2  }
0xb9: {  	s3 =	sand.u32 $0x4000, s31;
	s1 =	sadd.s32 s1, s30  }
0xba: {  	s0 =	sor.u32 s3, s0;
	s1 =	sshll.u32 s1, $0x11  }
0xbb: {  	s0 =	sor.u32 s1, s0  }
0xbc: {  	s0 =	sadd.s32 $0x8F2B, s0  }
0xbd: {  	[sflag:s0] =	ssyncadd.remote.s32 $0x1  }
0xbe: {  	_ =	sfence.sel $0xFFFF  }
0xbf: {  	[dreg:$0x0] =	wrdreg $0xFFFFFFFF;
	(pc) =	sbr.abs _section_cstart, $3  }
0xc0: {  	[dreg:$0x1] =	wrdreg $0xFFFFFFFF  }
0xc1: {  	_ =	task.clear_ibuf [dreg:s6], $0x2FFFF;
	_ =	strace $0x9FFFFFFF  }
0xc2: {  	(tm) =	ssettm $0x7FFFFFFF  }
0xc3: {  	_ =	shalt  }
tec
execute0_lowered:
.L_overlay_start_1:
0x0: {  	(tag) =	ssettag $0x1  }
0x1: {  	s5 =	rddreg [dreg:$0x0]  }
0x2: {  	s0 =	srdreg.scid;
	s1 =	rddreg [dreg:$0x1]  }
0x3: {  	s3 =	simm.s32 $0x0;
	s2 =	stileid.u32;
	s20 =	simm.s32 $0x80  }
0x4: {  	s21 =	simm.s32 $0x6880;
	s22 =	simm.s32 $0x0;
	s7 =	smul.u32 $0x50000, s2  }
0x5: {  	s6 =	sand.u32 $0x1, s0;
	s0 =	rddreg [dreg:$0x2];
	s9 =	smul.u32 $0x14000, s2  }
0x6: {  	[smem:$0x7FF] =	sst s3;
	s15 =	sadd.s32 $0x34200, s5;
	s30 =	smul.u32 $0x4F0, s2  }
0x7: {  	s4 =	smul.u32 $0x4F00, s6;
	_ =	strace $0x80000047;
	s8 =	ssub.s32 $0x2, s6  }
0x8: {  	s17 =	smul.u32 $0x140000, s6;
	s29 =	sshrl.u32 s8, $0x1;
	s7 =	sshrl.u32 s7, $0x2  }
0x9: {  	s10 =	sadd.s32 $0x4000, s9;
	s12 =	sadd.s32 $0x8000, s9;
	s13 =	sadd.s32 $0xC000, s9  }
0xa: {  	s18 =	sadd.s32 $0x10000, s9;
	s14 =	sadd.s32 s4, s5;
	s4 =	sadd.s32 $0xC200, s5  }
0xb: {  	s16 =	ssub.s32 s8, s29;
	s5 =	sadd.s32 s7, s1;
	s6 =	sadd.s32 s10, s1  }
0xc: {  	s7 =	sadd.s32 s12, s1;
	s8 =	sadd.s32 s13, s1;
	s11 =	sadd.s32 s9, s17  }
0xd: {  	s10 =	sadd.s32 s17, s10;
	s9 =	sadd.s32 s18, s1;
	s12 =	sadd.s32 s17, s12  }
0xe: {  	s13 =	sadd.s32 s17, s13;
	s17 =	sadd.s32 s17, s18;
	s18 =	simm.s32 $0x1  }
0xf: {  	s11 =	sshrl.u32 s11, $0x3;
	s19 =	sshrl.u32 s10, $0x3;
	s12 =	sshrl.u32 s12, $0x3  }
0x10: {  	s13 =	sshrl.u32 s13, $0x3;
	s17 =	sshrl.u32 s17, $0x3;
	s31 =	sadd.s32 s30, s14  }
0x11: {  	s10 =	sadd.s32 s15, s11;
	s11 =	sadd.s32 s15, s19;
	s12 =	sadd.s32 s15, s12  }
0x12: {  	s13 =	sadd.s32 s15, s13;
	s14 =	sadd.s32 s15, s17;
	s15 =	smax.u32 s16, $0x1  }
0x13: {  	s16 =	sadd.s32 $0x2400, s31;
	s17 =	simm.s32 $0x2880;
	s19 =	simm.s32 $0x2800  }
.LBB2_1:
0x14: {  	[tilespmem:s17], [sflag:$0x1] =	stream.linear.gather [hbm4b:s4+s3], $0x4000, $0x38;
	[tilespmem:$0xA880] =	vst v63  }
0x15: {  	_ =	swait.ge [sflag:s18], $0x4000  }
0x16: {  	[sflag:s18] =	ssyncset.done $0x0  }
0x17: {  	[sflag:s18] =	ssyncadd.s32 $0xFFFFC000  }
0x18: {  	[spmem:s5] =	stream.linear.scatter [tilespmem:s17], [sflag:$0x1], $0x4000, $0x38;
	[tilespmem:$0xA880] =	vst v63  }
0x19: {  	_ =	swait.ge [sflag:s18], $0x4000  }
0x1a: {  	[sflag:s18] =	ssyncset.done $0x0  }
0x1b: {  	[sflag:s18] =	ssyncadd.s32 $0xFFFFC000  }
0x1c: {  	[spmem:s6] =	stream.linear.scatter [tilespmem:s17], [sflag:$0x1], $0x4000, $0x38;
	[tilespmem:$0xA880] =	vst v63  }
0x1d: {  	_ =	swait.ge [sflag:s18], $0x4000  }
0x1e: {  	[sflag:s18] =	ssyncset.done $0x0  }
0x1f: {  	[sflag:s18] =	ssyncadd.s32 $0xFFFFC000  }
0x20: {  	[spmem:s7] =	stream.linear.scatter [tilespmem:s17], [sflag:$0x1], $0x4000, $0x38;
	[tilespmem:$0xA880] =	vst v63  }
0x21: {  	_ =	swait.ge [sflag:s18], $0x4000  }
0x22: {  	[sflag:s18] =	ssyncset.done $0x0  }
0x23: {  	[sflag:s18] =	ssyncadd.s32 $0xFFFFC000  }
0x24: {  	[spmem:s8] =	stream.linear.scatter [tilespmem:s17], [sflag:$0x1], $0x4000, $0x38;
	[tilespmem:$0xA880] =	vst v63  }
0x25: {  	_ =	swait.ge [sflag:s18], $0x4000  }
0x26: {  	[sflag:s18] =	ssyncset.done $0x0  }
0x27: {  	[sflag:s18] =	ssyncadd.s32 $0xFFFFC000  }
0x28: {  	[spmem:s9] =	stream.linear.scatter [tilespmem:s17], [sflag:$0x1], $0x4000, $0x38;
	[tilespmem:$0xA880] =	vst v63  }
0x29: {  	_ =	swait.ge [sflag:s18], $0x4000  }
0x2a: {  	[sflag:s18] =	ssyncset.done $0x0  }
0x2b: {  	[sflag:s18] =	ssyncadd.s32 $0xFFFFC000  }
0x2c: {  	s23 =	sadd.s32 $0x0, s16;
	[bflag:$0x0] =	sbarrier.arrive $0xFFFF  }
0x2d: {  	[tilespmem:s19], [sflag:$0x1] =	stream.linear.gather [hbm4b:s23+s3], $0x80, $0x38;
	[tilespmem:$0xA880] =	vst v63  }
0x2e: {  	_ =	swait.ge [sflag:s18], $0x80  }
0x2f: {  	[sflag:s18] =	ssyncset.done $0x0  }
0x30: {  	[sflag:s18] =	ssyncadd.s32 $0xFFFFFF80  }
0x31: {  	[spmem:s1] =	stream.indirect.scatter.add.f32 [tilespmem:s17], [sflag:$0x1], $0x10, s19, s20, $0xb8;
	[tilespmem:$0xA880] =	vst v63  }
0x32: {  	_ =	swait.ge [sflag:s18], $0x800  }
0x33: {  	s24 =	simm.s32 $0x20;
	s23 =	simm.s32 $0x10;
	[sflag:s18] =	ssyncset.done $0x0  }
.LBB2_2:
0x34: {  	s25 =	sadd.s32 s23, s16  }
0x35: {  	[sflag:s18] =	ssyncadd.s32 $0xFFFFF800;
	s23 =	smov.u32 s24;
	s26 =	sadd.s32 $0x10, s24  }
0x36: {  	[tilespmem:s19], [sflag:$0x1] =	stream.linear.gather [hbm4b:s25+s3], $0x80, $0x38;
	[tilespmem:$0xA880] =	vst v63  }
0x37: {  	p0 =	sne.s32 s24, $0x4E0;
	_ =	swait.ge [sflag:s18], $0x80  }
.Ltmp0:
0x38: {  	[sflag:s18] =	ssyncset.done $0x0;
	(pc) =	sbr.rel @p0 .LBB2_2-.Ltmp0, $4  }
0x39: {  	[sflag:s18] =	ssyncadd.s32 $0xFFFFFF80  }
0x3a: {  	[spmem:s1] =	stream.indirect.scatter.add.f32 [tilespmem:s17], [sflag:$0x1], $0x10, s19, s20, $0xb8;
	[tilespmem:$0xA880] =	vst v63  }
0x3b: {  	_ =	swait.ge [sflag:s18], $0x800  }
0x3c: {  	s24 =	smov.u32 s26;
	[sflag:s18] =	ssyncset.done $0x0  }
0x3d: {  	s23 =	sadd.s32 s23, s16;
	[sflag:s18] =	ssyncadd.s32 $0xFFFFF800  }
0x3e: {  	[tilespmem:s19], [sflag:$0x1] =	stream.linear.gather [hbm4b:s23+s3], $0x80, $0x38;
	[tilespmem:$0xA880] =	vst v63  }
0x3f: {  	_ =	swait.ge [sflag:s18], $0x80  }
0x40: {  	[sflag:s18] =	ssyncset.done $0x0  }
0x41: {  	[sflag:s18] =	ssyncadd.s32 $0xFFFFFF80  }
0x42: {  	[spmem:s1] =	stream.indirect.scatter.add.f32 [tilespmem:s17], [sflag:$0x1], $0x10, s19, s20, $0xb8;
	[tilespmem:$0xA880] =	vst v63  }
0x43: {  	_ =	swait.ge [sflag:s18], $0x800  }
0x44: {  	[sflag:s18] =	ssyncset.done $0x0  }
0x45: {  	[sflag:s18] =	ssyncadd.s32 $0xFFFFF800  }
0x46: {  	[bflag:$0x0] =	sbarrier.arrive $0xFFFF  }
0x47: {  	[tilespmem:s21], [sflag:$0x1] =	stream.linear.gather [spmem:s5], $0x4000, $0x38;
	[tilespmem:$0xA880] =	vst v63  }
0x48: {  	_ =	swait.ge [sflag:s18], $0x4000  }
0x49: {  	[sflag:s18] =	ssyncset.done $0x0  }
0x4a: {  	[sflag:s18] =	ssyncadd.s32 $0xFFFFC000  }
0x4b: {  	[hbm4b:s10+s3] =	stream.linear.scatter [tilespmem:s21], [sflag:$0x1], $0x4000, $0x38;
	[tilespmem:$0xA880] =	vst v63  }
0x4c: {  	_ =	swait.ge [sflag:s18], $0x4000  }
0x4d: {  	[sflag:s18] =	ssyncset.done $0x0  }
0x4e: {  	[sflag:s18] =	ssyncadd.s32 $0xFFFFC000  }
0x4f: {  	[tilespmem:s21], [sflag:$0x1] =	stream.linear.gather [spmem:s6], $0x4000, $0x38;
	[tilespmem:$0xA880] =	vst v63  }
0x50: {  	_ =	swait.ge [sflag:s18], $0x4000  }
0x51: {  	[sflag:s18] =	ssyncset.done $0x0  }
0x52: {  	[sflag:s18] =	ssyncadd.s32 $0xFFFFC000  }
0x53: {  	[hbm4b:s11+s3] =	stream.linear.scatter [tilespmem:s21], [sflag:$0x1], $0x4000, $0x38;
	[tilespmem:$0xA880] =	vst v63  }
0x54: {  	_ =	swait.ge [sflag:s18], $0x4000  }
0x55: {  	[sflag:s18] =	ssyncset.done $0x0  }
0x56: {  	[sflag:s18] =	ssyncadd.s32 $0xFFFFC000  }
0x57: {  	[tilespmem:s21], [sflag:$0x1] =	stream.linear.gather [spmem:s7], $0x4000, $0x38;
	[tilespmem:$0xA880] =	vst v63  }
0x58: {  	_ =	swait.ge [sflag:s18], $0x4000  }
0x59: {  	[sflag:s18] =	ssyncset.done $0x0  }
0x5a: {  	[sflag:s18] =	ssyncadd.s32 $0xFFFFC000  }
0x5b: {  	[hbm4b:s12+s3] =	stream.linear.scatter [tilespmem:s21], [sflag:$0x1], $0x4000, $0x38;
	[tilespmem:$0xA880] =	vst v63  }
0x5c: {  	_ =	swait.ge [sflag:s18], $0x4000  }
0x5d: {  	[sflag:s18] =	ssyncset.done $0x0  }
0x5e: {  	[sflag:s18] =	ssyncadd.s32 $0xFFFFC000  }
0x5f: {  	[tilespmem:s21], [sflag:$0x1] =	stream.linear.gather [spmem:s8], $0x4000, $0x38;
	[tilespmem:$0xA880] =	vst v63  }
0x60: {  	_ =	swait.ge [sflag:s18], $0x4000  }
0x61: {  	[sflag:s18] =	ssyncset.done $0x0  }
0x62: {  	[sflag:s18] =	ssyncadd.s32 $0xFFFFC000  }
0x63: {  	[hbm4b:s13+s3] =	stream.linear.scatter [tilespmem:s21], [sflag:$0x1], $0x4000, $0x38;
	[tilespmem:$0xA880] =	vst v63  }
0x64: {  	_ =	swait.ge [sflag:s18], $0x4000  }
0x65: {  	[sflag:s18] =	ssyncset.done $0x0  }
0x66: {  	[sflag:s18] =	ssyncadd.s32 $0xFFFFC000  }
0x67: {  	[tilespmem:s21], [sflag:$0x1] =	stream.linear.gather [spmem:s9], $0x4000, $0x38;
	[tilespmem:$0xA880] =	vst v63  }
0x68: {  	s22 =	sadd.s32 $0x1, s22;
	_ =	swait.ge [sflag:s18], $0x4000  }
0x69: {  	p0 =	sne.s32 s22, s15;
	[sflag:s18] =	ssyncset.done $0x0  }
.Ltmp1:
0x6a: {  	[sflag:s18] =	ssyncadd.s32 $0xFFFFC000;
	(pc) =	sbr.rel @p0 .LBB2_1-.Ltmp1, $4  }
0x6b: {  	[hbm4b:s14+s3] =	stream.linear.scatter [tilespmem:s21], [sflag:$0x1], $0x4000, $0x38;
	[tilespmem:$0xA880] =	vst v63  }
0x6c: {  	_ =	swait.ge [sflag:s18], $0x4000  }
0x6d: {  	[sflag:s18] =	ssyncset.done $0x0  }
0x6e: {  	[sflag:s18] =	ssyncadd.s32 $0xFFFFC000  }
0x6f: {  	_ =	sfence.sel $0x180000  }
0x70: {  	[bflag:$0x0] =	sbarrier.arrive $0xFFFF  }
0x71: {  	p0 =	sne.s32 s2, $0x0;
	_ =	strace $0x90000047  }
0x72: {  	s0 =	sadd.s32 @!p0 $0x100000, s0;
	[bflag:$0x2] =	sbarrier.arrive $0xFFFF  }
0x73: {  	[sflag:s0] =	ssyncadd.tile.s32 @!p0 $0x1;
	_ =	shalt  }
.Lfunc_end2:
_tile_overlayer_lowered:
.L_overlay_start_2:
0x74: {  	(tag) =	ssettag $0x2  }
0x75: {  	s0 =	rddreg [dreg:$0x0];
	s2 =	stileid.u32  }
0x76: {  	s1 =	rddreg [dreg:$0x1];
	p0 =	sne.s32 s2, $0x0  }
0x77: {  	s3 =	rddreg [dreg:$0x2];
	[bflag:$0x3] =	sbarrier.arrive $0xFFFF;
	s2 =	simm.s32 @!p0 $0x1C01  }
0x78: {  	[timem:s3], [sflag:s2] =	dma.local @!p0 [hbm:s0], s1  }
0x79: {  	s0 =	simm.s32 @!p0 $0x1  }
0x7a: {  	_ =	swait.ge @!p0 [sflag:s0], s1  }
0x7b: {  	s1 =	ssub.s32 @!p0 $0x0, s1;
	[sflag:s0] =	ssyncset.done @!p0 $0x0  }
0x7c: {  	[sflag:s0] =	ssyncadd.s32 @!p0 s1  }
0x7d: {  	[bflag:$0x3] =	sbarrier.arrive $0xFFFF  }
0x7e: {  	_ =	shalt  }

</sc_bundles>
